<compile_context>
chip_gen: v7x
topology: tpu7x:2x2x1
jax: 0.10.2.dev20260603
libtpu: 0.0.44.dev20260713+nightly
codegen_flags: <defaults>
</compile_context>

<pallas_src>
import functools

import jax
import jax.numpy as jnp
from jax import lax
from jax.experimental import pallas as pl
from jax.experimental.pallas import tpu as pltpu
from jax.experimental.pallas import tpu_sc as plsc

NC, NS, L = 2, 16, 16
NW = NC * NS
K_EDGE = 80
HCH = 5120


def _sc_mesh():
    return plsc.VectorSubcoreMesh(
        core_axis_name="c", subcore_axis_name="s", num_cores=NC, num_subcores=NS
    )


_SC_PARAMS = pltpu.CompilerParams(
    needs_layout_passes=False, use_tc_tiling_on_sc=False
)


def _make_hist(npad, ch, epw):
    nrow = npad // L
    nvec = epw // L
    n_pass = npad // HCH
    hrow = HCH // L

    @functools.partial(
        pl.kernel,
        out_type=jax.ShapeDtypeStruct((NC, nrow, L), jnp.float32),
        mesh=_sc_mesh(),
        scratch_types=[
            pltpu.VMEM((nvec, L), jnp.int32),
            pltpu.VMEM((L * HCH,), jnp.float32),
            pltpu.VMEM((hrow, L), jnp.float32),
            pltpu.VMEM((hrow,), jnp.int32),
            pltpu.VMEM_SHARED((nrow, L), jnp.float32),
        ],
        compiler_params=_SC_PARAMS,
    )
    def hist(dst_hbm, out_hbm, dstv, hst, red, rowidx, spacc):
        cid = lax.axis_index("c")
        sid = lax.axis_index("s")
        wid = sid * NC + cid
        zeros16 = jnp.zeros((L,), jnp.float32)
        ones16 = jnp.full((L,), 1.0, jnp.float32)
        lanes = lax.iota(jnp.int32, L)

        zr = nrow // NS

        def zred(j, c):
            red[j] = zeros16
            return c

        lax.fori_loop(0, hrow, zred, 0)
        pltpu.sync_copy(red.at[pl.ds(0, zr)], spacc.at[pl.ds(sid * zr, zr)])
        pltpu.sync_copy(dst_hbm.at[wid], dstv)
        plsc.subcore_barrier()

        for p in range(n_pass):
            lo = p * HCH

            def zh(j, c):
                hst[pl.ds(j * L, L)] = zeros16
                return c

            lax.fori_loop(0, L * HCH // L, zh, 0)

            def scat(v, c):
                d = dstv[v]
                m = (d >= lo) & (d < lo + HCH)
                col = jnp.clip(d - lo, 0, HCH - 1)
                plsc.addupdate_scatter(hst, [lanes * HCH + col], ones16, mask=m)
                return c

            lax.fori_loop(0, nvec, scat, 0)

            def rstep(j, c):
                s = hst[pl.ds(j * L, L)]
                for l in range(1, L):
                    s = s + hst[pl.ds(l * HCH + j * L, L)]
                red[j] = s
                return c

            lax.fori_loop(0, hrow, rstep, 0)

            def ridx(i, c):
                rowidx[pl.ds(i * L, L)] = lax.iota(jnp.int32, L) + (
                    p * hrow + i * L
                )
                return c

            lax.fori_loop(0, hrow // L, ridx, 0)
            pltpu.sync_copy(red, spacc.at[rowidx], add=True)

        plsc.subcore_barrier()

        @pl.when(sid == 0)
        def _():
            pltpu.sync_copy(spacc, out_hbm.at[cid])

    return hist


NBUF = 8
PREF = 4


def _make_agg(npad, d, ch, split):
    rows_per_tile = npad // NS
    zr = 64 if d >= 64 else rows_per_tile

    scratch = (
        [pltpu.VMEM((ch, K_EDGE), jnp.int32)] * 2
        + [pltpu.VMEM((K_EDGE, d), jnp.float32)] * NBUF
        + [pltpu.VMEM((zr, d), jnp.float32),
           pltpu.VMEM_SHARED((npad, d), jnp.float32)]
        + [pltpu.SemaphoreType.DMA] * (2 * NBUF)
    )

    @functools.partial(
        pl.kernel,
        out_type=jax.ShapeDtypeStruct((NC, npad, d), jnp.float32),
        mesh=_sc_mesh(),
        scratch_types=scratch,
        compiler_params=_SC_PARAMS,
    )
    def agg(g_hbm, src_hbm, dst_hbm, out_hbm, srcv, dstv, *rest):
        bufs = rest[:NBUF]
        zbuf = rest[NBUF]
        spacc = rest[NBUF + 1]
        gsems = rest[NBUF + 2 : NBUF + 2 + NBUF]
        ssems = rest[NBUF + 2 + NBUF :]
        cid = lax.axis_index("c")
        sid = lax.axis_index("s")
        w = sid if split else sid * NC + cid
        gsl = g_hbm.at[cid] if split else g_hbm
        zeros16 = jnp.zeros((L,), jnp.float32)

        def zb(i, c):
            for j in range(d // L):
                zbuf[i, pl.ds(j * L, L)] = zeros16
            return c

        lax.fori_loop(0, zr, zb, 0)
        base = sid * rows_per_tile
        for r in range(rows_per_tile // zr):
            pltpu.sync_copy(zbuf, spacc.at[pl.ds(base + r * zr, zr)])
        pltpu.sync_copy(src_hbm.at[w], srcv)
        pltpu.sync_copy(dst_hbm.at[w], dstv)
        plsc.subcore_barrier()

        for b in range(PREF):
            pltpu.async_copy(gsl.at[srcv.at[b]], bufs[b], gsems[b])

        def body(j, c):
            i0 = j * NBUF
            for b in range(NBUF):
                i = i0 + b
                pltpu.make_async_copy(gsl.at[srcv.at[i]], bufs[b], gsems[b]).wait()
                pltpu.async_copy(bufs[b], spacc.at[dstv.at[i]], ssems[b], add=True)
                ip = i + PREF
                bp = (b + PREF) % NBUF

                @pl.when(ip < ch)
                def _():
                    @pl.when(ip >= NBUF)
                    def _():
                        pltpu.make_async_copy(
                            bufs[bp], spacc.at[dstv.at[ip - NBUF]], ssems[bp]
                        ).wait()

                    pltpu.async_copy(gsl.at[srcv.at[ip]], bufs[bp], gsems[bp])

            return c

        lax.fori_loop(0, ch // NBUF, body, 0)
        for b in range(NBUF):
            pltpu.make_async_copy(
                bufs[b], spacc.at[dstv.at[ch - NBUF + b]], ssems[b]
            ).wait()
        plsc.subcore_barrier()
        for r in range(rows_per_tile // zr):
            sl = pl.ds(base + r * zr, zr)
            pltpu.sync_copy(spacc.at[sl], out_hbm.at[cid, sl])

    return agg


def _transpose_col(v128):
    r = lax.broadcasted_iota(jnp.int32, (128, 128), 0)
    c = lax.broadcasted_iota(jnp.int32, (128, 128), 1)
    m = jnp.where(r == c, v128[None, :], 0.0)
    return jnp.sum(m, axis=1, keepdims=True)


def _tc_prep_body(x_ref, dp_ref, w1a_ref, w1b_ref, g_ref, dinv_ref):
    deg = dp_ref[0, 0, 0, :] + dp_ref[1, 0, 0, :] + 1.0
    dinv_col = lax.rsqrt(_transpose_col(deg))
    xb = x_ref[...]
    g_ref[0] = jnp.dot(xb, w1a_ref[...], preferred_element_type=jnp.float32) * dinv_col
    g_ref[1] = jnp.dot(xb, w1b_ref[...], preferred_element_type=jnp.float32) * dinv_col
    dinv_ref[...] = dinv_col


def _tc_mid_body(acc_ref, g_ref, dinv_ref, b1_ref, w2_ref, g2_ref):
    dinv = dinv_ref[...]
    acc = jnp.concatenate([acc_ref[0], acc_ref[1]], axis=1)
    g = jnp.concatenate([g_ref[0], g_ref[1]], axis=1)
    out1 = dinv * (acc + g) + b1_ref[...]
    h2 = jnp.maximum(out1, 0.0)
    g2_ref[...] = jnp.dot(h2, w2_ref[...], preferred_element_type=jnp.float32) * dinv


def _tc_final_body(a_ref, g2_ref, dinv_ref, b2_ref, o_ref):
    dinv = dinv_ref[...]
    acc = a_ref[0] + a_ref[1]
    o_ref[...] = dinv * (acc + g2_ref[...]) + b2_ref[...]


def kernel(x, edge_index, W1, b1, W2, b2):
    n, d_in = x.shape
    d_h = W1.shape[1]
    d_out = W2.shape[1]
    e = edge_index.shape[1]

    npad = ((n + 1279) // 1280) * 1280
    ch = -(-e // (NW * K_EDGE))
    ch = ((ch + NBUF - 1) // NBUF) * NBUF
    epad = NW * ch * K_EDGE
    epw = epad // NW
    nblk = npad // 128

    src = edge_index[0]
    dst = edge_index[1]
    if epad != e:
        fill = jnp.full((epad - e,), n, dtype=jnp.int32)
        src = jnp.concatenate([src, fill])
        dst = jnp.concatenate([dst, fill])
    src3 = src.reshape(NW, ch, K_EDGE)
    dst3 = dst.reshape(NW, ch, K_EDGE)
    ch1 = NC * ch
    src16 = src.reshape(NS, ch1, K_EDGE)
    dst16 = dst.reshape(NS, ch1, K_EDGE)
    dsth = dst.reshape(NW, epw // L, L)

    xp = jnp.pad(x, ((0, npad - n), (0, 0)))
    w2p = jnp.pad(W2, ((0, 0), (0, L - d_out)))
    b2p = jnp.pad(b2, (0, L - d_out)).reshape(1, L)
    b1r = b1.reshape(1, d_h)

    dp = _make_hist(npad, ch, epw)(dsth)
    dp4 = dp.reshape(NC, nblk, 1, 128)

    dhh = d_h // NC
    w1a = W1[:, :dhh]
    w1b = W1[:, dhh:]
    gsplit, dinvc = pl.pallas_call(
        _tc_prep_body,
        grid=(nblk,),
        in_specs=[
            pl.BlockSpec((128, d_in), lambda i: (i, 0)),
            pl.BlockSpec((NC, 1, 1, 128), lambda i: (0, i, 0, 0)),
            pl.BlockSpec((d_in, dhh), lambda i: (0, 0)),
            pl.BlockSpec((d_in, dhh), lambda i: (0, 0)),
        ],
        out_specs=[
            pl.BlockSpec((NC, 128, dhh), lambda i: (0, i, 0)),
            pl.BlockSpec((128, 1), lambda i: (i, 0)),
        ],
        out_shape=[
            jax.ShapeDtypeStruct((NC, npad, dhh), jnp.float32),
            jax.ShapeDtypeStruct((npad, 1), jnp.float32),
        ],
    )(xp, dp4, w1a, w1b)

    acc1 = _make_agg(npad, dhh, ch1, True)(gsplit, src16, dst16)

    g2 = pl.pallas_call(
        _tc_mid_body,
        grid=(nblk,),
        in_specs=[
            pl.BlockSpec((NC, 128, dhh), lambda i: (0, i, 0)),
            pl.BlockSpec((NC, 128, dhh), lambda i: (0, i, 0)),
            pl.BlockSpec((128, 1), lambda i: (i, 0)),
            pl.BlockSpec((1, d_h), lambda i: (0, 0)),
            pl.BlockSpec((d_h, L), lambda i: (0, 0)),
        ],
        out_specs=pl.BlockSpec((128, L), lambda i: (i, 0)),
        out_shape=jax.ShapeDtypeStruct((npad, L), jnp.float32),
    )(acc1, gsplit, dinvc, b1r, w2p)

    acc2 = _make_agg(npad, L, ch, False)(g2, src3, dst3)

    out = pl.pallas_call(
        _tc_final_body,
        grid=(nblk,),
        in_specs=[
            pl.BlockSpec((NC, 128, L), lambda i: (0, i, 0)),
            pl.BlockSpec((128, L), lambda i: (i, 0)),
            pl.BlockSpec((128, 1), lambda i: (i, 0)),
            pl.BlockSpec((1, L), lambda i: (0, 0)),
        ],
        out_specs=pl.BlockSpec((128, L), lambda i: (i, 0)),
        out_shape=jax.ShapeDtypeStruct((npad, L), jnp.float32),
    )(acc2, g2, dinvc, b2p)

    return out[:n, :d_out]

# --- scband reference (transcript-rebuilt; emitter-appended) ---
"""Pipeline reference for scband-gcn-3255585210425 (READ-ONLY COPY).

The authoritative reference and input builder live on the scoring server;
editing this copy changes nothing except your own understanding.
"""

import jax, jax.numpy as jnp
import numpy as np

N = 10000
E = 320000
D_IN = 128
D_H = 128
D_OUT = 2


def setup_inputs(seed: int = 0) -> dict:
    key = jax.random.key(seed)
    ks = jax.random.split(key, 6)
    x = jax.random.normal(ks[0], (N, D_IN), dtype=jnp.float32)
    edge_index = jax.random.randint(ks[1], (2, E), 0, N, dtype=jnp.int32)
    W1 = jax.random.normal(ks[2], (D_IN, D_H), dtype=jnp.float32) * (1.0 / np.sqrt(D_IN))
    b1 = jnp.zeros((D_H,), dtype=jnp.float32)
    W2 = jax.random.normal(ks[3], (D_H, D_OUT), dtype=jnp.float32) * (1.0 / np.sqrt(D_H))
    b2 = jnp.zeros((D_OUT,), dtype=jnp.float32)
    return {"x": x, "edge_index": edge_index, "W1": W1, "b1": b1, "W2": W2, "b2": b2}


def gcn_conv(x, edge_index, W, b):
    # Faithful GCNConv: x' = D^{-1/2} (A + I) D^{-1/2} (X W) + b
    n = x.shape[0]
    h = x @ W
    src = edge_index[0]
    dst = edge_index[1]
    loop = jnp.arange(n, dtype=src.dtype)
    src2 = jnp.concatenate([src, loop])
    dst2 = jnp.concatenate([dst, loop])
    ones = jnp.ones(src2.shape[0], dtype=h.dtype)
    deg = jnp.zeros((n,), dtype=h.dtype).at[dst2].add(ones)
    dinv = jnp.where(deg > 0, 1.0 / jnp.sqrt(deg), 0.0)
    norm = dinv[src2] * dinv[dst2]
    msg = h[src2] * norm[:, None]
    out = jnp.zeros((n, h.shape[1]), dtype=h.dtype).at[dst2].add(msg)
    return out + b


def reference(x, edge_index, W1, b1, W2, b2):
    h = gcn_conv(x, edge_index, W1, b1)
    h = jax.nn.relu(h)
    # dropout is identity in eval mode
    out = gcn_conv(h, edge_index, W2, b2)
    return out

if __name__ == "__main__":
    import jax
    _d = setup_inputs()
    print(jax.jit(kernel)(*tuple(_d.values())))

</pallas_src>

<mosaic_0001>
#map = affine_map<(d0, d1) -> (0, 0, 0)>
module attributes {stable_mosaic.version = 14 : i64} {
  func.func @hist(%arg0: i32, %arg1: i32, %arg2: memref<32x640x16xi32, #tpu.memory_space<hbm>>, %arg3: memref<2x640x16xf32, #tpu.memory_space<hbm>>, %arg4: memref<640x16xi32, #tpu.memory_space<vmem>>, %arg5: memref<81920xf32, #tpu.memory_space<vmem>>, %arg6: memref<320x16xf32, #tpu.memory_space<vmem>>, %arg7: memref<320xi32, #tpu.memory_space<vmem>>, %arg8: memref<640x16xf32, #tpu.memory_space<vmem_shared>>) attributes {dimension_semantics = [#tpu.dimension_semantics<core_parallel>, #tpu.dimension_semantics<subcore_parallel>], iteration_bounds = array<i64: 2, 16>, scalar_prefetch = 0 : i64, scratch_operands = 5 : i64, tpu.core_type = #tpu.core_type<sc_vector_subcore>, window_params = [{transform_indices = #map}, {transform_indices = #map}]} {
    %mul3A = arith.constant 2 : i32
    %mul3A_0 = arith.muli %arg1, %mul3A : i32
    %add3A = arith.addi %mul3A_0, %arg0 : i32
    %broadcast_in_dim3A = arith.constant 0.000000e+00 : f32
    %broadcast_in_dim3A_1 = vector.broadcast %broadcast_in_dim3A : f32 to vector<16xf32>
    %broadcast_in_dim3A_2 = arith.constant 1.000000e+00 : f32
    %broadcast_in_dim3A_3 = vector.broadcast %broadcast_in_dim3A_2 : f32 to vector<16xf32>
    %iota3A = tpu.iota {dimensions = array<i32: 0>} : vector<16xi32>
    %scan3A = arith.constant 0 : i32
    %scan3A_4 = arith.constant 0 : i32
    %scan3A_5 = arith.constant 320 : i32
    %scan3A_6 = arith.addi %scan3A_4, %scan3A_5 : i32
    %scan3A_7 = arith.constant 1 : i32
    scf.for %scan3A_62 = %scan3A_4 to %scan3A_6 step %scan3A_7  : i32 {
      %swap3A = arith.index_cast %scan3A_62 : i32 to index
      %swap3A_63 = arith.constant 0 : index
      %swap3A_64 = tpu.vector_load %arg6[%swap3A, %swap3A_63] {strides = array<i32>} : memref<320x16xf32, #tpu.memory_space<vmem>>, vector<16xf32>,
      tpu.vector_store %arg6[%swap3A, %swap3A_63], %broadcast_in_dim3A_1 {strides = array<i32>} : memref<320x16xf32, #tpu.memory_space<vmem>>, vector<16xf32>,
    }
    %scan3A_8 = arith.constant 320 : i32
    %mul3A_9 = arith.constant 40 : i32
    %mul3A_10 = arith.muli %arg1, %mul3A_9 : i32
    "tpu.region"() ({
      %run_scoped3A = tpu.sem_alloc : memref<!tpu.dma_semaphore, #tpu.memory_space<semaphore_mem>>
      %dma_start3A = arith.constant 0 : i32
      %dma_start3A_62 = arith.constant 0 : i32
      %dma_start3A_63 = tpu.memref_slice %arg6[%dma_start3A, %dma_start3A_62] : memref<320x16xf32, #tpu.memory_space<vmem>> -> memref<40x16xf32, #tpu.memory_space<vmem>>
      %dma_start3A_64 = arith.constant 0 : i32
      %dma_start3A_65 = tpu.memref_slice %arg8[%mul3A_10, %dma_start3A_64] : memref<640x16xf32, #tpu.memory_space<vmem_shared>> -> memref<40x16xf32, #tpu.memory_space<vmem_shared>>
      %dma_start3A_66 = arith.constant 0 : i32
      %dma_start3A_67 = tpu.memref_slice %arg8[%mul3A_10, %dma_start3A_66] : memref<640x16xf32, #tpu.memory_space<vmem_shared>> -> memref<40x16xf32, #tpu.memory_space<vmem_shared>>
      %dma_start3A_68 = arith.constant 0 : i32
      %dma_start3A_69 = arith.constant 0 : i32
      %dma_start3A_70 = tpu.memref_slice %arg6[%dma_start3A_68, %dma_start3A_69] : memref<320x16xf32, #tpu.memory_space<vmem>> -> memref<40x16xf32, #tpu.memory_space<vmem>>
      tpu.enqueue_dma source(%dma_start3A_70 : memref<40x16xf32, #tpu.memory_space<vmem>>) target(%dma_start3A_67 : memref<40x16xf32, #tpu.memory_space<vmem_shared>>) target_semaphore(%run_scoped3A : memref<!tpu.dma_semaphore, #tpu.memory_space<semaphore_mem>>)
      %dma_wait3A = arith.constant 0 : i32
      %dma_wait3A_71 = arith.constant 0 : i32
      %dma_wait3A_72 = tpu.memref_slice %arg6[%dma_wait3A, %dma_wait3A_71] : memref<320x16xf32, #tpu.memory_space<vmem>> -> memref<40x16xf32, #tpu.memory_space<vmem>>
      %dma_wait3A_73 = arith.constant 0 : i32
      %dma_wait3A_74 = tpu.memref_slice %arg8[%mul3A_10, %dma_wait3A_73] : memref<640x16xf32, #tpu.memory_space<vmem_shared>> -> memref<40x16xf32, #tpu.memory_space<vmem_shared>>
      %dma_wait3A_75 = arith.constant 0 : i32
      %dma_wait3A_76 = tpu.memref_slice %arg8[%mul3A_10, %dma_wait3A_75] : memref<640x16xf32, #tpu.memory_space<vmem_shared>> -> memref<40x16xf32, #tpu.memory_space<vmem_shared>>
      %dma_wait3A_77 = arith.constant 0 : i32
      %dma_wait3A_78 = arith.constant 0 : i32
      %dma_wait3A_79 = tpu.memref_slice %arg6[%dma_wait3A_77, %dma_wait3A_78] : memref<320x16xf32, #tpu.memory_space<vmem>> -> memref<40x16xf32, #tpu.memory_space<vmem>>
      tpu.wait_dma2 semaphore(%run_scoped3A : memref<!tpu.dma_semaphore, #tpu.memory_space<semaphore_mem>>) src(%dma_wait3A_79 : memref<40x16xf32, #tpu.memory_space<vmem>>) dst(%dma_wait3A_76 : memref<40x16xf32, #tpu.memory_space<vmem_shared>>)
      tpu.yield
    }) : () -> ()
    "tpu.region"() ({
      %run_scoped3A = tpu.sem_alloc : memref<!tpu.dma_semaphore, #tpu.memory_space<semaphore_mem>>
      %dma_start3A = arith.constant 0 : i32
      %dma_start3A_62 = arith.constant 0 : i32
      %dma_start3A_63 = tpu.memref_slice %arg2[%add3A, %dma_start3A, %dma_start3A_62] : memref<32x640x16xi32, #tpu.memory_space<hbm>> -> memref<1x640x16xi32, #tpu.memory_space<hbm>>
      %dma_start3A_64 = tpu.memref_squeeze %dma_start3A_63 : memref<1x640x16xi32, #tpu.memory_space<hbm>> -> memref<640x16xi32, #tpu.memory_space<hbm>>
      %dma_start3A_65 = arith.constant 0 : i32
      %dma_start3A_66 = arith.constant 0 : i32
      %dma_start3A_67 = tpu.memref_slice %arg2[%add3A, %dma_start3A_65, %dma_start3A_66] : memref<32x640x16xi32, #tpu.memory_space<hbm>> -> memref<1x640x16xi32, #tpu.memory_space<hbm>>
      %dma_start3A_68 = tpu.memref_squeeze %dma_start3A_67 : memref<1x640x16xi32, #tpu.memory_space<hbm>> -> memref<640x16xi32, #tpu.memory_space<hbm>>
      tpu.enqueue_dma source(%dma_start3A_68 : memref<640x16xi32, #tpu.memory_space<hbm>>) target(%arg4 : memref<640x16xi32, #tpu.memory_space<vmem>>) target_semaphore(%run_scoped3A : memref<!tpu.dma_semaphore, #tpu.memory_space<semaphore_mem>>)
      %dma_wait3A = arith.constant 0 : i32
      %dma_wait3A_69 = arith.constant 0 : i32
      %dma_wait3A_70 = tpu.memref_slice %arg2[%add3A, %dma_wait3A, %dma_wait3A_69] : memref<32x640x16xi32, #tpu.memory_space<hbm>> -> memref<1x640x16xi32, #tpu.memory_space<hbm>>
      %dma_wait3A_71 = tpu.memref_squeeze %dma_wait3A_70 : memref<1x640x16xi32, #tpu.memory_space<hbm>> -> memref<640x16xi32, #tpu.memory_space<hbm>>
      %dma_wait3A_72 = arith.constant 0 : i32
      %dma_wait3A_73 = arith.constant 0 : i32
      %dma_wait3A_74 = tpu.memref_slice %arg2[%add3A, %dma_wait3A_72, %dma_wait3A_73] : memref<32x640x16xi32, #tpu.memory_space<hbm>> -> memref<1x640x16xi32, #tpu.memory_space<hbm>>
      %dma_wait3A_75 = tpu.memref_squeeze %dma_wait3A_74 : memref<1x640x16xi32, #tpu.memory_space<hbm>> -> memref<640x16xi32, #tpu.memory_space<hbm>>
      tpu.wait_dma2 semaphore(%run_scoped3A : memref<!tpu.dma_semaphore, #tpu.memory_space<semaphore_mem>>) src(%dma_wait3A_75 : memref<640x16xi32, #tpu.memory_space<hbm>>) dst(%arg4 : memref<640x16xi32, #tpu.memory_space<vmem>>)
      tpu.yield
    }) : () -> ()
    %barrier3A = arith.constant 0 : index
    tpu.barrier barrier_id(%barrier3A)
    %scan3A_11 = arith.constant 0 : i32
    %scan3A_12 = arith.constant 0 : i32
    %scan3A_13 = arith.constant 5120 : i32
    %scan3A_14 = arith.addi %scan3A_12, %scan3A_13 : i32
    %scan3A_15 = arith.constant 1 : i32
    scf.for %scan3A_62 = %scan3A_12 to %scan3A_14 step %scan3A_15  : i32 {
      %mul3A_63 = arith.constant 16 : i32
      %mul3A_64 = arith.muli %scan3A_62, %mul3A_63 : i32
      %swap3A = arith.index_cast %mul3A_64 : i32 to index
      %swap3A_65 = tpu.vector_load %arg5[%swap3A] {strides = array<i32>} : memref<81920xf32, #tpu.memory_space<vmem>>, vector<16xf32>,
      tpu.vector_store %arg5[%swap3A], %broadcast_in_dim3A_1 {strides = array<i32>} : memref<81920xf32, #tpu.memory_space<vmem>>, vector<16xf32>,
    }
    %scan3A_16 = arith.constant 5120 : i32
    %scan3A_17 = arith.constant 0 : i32
    %scan3A_18 = arith.constant 0 : i32
    %scan3A_19 = arith.constant 640 : i32
    %scan3A_20 = arith.addi %scan3A_18, %scan3A_19 : i32
    %scan3A_21 = arith.constant 1 : i32
    scf.for %scan3A_62 = %scan3A_18 to %scan3A_20 step %scan3A_21  : i32 {
      %get3A = arith.index_cast %scan3A_62 : i32 to index
      %get3A_63 = arith.constant 0 : index
      %get3A_64 = tpu.vector_load %arg4[%get3A, %get3A_63] {strides = array<i32>} : memref<640x16xi32, #tpu.memory_space<vmem>>, vector<16xi32>,
      %ge3A = arith.constant 0 : i32
      %ge3A_65 = vector.broadcast %ge3A : i32 to vector<16xi32>
      %ge3A_66 = arith.cmpi sge, %get3A_64, %ge3A_65 : vector<16xi32>
      %lt3A = arith.constant 5120 : i32
      %lt3A_67 = vector.broadcast %lt3A : i32 to vector<16xi32>
      %lt3A_68 = arith.cmpi slt, %get3A_64, %lt3A_67 : vector<16xi32>
      %and3A = arith.andi %ge3A_66, %lt3A_68 : vector<16xi1>
      %sub3A = arith.constant 0 : i32
      %sub3A_69 = vector.broadcast %sub3A : i32 to vector<16xi32>
      %sub3A_70 = arith.subi %get3A_64, %sub3A_69 : vector<16xi32>
      %jit3A = arith.constant 0 : i32
      %jit3A_71 = arith.constant 5119 : i32
      %max3A = vector.broadcast %jit3A : i32 to vector<16xi32>
      %max3A_72 = arith.maxsi %max3A, %sub3A_70 : vector<16xi32>
      %min3A = vector.broadcast %jit3A_71 : i32 to vector<16xi32>
      %min3A_73 = arith.minsi %min3A, %max3A_72 : vector<16xi32>
      %mul3A_74 = arith.constant 5120 : i32
      %mul3A_75 = vector.broadcast %mul3A_74 : i32 to vector<16xi32>
      %mul3A_76 = arith.muli %iota3A, %mul3A_75 : vector<16xi32>
      %add3A_77 = arith.addi %mul3A_76, %min3A_73 : vector<16xi32>
      tpu.vector_store_idx %arg5[%add3A_77], %broadcast_in_dim3A_3 masked %and3A {add = true} : memref<81920xf32, #tpu.memory_space<vmem>>[vector<16xi32>], vector<16xf32>, vector<16xi1>
    }
    %scan3A_22 = arith.constant 640 : i32
    %scan3A_23 = arith.constant 0 : i32
    %scan3A_24 = arith.constant 0 : i32
    %scan3A_25 = arith.constant 320 : i32
    %scan3A_26 = arith.addi %scan3A_24, %scan3A_25 : i32
    %scan3A_27 = arith.constant 1 : i32
    scf.for %scan3A_62 = %scan3A_24 to %scan3A_26 step %scan3A_27  : i32 {
      %mul3A_63 = arith.constant 16 : i32
      %mul3A_64 = arith.muli %scan3A_62, %mul3A_63 : i32
      %get3A = arith.index_cast %mul3A_64 : i32 to index
      %get3A_65 = tpu.vector_load %arg5[%get3A] {strides = array<i32>} : memref<81920xf32, #tpu.memory_space<vmem>>, vector<16xf32>,
      %mul3A_66 = arith.constant 16 : i32
      %mul3A_67 = arith.muli %scan3A_62, %mul3A_66 : i32
      %add3A_68 = arith.constant 5120 : i32
      %add3A_69 = arith.addi %add3A_68, %mul3A_67 : i32
      %get3A_70 = arith.index_cast %add3A_69 : i32 to index
      %get3A_71 = tpu.vector_load %arg5[%get3A_70] {strides = array<i32>} : memref<81920xf32, #tpu.memory_space<vmem>>, vector<16xf32>,
      %add3A_72 = arith.addf %get3A_65, %get3A_71 : vector<16xf32>
      %mul3A_73 = arith.constant 16 : i32
      %mul3A_74 = arith.muli %scan3A_62, %mul3A_73 : i32
      %add3A_75 = arith.constant 10240 : i32
      %add3A_76 = arith.addi %add3A_75, %mul3A_74 : i32
      %get3A_77 = arith.index_cast %add3A_76 : i32 to index
      %get3A_78 = tpu.vector_load %arg5[%get3A_77] {strides = array<i32>} : memref<81920xf32, #tpu.memory_space<vmem>>, vector<16xf32>,
      %add3A_79 = arith.addf %add3A_72, %get3A_78 : vector<16xf32>
      %mul3A_80 = arith.constant 16 : i32
      %mul3A_81 = arith.muli %scan3A_62, %mul3A_80 : i32
      %add3A_82 = arith.constant 15360 : i32
      %add3A_83 = arith.addi %add3A_82, %mul3A_81 : i32
      %get3A_84 = arith.index_cast %add3A_83 : i32 to index
      %get3A_85 = tpu.vector_load %arg5[%get3A_84] {strides = array<i32>} : memref<81920xf32, #tpu.memory_space<vmem>>, vector<16xf32>,
      %add3A_86 = arith.addf %add3A_79, %get3A_85 : vector<16xf32>
      %mul3A_87 = arith.constant 16 : i32
      %mul3A_88 = arith.muli %scan3A_62, %mul3A_87 : i32
      %add3A_89 = arith.constant 20480 : i32
      %add3A_90 = arith.addi %add3A_89, %mul3A_88 : i32
      %get3A_91 = arith.index_cast %add3A_90 : i32 to index
      %get3A_92 = tpu.vector_load %arg5[%get3A_91] {strides = array<i32>} : memref<81920xf32, #tpu.memory_space<vmem>>, vector<16xf32>,
      %add3A_93 = arith.addf %add3A_86, %get3A_92 : vector<16xf32>
      %mul3A_94 = arith.constant 16 : i32
      %mul3A_95 = arith.muli %scan3A_62, %mul3A_94 : i32
      %add3A_96 = arith.constant 25600 : i32
      %add3A_97 = arith.addi %add3A_96, %mul3A_95 : i32
      %get3A_98 = arith.index_cast %add3A_97 : i32 to index
      %get3A_99 = tpu.vector_load %arg5[%get3A_98] {strides = array<i32>} : memref<81920xf32, #tpu.memory_space<vmem>>, vector<16xf32>,
      %add3A_100 = arith.addf %add3A_93, %get3A_99 : vector<16xf32>
      %mul3A_101 = arith.constant 16 : i32
      %mul3A_102 = arith.muli %scan3A_62, %mul3A_101 : i32
      %add3A_103 = arith.constant 30720 : i32
      %add3A_104 = arith.addi %add3A_103, %mul3A_102 : i32
      %get3A_105 = arith.index_cast %add3A_104 : i32 to index
      %get3A_106 = tpu.vector_load %arg5[%get3A_105] {strides = array<i32>} : memref<81920xf32, #tpu.memory_space<vmem>>, vector<16xf32>,
      %add3A_107 = arith.addf %add3A_100, %get3A_106 : vector<16xf32>
      %mul3A_108 = arith.constant 16 : i32
      %mul3A_109 = arith.muli %scan3A_62, %mul3A_108 : i32
      %add3A_110 = arith.constant 35840 : i32
      %add3A_111 = arith.addi %add3A_110, %mul3A_109 : i32
      %get3A_112 = arith.index_cast %add3A_111 : i32 to index
      %get3A_113 = tpu.vector_load %arg5[%get3A_112] {strides = array<i32>} : memref<81920xf32, #tpu.memory_space<vmem>>, vector<16xf32>,
      %add3A_114 = arith.addf %add3A_107, %get3A_113 : vector<16xf32>
      %mul3A_115 = arith.constant 16 : i32
      %mul3A_116 = arith.muli %scan3A_62, %mul3A_115 : i32
      %add3A_117 = arith.constant 40960 : i32
      %add3A_118 = arith.addi %add3A_117, %mul3A_116 : i32
      %get3A_119 = arith.index_cast %add3A_118 : i32 to index
      %get3A_120 = tpu.vector_load %arg5[%get3A_119] {strides = array<i32>} : memref<81920xf32, #tpu.memory_space<vmem>>, vector<16xf32>,
      %add3A_121 = arith.addf %add3A_114, %get3A_120 : vector<16xf32>
      %mul3A_122 = arith.constant 16 : i32
      %mul3A_123 = arith.muli %scan3A_62, %mul3A_122 : i32
      %add3A_124 = arith.constant 46080 : i32
      %add3A_125 = arith.addi %add3A_124, %mul3A_123 : i32
      %get3A_126 = arith.index_cast %add3A_125 : i32 to index
      %get3A_127 = tpu.vector_load %arg5[%get3A_126] {strides = array<i32>} : memref<81920xf32, #tpu.memory_space<vmem>>, vector<16xf32>,
      %add3A_128 = arith.addf %add3A_121, %get3A_127 : vector<16xf32>
      %mul3A_129 = arith.constant 16 : i32
      %mul3A_130 = arith.muli %scan3A_62, %mul3A_129 : i32
      %add3A_131 = arith.constant 51200 : i32
      %add3A_132 = arith.addi %add3A_131, %mul3A_130 : i32
      %get3A_133 = arith.index_cast %add3A_132 : i32 to index
      %get3A_134 = tpu.vector_load %arg5[%get3A_133] {strides = array<i32>} : memref<81920xf32, #tpu.memory_space<vmem>>, vector<16xf32>,
      %add3A_135 = arith.addf %add3A_128, %get3A_134 : vector<16xf32>
      %mul3A_136 = arith.constant 16 : i32
      %mul3A_137 = arith.muli %scan3A_62, %mul3A_136 : i32
      %add3A_138 = arith.constant 56320 : i32
      %add3A_139 = arith.addi %add3A_138, %mul3A_137 : i32
      %get3A_140 = arith.index_cast %add3A_139 : i32 to index
      %get3A_141 = tpu.vector_load %arg5[%get3A_140] {strides = array<i32>} : memref<81920xf32, #tpu.memory_space<vmem>>, vector<16xf32>,
      %add3A_142 = arith.addf %add3A_135, %get3A_141 : vector<16xf32>
      %mul3A_143 = arith.constant 16 : i32
      %mul3A_144 = arith.muli %scan3A_62, %mul3A_143 : i32
      %add3A_145 = arith.constant 61440 : i32
      %add3A_146 = arith.addi %add3A_145, %mul3A_144 : i32
      %get3A_147 = arith.index_cast %add3A_146 : i32 to index
      %get3A_148 = tpu.vector_load %arg5[%get3A_147] {strides = array<i32>} : memref<81920xf32, #tpu.memory_space<vmem>>, vector<16xf32>,
      %add3A_149 = arith.addf %add3A_142, %get3A_148 : vector<16xf32>
      %mul3A_150 = arith.constant 16 : i32
      %mul3A_151 = arith.muli %scan3A_62, %mul3A_150 : i32
      %add3A_152 = arith.constant 66560 : i32
      %add3A_153 = arith.addi %add3A_152, %mul3A_151 : i32
      %get3A_154 = arith.index_cast %add3A_153 : i32 to index
      %get3A_155 = tpu.vector_load %arg5[%get3A_154] {strides = array<i32>} : memref<81920xf32, #tpu.memory_space<vmem>>, vector<16xf32>,
      %add3A_156 = arith.addf %add3A_149, %get3A_155 : vector<16xf32>
      %mul3A_157 = arith.constant 16 : i32
      %mul3A_158 = arith.muli %scan3A_62, %mul3A_157 : i32
      %add3A_159 = arith.constant 71680 : i32
      %add3A_160 = arith.addi %add3A_159, %mul3A_158 : i32
      %get3A_161 = arith.index_cast %add3A_160 : i32 to index
      %get3A_162 = tpu.vector_load %arg5[%get3A_161] {strides = array<i32>} : memref<81920xf32, #tpu.memory_space<vmem>>, vector<16xf32>,
      %add3A_163 = arith.addf %add3A_156, %get3A_162 : vector<16xf32>
      %mul3A_164 = arith.constant 16 : i32
      %mul3A_165 = arith.muli %scan3A_62, %mul3A_164 : i32
      %add3A_166 = arith.constant 76800 : i32
      %add3A_167 = arith.addi %add3A_166, %mul3A_165 : i32
      %get3A_168 = arith.index_cast %add3A_167 : i32 to index
      %get3A_169 = tpu.vector_load %arg5[%get3A_168] {strides = array<i32>} : memref<81920xf32, #tpu.memory_space<vmem>>, vector<16xf32>,
      %add3A_170 = arith.addf %add3A_163, %get3A_169 : vector<16xf32>
      %swap3A = arith.index_cast %scan3A_62 : i32 to index
      %swap3A_171 = arith.constant 0 : index
      %swap3A_172 = tpu.vector_load %arg6[%swap3A, %swap3A_171] {strides = array<i32>} : memref<320x16xf32, #tpu.memory_space<vmem>>, vector<16xf32>,
      tpu.vector_store %arg6[%swap3A, %swap3A_171], %add3A_170 {strides = array<i32>} : memref<320x16xf32, #tpu.memory_space<vmem>>, vector<16xf32>,
    }
    %scan3A_28 = arith.constant 320 : i32
    %scan3A_29 = arith.constant 0 : i32
    %scan3A_30 = arith.constant 0 : i32
    %scan3A_31 = arith.constant 20 : i32
    %scan3A_32 = arith.addi %scan3A_30, %scan3A_31 : i32
    %scan3A_33 = arith.constant 1 : i32
    scf.for %scan3A_62 = %scan3A_30 to %scan3A_32 step %scan3A_33  : i32 {
      %iota3A_63 = tpu.iota {dimensions = array<i32: 0>} : vector<16xi32>
      %mul3A_64 = arith.constant 16 : i32
      %mul3A_65 = arith.muli %scan3A_62, %mul3A_64 : i32
      %add3A_66 = arith.constant 0 : i32
      %add3A_67 = arith.addi %add3A_66, %mul3A_65 : i32
      %add3A_68 = vector.broadcast %add3A_67 : i32 to vector<16xi32>
      %add3A_69 = arith.addi %iota3A_63, %add3A_68 : vector<16xi32>
      %mul3A_70 = arith.constant 16 : i32
      %mul3A_71 = arith.muli %scan3A_62, %mul3A_70 : i32
      %swap3A = arith.index_cast %mul3A_71 : i32 to index
      %swap3A_72 = tpu.vector_load %arg7[%swap3A] {strides = array<i32>} : memref<320xi32, #tpu.memory_space<vmem>>, vector<16xi32>,
      tpu.vector_store %arg7[%swap3A], %add3A_69 {strides = array<i32>} : memref<320xi32, #tpu.memory_space<vmem>>, vector<16xi32>,
    }
    %scan3A_34 = arith.constant 20 : i32
    "tpu.region"() ({
      %run_scoped3A = tpu.sem_alloc : memref<!tpu.dma_semaphore, #tpu.memory_space<semaphore_mem>>
      %dma_start3A = arith.constant 0 : i32
      %dma_start3A_62 = arith.constant 0 : i32
      %dma_start3A_63 = tpu.memref_slice %arg8[%dma_start3A, %dma_start3A_62] : memref<640x16xf32, #tpu.memory_space<vmem_shared>> -> memref<640x16xf32, #tpu.memory_space<vmem_shared>>
      tpu.enqueue_indirect_dma source(%arg6 : memref<320x16xf32, #tpu.memory_space<vmem>>) target(%dma_start3A_63 : memref<640x16xf32, #tpu.memory_space<vmem_shared>>) offsets(%arg7 : memref<320xi32, #tpu.memory_space<vmem>>) semaphore(%run_scoped3A : memref<!tpu.dma_semaphore, #tpu.memory_space<semaphore_mem>>) {add = true}
      %dma_wait3A = arith.constant 0 : i32
      %dma_wait3A_64 = arith.constant 0 : i32
      %dma_wait3A_65 = tpu.memref_slice %arg8[%dma_wait3A, %dma_wait3A_64] : memref<640x16xf32, #tpu.memory_space<vmem_shared>> -> memref<640x16xf32, #tpu.memory_space<vmem_shared>>
      tpu.wait_indirect_dma semaphore(%run_scoped3A : memref<!tpu.dma_semaphore, #tpu.memory_space<semaphore_mem>>) src(%arg6 : memref<320x16xf32, #tpu.memory_space<vmem>>) dst(%dma_wait3A_65 : memref<640x16xf32, #tpu.memory_space<vmem_shared>>)
      tpu.yield
    }) : () -> ()
    %scan3A_35 = arith.constant 0 : i32
    %scan3A_36 = arith.constant 0 : i32
    %scan3A_37 = arith.constant 5120 : i32
    %scan3A_38 = arith.addi %scan3A_36, %scan3A_37 : i32
    %scan3A_39 = arith.constant 1 : i32
    scf.for %scan3A_62 = %scan3A_36 to %scan3A_38 step %scan3A_39  : i32 {
      %mul3A_63 = arith.constant 16 : i32
      %mul3A_64 = arith.muli %scan3A_62, %mul3A_63 : i32
      %swap3A = arith.index_cast %mul3A_64 : i32 to index
      %swap3A_65 = tpu.vector_load %arg5[%swap3A] {strides = array<i32>} : memref<81920xf32, #tpu.memory_space<vmem>>, vector<16xf32>,
      tpu.vector_store %arg5[%swap3A], %broadcast_in_dim3A_1 {strides = array<i32>} : memref<81920xf32, #tpu.memory_space<vmem>>, vector<16xf32>,
    }
    %scan3A_40 = arith.constant 5120 : i32
    %scan3A_41 = arith.constant 0 : i32
    %scan3A_42 = arith.constant 0 : i32
    %scan3A_43 = arith.constant 640 : i32
    %scan3A_44 = arith.addi %scan3A_42, %scan3A_43 : i32
    %scan3A_45 = arith.constant 1 : i32
    scf.for %scan3A_62 = %scan3A_42 to %scan3A_44 step %scan3A_45  : i32 {
      %get3A = arith.index_cast %scan3A_62 : i32 to index
      %get3A_63 = arith.constant 0 : index
      %get3A_64 = tpu.vector_load %arg4[%get3A, %get3A_63] {strides = array<i32>} : memref<640x16xi32, #tpu.memory_space<vmem>>, vector<16xi32>,
      %ge3A = arith.constant 5120 : i32
      %ge3A_65 = vector.broadcast %ge3A : i32 to vector<16xi32>
      %ge3A_66 = arith.cmpi sge, %get3A_64, %ge3A_65 : vector<16xi32>
      %lt3A = arith.constant 10240 : i32
      %lt3A_67 = vector.broadcast %lt3A : i32 to vector<16xi32>
      %lt3A_68 = arith.cmpi slt, %get3A_64, %lt3A_67 : vector<16xi32>
      %and3A = arith.andi %ge3A_66, %lt3A_68 : vector<16xi1>
      %sub3A = arith.constant 5120 : i32
      %sub3A_69 = vector.broadcast %sub3A : i32 to vector<16xi32>
      %sub3A_70 = arith.subi %get3A_64, %sub3A_69 : vector<16xi32>
      %jit3A = arith.constant 0 : i32
      %jit3A_71 = arith.constant 5119 : i32
      %max3A = vector.broadcast %jit3A : i32 to vector<16xi32>
      %max3A_72 = arith.maxsi %max3A, %sub3A_70 : vector<16xi32>
      %min3A = vector.broadcast %jit3A_71 : i32 to vector<16xi32>
      %min3A_73 = arith.minsi %min3A, %max3A_72 : vector<16xi32>
      %mul3A_74 = arith.constant 5120 : i32
      %mul3A_75 = vector.broadcast %mul3A_74 : i32 to vector<16xi32>
      %mul3A_76 = arith.muli %iota3A, %mul3A_75 : vector<16xi32>
      %add3A_77 = arith.addi %mul3A_76, %min3A_73 : vector<16xi32>
      tpu.vector_store_idx %arg5[%add3A_77], %broadcast_in_dim3A_3 masked %and3A {add = true} : memref<81920xf32, #tpu.memory_space<vmem>>[vector<16xi32>], vector<16xf32>, vector<16xi1>
    }
    %scan3A_46 = arith.constant 640 : i32
    %scan3A_47 = arith.constant 0 : i32
    %scan3A_48 = arith.constant 0 : i32
    %scan3A_49 = arith.constant 320 : i32
    %scan3A_50 = arith.addi %scan3A_48, %scan3A_49 : i32
    %scan3A_51 = arith.constant 1 : i32
    scf.for %scan3A_62 = %scan3A_48 to %scan3A_50 step %scan3A_51  : i32 {
      %mul3A_63 = arith.constant 16 : i32
      %mul3A_64 = arith.muli %scan3A_62, %mul3A_63 : i32
      %get3A = arith.index_cast %mul3A_64 : i32 to index
      %get3A_65 = tpu.vector_load %arg5[%get3A] {strides = array<i32>} : memref<81920xf32, #tpu.memory_space<vmem>>, vector<16xf32>,
      %mul3A_66 = arith.constant 16 : i32
      %mul3A_67 = arith.muli %scan3A_62, %mul3A_66 : i32
      %add3A_68 = arith.constant 5120 : i32
      %add3A_69 = arith.addi %add3A_68, %mul3A_67 : i32
      %get3A_70 = arith.index_cast %add3A_69 : i32 to index
      %get3A_71 = tpu.vector_load %arg5[%get3A_70] {strides = array<i32>} : memref<81920xf32, #tpu.memory_space<vmem>>, vector<16xf32>,
      %add3A_72 = arith.addf %get3A_65, %get3A_71 : vector<16xf32>
      %mul3A_73 = arith.constant 16 : i32
      %mul3A_74 = arith.muli %scan3A_62, %mul3A_73 : i32
      %add3A_75 = arith.constant 10240 : i32
      %add3A_76 = arith.addi %add3A_75, %mul3A_74 : i32
      %get3A_77 = arith.index_cast %add3A_76 : i32 to index
      %get3A_78 = tpu.vector_load %arg5[%get3A_77] {strides = array<i32>} : memref<81920xf32, #tpu.memory_space<vmem>>, vector<16xf32>,
      %add3A_79 = arith.addf %add3A_72, %get3A_78 : vector<16xf32>
      %mul3A_80 = arith.constant 16 : i32
      %mul3A_81 = arith.muli %scan3A_62, %mul3A_80 : i32
      %add3A_82 = arith.constant 15360 : i32
      %add3A_83 = arith.addi %add3A_82, %mul3A_81 : i32
      %get3A_84 = arith.index_cast %add3A_83 : i32 to index
      %get3A_85 = tpu.vector_load %arg5[%get3A_84] {strides = array<i32>} : memref<81920xf32, #tpu.memory_space<vmem>>, vector<16xf32>,
      %add3A_86 = arith.addf %add3A_79, %get3A_85 : vector<16xf32>
      %mul3A_87 = arith.constant 16 : i32
      %mul3A_88 = arith.muli %scan3A_62, %mul3A_87 : i32
      %add3A_89 = arith.constant 20480 : i32
      %add3A_90 = arith.addi %add3A_89, %mul3A_88 : i32
      %get3A_91 = arith.index_cast %add3A_90 : i32 to index
      %get3A_92 = tpu.vector_load %arg5[%get3A_91] {strides = array<i32>} : memref<81920xf32, #tpu.memory_space<vmem>>, vector<16xf32>,
      %add3A_93 = arith.addf %add3A_86, %get3A_92 : vector<16xf32>
      %mul3A_94 = arith.constant 16 : i32
      %mul3A_95 = arith.muli %scan3A_62, %mul3A_94 : i32
      %add3A_96 = arith.constant 25600 : i32
      %add3A_97 = arith.addi %add3A_96, %mul3A_95 : i32
      %get3A_98 = arith.index_cast %add3A_97 : i32 to index
      %get3A_99 = tpu.vector_load %arg5[%get3A_98] {strides = array<i32>} : memref<81920xf32, #tpu.memory_space<vmem>>, vector<16xf32>,
      %add3A_100 = arith.addf %add3A_93, %get3A_99 : vector<16xf32>
      %mul3A_101 = arith.constant 16 : i32
      %mul3A_102 = arith.muli %scan3A_62, %mul3A_101 : i32
      %add3A_103 = arith.constant 30720 : i32
      %add3A_104 = arith.addi %add3A_103, %mul3A_102 : i32
      %get3A_105 = arith.index_cast %add3A_104 : i32 to index
      %get3A_106 = tpu.vector_load %arg5[%get3A_105] {strides = array<i32>} : memref<81920xf32, #tpu.memory_space<vmem>>, vector<16xf32>,
      %add3A_107 = arith.addf %add3A_100, %get3A_106 : vector<16xf32>
      %mul3A_108 = arith.constant 16 : i32
      %mul3A_109 = arith.muli %scan3A_62, %mul3A_108 : i32
      %add3A_110 = arith.constant 35840 : i32
      %add3A_111 = arith.addi %add3A_110, %mul3A_109 : i32
      %get3A_112 = arith.index_cast %add3A_111 : i32 to index
      %get3A_113 = tpu.vector_load %arg5[%get3A_112] {strides = array<i32>} : memref<81920xf32, #tpu.memory_space<vmem>>, vector<16xf32>,
      %add3A_114 = arith.addf %add3A_107, %get3A_113 : vector<16xf32>
      %mul3A_115 = arith.constant 16 : i32
      %mul3A_116 = arith.muli %scan3A_62, %mul3A_115 : i32
      %add3A_117 = arith.constant 40960 : i32
      %add3A_118 = arith.addi %add3A_117, %mul3A_116 : i32
      %get3A_119 = arith.index_cast %add3A_118 : i32 to index
      %get3A_120 = tpu.vector_load %arg5[%get3A_119] {strides = array<i32>} : memref<81920xf32, #tpu.memory_space<vmem>>, vector<16xf32>,
      %add3A_121 = arith.addf %add3A_114, %get3A_120 : vector<16xf32>
      %mul3A_122 = arith.constant 16 : i32
      %mul3A_123 = arith.muli %scan3A_62, %mul3A_122 : i32
      %add3A_124 = arith.constant 46080 : i32
      %add3A_125 = arith.addi %add3A_124, %mul3A_123 : i32
      %get3A_126 = arith.index_cast %add3A_125 : i32 to index
      %get3A_127 = tpu.vector_load %arg5[%get3A_126] {strides = array<i32>} : memref<81920xf32, #tpu.memory_space<vmem>>, vector<16xf32>,
      %add3A_128 = arith.addf %add3A_121, %get3A_127 : vector<16xf32>
      %mul3A_129 = arith.constant 16 : i32
      %mul3A_130 = arith.muli %scan3A_62, %mul3A_129 : i32
      %add3A_131 = arith.constant 51200 : i32
      %add3A_132 = arith.addi %add3A_131, %mul3A_130 : i32
      %get3A_133 = arith.index_cast %add3A_132 : i32 to index
      %get3A_134 = tpu.vector_load %arg5[%get3A_133] {strides = array<i32>} : memref<81920xf32, #tpu.memory_space<vmem>>, vector<16xf32>,
      %add3A_135 = arith.addf %add3A_128, %get3A_134 : vector<16xf32>
      %mul3A_136 = arith.constant 16 : i32
      %mul3A_137 = arith.muli %scan3A_62, %mul3A_136 : i32
      %add3A_138 = arith.constant 56320 : i32
      %add3A_139 = arith.addi %add3A_138, %mul3A_137 : i32
      %get3A_140 = arith.index_cast %add3A_139 : i32 to index
      %get3A_141 = tpu.vector_load %arg5[%get3A_140] {strides = array<i32>} : memref<81920xf32, #tpu.memory_space<vmem>>, vector<16xf32>,
      %add3A_142 = arith.addf %add3A_135, %get3A_141 : vector<16xf32>
      %mul3A_143 = arith.constant 16 : i32
      %mul3A_144 = arith.muli %scan3A_62, %mul3A_143 : i32
      %add3A_145 = arith.constant 61440 : i32
      %add3A_146 = arith.addi %add3A_145, %mul3A_144 : i32
      %get3A_147 = arith.index_cast %add3A_146 : i32 to index
      %get3A_148 = tpu.vector_load %arg5[%get3A_147] {strides = array<i32>} : memref<81920xf32, #tpu.memory_space<vmem>>, vector<16xf32>,
      %add3A_149 = arith.addf %add3A_142, %get3A_148 : vector<16xf32>
      %mul3A_150 = arith.constant 16 : i32
      %mul3A_151 = arith.muli %scan3A_62, %mul3A_150 : i32
      %add3A_152 = arith.constant 66560 : i32
      %add3A_153 = arith.addi %add3A_152, %mul3A_151 : i32
      %get3A_154 = arith.index_cast %add3A_153 : i32 to index
      %get3A_155 = tpu.vector_load %arg5[%get3A_154] {strides = array<i32>} : memref<81920xf32, #tpu.memory_space<vmem>>, vector<16xf32>,
      %add3A_156 = arith.addf %add3A_149, %get3A_155 : vector<16xf32>
      %mul3A_157 = arith.constant 16 : i32
      %mul3A_158 = arith.muli %scan3A_62, %mul3A_157 : i32
      %add3A_159 = arith.constant 71680 : i32
      %add3A_160 = arith.addi %add3A_159, %mul3A_158 : i32
      %get3A_161 = arith.index_cast %add3A_160 : i32 to index
      %get3A_162 = tpu.vector_load %arg5[%get3A_161] {strides = array<i32>} : memref<81920xf32, #tpu.memory_space<vmem>>, vector<16xf32>,
      %add3A_163 = arith.addf %add3A_156, %get3A_162 : vector<16xf32>
      %mul3A_164 = arith.constant 16 : i32
      %mul3A_165 = arith.muli %scan3A_62, %mul3A_164 : i32
      %add3A_166 = arith.constant 76800 : i32
      %add3A_167 = arith.addi %add3A_166, %mul3A_165 : i32
      %get3A_168 = arith.index_cast %add3A_167 : i32 to index
      %get3A_169 = tpu.vector_load %arg5[%get3A_168] {strides = array<i32>} : memref<81920xf32, #tpu.memory_space<vmem>>, vector<16xf32>,
      %add3A_170 = arith.addf %add3A_163, %get3A_169 : vector<16xf32>
      %swap3A = arith.index_cast %scan3A_62 : i32 to index
      %swap3A_171 = arith.constant 0 : index
      %swap3A_172 = tpu.vector_load %arg6[%swap3A, %swap3A_171] {strides = array<i32>} : memref<320x16xf32, #tpu.memory_space<vmem>>, vector<16xf32>,
      tpu.vector_store %arg6[%swap3A, %swap3A_171], %add3A_170 {strides = array<i32>} : memref<320x16xf32, #tpu.memory_space<vmem>>, vector<16xf32>,
    }
    %scan3A_52 = arith.constant 320 : i32
    %scan3A_53 = arith.constant 0 : i32
    %scan3A_54 = arith.constant 0 : i32
    %scan3A_55 = arith.constant 20 : i32
    %scan3A_56 = arith.addi %scan3A_54, %scan3A_55 : i32
    %scan3A_57 = arith.constant 1 : i32
    scf.for %scan3A_62 = %scan3A_54 to %scan3A_56 step %scan3A_57  : i32 {
      %iota3A_63 = tpu.iota {dimensions = array<i32: 0>} : vector<16xi32>
      %mul3A_64 = arith.constant 16 : i32
      %mul3A_65 = arith.muli %scan3A_62, %mul3A_64 : i32
      %add3A_66 = arith.constant 320 : i32
      %add3A_67 = arith.addi %add3A_66, %mul3A_65 : i32
      %add3A_68 = vector.broadcast %add3A_67 : i32 to vector<16xi32>
      %add3A_69 = arith.addi %iota3A_63, %add3A_68 : vector<16xi32>
      %mul3A_70 = arith.constant 16 : i32
      %mul3A_71 = arith.muli %scan3A_62, %mul3A_70 : i32
      %swap3A = arith.index_cast %mul3A_71 : i32 to index
      %swap3A_72 = tpu.vector_load %arg7[%swap3A] {strides = array<i32>} : memref<320xi32, #tpu.memory_space<vmem>>, vector<16xi32>,
      tpu.vector_store %arg7[%swap3A], %add3A_69 {strides = array<i32>} : memref<320xi32, #tpu.memory_space<vmem>>, vector<16xi32>,
    }
    %scan3A_58 = arith.constant 20 : i32
    "tpu.region"() ({
      %run_scoped3A = tpu.sem_alloc : memref<!tpu.dma_semaphore, #tpu.memory_space<semaphore_mem>>
      %dma_start3A = arith.constant 0 : i32
      %dma_start3A_62 = arith.constant 0 : i32
      %dma_start3A_63 = tpu.memref_slice %arg8[%dma_start3A, %dma_start3A_62] : memref<640x16xf32, #tpu.memory_space<vmem_shared>> -> memref<640x16xf32, #tpu.memory_space<vmem_shared>>
      tpu.enqueue_indirect_dma source(%arg6 : memref<320x16xf32, #tpu.memory_space<vmem>>) target(%dma_start3A_63 : memref<640x16xf32, #tpu.memory_space<vmem_shared>>) offsets(%arg7 : memref<320xi32, #tpu.memory_space<vmem>>) semaphore(%run_scoped3A : memref<!tpu.dma_semaphore, #tpu.memory_space<semaphore_mem>>) {add = true}
      %dma_wait3A = arith.constant 0 : i32
      %dma_wait3A_64 = arith.constant 0 : i32
      %dma_wait3A_65 = tpu.memref_slice %arg8[%dma_wait3A, %dma_wait3A_64] : memref<640x16xf32, #tpu.memory_space<vmem_shared>> -> memref<640x16xf32, #tpu.memory_space<vmem_shared>>
      tpu.wait_indirect_dma semaphore(%run_scoped3A : memref<!tpu.dma_semaphore, #tpu.memory_space<semaphore_mem>>) src(%arg6 : memref<320x16xf32, #tpu.memory_space<vmem>>) dst(%dma_wait3A_65 : memref<640x16xf32, #tpu.memory_space<vmem_shared>>)
      tpu.yield
    }) : () -> ()
    %barrier3A_59 = arith.constant 0 : index
    tpu.barrier barrier_id(%barrier3A_59)
    %eq3A = arith.constant 0 : i32
    %eq3A_60 = arith.cmpi eq, %arg1, %eq3A : i32
    %convert_element_type3A = arith.extui %eq3A_60 : i1 to i32
    %cond3A = arith.constant 0 : i32
    %cond3A_61 = arith.cmpi ne, %convert_element_type3A, %cond3A : i32
    scf.if %cond3A_61 {
      "tpu.region"() ({
        %run_scoped3A = tpu.sem_alloc : memref<!tpu.dma_semaphore, #tpu.memory_space<semaphore_mem>>
        %dma_start3A = arith.constant 0 : i32
        %dma_start3A_62 = arith.constant 0 : i32
        %dma_start3A_63 = tpu.memref_slice %arg3[%arg0, %dma_start3A, %dma_start3A_62] : memref<2x640x16xf32, #tpu.memory_space<hbm>> -> memref<1x640x16xf32, #tpu.memory_space<hbm>>
        %dma_start3A_64 = tpu.memref_squeeze %dma_start3A_63 : memref<1x640x16xf32, #tpu.memory_space<hbm>> -> memref<640x16xf32, #tpu.memory_space<hbm>>
        tpu.enqueue_dma source(%arg8 : memref<640x16xf32, #tpu.memory_space<vmem_shared>>) target(%dma_start3A_64 : memref<640x16xf32, #tpu.memory_space<hbm>>) target_semaphore(%run_scoped3A : memref<!tpu.dma_semaphore, #tpu.memory_space<semaphore_mem>>)
        %dma_wait3A = arith.constant 0 : i32
        %dma_wait3A_65 = arith.constant 0 : i32
        %dma_wait3A_66 = tpu.memref_slice %arg3[%arg0, %dma_wait3A, %dma_wait3A_65] : memref<2x640x16xf32, #tpu.memory_space<hbm>> -> memref<1x640x16xf32, #tpu.memory_space<hbm>>
        %dma_wait3A_67 = tpu.memref_squeeze %dma_wait3A_66 : memref<1x640x16xf32, #tpu.memory_space<hbm>> -> memref<640x16xf32, #tpu.memory_space<hbm>>
        tpu.wait_dma2 semaphore(%run_scoped3A : memref<!tpu.dma_semaphore, #tpu.memory_space<semaphore_mem>>) src(%arg8 : memref<640x16xf32, #tpu.memory_space<vmem_shared>>) dst(%dma_wait3A_67 : memref<640x16xf32, #tpu.memory_space<hbm>>)
        tpu.yield
      }) : () -> ()
    } else {
    }
    return
  }
}

#map = affine_map<(d0, d1) -> (0, 0, 0)>
module attributes {stable_mosaic.version = 14 : i64} {
  func.func @agg(%arg0: i32, %arg1: i32, %arg2: memref<2x10240x64xf32, #tpu.memory_space<hbm>>, %arg3: memref<16x256x80xi32, #tpu.memory_space<hbm>>, %arg4: memref<16x256x80xi32, #tpu.memory_space<hbm>>, %arg5: memref<2x10240x64xf32, #tpu.memory_space<hbm>>, %arg6: memref<256x80xi32, #tpu.memory_space<vmem>>, %arg7: memref<256x80xi32, #tpu.memory_space<vmem>>, %arg8: memref<80x64xf32, #tpu.memory_space<vmem>>, %arg9: memref<80x64xf32, #tpu.memory_space<vmem>>, %arg10: memref<80x64xf32, #tpu.memory_space<vmem>>, %arg11: memref<80x64xf32, #tpu.memory_space<vmem>>, %arg12: memref<80x64xf32, #tpu.memory_space<vmem>>, %arg13: memref<80x64xf32, #tpu.memory_space<vmem>>, %arg14: memref<80x64xf32, #tpu.memory_space<vmem>>, %arg15: memref<80x64xf32, #tpu.memory_space<vmem>>, %arg16: memref<64x64xf32, #tpu.memory_space<vmem>>, %arg17: memref<10240x64xf32, #tpu.memory_space<vmem_shared>>, %arg18: memref<!tpu.dma_semaphore, #tpu.memory_space<semaphore_mem>>, %arg19: memref<!tpu.dma_semaphore, #tpu.memory_space<semaphore_mem>>, %arg20: memref<!tpu.dma_semaphore, #tpu.memory_space<semaphore_mem>>, %arg21: memref<!tpu.dma_semaphore, #tpu.memory_space<semaphore_mem>>, %arg22: memref<!tpu.dma_semaphore, #tpu.memory_space<semaphore_mem>>, %arg23: memref<!tpu.dma_semaphore, #tpu.memory_space<semaphore_mem>>, %arg24: memref<!tpu.dma_semaphore, #tpu.memory_space<semaphore_mem>>, %arg25: memref<!tpu.dma_semaphore, #tpu.memory_space<semaphore_mem>>, %arg26: memref<!tpu.dma_semaphore, #tpu.memory_space<semaphore_mem>>, %arg27: memref<!tpu.dma_semaphore, #tpu.memory_space<semaphore_mem>>, %arg28: memref<!tpu.dma_semaphore, #tpu.memory_space<semaphore_mem>>, %arg29: memref<!tpu.dma_semaphore, #tpu.memory_space<semaphore_mem>>, %arg30: memref<!tpu.dma_semaphore, #tpu.memory_space<semaphore_mem>>, %arg31: memref<!tpu.dma_semaphore, #tpu.memory_space<semaphore_mem>>, %arg32: memref<!tpu.dma_semaphore, #tpu.memory_space<semaphore_mem>>, %arg33: memref<!tpu.dma_semaphore, #tpu.memory_space<semaphore_mem>>) attributes {dimension_semantics = [#tpu.dimension_semantics<core_parallel>, #tpu.dimension_semantics<subcore_parallel>], iteration_bounds = array<i64: 2, 16>, scalar_prefetch = 0 : i64, scratch_operands = 28 : i64, tpu.core_type = #tpu.core_type<sc_vector_subcore>, window_params = [{transform_indices = #map}, {transform_indices = #map}, {transform_indices = #map}, {transform_indices = #map}]} {
    %broadcast_in_dim3A = arith.constant 0.000000e+00 : f32
    %broadcast_in_dim3A_0 = vector.broadcast %broadcast_in_dim3A : f32 to vector<16xf32>
    %scan3A = arith.constant 0 : i32
    %scan3A_1 = arith.constant 0 : i32
    %scan3A_2 = arith.constant 64 : i32
    %scan3A_3 = arith.addi %scan3A_1, %scan3A_2 : i32
    %scan3A_4 = arith.constant 1 : i32
    scf.for %scan3A_151 = %scan3A_1 to %scan3A_3 step %scan3A_4  : i32 {
      %swap3A = arith.index_cast %scan3A_151 : i32 to index
      %swap3A_152 = arith.constant 0 : index
      %swap3A_153 = tpu.vector_load %arg16[%swap3A, %swap3A_152] {strides = array<i32>} : memref<64x64xf32, #tpu.memory_space<vmem>>, vector<16xf32>,
      tpu.vector_store %arg16[%swap3A, %swap3A_152], %broadcast_in_dim3A_0 {strides = array<i32>} : memref<64x64xf32, #tpu.memory_space<vmem>>, vector<16xf32>,
      %swap3A_154 = arith.index_cast %scan3A_151 : i32 to index
      %swap3A_155 = arith.constant 16 : index
      %swap3A_156 = tpu.vector_load %arg16[%swap3A_154, %swap3A_155] {strides = array<i32>} : memref<64x64xf32, #tpu.memory_space<vmem>>, vector<16xf32>,
      tpu.vector_store %arg16[%swap3A_154, %swap3A_155], %broadcast_in_dim3A_0 {strides = array<i32>} : memref<64x64xf32, #tpu.memory_space<vmem>>, vector<16xf32>,
      %swap3A_157 = arith.index_cast %scan3A_151 : i32 to index
      %swap3A_158 = arith.constant 32 : index
      %swap3A_159 = tpu.vector_load %arg16[%swap3A_157, %swap3A_158] {strides = array<i32>} : memref<64x64xf32, #tpu.memory_space<vmem>>, vector<16xf32>,
      tpu.vector_store %arg16[%swap3A_157, %swap3A_158], %broadcast_in_dim3A_0 {strides = array<i32>} : memref<64x64xf32, #tpu.memory_space<vmem>>, vector<16xf32>,
      %swap3A_160 = arith.index_cast %scan3A_151 : i32 to index
      %swap3A_161 = arith.constant 48 : index
      %swap3A_162 = tpu.vector_load %arg16[%swap3A_160, %swap3A_161] {strides = array<i32>} : memref<64x64xf32, #tpu.memory_space<vmem>>, vector<16xf32>,
      tpu.vector_store %arg16[%swap3A_160, %swap3A_161], %broadcast_in_dim3A_0 {strides = array<i32>} : memref<64x64xf32, #tpu.memory_space<vmem>>, vector<16xf32>,
    }
    %scan3A_5 = arith.constant 64 : i32
    %mul3A = arith.constant 640 : i32
    %mul3A_6 = arith.muli %arg1, %mul3A : i32
    %add3A = arith.constant 0 : i32
    %add3A_7 = arith.addi %mul3A_6, %add3A : i32
    "tpu.region"() ({
      %run_scoped3A = tpu.sem_alloc : memref<!tpu.dma_semaphore, #tpu.memory_space<semaphore_mem>>
      %dma_start3A_151 = arith.constant 0 : i32
      %dma_start3A_152 = tpu.memref_slice %arg17[%add3A_7, %dma_start3A_151] : memref<10240x64xf32, #tpu.memory_space<vmem_shared>> -> memref<64x64xf32, #tpu.memory_space<vmem_shared>>
      %dma_start3A_153 = arith.constant 0 : i32
      %dma_start3A_154 = tpu.memref_slice %arg17[%add3A_7, %dma_start3A_153] : memref<10240x64xf32, #tpu.memory_space<vmem_shared>> -> memref<64x64xf32, #tpu.memory_space<vmem_shared>>
      tpu.enqueue_dma source(%arg16 : memref<64x64xf32, #tpu.memory_space<vmem>>) target(%dma_start3A_154 : memref<64x64xf32, #tpu.memory_space<vmem_shared>>) target_semaphore(%run_scoped3A : memref<!tpu.dma_semaphore, #tpu.memory_space<semaphore_mem>>)
      %dma_wait3A_155 = arith.constant 0 : i32
      %dma_wait3A_156 = tpu.memref_slice %arg17[%add3A_7, %dma_wait3A_155] : memref<10240x64xf32, #tpu.memory_space<vmem_shared>> -> memref<64x64xf32, #tpu.memory_space<vmem_shared>>
      %dma_wait3A_157 = arith.constant 0 : i32
      %dma_wait3A_158 = tpu.memref_slice %arg17[%add3A_7, %dma_wait3A_157] : memref<10240x64xf32, #tpu.memory_space<vmem_shared>> -> memref<64x64xf32, #tpu.memory_space<vmem_shared>>
      tpu.wait_dma2 semaphore(%run_scoped3A : memref<!tpu.dma_semaphore, #tpu.memory_space<semaphore_mem>>) src(%arg16 : memref<64x64xf32, #tpu.memory_space<vmem>>) dst(%dma_wait3A_158 : memref<64x64xf32, #tpu.memory_space<vmem_shared>>)
      tpu.yield
    }) : () -> ()
    %add3A_8 = arith.constant 64 : i32
    %add3A_9 = arith.addi %mul3A_6, %add3A_8 : i32
    "tpu.region"() ({
      %run_scoped3A = tpu.sem_alloc : memref<!tpu.dma_semaphore, #tpu.memory_space<semaphore_mem>>
      %dma_start3A_151 = arith.constant 0 : i32
      %dma_start3A_152 = tpu.memref_slice %arg17[%add3A_9, %dma_start3A_151] : memref<10240x64xf32, #tpu.memory_space<vmem_shared>> -> memref<64x64xf32, #tpu.memory_space<vmem_shared>>
      %dma_start3A_153 = arith.constant 0 : i32
      %dma_start3A_154 = tpu.memref_slice %arg17[%add3A_9, %dma_start3A_153] : memref<10240x64xf32, #tpu.memory_space<vmem_shared>> -> memref<64x64xf32, #tpu.memory_space<vmem_shared>>
      tpu.enqueue_dma source(%arg16 : memref<64x64xf32, #tpu.memory_space<vmem>>) target(%dma_start3A_154 : memref<64x64xf32, #tpu.memory_space<vmem_shared>>) target_semaphore(%run_scoped3A : memref<!tpu.dma_semaphore, #tpu.memory_space<semaphore_mem>>)
      %dma_wait3A_155 = arith.constant 0 : i32
      %dma_wait3A_156 = tpu.memref_slice %arg17[%add3A_9, %dma_wait3A_155] : memref<10240x64xf32, #tpu.memory_space<vmem_shared>> -> memref<64x64xf32, #tpu.memory_space<vmem_shared>>
      %dma_wait3A_157 = arith.constant 0 : i32
      %dma_wait3A_158 = tpu.memref_slice %arg17[%add3A_9, %dma_wait3A_157] : memref<10240x64xf32, #tpu.memory_space<vmem_shared>> -> memref<64x64xf32, #tpu.memory_space<vmem_shared>>
      tpu.wait_dma2 semaphore(%run_scoped3A : memref<!tpu.dma_semaphore, #tpu.memory_space<semaphore_mem>>) src(%arg16 : memref<64x64xf32, #tpu.memory_space<vmem>>) dst(%dma_wait3A_158 : memref<64x64xf32, #tpu.memory_space<vmem_shared>>)
      tpu.yield
    }) : () -> ()
    %add3A_10 = arith.constant 128 : i32
    %add3A_11 = arith.addi %mul3A_6, %add3A_10 : i32
    "tpu.region"() ({
      %run_scoped3A = tpu.sem_alloc : memref<!tpu.dma_semaphore, #tpu.memory_space<semaphore_mem>>
      %dma_start3A_151 = arith.constant 0 : i32
      %dma_start3A_152 = tpu.memref_slice %arg17[%add3A_11, %dma_start3A_151] : memref<10240x64xf32, #tpu.memory_space<vmem_shared>> -> memref<64x64xf32, #tpu.memory_space<vmem_shared>>
      %dma_start3A_153 = arith.constant 0 : i32
      %dma_start3A_154 = tpu.memref_slice %arg17[%add3A_11, %dma_start3A_153] : memref<10240x64xf32, #tpu.memory_space<vmem_shared>> -> memref<64x64xf32, #tpu.memory_space<vmem_shared>>
      tpu.enqueue_dma source(%arg16 : memref<64x64xf32, #tpu.memory_space<vmem>>) target(%dma_start3A_154 : memref<64x64xf32, #tpu.memory_space<vmem_shared>>) target_semaphore(%run_scoped3A : memref<!tpu.dma_semaphore, #tpu.memory_space<semaphore_mem>>)
      %dma_wait3A_155 = arith.constant 0 : i32
      %dma_wait3A_156 = tpu.memref_slice %arg17[%add3A_11, %dma_wait3A_155] : memref<10240x64xf32, #tpu.memory_space<vmem_shared>> -> memref<64x64xf32, #tpu.memory_space<vmem_shared>>
      %dma_wait3A_157 = arith.constant 0 : i32
      %dma_wait3A_158 = tpu.memref_slice %arg17[%add3A_11, %dma_wait3A_157] : memref<10240x64xf32, #tpu.memory_space<vmem_shared>> -> memref<64x64xf32, #tpu.memory_space<vmem_shared>>
      tpu.wait_dma2 semaphore(%run_scoped3A : memref<!tpu.dma_semaphore, #tpu.memory_space<semaphore_mem>>) src(%arg16 : memref<64x64xf32, #tpu.memory_space<vmem>>) dst(%dma_wait3A_158 : memref<64x64xf32, #tpu.memory_space<vmem_shared>>)
      tpu.yield
    }) : () -> ()
    %add3A_12 = arith.constant 192 : i32
    %add3A_13 = arith.addi %mul3A_6, %add3A_12 : i32
    "tpu.region"() ({
      %run_scoped3A = tpu.sem_alloc : memref<!tpu.dma_semaphore, #tpu.memory_space<semaphore_mem>>
      %dma_start3A_151 = arith.constant 0 : i32
      %dma_start3A_152 = tpu.memref_slice %arg17[%add3A_13, %dma_start3A_151] : memref<10240x64xf32, #tpu.memory_space<vmem_shared>> -> memref<64x64xf32, #tpu.memory_space<vmem_shared>>
      %dma_start3A_153 = arith.constant 0 : i32
      %dma_start3A_154 = tpu.memref_slice %arg17[%add3A_13, %dma_start3A_153] : memref<10240x64xf32, #tpu.memory_space<vmem_shared>> -> memref<64x64xf32, #tpu.memory_space<vmem_shared>>
      tpu.enqueue_dma source(%arg16 : memref<64x64xf32, #tpu.memory_space<vmem>>) target(%dma_start3A_154 : memref<64x64xf32, #tpu.memory_space<vmem_shared>>) target_semaphore(%run_scoped3A : memref<!tpu.dma_semaphore, #tpu.memory_space<semaphore_mem>>)
      %dma_wait3A_155 = arith.constant 0 : i32
      %dma_wait3A_156 = tpu.memref_slice %arg17[%add3A_13, %dma_wait3A_155] : memref<10240x64xf32, #tpu.memory_space<vmem_shared>> -> memref<64x64xf32, #tpu.memory_space<vmem_shared>>
      %dma_wait3A_157 = arith.constant 0 : i32
      %dma_wait3A_158 = tpu.memref_slice %arg17[%add3A_13, %dma_wait3A_157] : memref<10240x64xf32, #tpu.memory_space<vmem_shared>> -> memref<64x64xf32, #tpu.memory_space<vmem_shared>>
      tpu.wait_dma2 semaphore(%run_scoped3A : memref<!tpu.dma_semaphore, #tpu.memory_space<semaphore_mem>>) src(%arg16 : memref<64x64xf32, #tpu.memory_space<vmem>>) dst(%dma_wait3A_158 : memref<64x64xf32, #tpu.memory_space<vmem_shared>>)
      tpu.yield
    }) : () -> ()
    %add3A_14 = arith.constant 256 : i32
    %add3A_15 = arith.addi %mul3A_6, %add3A_14 : i32
    "tpu.region"() ({
      %run_scoped3A = tpu.sem_alloc : memref<!tpu.dma_semaphore, #tpu.memory_space<semaphore_mem>>
      %dma_start3A_151 = arith.constant 0 : i32
      %dma_start3A_152 = tpu.memref_slice %arg17[%add3A_15, %dma_start3A_151] : memref<10240x64xf32, #tpu.memory_space<vmem_shared>> -> memref<64x64xf32, #tpu.memory_space<vmem_shared>>
      %dma_start3A_153 = arith.constant 0 : i32
      %dma_start3A_154 = tpu.memref_slice %arg17[%add3A_15, %dma_start3A_153] : memref<10240x64xf32, #tpu.memory_space<vmem_shared>> -> memref<64x64xf32, #tpu.memory_space<vmem_shared>>
      tpu.enqueue_dma source(%arg16 : memref<64x64xf32, #tpu.memory_space<vmem>>) target(%dma_start3A_154 : memref<64x64xf32, #tpu.memory_space<vmem_shared>>) target_semaphore(%run_scoped3A : memref<!tpu.dma_semaphore, #tpu.memory_space<semaphore_mem>>)
      %dma_wait3A_155 = arith.constant 0 : i32
      %dma_wait3A_156 = tpu.memref_slice %arg17[%add3A_15, %dma_wait3A_155] : memref<10240x64xf32, #tpu.memory_space<vmem_shared>> -> memref<64x64xf32, #tpu.memory_space<vmem_shared>>
      %dma_wait3A_157 = arith.constant 0 : i32
      %dma_wait3A_158 = tpu.memref_slice %arg17[%add3A_15, %dma_wait3A_157] : memref<10240x64xf32, #tpu.memory_space<vmem_shared>> -> memref<64x64xf32, #tpu.memory_space<vmem_shared>>
      tpu.wait_dma2 semaphore(%run_scoped3A : memref<!tpu.dma_semaphore, #tpu.memory_space<semaphore_mem>>) src(%arg16 : memref<64x64xf32, #tpu.memory_space<vmem>>) dst(%dma_wait3A_158 : memref<64x64xf32, #tpu.memory_space<vmem_shared>>)
      tpu.yield
    }) : () -> ()
    %add3A_16 = arith.constant 320 : i32
    %add3A_17 = arith.addi %mul3A_6, %add3A_16 : i32
    "tpu.region"() ({
      %run_scoped3A = tpu.sem_alloc : memref<!tpu.dma_semaphore, #tpu.memory_space<semaphore_mem>>
      %dma_start3A_151 = arith.constant 0 : i32
      %dma_start3A_152 = tpu.memref_slice %arg17[%add3A_17, %dma_start3A_151] : memref<10240x64xf32, #tpu.memory_space<vmem_shared>> -> memref<64x64xf32, #tpu.memory_space<vmem_shared>>
      %dma_start3A_153 = arith.constant 0 : i32
      %dma_start3A_154 = tpu.memref_slice %arg17[%add3A_17, %dma_start3A_153] : memref<10240x64xf32, #tpu.memory_space<vmem_shared>> -> memref<64x64xf32, #tpu.memory_space<vmem_shared>>
      tpu.enqueue_dma source(%arg16 : memref<64x64xf32, #tpu.memory_space<vmem>>) target(%dma_start3A_154 : memref<64x64xf32, #tpu.memory_space<vmem_shared>>) target_semaphore(%run_scoped3A : memref<!tpu.dma_semaphore, #tpu.memory_space<semaphore_mem>>)
      %dma_wait3A_155 = arith.constant 0 : i32
      %dma_wait3A_156 = tpu.memref_slice %arg17[%add3A_17, %dma_wait3A_155] : memref<10240x64xf32, #tpu.memory_space<vmem_shared>> -> memref<64x64xf32, #tpu.memory_space<vmem_shared>>
      %dma_wait3A_157 = arith.constant 0 : i32
      %dma_wait3A_158 = tpu.memref_slice %arg17[%add3A_17, %dma_wait3A_157] : memref<10240x64xf32, #tpu.memory_space<vmem_shared>> -> memref<64x64xf32, #tpu.memory_space<vmem_shared>>
      tpu.wait_dma2 semaphore(%run_scoped3A : memref<!tpu.dma_semaphore, #tpu.memory_space<semaphore_mem>>) src(%arg16 : memref<64x64xf32, #tpu.memory_space<vmem>>) dst(%dma_wait3A_158 : memref<64x64xf32, #tpu.memory_space<vmem_shared>>)
      tpu.yield
    }) : () -> ()
    %add3A_18 = arith.constant 384 : i32
    %add3A_19 = arith.addi %mul3A_6, %add3A_18 : i32
    "tpu.region"() ({
      %run_scoped3A = tpu.sem_alloc : memref<!tpu.dma_semaphore, #tpu.memory_space<semaphore_mem>>
      %dma_start3A_151 = arith.constant 0 : i32
      %dma_start3A_152 = tpu.memref_slice %arg17[%add3A_19, %dma_start3A_151] : memref<10240x64xf32, #tpu.memory_space<vmem_shared>> -> memref<64x64xf32, #tpu.memory_space<vmem_shared>>
      %dma_start3A_153 = arith.constant 0 : i32
      %dma_start3A_154 = tpu.memref_slice %arg17[%add3A_19, %dma_start3A_153] : memref<10240x64xf32, #tpu.memory_space<vmem_shared>> -> memref<64x64xf32, #tpu.memory_space<vmem_shared>>
      tpu.enqueue_dma source(%arg16 : memref<64x64xf32, #tpu.memory_space<vmem>>) target(%dma_start3A_154 : memref<64x64xf32, #tpu.memory_space<vmem_shared>>) target_semaphore(%run_scoped3A : memref<!tpu.dma_semaphore, #tpu.memory_space<semaphore_mem>>)
      %dma_wait3A_155 = arith.constant 0 : i32
      %dma_wait3A_156 = tpu.memref_slice %arg17[%add3A_19, %dma_wait3A_155] : memref<10240x64xf32, #tpu.memory_space<vmem_shared>> -> memref<64x64xf32, #tpu.memory_space<vmem_shared>>
      %dma_wait3A_157 = arith.constant 0 : i32
      %dma_wait3A_158 = tpu.memref_slice %arg17[%add3A_19, %dma_wait3A_157] : memref<10240x64xf32, #tpu.memory_space<vmem_shared>> -> memref<64x64xf32, #tpu.memory_space<vmem_shared>>
      tpu.wait_dma2 semaphore(%run_scoped3A : memref<!tpu.dma_semaphore, #tpu.memory_space<semaphore_mem>>) src(%arg16 : memref<64x64xf32, #tpu.memory_space<vmem>>) dst(%dma_wait3A_158 : memref<64x64xf32, #tpu.memory_space<vmem_shared>>)
      tpu.yield
    }) : () -> ()
    %add3A_20 = arith.constant 448 : i32
    %add3A_21 = arith.addi %mul3A_6, %add3A_20 : i32
    "tpu.region"() ({
      %run_scoped3A = tpu.sem_alloc : memref<!tpu.dma_semaphore, #tpu.memory_space<semaphore_mem>>
      %dma_start3A_151 = arith.constant 0 : i32
      %dma_start3A_152 = tpu.memref_slice %arg17[%add3A_21, %dma_start3A_151] : memref<10240x64xf32, #tpu.memory_space<vmem_shared>> -> memref<64x64xf32, #tpu.memory_space<vmem_shared>>
      %dma_start3A_153 = arith.constant 0 : i32
      %dma_start3A_154 = tpu.memref_slice %arg17[%add3A_21, %dma_start3A_153] : memref<10240x64xf32, #tpu.memory_space<vmem_shared>> -> memref<64x64xf32, #tpu.memory_space<vmem_shared>>
      tpu.enqueue_dma source(%arg16 : memref<64x64xf32, #tpu.memory_space<vmem>>) target(%dma_start3A_154 : memref<64x64xf32, #tpu.memory_space<vmem_shared>>) target_semaphore(%run_scoped3A : memref<!tpu.dma_semaphore, #tpu.memory_space<semaphore_mem>>)
      %dma_wait3A_155 = arith.constant 0 : i32
      %dma_wait3A_156 = tpu.memref_slice %arg17[%add3A_21, %dma_wait3A_155] : memref<10240x64xf32, #tpu.memory_space<vmem_shared>> -> memref<64x64xf32, #tpu.memory_space<vmem_shared>>
      %dma_wait3A_157 = arith.constant 0 : i32
      %dma_wait3A_158 = tpu.memref_slice %arg17[%add3A_21, %dma_wait3A_157] : memref<10240x64xf32, #tpu.memory_space<vmem_shared>> -> memref<64x64xf32, #tpu.memory_space<vmem_shared>>
      tpu.wait_dma2 semaphore(%run_scoped3A : memref<!tpu.dma_semaphore, #tpu.memory_space<semaphore_mem>>) src(%arg16 : memref<64x64xf32, #tpu.memory_space<vmem>>) dst(%dma_wait3A_158 : memref<64x64xf32, #tpu.memory_space<vmem_shared>>)
      tpu.yield
    }) : () -> ()
    %add3A_22 = arith.constant 512 : i32
    %add3A_23 = arith.addi %mul3A_6, %add3A_22 : i32
    "tpu.region"() ({
      %run_scoped3A = tpu.sem_alloc : memref<!tpu.dma_semaphore, #tpu.memory_space<semaphore_mem>>
      %dma_start3A_151 = arith.constant 0 : i32
      %dma_start3A_152 = tpu.memref_slice %arg17[%add3A_23, %dma_start3A_151] : memref<10240x64xf32, #tpu.memory_space<vmem_shared>> -> memref<64x64xf32, #tpu.memory_space<vmem_shared>>
      %dma_start3A_153 = arith.constant 0 : i32
      %dma_start3A_154 = tpu.memref_slice %arg17[%add3A_23, %dma_start3A_153] : memref<10240x64xf32, #tpu.memory_space<vmem_shared>> -> memref<64x64xf32, #tpu.memory_space<vmem_shared>>
      tpu.enqueue_dma source(%arg16 : memref<64x64xf32, #tpu.memory_space<vmem>>) target(%dma_start3A_154 : memref<64x64xf32, #tpu.memory_space<vmem_shared>>) target_semaphore(%run_scoped3A : memref<!tpu.dma_semaphore, #tpu.memory_space<semaphore_mem>>)
      %dma_wait3A_155 = arith.constant 0 : i32
      %dma_wait3A_156 = tpu.memref_slice %arg17[%add3A_23, %dma_wait3A_155] : memref<10240x64xf32, #tpu.memory_space<vmem_shared>> -> memref<64x64xf32, #tpu.memory_space<vmem_shared>>
      %dma_wait3A_157 = arith.constant 0 : i32
      %dma_wait3A_158 = tpu.memref_slice %arg17[%add3A_23, %dma_wait3A_157] : memref<10240x64xf32, #tpu.memory_space<vmem_shared>> -> memref<64x64xf32, #tpu.memory_space<vmem_shared>>
      tpu.wait_dma2 semaphore(%run_scoped3A : memref<!tpu.dma_semaphore, #tpu.memory_space<semaphore_mem>>) src(%arg16 : memref<64x64xf32, #tpu.memory_space<vmem>>) dst(%dma_wait3A_158 : memref<64x64xf32, #tpu.memory_space<vmem_shared>>)
      tpu.yield
    }) : () -> ()
    %add3A_24 = arith.constant 576 : i32
    %add3A_25 = arith.addi %mul3A_6, %add3A_24 : i32
    "tpu.region"() ({
      %run_scoped3A = tpu.sem_alloc : memref<!tpu.dma_semaphore, #tpu.memory_space<semaphore_mem>>
      %dma_start3A_151 = arith.constant 0 : i32
      %dma_start3A_152 = tpu.memref_slice %arg17[%add3A_25, %dma_start3A_151] : memref<10240x64xf32, #tpu.memory_space<vmem_shared>> -> memref<64x64xf32, #tpu.memory_space<vmem_shared>>
      %dma_start3A_153 = arith.constant 0 : i32
      %dma_start3A_154 = tpu.memref_slice %arg17[%add3A_25, %dma_start3A_153] : memref<10240x64xf32, #tpu.memory_space<vmem_shared>> -> memref<64x64xf32, #tpu.memory_space<vmem_shared>>
      tpu.enqueue_dma source(%arg16 : memref<64x64xf32, #tpu.memory_space<vmem>>) target(%dma_start3A_154 : memref<64x64xf32, #tpu.memory_space<vmem_shared>>) target_semaphore(%run_scoped3A : memref<!tpu.dma_semaphore, #tpu.memory_space<semaphore_mem>>)
      %dma_wait3A_155 = arith.constant 0 : i32
      %dma_wait3A_156 = tpu.memref_slice %arg17[%add3A_25, %dma_wait3A_155] : memref<10240x64xf32, #tpu.memory_space<vmem_shared>> -> memref<64x64xf32, #tpu.memory_space<vmem_shared>>
      %dma_wait3A_157 = arith.constant 0 : i32
      %dma_wait3A_158 = tpu.memref_slice %arg17[%add3A_25, %dma_wait3A_157] : memref<10240x64xf32, #tpu.memory_space<vmem_shared>> -> memref<64x64xf32, #tpu.memory_space<vmem_shared>>
      tpu.wait_dma2 semaphore(%run_scoped3A : memref<!tpu.dma_semaphore, #tpu.memory_space<semaphore_mem>>) src(%arg16 : memref<64x64xf32, #tpu.memory_space<vmem>>) dst(%dma_wait3A_158 : memref<64x64xf32, #tpu.memory_space<vmem_shared>>)
      tpu.yield
    }) : () -> ()
    "tpu.region"() ({
      %run_scoped3A = tpu.sem_alloc : memref<!tpu.dma_semaphore, #tpu.memory_space<semaphore_mem>>
      %dma_start3A_151 = arith.constant 0 : i32
      %dma_start3A_152 = arith.constant 0 : i32
      %dma_start3A_153 = tpu.memref_slice %arg3[%arg1, %dma_start3A_151, %dma_start3A_152] : memref<16x256x80xi32, #tpu.memory_space<hbm>> -> memref<1x256x80xi32, #tpu.memory_space<hbm>>
      %dma_start3A_154 = tpu.memref_squeeze %dma_start3A_153 : memref<1x256x80xi32, #tpu.memory_space<hbm>> -> memref<256x80xi32, #tpu.memory_space<hbm>>
      %dma_start3A_155 = arith.constant 0 : i32
      %dma_start3A_156 = arith.constant 0 : i32
      %dma_start3A_157 = tpu.memref_slice %arg3[%arg1, %dma_start3A_155, %dma_start3A_156] : memref<16x256x80xi32, #tpu.memory_space<hbm>> -> memref<1x256x80xi32, #tpu.memory_space<hbm>>
      %dma_start3A_158 = tpu.memref_squeeze %dma_start3A_157 : memref<1x256x80xi32, #tpu.memory_space<hbm>> -> memref<256x80xi32, #tpu.memory_space<hbm>>
      tpu.enqueue_dma source(%dma_start3A_158 : memref<256x80xi32, #tpu.memory_space<hbm>>) target(%arg6 : memref<256x80xi32, #tpu.memory_space<vmem>>) target_semaphore(%run_scoped3A : memref<!tpu.dma_semaphore, #tpu.memory_space<semaphore_mem>>)
      %dma_wait3A_159 = arith.constant 0 : i32
      %dma_wait3A_160 = arith.constant 0 : i32
      %dma_wait3A_161 = tpu.memref_slice %arg3[%arg1, %dma_wait3A_159, %dma_wait3A_160] : memref<16x256x80xi32, #tpu.memory_space<hbm>> -> memref<1x256x80xi32, #tpu.memory_space<hbm>>
      %dma_wait3A_162 = tpu.memref_squeeze %dma_wait3A_161 : memref<1x256x80xi32, #tpu.memory_space<hbm>> -> memref<256x80xi32, #tpu.memory_space<hbm>>
      %dma_wait3A_163 = arith.constant 0 : i32
      %dma_wait3A_164 = arith.constant 0 : i32
      %dma_wait3A_165 = tpu.memref_slice %arg3[%arg1, %dma_wait3A_163, %dma_wait3A_164] : memref<16x256x80xi32, #tpu.memory_space<hbm>> -> memref<1x256x80xi32, #tpu.memory_space<hbm>>
      %dma_wait3A_166 = tpu.memref_squeeze %dma_wait3A_165 : memref<1x256x80xi32, #tpu.memory_space<hbm>> -> memref<256x80xi32, #tpu.memory_space<hbm>>
      tpu.wait_dma2 semaphore(%run_scoped3A : memref<!tpu.dma_semaphore, #tpu.memory_space<semaphore_mem>>) src(%dma_wait3A_166 : memref<256x80xi32, #tpu.memory_space<hbm>>) dst(%arg6 : memref<256x80xi32, #tpu.memory_space<vmem>>)
      tpu.yield
    }) : () -> ()
    "tpu.region"() ({
      %run_scoped3A = tpu.sem_alloc : memref<!tpu.dma_semaphore, #tpu.memory_space<semaphore_mem>>
      %dma_start3A_151 = arith.constant 0 : i32
      %dma_start3A_152 = arith.constant 0 : i32
      %dma_start3A_153 = tpu.memref_slice %arg4[%arg1, %dma_start3A_151, %dma_start3A_152] : memref<16x256x80xi32, #tpu.memory_space<hbm>> -> memref<1x256x80xi32, #tpu.memory_space<hbm>>
      %dma_start3A_154 = tpu.memref_squeeze %dma_start3A_153 : memref<1x256x80xi32, #tpu.memory_space<hbm>> -> memref<256x80xi32, #tpu.memory_space<hbm>>
      %dma_start3A_155 = arith.constant 0 : i32
      %dma_start3A_156 = arith.constant 0 : i32
      %dma_start3A_157 = tpu.memref_slice %arg4[%arg1, %dma_start3A_155, %dma_start3A_156] : memref<16x256x80xi32, #tpu.memory_space<hbm>> -> memref<1x256x80xi32, #tpu.memory_space<hbm>>
      %dma_start3A_158 = tpu.memref_squeeze %dma_start3A_157 : memref<1x256x80xi32, #tpu.memory_space<hbm>> -> memref<256x80xi32, #tpu.memory_space<hbm>>
      tpu.enqueue_dma source(%dma_start3A_158 : memref<256x80xi32, #tpu.memory_space<hbm>>) target(%arg7 : memref<256x80xi32, #tpu.memory_space<vmem>>) target_semaphore(%run_scoped3A : memref<!tpu.dma_semaphore, #tpu.memory_space<semaphore_mem>>)
      %dma_wait3A_159 = arith.constant 0 : i32
      %dma_wait3A_160 = arith.constant 0 : i32
      %dma_wait3A_161 = tpu.memref_slice %arg4[%arg1, %dma_wait3A_159, %dma_wait3A_160] : memref<16x256x80xi32, #tpu.memory_space<hbm>> -> memref<1x256x80xi32, #tpu.memory_space<hbm>>
      %dma_wait3A_162 = tpu.memref_squeeze %dma_wait3A_161 : memref<1x256x80xi32, #tpu.memory_space<hbm>> -> memref<256x80xi32, #tpu.memory_space<hbm>>
      %dma_wait3A_163 = arith.constant 0 : i32
      %dma_wait3A_164 = arith.constant 0 : i32
      %dma_wait3A_165 = tpu.memref_slice %arg4[%arg1, %dma_wait3A_163, %dma_wait3A_164] : memref<16x256x80xi32, #tpu.memory_space<hbm>> -> memref<1x256x80xi32, #tpu.memory_space<hbm>>
      %dma_wait3A_166 = tpu.memref_squeeze %dma_wait3A_165 : memref<1x256x80xi32, #tpu.memory_space<hbm>> -> memref<256x80xi32, #tpu.memory_space<hbm>>
      tpu.wait_dma2 semaphore(%run_scoped3A : memref<!tpu.dma_semaphore, #tpu.memory_space<semaphore_mem>>) src(%dma_wait3A_166 : memref<256x80xi32, #tpu.memory_space<hbm>>) dst(%arg7 : memref<256x80xi32, #tpu.memory_space<vmem>>)
      tpu.yield
    }) : () -> ()
    %barrier3A = arith.constant 0 : index
    tpu.barrier barrier_id(%barrier3A)
    %dma_start3A = arith.constant 0 : i32
    %dma_start3A_26 = arith.constant 0 : i32
    %dma_start3A_27 = tpu.memref_slice %arg6[%dma_start3A, %dma_start3A_26] : memref<256x80xi32, #tpu.memory_space<vmem>> -> memref<1x80xi32, #tpu.memory_space<vmem>>
    %dma_start3A_28 = tpu.memref_squeeze %dma_start3A_27 : memref<1x80xi32, #tpu.memory_space<vmem>> -> memref<80xi32, #tpu.memory_space<vmem>>
    %dma_start3A_29 = arith.constant 0 : i32
    %dma_start3A_30 = arith.constant 0 : i32
    %dma_start3A_31 = tpu.memref_slice %arg2[%arg0, %dma_start3A_29, %dma_start3A_30] : memref<2x10240x64xf32, #tpu.memory_space<hbm>> -> memref<1x10240x64xf32, #tpu.memory_space<hbm>>
    %dma_start3A_32 = tpu.memref_squeeze %dma_start3A_31 : memref<1x10240x64xf32, #tpu.memory_space<hbm>> -> memref<10240x64xf32, #tpu.memory_space<hbm>>
    %dma_start3A_33 = arith.constant 0 : i32
    %dma_start3A_34 = arith.constant 0 : i32
    %dma_start3A_35 = tpu.memref_slice %dma_start3A_32[%dma_start3A_33, %dma_start3A_34] : memref<10240x64xf32, #tpu.memory_space<hbm>> -> memref<10240x64xf32, #tpu.memory_space<hbm>>
    tpu.enqueue_indirect_dma source(%dma_start3A_35 : memref<10240x64xf32, #tpu.memory_space<hbm>>) target(%arg8 : memref<80x64xf32, #tpu.memory_space<vmem>>) offsets(%dma_start3A_28 : memref<80xi32, #tpu.memory_space<vmem>>) semaphore(%arg18 : memref<!tpu.dma_semaphore, #tpu.memory_space<semaphore_mem>>)
    %dma_start3A_36 = arith.constant 1 : i32
    %dma_start3A_37 = arith.constant 0 : i32
    %dma_start3A_38 = tpu.memref_slice %arg6[%dma_start3A_36, %dma_start3A_37] : memref<256x80xi32, #tpu.memory_space<vmem>> -> memref<1x80xi32, #tpu.memory_space<vmem>>
    %dma_start3A_39 = tpu.memref_squeeze %dma_start3A_38 : memref<1x80xi32, #tpu.memory_space<vmem>> -> memref<80xi32, #tpu.memory_space<vmem>>
    %dma_start3A_40 = arith.constant 0 : i32
    %dma_start3A_41 = arith.constant 0 : i32
    %dma_start3A_42 = tpu.memref_slice %arg2[%arg0, %dma_start3A_40, %dma_start3A_41] : memref<2x10240x64xf32, #tpu.memory_space<hbm>> -> memref<1x10240x64xf32, #tpu.memory_space<hbm>>
    %dma_start3A_43 = tpu.memref_squeeze %dma_start3A_42 : memref<1x10240x64xf32, #tpu.memory_space<hbm>> -> memref<10240x64xf32, #tpu.memory_space<hbm>>
    %dma_start3A_44 = arith.constant 0 : i32
    %dma_start3A_45 = arith.constant 0 : i32
    %dma_start3A_46 = tpu.memref_slice %dma_start3A_43[%dma_start3A_44, %dma_start3A_45] : memref<10240x64xf32, #tpu.memory_space<hbm>> -> memref<10240x64xf32, #tpu.memory_space<hbm>>
    tpu.enqueue_indirect_dma source(%dma_start3A_46 : memref<10240x64xf32, #tpu.memory_space<hbm>>) target(%arg9 : memref<80x64xf32, #tpu.memory_space<vmem>>) offsets(%dma_start3A_39 : memref<80xi32, #tpu.memory_space<vmem>>) semaphore(%arg19 : memref<!tpu.dma_semaphore, #tpu.memory_space<semaphore_mem>>)
    %dma_start3A_47 = arith.constant 2 : i32
    %dma_start3A_48 = arith.constant 0 : i32
    %dma_start3A_49 = tpu.memref_slice %arg6[%dma_start3A_47, %dma_start3A_48] : memref<256x80xi32, #tpu.memory_space<vmem>> -> memref<1x80xi32, #tpu.memory_space<vmem>>
    %dma_start3A_50 = tpu.memref_squeeze %dma_start3A_49 : memref<1x80xi32, #tpu.memory_space<vmem>> -> memref<80xi32, #tpu.memory_space<vmem>>
    %dma_start3A_51 = arith.constant 0 : i32
    %dma_start3A_52 = arith.constant 0 : i32
    %dma_start3A_53 = tpu.memref_slice %arg2[%arg0, %dma_start3A_51, %dma_start3A_52] : memref<2x10240x64xf32, #tpu.memory_space<hbm>> -> memref<1x10240x64xf32, #tpu.memory_space<hbm>>
    %dma_start3A_54 = tpu.memref_squeeze %dma_start3A_53 : memref<1x10240x64xf32, #tpu.memory_space<hbm>> -> memref<10240x64xf32, #tpu.memory_space<hbm>>
    %dma_start3A_55 = arith.constant 0 : i32
    %dma_start3A_56 = arith.constant 0 : i32
    %dma_start3A_57 = tpu.memref_slice %dma_start3A_54[%dma_start3A_55, %dma_start3A_56] : memref<10240x64xf32, #tpu.memory_space<hbm>> -> memref<10240x64xf32, #tpu.memory_space<hbm>>
    tpu.enqueue_indirect_dma source(%dma_start3A_57 : memref<10240x64xf32, #tpu.memory_space<hbm>>) target(%arg10 : memref<80x64xf32, #tpu.memory_space<vmem>>) offsets(%dma_start3A_50 : memref<80xi32, #tpu.memory_space<vmem>>) semaphore(%arg20 : memref<!tpu.dma_semaphore, #tpu.memory_space<semaphore_mem>>)
    %dma_start3A_58 = arith.constant 3 : i32
    %dma_start3A_59 = arith.constant 0 : i32
    %dma_start3A_60 = tpu.memref_slice %arg6[%dma_start3A_58, %dma_start3A_59] : memref<256x80xi32, #tpu.memory_space<vmem>> -> memref<1x80xi32, #tpu.memory_space<vmem>>
    %dma_start3A_61 = tpu.memref_squeeze %dma_start3A_60 : memref<1x80xi32, #tpu.memory_space<vmem>> -> memref<80xi32, #tpu.memory_space<vmem>>
    %dma_start3A_62 = arith.constant 0 : i32
    %dma_start3A_63 = arith.constant 0 : i32
    %dma_start3A_64 = tpu.memref_slice %arg2[%arg0, %dma_start3A_62, %dma_start3A_63] : memref<2x10240x64xf32, #tpu.memory_space<hbm>> -> memref<1x10240x64xf32, #tpu.memory_space<hbm>>
    %dma_start3A_65 = tpu.memref_squeeze %dma_start3A_64 : memref<1x10240x64xf32, #tpu.memory_space<hbm>> -> memref<10240x64xf32, #tpu.memory_space<hbm>>
    %dma_start3A_66 = arith.constant 0 : i32
    %dma_start3A_67 = arith.constant 0 : i32
    %dma_start3A_68 = tpu.memref_slice %dma_start3A_65[%dma_start3A_66, %dma_start3A_67] : memref<10240x64xf32, #tpu.memory_space<hbm>> -> memref<10240x64xf32, #tpu.memory_space<hbm>>
    tpu.enqueue_indirect_dma source(%dma_start3A_68 : memref<10240x64xf32, #tpu.memory_space<hbm>>) target(%arg11 : memref<80x64xf32, #tpu.memory_space<vmem>>) offsets(%dma_start3A_61 : memref<80xi32, #tpu.memory_space<vmem>>) semaphore(%arg21 : memref<!tpu.dma_semaphore, #tpu.memory_space<semaphore_mem>>)
    %scan3A_69 = arith.constant 0 : i32
    %scan3A_70 = arith.constant 0 : i32
    %scan3A_71 = arith.constant 32 : i32
    %scan3A_72 = arith.addi %scan3A_70, %scan3A_71 : i32
    %scan3A_73 = arith.constant 1 : i32
    scf.for %scan3A_151 = %scan3A_70 to %scan3A_72 step %scan3A_73  : i32 {
      %mul3A_152 = arith.constant 8 : i32
      %mul3A_153 = arith.muli %scan3A_151, %mul3A_152 : i32
      %add3A_154 = arith.constant 0 : i32
      %add3A_155 = arith.addi %mul3A_153, %add3A_154 : i32
      %dma_wait3A_156 = arith.constant 0 : i32
      %dma_wait3A_157 = tpu.memref_slice %arg6[%add3A_155, %dma_wait3A_156] : memref<256x80xi32, #tpu.memory_space<vmem>> -> memref<1x80xi32, #tpu.memory_space<vmem>>
      %dma_wait3A_158 = tpu.memref_squeeze %dma_wait3A_157 : memref<1x80xi32, #tpu.memory_space<vmem>> -> memref<80xi32, #tpu.memory_space<vmem>>
      %dma_wait3A_159 = arith.constant 0 : i32
      %dma_wait3A_160 = arith.constant 0 : i32
      %dma_wait3A_161 = tpu.memref_slice %arg2[%arg0, %dma_wait3A_159, %dma_wait3A_160] : memref<2x10240x64xf32, #tpu.memory_space<hbm>> -> memref<1x10240x64xf32, #tpu.memory_space<hbm>>
      %dma_wait3A_162 = tpu.memref_squeeze %dma_wait3A_161 : memref<1x10240x64xf32, #tpu.memory_space<hbm>> -> memref<10240x64xf32, #tpu.memory_space<hbm>>
      %dma_wait3A_163 = arith.constant 0 : i32
      %dma_wait3A_164 = arith.constant 0 : i32
      %dma_wait3A_165 = tpu.memref_slice %dma_wait3A_162[%dma_wait3A_163, %dma_wait3A_164] : memref<10240x64xf32, #tpu.memory_space<hbm>> -> memref<10240x64xf32, #tpu.memory_space<hbm>>
      tpu.wait_indirect_dma semaphore(%arg18 : memref<!tpu.dma_semaphore, #tpu.memory_space<semaphore_mem>>) src(%dma_wait3A_165 : memref<10240x64xf32, #tpu.memory_space<hbm>>) dst(%arg8 : memref<80x64xf32, #tpu.memory_space<vmem>>)
      %dma_start3A_166 = arith.constant 0 : i32
      %dma_start3A_167 = tpu.memref_slice %arg7[%add3A_155, %dma_start3A_166] : memref<256x80xi32, #tpu.memory_space<vmem>> -> memref<1x80xi32, #tpu.memory_space<vmem>>
      %dma_start3A_168 = tpu.memref_squeeze %dma_start3A_167 : memref<1x80xi32, #tpu.memory_space<vmem>> -> memref<80xi32, #tpu.memory_space<vmem>>
      %dma_start3A_169 = arith.constant 0 : i32
      %dma_start3A_170 = arith.constant 0 : i32
      %dma_start3A_171 = tpu.memref_slice %arg17[%dma_start3A_169, %dma_start3A_170] : memref<10240x64xf32, #tpu.memory_space<vmem_shared>> -> memref<10240x64xf32, #tpu.memory_space<vmem_shared>>
      tpu.enqueue_indirect_dma source(%arg8 : memref<80x64xf32, #tpu.memory_space<vmem>>) target(%dma_start3A_171 : memref<10240x64xf32, #tpu.memory_space<vmem_shared>>) offsets(%dma_start3A_168 : memref<80xi32, #tpu.memory_space<vmem>>) semaphore(%arg26 : memref<!tpu.dma_semaphore, #tpu.memory_space<semaphore_mem>>) {add = true}
      %add3A_172 = arith.constant 4 : i32
      %add3A_173 = arith.addi %add3A_155, %add3A_172 : i32
      %lt3A = arith.constant 256 : i32
      %lt3A_174 = arith.cmpi slt, %add3A_173, %lt3A : i32
      %convert_element_type3A = arith.extui %lt3A_174 : i1 to i32
      %cond3A = arith.constant 0 : i32
      %cond3A_175 = arith.cmpi ne, %convert_element_type3A, %cond3A : i32
      scf.if %cond3A_175 {
        %ge3A = arith.constant 8 : i32
        %ge3A_351 = arith.cmpi sge, %add3A_173, %ge3A : i32
        %convert_element_type3A_352 = arith.extui %ge3A_351 : i1 to i32
        %cond3A_353 = arith.constant 0 : i32
        %cond3A_354 = arith.cmpi ne, %convert_element_type3A_352, %cond3A_353 : i32
        scf.if %cond3A_354 {
          %sub3A = arith.constant 8 : i32
          %sub3A_365 = arith.subi %add3A_173, %sub3A : i32
          %dma_wait3A_366 = arith.constant 0 : i32
          %dma_wait3A_367 = tpu.memref_slice %arg7[%sub3A_365, %dma_wait3A_366] : memref<256x80xi32, #tpu.memory_space<vmem>> -> memref<1x80xi32, #tpu.memory_space<vmem>>
          %dma_wait3A_368 = tpu.memref_squeeze %dma_wait3A_367 : memref<1x80xi32, #tpu.memory_space<vmem>> -> memref<80xi32, #tpu.memory_space<vmem>>
          %dma_wait3A_369 = arith.constant 0 : i32
          %dma_wait3A_370 = arith.constant 0 : i32
          %dma_wait3A_371 = tpu.memref_slice %arg17[%dma_wait3A_369, %dma_wait3A_370] : memref<10240x64xf32, #tpu.memory_space<vmem_shared>> -> memref<10240x64xf32, #tpu.memory_space<vmem_shared>>
          tpu.wait_indirect_dma semaphore(%arg30 : memref<!tpu.dma_semaphore, #tpu.memory_space<semaphore_mem>>) src(%arg12 : memref<80x64xf32, #tpu.memory_space<vmem>>) dst(%dma_wait3A_371 : memref<10240x64xf32, #tpu.memory_space<vmem_shared>>)
        } else {
        }
        %dma_start3A_355 = arith.constant 0 : i32
        %dma_start3A_356 = tpu.memref_slice %arg6[%add3A_173, %dma_start3A_355] : memref<256x80xi32, #tpu.memory_space<vmem>> -> memref<1x80xi32, #tpu.memory_space<vmem>>
        %dma_start3A_357 = tpu.memref_squeeze %dma_start3A_356 : memref<1x80xi32, #tpu.memory_space<vmem>> -> memref<80xi32, #tpu.memory_space<vmem>>
        %dma_start3A_358 = arith.constant 0 : i32
        %dma_start3A_359 = arith.constant 0 : i32
        %dma_start3A_360 = tpu.memref_slice %arg2[%arg0, %dma_start3A_358, %dma_start3A_359] : memref<2x10240x64xf32, #tpu.memory_space<hbm>> -> memref<1x10240x64xf32, #tpu.memory_space<hbm>>
        %dma_start3A_361 = tpu.memref_squeeze %dma_start3A_360 : memref<1x10240x64xf32, #tpu.memory_space<hbm>> -> memref<10240x64xf32, #tpu.memory_space<hbm>>
        %dma_start3A_362 = arith.constant 0 : i32
        %dma_start3A_363 = arith.constant 0 : i32
        %dma_start3A_364 = tpu.memref_slice %dma_start3A_361[%dma_start3A_362, %dma_start3A_363] : memref<10240x64xf32, #tpu.memory_space<hbm>> -> memref<10240x64xf32, #tpu.memory_space<hbm>>
        tpu.enqueue_indirect_dma source(%dma_start3A_364 : memref<10240x64xf32, #tpu.memory_space<hbm>>) target(%arg12 : memref<80x64xf32, #tpu.memory_space<vmem>>) offsets(%dma_start3A_357 : memref<80xi32, #tpu.memory_space<vmem>>) semaphore(%arg22 : memref<!tpu.dma_semaphore, #tpu.memory_space<semaphore_mem>>)
      } else {
      }
      %add3A_176 = arith.constant 1 : i32
      %add3A_177 = arith.addi %mul3A_153, %add3A_176 : i32
      %dma_wait3A_178 = arith.constant 0 : i32
      %dma_wait3A_179 = tpu.memref_slice %arg6[%add3A_177, %dma_wait3A_178] : memref<256x80xi32, #tpu.memory_space<vmem>> -> memref<1x80xi32, #tpu.memory_space<vmem>>
      %dma_wait3A_180 = tpu.memref_squeeze %dma_wait3A_179 : memref<1x80xi32, #tpu.memory_space<vmem>> -> memref<80xi32, #tpu.memory_space<vmem>>
      %dma_wait3A_181 = arith.constant 0 : i32
      %dma_wait3A_182 = arith.constant 0 : i32
      %dma_wait3A_183 = tpu.memref_slice %arg2[%arg0, %dma_wait3A_181, %dma_wait3A_182] : memref<2x10240x64xf32, #tpu.memory_space<hbm>> -> memref<1x10240x64xf32, #tpu.memory_space<hbm>>
      %dma_wait3A_184 = tpu.memref_squeeze %dma_wait3A_183 : memref<1x10240x64xf32, #tpu.memory_space<hbm>> -> memref<10240x64xf32, #tpu.memory_space<hbm>>
      %dma_wait3A_185 = arith.constant 0 : i32
      %dma_wait3A_186 = arith.constant 0 : i32
      %dma_wait3A_187 = tpu.memref_slice %dma_wait3A_184[%dma_wait3A_185, %dma_wait3A_186] : memref<10240x64xf32, #tpu.memory_space<hbm>> -> memref<10240x64xf32, #tpu.memory_space<hbm>>
      tpu.wait_indirect_dma semaphore(%arg19 : memref<!tpu.dma_semaphore, #tpu.memory_space<semaphore_mem>>) src(%dma_wait3A_187 : memref<10240x64xf32, #tpu.memory_space<hbm>>) dst(%arg9 : memref<80x64xf32, #tpu.memory_space<vmem>>)
      %dma_start3A_188 = arith.constant 0 : i32
      %dma_start3A_189 = tpu.memref_slice %arg7[%add3A_177, %dma_start3A_188] : memref<256x80xi32, #tpu.memory_space<vmem>> -> memref<1x80xi32, #tpu.memory_space<vmem>>
      %dma_start3A_190 = tpu.memref_squeeze %dma_start3A_189 : memref<1x80xi32, #tpu.memory_space<vmem>> -> memref<80xi32, #tpu.memory_space<vmem>>
      %dma_start3A_191 = arith.constant 0 : i32
      %dma_start3A_192 = arith.constant 0 : i32
      %dma_start3A_193 = tpu.memref_slice %arg17[%dma_start3A_191, %dma_start3A_192] : memref<10240x64xf32, #tpu.memory_space<vmem_shared>> -> memref<10240x64xf32, #tpu.memory_space<vmem_shared>>
      tpu.enqueue_indirect_dma source(%arg9 : memref<80x64xf32, #tpu.memory_space<vmem>>) target(%dma_start3A_193 : memref<10240x64xf32, #tpu.memory_space<vmem_shared>>) offsets(%dma_start3A_190 : memref<80xi32, #tpu.memory_space<vmem>>) semaphore(%arg27 : memref<!tpu.dma_semaphore, #tpu.memory_space<semaphore_mem>>) {add = true}
      %add3A_194 = arith.constant 4 : i32
      %add3A_195 = arith.addi %add3A_177, %add3A_194 : i32
      %lt3A_196 = arith.constant 256 : i32
      %lt3A_197 = arith.cmpi slt, %add3A_195, %lt3A_196 : i32
      %convert_element_type3A_198 = arith.extui %lt3A_197 : i1 to i32
      %cond3A_199 = arith.constant 0 : i32
      %cond3A_200 = arith.cmpi ne, %convert_element_type3A_198, %cond3A_199 : i32
      scf.if %cond3A_200 {
        %ge3A = arith.constant 8 : i32
        %ge3A_351 = arith.cmpi sge, %add3A_195, %ge3A : i32
        %convert_element_type3A_352 = arith.extui %ge3A_351 : i1 to i32
        %cond3A_353 = arith.constant 0 : i32
        %cond3A_354 = arith.cmpi ne, %convert_element_type3A_352, %cond3A_353 : i32
        scf.if %cond3A_354 {
          %sub3A = arith.constant 8 : i32
          %sub3A_365 = arith.subi %add3A_195, %sub3A : i32
          %dma_wait3A_366 = arith.constant 0 : i32
          %dma_wait3A_367 = tpu.memref_slice %arg7[%sub3A_365, %dma_wait3A_366] : memref<256x80xi32, #tpu.memory_space<vmem>> -> memref<1x80xi32, #tpu.memory_space<vmem>>
          %dma_wait3A_368 = tpu.memref_squeeze %dma_wait3A_367 : memref<1x80xi32, #tpu.memory_space<vmem>> -> memref<80xi32, #tpu.memory_space<vmem>>
          %dma_wait3A_369 = arith.constant 0 : i32
          %dma_wait3A_370 = arith.constant 0 : i32
          %dma_wait3A_371 = tpu.memref_slice %arg17[%dma_wait3A_369, %dma_wait3A_370] : memref<10240x64xf32, #tpu.memory_space<vmem_shared>> -> memref<10240x64xf32, #tpu.memory_space<vmem_shared>>
          tpu.wait_indirect_dma semaphore(%arg31 : memref<!tpu.dma_semaphore, #tpu.memory_space<semaphore_mem>>) src(%arg13 : memref<80x64xf32, #tpu.memory_space<vmem>>) dst(%dma_wait3A_371 : memref<10240x64xf32, #tpu.memory_space<vmem_shared>>)
        } else {
        }
        %dma_start3A_355 = arith.constant 0 : i32
        %dma_start3A_356 = tpu.memref_slice %arg6[%add3A_195, %dma_start3A_355] : memref<256x80xi32, #tpu.memory_space<vmem>> -> memref<1x80xi32, #tpu.memory_space<vmem>>
        %dma_start3A_357 = tpu.memref_squeeze %dma_start3A_356 : memref<1x80xi32, #tpu.memory_space<vmem>> -> memref<80xi32, #tpu.memory_space<vmem>>
        %dma_start3A_358 = arith.constant 0 : i32
        %dma_start3A_359 = arith.constant 0 : i32
        %dma_start3A_360 = tpu.memref_slice %arg2[%arg0, %dma_start3A_358, %dma_start3A_359] : memref<2x10240x64xf32, #tpu.memory_space<hbm>> -> memref<1x10240x64xf32, #tpu.memory_space<hbm>>
        %dma_start3A_361 = tpu.memref_squeeze %dma_start3A_360 : memref<1x10240x64xf32, #tpu.memory_space<hbm>> -> memref<10240x64xf32, #tpu.memory_space<hbm>>
        %dma_start3A_362 = arith.constant 0 : i32
        %dma_start3A_363 = arith.constant 0 : i32
        %dma_start3A_364 = tpu.memref_slice %dma_start3A_361[%dma_start3A_362, %dma_start3A_363] : memref<10240x64xf32, #tpu.memory_space<hbm>> -> memref<10240x64xf32, #tpu.memory_space<hbm>>
        tpu.enqueue_indirect_dma source(%dma_start3A_364 : memref<10240x64xf32, #tpu.memory_space<hbm>>) target(%arg13 : memref<80x64xf32, #tpu.memory_space<vmem>>) offsets(%dma_start3A_357 : memref<80xi32, #tpu.memory_space<vmem>>) semaphore(%arg23 : memref<!tpu.dma_semaphore, #tpu.memory_space<semaphore_mem>>)
      } else {
      }
      %add3A_201 = arith.constant 2 : i32
      %add3A_202 = arith.addi %mul3A_153, %add3A_201 : i32
      %dma_wait3A_203 = arith.constant 0 : i32
      %dma_wait3A_204 = tpu.memref_slice %arg6[%add3A_202, %dma_wait3A_203] : memref<256x80xi32, #tpu.memory_space<vmem>> -> memref<1x80xi32, #tpu.memory_space<vmem>>
      %dma_wait3A_205 = tpu.memref_squeeze %dma_wait3A_204 : memref<1x80xi32, #tpu.memory_space<vmem>> -> memref<80xi32, #tpu.memory_space<vmem>>
      %dma_wait3A_206 = arith.constant 0 : i32
      %dma_wait3A_207 = arith.constant 0 : i32
      %dma_wait3A_208 = tpu.memref_slice %arg2[%arg0, %dma_wait3A_206, %dma_wait3A_207] : memref<2x10240x64xf32, #tpu.memory_space<hbm>> -> memref<1x10240x64xf32, #tpu.memory_space<hbm>>
      %dma_wait3A_209 = tpu.memref_squeeze %dma_wait3A_208 : memref<1x10240x64xf32, #tpu.memory_space<hbm>> -> memref<10240x64xf32, #tpu.memory_space<hbm>>
      %dma_wait3A_210 = arith.constant 0 : i32
      %dma_wait3A_211 = arith.constant 0 : i32
      %dma_wait3A_212 = tpu.memref_slice %dma_wait3A_209[%dma_wait3A_210, %dma_wait3A_211] : memref<10240x64xf32, #tpu.memory_space<hbm>> -> memref<10240x64xf32, #tpu.memory_space<hbm>>
      tpu.wait_indirect_dma semaphore(%arg20 : memref<!tpu.dma_semaphore, #tpu.memory_space<semaphore_mem>>) src(%dma_wait3A_212 : memref<10240x64xf32, #tpu.memory_space<hbm>>) dst(%arg10 : memref<80x64xf32, #tpu.memory_space<vmem>>)
      %dma_start3A_213 = arith.constant 0 : i32
      %dma_start3A_214 = tpu.memref_slice %arg7[%add3A_202, %dma_start3A_213] : memref<256x80xi32, #tpu.memory_space<vmem>> -> memref<1x80xi32, #tpu.memory_space<vmem>>
      %dma_start3A_215 = tpu.memref_squeeze %dma_start3A_214 : memref<1x80xi32, #tpu.memory_space<vmem>> -> memref<80xi32, #tpu.memory_space<vmem>>
      %dma_start3A_216 = arith.constant 0 : i32
      %dma_start3A_217 = arith.constant 0 : i32
      %dma_start3A_218 = tpu.memref_slice %arg17[%dma_start3A_216, %dma_start3A_217] : memref<10240x64xf32, #tpu.memory_space<vmem_shared>> -> memref<10240x64xf32, #tpu.memory_space<vmem_shared>>
      tpu.enqueue_indirect_dma source(%arg10 : memref<80x64xf32, #tpu.memory_space<vmem>>) target(%dma_start3A_218 : memref<10240x64xf32, #tpu.memory_space<vmem_shared>>) offsets(%dma_start3A_215 : memref<80xi32, #tpu.memory_space<vmem>>) semaphore(%arg28 : memref<!tpu.dma_semaphore, #tpu.memory_space<semaphore_mem>>) {add = true}
      %add3A_219 = arith.constant 4 : i32
      %add3A_220 = arith.addi %add3A_202, %add3A_219 : i32
      %lt3A_221 = arith.constant 256 : i32
      %lt3A_222 = arith.cmpi slt, %add3A_220, %lt3A_221 : i32
      %convert_element_type3A_223 = arith.extui %lt3A_222 : i1 to i32
      %cond3A_224 = arith.constant 0 : i32
      %cond3A_225 = arith.cmpi ne, %convert_element_type3A_223, %cond3A_224 : i32
      scf.if %cond3A_225 {
        %ge3A = arith.constant 8 : i32
        %ge3A_351 = arith.cmpi sge, %add3A_220, %ge3A : i32
        %convert_element_type3A_352 = arith.extui %ge3A_351 : i1 to i32
        %cond3A_353 = arith.constant 0 : i32
        %cond3A_354 = arith.cmpi ne, %convert_element_type3A_352, %cond3A_353 : i32
        scf.if %cond3A_354 {
          %sub3A = arith.constant 8 : i32
          %sub3A_365 = arith.subi %add3A_220, %sub3A : i32
          %dma_wait3A_366 = arith.constant 0 : i32
          %dma_wait3A_367 = tpu.memref_slice %arg7[%sub3A_365, %dma_wait3A_366] : memref<256x80xi32, #tpu.memory_space<vmem>> -> memref<1x80xi32, #tpu.memory_space<vmem>>
          %dma_wait3A_368 = tpu.memref_squeeze %dma_wait3A_367 : memref<1x80xi32, #tpu.memory_space<vmem>> -> memref<80xi32, #tpu.memory_space<vmem>>
          %dma_wait3A_369 = arith.constant 0 : i32
          %dma_wait3A_370 = arith.constant 0 : i32
          %dma_wait3A_371 = tpu.memref_slice %arg17[%dma_wait3A_369, %dma_wait3A_370] : memref<10240x64xf32, #tpu.memory_space<vmem_shared>> -> memref<10240x64xf32, #tpu.memory_space<vmem_shared>>
          tpu.wait_indirect_dma semaphore(%arg32 : memref<!tpu.dma_semaphore, #tpu.memory_space<semaphore_mem>>) src(%arg14 : memref<80x64xf32, #tpu.memory_space<vmem>>) dst(%dma_wait3A_371 : memref<10240x64xf32, #tpu.memory_space<vmem_shared>>)
        } else {
        }
        %dma_start3A_355 = arith.constant 0 : i32
        %dma_start3A_356 = tpu.memref_slice %arg6[%add3A_220, %dma_start3A_355] : memref<256x80xi32, #tpu.memory_space<vmem>> -> memref<1x80xi32, #tpu.memory_space<vmem>>
        %dma_start3A_357 = tpu.memref_squeeze %dma_start3A_356 : memref<1x80xi32, #tpu.memory_space<vmem>> -> memref<80xi32, #tpu.memory_space<vmem>>
        %dma_start3A_358 = arith.constant 0 : i32
        %dma_start3A_359 = arith.constant 0 : i32
        %dma_start3A_360 = tpu.memref_slice %arg2[%arg0, %dma_start3A_358, %dma_start3A_359] : memref<2x10240x64xf32, #tpu.memory_space<hbm>> -> memref<1x10240x64xf32, #tpu.memory_space<hbm>>
        %dma_start3A_361 = tpu.memref_squeeze %dma_start3A_360 : memref<1x10240x64xf32, #tpu.memory_space<hbm>> -> memref<10240x64xf32, #tpu.memory_space<hbm>>
        %dma_start3A_362 = arith.constant 0 : i32
        %dma_start3A_363 = arith.constant 0 : i32
        %dma_start3A_364 = tpu.memref_slice %dma_start3A_361[%dma_start3A_362, %dma_start3A_363] : memref<10240x64xf32, #tpu.memory_space<hbm>> -> memref<10240x64xf32, #tpu.memory_space<hbm>>
        tpu.enqueue_indirect_dma source(%dma_start3A_364 : memref<10240x64xf32, #tpu.memory_space<hbm>>) target(%arg14 : memref<80x64xf32, #tpu.memory_space<vmem>>) offsets(%dma_start3A_357 : memref<80xi32, #tpu.memory_space<vmem>>) semaphore(%arg24 : memref<!tpu.dma_semaphore, #tpu.memory_space<semaphore_mem>>)
      } else {
      }
      %add3A_226 = arith.constant 3 : i32
      %add3A_227 = arith.addi %mul3A_153, %add3A_226 : i32
      %dma_wait3A_228 = arith.constant 0 : i32
      %dma_wait3A_229 = tpu.memref_slice %arg6[%add3A_227, %dma_wait3A_228] : memref<256x80xi32, #tpu.memory_space<vmem>> -> memref<1x80xi32, #tpu.memory_space<vmem>>
      %dma_wait3A_230 = tpu.memref_squeeze %dma_wait3A_229 : memref<1x80xi32, #tpu.memory_space<vmem>> -> memref<80xi32, #tpu.memory_space<vmem>>
      %dma_wait3A_231 = arith.constant 0 : i32
      %dma_wait3A_232 = arith.constant 0 : i32
      %dma_wait3A_233 = tpu.memref_slice %arg2[%arg0, %dma_wait3A_231, %dma_wait3A_232] : memref<2x10240x64xf32, #tpu.memory_space<hbm>> -> memref<1x10240x64xf32, #tpu.memory_space<hbm>>
      %dma_wait3A_234 = tpu.memref_squeeze %dma_wait3A_233 : memref<1x10240x64xf32, #tpu.memory_space<hbm>> -> memref<10240x64xf32, #tpu.memory_space<hbm>>
      %dma_wait3A_235 = arith.constant 0 : i32
      %dma_wait3A_236 = arith.constant 0 : i32
      %dma_wait3A_237 = tpu.memref_slice %dma_wait3A_234[%dma_wait3A_235, %dma_wait3A_236] : memref<10240x64xf32, #tpu.memory_space<hbm>> -> memref<10240x64xf32, #tpu.memory_space<hbm>>
      tpu.wait_indirect_dma semaphore(%arg21 : memref<!tpu.dma_semaphore, #tpu.memory_space<semaphore_mem>>) src(%dma_wait3A_237 : memref<10240x64xf32, #tpu.memory_space<hbm>>) dst(%arg11 : memref<80x64xf32, #tpu.memory_space<vmem>>)
      %dma_start3A_238 = arith.constant 0 : i32
      %dma_start3A_239 = tpu.memref_slice %arg7[%add3A_227, %dma_start3A_238] : memref<256x80xi32, #tpu.memory_space<vmem>> -> memref<1x80xi32, #tpu.memory_space<vmem>>
      %dma_start3A_240 = tpu.memref_squeeze %dma_start3A_239 : memref<1x80xi32, #tpu.memory_space<vmem>> -> memref<80xi32, #tpu.memory_space<vmem>>
      %dma_start3A_241 = arith.constant 0 : i32
      %dma_start3A_242 = arith.constant 0 : i32
      %dma_start3A_243 = tpu.memref_slice %arg17[%dma_start3A_241, %dma_start3A_242] : memref<10240x64xf32, #tpu.memory_space<vmem_shared>> -> memref<10240x64xf32, #tpu.memory_space<vmem_shared>>
      tpu.enqueue_indirect_dma source(%arg11 : memref<80x64xf32, #tpu.memory_space<vmem>>) target(%dma_start3A_243 : memref<10240x64xf32, #tpu.memory_space<vmem_shared>>) offsets(%dma_start3A_240 : memref<80xi32, #tpu.memory_space<vmem>>) semaphore(%arg29 : memref<!tpu.dma_semaphore, #tpu.memory_space<semaphore_mem>>) {add = true}
      %add3A_244 = arith.constant 4 : i32
      %add3A_245 = arith.addi %add3A_227, %add3A_244 : i32
      %lt3A_246 = arith.constant 256 : i32
      %lt3A_247 = arith.cmpi slt, %add3A_245, %lt3A_246 : i32
      %convert_element_type3A_248 = arith.extui %lt3A_247 : i1 to i32
      %cond3A_249 = arith.constant 0 : i32
      %cond3A_250 = arith.cmpi ne, %convert_element_type3A_248, %cond3A_249 : i32
      scf.if %cond3A_250 {
        %ge3A = arith.constant 8 : i32
        %ge3A_351 = arith.cmpi sge, %add3A_245, %ge3A : i32
        %convert_element_type3A_352 = arith.extui %ge3A_351 : i1 to i32
        %cond3A_353 = arith.constant 0 : i32
        %cond3A_354 = arith.cmpi ne, %convert_element_type3A_352, %cond3A_353 : i32
        scf.if %cond3A_354 {
          %sub3A = arith.constant 8 : i32
          %sub3A_365 = arith.subi %add3A_245, %sub3A : i32
          %dma_wait3A_366 = arith.constant 0 : i32
          %dma_wait3A_367 = tpu.memref_slice %arg7[%sub3A_365, %dma_wait3A_366] : memref<256x80xi32, #tpu.memory_space<vmem>> -> memref<1x80xi32, #tpu.memory_space<vmem>>
          %dma_wait3A_368 = tpu.memref_squeeze %dma_wait3A_367 : memref<1x80xi32, #tpu.memory_space<vmem>> -> memref<80xi32, #tpu.memory_space<vmem>>
          %dma_wait3A_369 = arith.constant 0 : i32
          %dma_wait3A_370 = arith.constant 0 : i32
          %dma_wait3A_371 = tpu.memref_slice %arg17[%dma_wait3A_369, %dma_wait3A_370] : memref<10240x64xf32, #tpu.memory_space<vmem_shared>> -> memref<10240x64xf32, #tpu.memory_space<vmem_shared>>
          tpu.wait_indirect_dma semaphore(%arg33 : memref<!tpu.dma_semaphore, #tpu.memory_space<semaphore_mem>>) src(%arg15 : memref<80x64xf32, #tpu.memory_space<vmem>>) dst(%dma_wait3A_371 : memref<10240x64xf32, #tpu.memory_space<vmem_shared>>)
        } else {
        }
        %dma_start3A_355 = arith.constant 0 : i32
        %dma_start3A_356 = tpu.memref_slice %arg6[%add3A_245, %dma_start3A_355] : memref<256x80xi32, #tpu.memory_space<vmem>> -> memref<1x80xi32, #tpu.memory_space<vmem>>
        %dma_start3A_357 = tpu.memref_squeeze %dma_start3A_356 : memref<1x80xi32, #tpu.memory_space<vmem>> -> memref<80xi32, #tpu.memory_space<vmem>>
        %dma_start3A_358 = arith.constant 0 : i32
        %dma_start3A_359 = arith.constant 0 : i32
        %dma_start3A_360 = tpu.memref_slice %arg2[%arg0, %dma_start3A_358, %dma_start3A_359] : memref<2x10240x64xf32, #tpu.memory_space<hbm>> -> memref<1x10240x64xf32, #tpu.memory_space<hbm>>
        %dma_start3A_361 = tpu.memref_squeeze %dma_start3A_360 : memref<1x10240x64xf32, #tpu.memory_space<hbm>> -> memref<10240x64xf32, #tpu.memory_space<hbm>>
        %dma_start3A_362 = arith.constant 0 : i32
        %dma_start3A_363 = arith.constant 0 : i32
        %dma_start3A_364 = tpu.memref_slice %dma_start3A_361[%dma_start3A_362, %dma_start3A_363] : memref<10240x64xf32, #tpu.memory_space<hbm>> -> memref<10240x64xf32, #tpu.memory_space<hbm>>
        tpu.enqueue_indirect_dma source(%dma_start3A_364 : memref<10240x64xf32, #tpu.memory_space<hbm>>) target(%arg15 : memref<80x64xf32, #tpu.memory_space<vmem>>) offsets(%dma_start3A_357 : memref<80xi32, #tpu.memory_space<vmem>>) semaphore(%arg25 : memref<!tpu.dma_semaphore, #tpu.memory_space<semaphore_mem>>)
      } else {
      }
      %add3A_251 = arith.constant 4 : i32
      %add3A_252 = arith.addi %mul3A_153, %add3A_251 : i32
      %dma_wait3A_253 = arith.constant 0 : i32
      %dma_wait3A_254 = tpu.memref_slice %arg6[%add3A_252, %dma_wait3A_253] : memref<256x80xi32, #tpu.memory_space<vmem>> -> memref<1x80xi32, #tpu.memory_space<vmem>>
      %dma_wait3A_255 = tpu.memref_squeeze %dma_wait3A_254 : memref<1x80xi32, #tpu.memory_space<vmem>> -> memref<80xi32, #tpu.memory_space<vmem>>
      %dma_wait3A_256 = arith.constant 0 : i32
      %dma_wait3A_257 = arith.constant 0 : i32
      %dma_wait3A_258 = tpu.memref_slice %arg2[%arg0, %dma_wait3A_256, %dma_wait3A_257] : memref<2x10240x64xf32, #tpu.memory_space<hbm>> -> memref<1x10240x64xf32, #tpu.memory_space<hbm>>
      %dma_wait3A_259 = tpu.memref_squeeze %dma_wait3A_258 : memref<1x10240x64xf32, #tpu.memory_space<hbm>> -> memref<10240x64xf32, #tpu.memory_space<hbm>>
      %dma_wait3A_260 = arith.constant 0 : i32
      %dma_wait3A_261 = arith.constant 0 : i32
      %dma_wait3A_262 = tpu.memref_slice %dma_wait3A_259[%dma_wait3A_260, %dma_wait3A_261] : memref<10240x64xf32, #tpu.memory_space<hbm>> -> memref<10240x64xf32, #tpu.memory_space<hbm>>
      tpu.wait_indirect_dma semaphore(%arg22 : memref<!tpu.dma_semaphore, #tpu.memory_space<semaphore_mem>>) src(%dma_wait3A_262 : memref<10240x64xf32, #tpu.memory_space<hbm>>) dst(%arg12 : memref<80x64xf32, #tpu.memory_space<vmem>>)
      %dma_start3A_263 = arith.constant 0 : i32
      %dma_start3A_264 = tpu.memref_slice %arg7[%add3A_252, %dma_start3A_263] : memref<256x80xi32, #tpu.memory_space<vmem>> -> memref<1x80xi32, #tpu.memory_space<vmem>>
      %dma_start3A_265 = tpu.memref_squeeze %dma_start3A_264 : memref<1x80xi32, #tpu.memory_space<vmem>> -> memref<80xi32, #tpu.memory_space<vmem>>
      %dma_start3A_266 = arith.constant 0 : i32
      %dma_start3A_267 = arith.constant 0 : i32
      %dma_start3A_268 = tpu.memref_slice %arg17[%dma_start3A_266, %dma_start3A_267] : memref<10240x64xf32, #tpu.memory_space<vmem_shared>> -> memref<10240x64xf32, #tpu.memory_space<vmem_shared>>
      tpu.enqueue_indirect_dma source(%arg12 : memref<80x64xf32, #tpu.memory_space<vmem>>) target(%dma_start3A_268 : memref<10240x64xf32, #tpu.memory_space<vmem_shared>>) offsets(%dma_start3A_265 : memref<80xi32, #tpu.memory_space<vmem>>) semaphore(%arg30 : memref<!tpu.dma_semaphore, #tpu.memory_space<semaphore_mem>>) {add = true}
      %add3A_269 = arith.constant 4 : i32
      %add3A_270 = arith.addi %add3A_252, %add3A_269 : i32
      %lt3A_271 = arith.constant 256 : i32
      %lt3A_272 = arith.cmpi slt, %add3A_270, %lt3A_271 : i32
      %convert_element_type3A_273 = arith.extui %lt3A_272 : i1 to i32
      %cond3A_274 = arith.constant 0 : i32
      %cond3A_275 = arith.cmpi ne, %convert_element_type3A_273, %cond3A_274 : i32
      scf.if %cond3A_275 {
        %ge3A = arith.constant 8 : i32
        %ge3A_351 = arith.cmpi sge, %add3A_270, %ge3A : i32
        %convert_element_type3A_352 = arith.extui %ge3A_351 : i1 to i32
        %cond3A_353 = arith.constant 0 : i32
        %cond3A_354 = arith.cmpi ne, %convert_element_type3A_352, %cond3A_353 : i32
        scf.if %cond3A_354 {
          %sub3A = arith.constant 8 : i32
          %sub3A_365 = arith.subi %add3A_270, %sub3A : i32
          %dma_wait3A_366 = arith.constant 0 : i32
          %dma_wait3A_367 = tpu.memref_slice %arg7[%sub3A_365, %dma_wait3A_366] : memref<256x80xi32, #tpu.memory_space<vmem>> -> memref<1x80xi32, #tpu.memory_space<vmem>>
          %dma_wait3A_368 = tpu.memref_squeeze %dma_wait3A_367 : memref<1x80xi32, #tpu.memory_space<vmem>> -> memref<80xi32, #tpu.memory_space<vmem>>
          %dma_wait3A_369 = arith.constant 0 : i32
          %dma_wait3A_370 = arith.constant 0 : i32
          %dma_wait3A_371 = tpu.memref_slice %arg17[%dma_wait3A_369, %dma_wait3A_370] : memref<10240x64xf32, #tpu.memory_space<vmem_shared>> -> memref<10240x64xf32, #tpu.memory_space<vmem_shared>>
          tpu.wait_indirect_dma semaphore(%arg26 : memref<!tpu.dma_semaphore, #tpu.memory_space<semaphore_mem>>) src(%arg8 : memref<80x64xf32, #tpu.memory_space<vmem>>) dst(%dma_wait3A_371 : memref<10240x64xf32, #tpu.memory_space<vmem_shared>>)
        } else {
        }
        %dma_start3A_355 = arith.constant 0 : i32
        %dma_start3A_356 = tpu.memref_slice %arg6[%add3A_270, %dma_start3A_355] : memref<256x80xi32, #tpu.memory_space<vmem>> -> memref<1x80xi32, #tpu.memory_space<vmem>>
        %dma_start3A_357 = tpu.memref_squeeze %dma_start3A_356 : memref<1x80xi32, #tpu.memory_space<vmem>> -> memref<80xi32, #tpu.memory_space<vmem>>
        %dma_start3A_358 = arith.constant 0 : i32
        %dma_start3A_359 = arith.constant 0 : i32
        %dma_start3A_360 = tpu.memref_slice %arg2[%arg0, %dma_start3A_358, %dma_start3A_359] : memref<2x10240x64xf32, #tpu.memory_space<hbm>> -> memref<1x10240x64xf32, #tpu.memory_space<hbm>>
        %dma_start3A_361 = tpu.memref_squeeze %dma_start3A_360 : memref<1x10240x64xf32, #tpu.memory_space<hbm>> -> memref<10240x64xf32, #tpu.memory_space<hbm>>
        %dma_start3A_362 = arith.constant 0 : i32
        %dma_start3A_363 = arith.constant 0 : i32
        %dma_start3A_364 = tpu.memref_slice %dma_start3A_361[%dma_start3A_362, %dma_start3A_363] : memref<10240x64xf32, #tpu.memory_space<hbm>> -> memref<10240x64xf32, #tpu.memory_space<hbm>>
        tpu.enqueue_indirect_dma source(%dma_start3A_364 : memref<10240x64xf32, #tpu.memory_space<hbm>>) target(%arg8 : memref<80x64xf32, #tpu.memory_space<vmem>>) offsets(%dma_start3A_357 : memref<80xi32, #tpu.memory_space<vmem>>) semaphore(%arg18 : memref<!tpu.dma_semaphore, #tpu.memory_space<semaphore_mem>>)
      } else {
      }
      %add3A_276 = arith.constant 5 : i32
      %add3A_277 = arith.addi %mul3A_153, %add3A_276 : i32
      %dma_wait3A_278 = arith.constant 0 : i32
      %dma_wait3A_279 = tpu.memref_slice %arg6[%add3A_277, %dma_wait3A_278] : memref<256x80xi32, #tpu.memory_space<vmem>> -> memref<1x80xi32, #tpu.memory_space<vmem>>
      %dma_wait3A_280 = tpu.memref_squeeze %dma_wait3A_279 : memref<1x80xi32, #tpu.memory_space<vmem>> -> memref<80xi32, #tpu.memory_space<vmem>>
      %dma_wait3A_281 = arith.constant 0 : i32
      %dma_wait3A_282 = arith.constant 0 : i32
      %dma_wait3A_283 = tpu.memref_slice %arg2[%arg0, %dma_wait3A_281, %dma_wait3A_282] : memref<2x10240x64xf32, #tpu.memory_space<hbm>> -> memref<1x10240x64xf32, #tpu.memory_space<hbm>>
      %dma_wait3A_284 = tpu.memref_squeeze %dma_wait3A_283 : memref<1x10240x64xf32, #tpu.memory_space<hbm>> -> memref<10240x64xf32, #tpu.memory_space<hbm>>
      %dma_wait3A_285 = arith.constant 0 : i32
      %dma_wait3A_286 = arith.constant 0 : i32
      %dma_wait3A_287 = tpu.memref_slice %dma_wait3A_284[%dma_wait3A_285, %dma_wait3A_286] : memref<10240x64xf32, #tpu.memory_space<hbm>> -> memref<10240x64xf32, #tpu.memory_space<hbm>>
      tpu.wait_indirect_dma semaphore(%arg23 : memref<!tpu.dma_semaphore, #tpu.memory_space<semaphore_mem>>) src(%dma_wait3A_287 : memref<10240x64xf32, #tpu.memory_space<hbm>>) dst(%arg13 : memref<80x64xf32, #tpu.memory_space<vmem>>)
      %dma_start3A_288 = arith.constant 0 : i32
      %dma_start3A_289 = tpu.memref_slice %arg7[%add3A_277, %dma_start3A_288] : memref<256x80xi32, #tpu.memory_space<vmem>> -> memref<1x80xi32, #tpu.memory_space<vmem>>
      %dma_start3A_290 = tpu.memref_squeeze %dma_start3A_289 : memref<1x80xi32, #tpu.memory_space<vmem>> -> memref<80xi32, #tpu.memory_space<vmem>>
      %dma_start3A_291 = arith.constant 0 : i32
      %dma_start3A_292 = arith.constant 0 : i32
      %dma_start3A_293 = tpu.memref_slice %arg17[%dma_start3A_291, %dma_start3A_292] : memref<10240x64xf32, #tpu.memory_space<vmem_shared>> -> memref<10240x64xf32, #tpu.memory_space<vmem_shared>>
      tpu.enqueue_indirect_dma source(%arg13 : memref<80x64xf32, #tpu.memory_space<vmem>>) target(%dma_start3A_293 : memref<10240x64xf32, #tpu.memory_space<vmem_shared>>) offsets(%dma_start3A_290 : memref<80xi32, #tpu.memory_space<vmem>>) semaphore(%arg31 : memref<!tpu.dma_semaphore, #tpu.memory_space<semaphore_mem>>) {add = true}
      %add3A_294 = arith.constant 4 : i32
      %add3A_295 = arith.addi %add3A_277, %add3A_294 : i32
      %lt3A_296 = arith.constant 256 : i32
      %lt3A_297 = arith.cmpi slt, %add3A_295, %lt3A_296 : i32
      %convert_element_type3A_298 = arith.extui %lt3A_297 : i1 to i32
      %cond3A_299 = arith.constant 0 : i32
      %cond3A_300 = arith.cmpi ne, %convert_element_type3A_298, %cond3A_299 : i32
      scf.if %cond3A_300 {
        %ge3A = arith.constant 8 : i32
        %ge3A_351 = arith.cmpi sge, %add3A_295, %ge3A : i32
        %convert_element_type3A_352 = arith.extui %ge3A_351 : i1 to i32
        %cond3A_353 = arith.constant 0 : i32
        %cond3A_354 = arith.cmpi ne, %convert_element_type3A_352, %cond3A_353 : i32
        scf.if %cond3A_354 {
          %sub3A = arith.constant 8 : i32
          %sub3A_365 = arith.subi %add3A_295, %sub3A : i32
          %dma_wait3A_366 = arith.constant 0 : i32
          %dma_wait3A_367 = tpu.memref_slice %arg7[%sub3A_365, %dma_wait3A_366] : memref<256x80xi32, #tpu.memory_space<vmem>> -> memref<1x80xi32, #tpu.memory_space<vmem>>
          %dma_wait3A_368 = tpu.memref_squeeze %dma_wait3A_367 : memref<1x80xi32, #tpu.memory_space<vmem>> -> memref<80xi32, #tpu.memory_space<vmem>>
          %dma_wait3A_369 = arith.constant 0 : i32
          %dma_wait3A_370 = arith.constant 0 : i32
          %dma_wait3A_371 = tpu.memref_slice %arg17[%dma_wait3A_369, %dma_wait3A_370] : memref<10240x64xf32, #tpu.memory_space<vmem_shared>> -> memref<10240x64xf32, #tpu.memory_space<vmem_shared>>
          tpu.wait_indirect_dma semaphore(%arg27 : memref<!tpu.dma_semaphore, #tpu.memory_space<semaphore_mem>>) src(%arg9 : memref<80x64xf32, #tpu.memory_space<vmem>>) dst(%dma_wait3A_371 : memref<10240x64xf32, #tpu.memory_space<vmem_shared>>)
        } else {
        }
        %dma_start3A_355 = arith.constant 0 : i32
        %dma_start3A_356 = tpu.memref_slice %arg6[%add3A_295, %dma_start3A_355] : memref<256x80xi32, #tpu.memory_space<vmem>> -> memref<1x80xi32, #tpu.memory_space<vmem>>
        %dma_start3A_357 = tpu.memref_squeeze %dma_start3A_356 : memref<1x80xi32, #tpu.memory_space<vmem>> -> memref<80xi32, #tpu.memory_space<vmem>>
        %dma_start3A_358 = arith.constant 0 : i32
        %dma_start3A_359 = arith.constant 0 : i32
        %dma_start3A_360 = tpu.memref_slice %arg2[%arg0, %dma_start3A_358, %dma_start3A_359] : memref<2x10240x64xf32, #tpu.memory_space<hbm>> -> memref<1x10240x64xf32, #tpu.memory_space<hbm>>
        %dma_start3A_361 = tpu.memref_squeeze %dma_start3A_360 : memref<1x10240x64xf32, #tpu.memory_space<hbm>> -> memref<10240x64xf32, #tpu.memory_space<hbm>>
        %dma_start3A_362 = arith.constant 0 : i32
        %dma_start3A_363 = arith.constant 0 : i32
        %dma_start3A_364 = tpu.memref_slice %dma_start3A_361[%dma_start3A_362, %dma_start3A_363] : memref<10240x64xf32, #tpu.memory_space<hbm>> -> memref<10240x64xf32, #tpu.memory_space<hbm>>
        tpu.enqueue_indirect_dma source(%dma_start3A_364 : memref<10240x64xf32, #tpu.memory_space<hbm>>) target(%arg9 : memref<80x64xf32, #tpu.memory_space<vmem>>) offsets(%dma_start3A_357 : memref<80xi32, #tpu.memory_space<vmem>>) semaphore(%arg19 : memref<!tpu.dma_semaphore, #tpu.memory_space<semaphore_mem>>)
      } else {
      }
      %add3A_301 = arith.constant 6 : i32
      %add3A_302 = arith.addi %mul3A_153, %add3A_301 : i32
      %dma_wait3A_303 = arith.constant 0 : i32
      %dma_wait3A_304 = tpu.memref_slice %arg6[%add3A_302, %dma_wait3A_303] : memref<256x80xi32, #tpu.memory_space<vmem>> -> memref<1x80xi32, #tpu.memory_space<vmem>>
      %dma_wait3A_305 = tpu.memref_squeeze %dma_wait3A_304 : memref<1x80xi32, #tpu.memory_space<vmem>> -> memref<80xi32, #tpu.memory_space<vmem>>
      %dma_wait3A_306 = arith.constant 0 : i32
      %dma_wait3A_307 = arith.constant 0 : i32
      %dma_wait3A_308 = tpu.memref_slice %arg2[%arg0, %dma_wait3A_306, %dma_wait3A_307] : memref<2x10240x64xf32, #tpu.memory_space<hbm>> -> memref<1x10240x64xf32, #tpu.memory_space<hbm>>
      %dma_wait3A_309 = tpu.memref_squeeze %dma_wait3A_308 : memref<1x10240x64xf32, #tpu.memory_space<hbm>> -> memref<10240x64xf32, #tpu.memory_space<hbm>>
      %dma_wait3A_310 = arith.constant 0 : i32
      %dma_wait3A_311 = arith.constant 0 : i32
      %dma_wait3A_312 = tpu.memref_slice %dma_wait3A_309[%dma_wait3A_310, %dma_wait3A_311] : memref<10240x64xf32, #tpu.memory_space<hbm>> -> memref<10240x64xf32, #tpu.memory_space<hbm>>
      tpu.wait_indirect_dma semaphore(%arg24 : memref<!tpu.dma_semaphore, #tpu.memory_space<semaphore_mem>>) src(%dma_wait3A_312 : memref<10240x64xf32, #tpu.memory_space<hbm>>) dst(%arg14 : memref<80x64xf32, #tpu.memory_space<vmem>>)
      %dma_start3A_313 = arith.constant 0 : i32
      %dma_start3A_314 = tpu.memref_slice %arg7[%add3A_302, %dma_start3A_313] : memref<256x80xi32, #tpu.memory_space<vmem>> -> memref<1x80xi32, #tpu.memory_space<vmem>>
      %dma_start3A_315 = tpu.memref_squeeze %dma_start3A_314 : memref<1x80xi32, #tpu.memory_space<vmem>> -> memref<80xi32, #tpu.memory_space<vmem>>
      %dma_start3A_316 = arith.constant 0 : i32
      %dma_start3A_317 = arith.constant 0 : i32
      %dma_start3A_318 = tpu.memref_slice %arg17[%dma_start3A_316, %dma_start3A_317] : memref<10240x64xf32, #tpu.memory_space<vmem_shared>> -> memref<10240x64xf32, #tpu.memory_space<vmem_shared>>
      tpu.enqueue_indirect_dma source(%arg14 : memref<80x64xf32, #tpu.memory_space<vmem>>) target(%dma_start3A_318 : memref<10240x64xf32, #tpu.memory_space<vmem_shared>>) offsets(%dma_start3A_315 : memref<80xi32, #tpu.memory_space<vmem>>) semaphore(%arg32 : memref<!tpu.dma_semaphore, #tpu.memory_space<semaphore_mem>>) {add = true}
      %add3A_319 = arith.constant 4 : i32
      %add3A_320 = arith.addi %add3A_302, %add3A_319 : i32
      %lt3A_321 = arith.constant 256 : i32
      %lt3A_322 = arith.cmpi slt, %add3A_320, %lt3A_321 : i32
      %convert_element_type3A_323 = arith.extui %lt3A_322 : i1 to i32
      %cond3A_324 = arith.constant 0 : i32
      %cond3A_325 = arith.cmpi ne, %convert_element_type3A_323, %cond3A_324 : i32
      scf.if %cond3A_325 {
        %ge3A = arith.constant 8 : i32
        %ge3A_351 = arith.cmpi sge, %add3A_320, %ge3A : i32
        %convert_element_type3A_352 = arith.extui %ge3A_351 : i1 to i32
        %cond3A_353 = arith.constant 0 : i32
        %cond3A_354 = arith.cmpi ne, %convert_element_type3A_352, %cond3A_353 : i32
        scf.if %cond3A_354 {
          %sub3A = arith.constant 8 : i32
          %sub3A_365 = arith.subi %add3A_320, %sub3A : i32
          %dma_wait3A_366 = arith.constant 0 : i32
          %dma_wait3A_367 = tpu.memref_slice %arg7[%sub3A_365, %dma_wait3A_366] : memref<256x80xi32, #tpu.memory_space<vmem>> -> memref<1x80xi32, #tpu.memory_space<vmem>>
          %dma_wait3A_368 = tpu.memref_squeeze %dma_wait3A_367 : memref<1x80xi32, #tpu.memory_space<vmem>> -> memref<80xi32, #tpu.memory_space<vmem>>
          %dma_wait3A_369 = arith.constant 0 : i32
          %dma_wait3A_370 = arith.constant 0 : i32
          %dma_wait3A_371 = tpu.memref_slice %arg17[%dma_wait3A_369, %dma_wait3A_370] : memref<10240x64xf32, #tpu.memory_space<vmem_shared>> -> memref<10240x64xf32, #tpu.memory_space<vmem_shared>>
          tpu.wait_indirect_dma semaphore(%arg28 : memref<!tpu.dma_semaphore, #tpu.memory_space<semaphore_mem>>) src(%arg10 : memref<80x64xf32, #tpu.memory_space<vmem>>) dst(%dma_wait3A_371 : memref<10240x64xf32, #tpu.memory_space<vmem_shared>>)
        } else {
        }
        %dma_start3A_355 = arith.constant 0 : i32
        %dma_start3A_356 = tpu.memref_slice %arg6[%add3A_320, %dma_start3A_355] : memref<256x80xi32, #tpu.memory_space<vmem>> -> memref<1x80xi32, #tpu.memory_space<vmem>>
        %dma_start3A_357 = tpu.memref_squeeze %dma_start3A_356 : memref<1x80xi32, #tpu.memory_space<vmem>> -> memref<80xi32, #tpu.memory_space<vmem>>
        %dma_start3A_358 = arith.constant 0 : i32
        %dma_start3A_359 = arith.constant 0 : i32
        %dma_start3A_360 = tpu.memref_slice %arg2[%arg0, %dma_start3A_358, %dma_start3A_359] : memref<2x10240x64xf32, #tpu.memory_space<hbm>> -> memref<1x10240x64xf32, #tpu.memory_space<hbm>>
        %dma_start3A_361 = tpu.memref_squeeze %dma_start3A_360 : memref<1x10240x64xf32, #tpu.memory_space<hbm>> -> memref<10240x64xf32, #tpu.memory_space<hbm>>
        %dma_start3A_362 = arith.constant 0 : i32
        %dma_start3A_363 = arith.constant 0 : i32
        %dma_start3A_364 = tpu.memref_slice %dma_start3A_361[%dma_start3A_362, %dma_start3A_363] : memref<10240x64xf32, #tpu.memory_space<hbm>> -> memref<10240x64xf32, #tpu.memory_space<hbm>>
        tpu.enqueue_indirect_dma source(%dma_start3A_364 : memref<10240x64xf32, #tpu.memory_space<hbm>>) target(%arg10 : memref<80x64xf32, #tpu.memory_space<vmem>>) offsets(%dma_start3A_357 : memref<80xi32, #tpu.memory_space<vmem>>) semaphore(%arg20 : memref<!tpu.dma_semaphore, #tpu.memory_space<semaphore_mem>>)
      } else {
      }
      %add3A_326 = arith.constant 7 : i32
      %add3A_327 = arith.addi %mul3A_153, %add3A_326 : i32
      %dma_wait3A_328 = arith.constant 0 : i32
      %dma_wait3A_329 = tpu.memref_slice %arg6[%add3A_327, %dma_wait3A_328] : memref<256x80xi32, #tpu.memory_space<vmem>> -> memref<1x80xi32, #tpu.memory_space<vmem>>
      %dma_wait3A_330 = tpu.memref_squeeze %dma_wait3A_329 : memref<1x80xi32, #tpu.memory_space<vmem>> -> memref<80xi32, #tpu.memory_space<vmem>>
      %dma_wait3A_331 = arith.constant 0 : i32
      %dma_wait3A_332 = arith.constant 0 : i32
      %dma_wait3A_333 = tpu.memref_slice %arg2[%arg0, %dma_wait3A_331, %dma_wait3A_332] : memref<2x10240x64xf32, #tpu.memory_space<hbm>> -> memref<1x10240x64xf32, #tpu.memory_space<hbm>>
      %dma_wait3A_334 = tpu.memref_squeeze %dma_wait3A_333 : memref<1x10240x64xf32, #tpu.memory_space<hbm>> -> memref<10240x64xf32, #tpu.memory_space<hbm>>
      %dma_wait3A_335 = arith.constant 0 : i32
      %dma_wait3A_336 = arith.constant 0 : i32
      %dma_wait3A_337 = tpu.memref_slice %dma_wait3A_334[%dma_wait3A_335, %dma_wait3A_336] : memref<10240x64xf32, #tpu.memory_space<hbm>> -> memref<10240x64xf32, #tpu.memory_space<hbm>>
      tpu.wait_indirect_dma semaphore(%arg25 : memref<!tpu.dma_semaphore, #tpu.memory_space<semaphore_mem>>) src(%dma_wait3A_337 : memref<10240x64xf32, #tpu.memory_space<hbm>>) dst(%arg15 : memref<80x64xf32, #tpu.memory_space<vmem>>)
      %dma_start3A_338 = arith.constant 0 : i32
      %dma_start3A_339 = tpu.memref_slice %arg7[%add3A_327, %dma_start3A_338] : memref<256x80xi32, #tpu.memory_space<vmem>> -> memref<1x80xi32, #tpu.memory_space<vmem>>
      %dma_start3A_340 = tpu.memref_squeeze %dma_start3A_339 : memref<1x80xi32, #tpu.memory_space<vmem>> -> memref<80xi32, #tpu.memory_space<vmem>>
      %dma_start3A_341 = arith.constant 0 : i32
      %dma_start3A_342 = arith.constant 0 : i32
      %dma_start3A_343 = tpu.memref_slice %arg17[%dma_start3A_341, %dma_start3A_342] : memref<10240x64xf32, #tpu.memory_space<vmem_shared>> -> memref<10240x64xf32, #tpu.memory_space<vmem_shared>>
      tpu.enqueue_indirect_dma source(%arg15 : memref<80x64xf32, #tpu.memory_space<vmem>>) target(%dma_start3A_343 : memref<10240x64xf32, #tpu.memory_space<vmem_shared>>) offsets(%dma_start3A_340 : memref<80xi32, #tpu.memory_space<vmem>>) semaphore(%arg33 : memref<!tpu.dma_semaphore, #tpu.memory_space<semaphore_mem>>) {add = true}
      %add3A_344 = arith.constant 4 : i32
      %add3A_345 = arith.addi %add3A_327, %add3A_344 : i32
      %lt3A_346 = arith.constant 256 : i32
      %lt3A_347 = arith.cmpi slt, %add3A_345, %lt3A_346 : i32
      %convert_element_type3A_348 = arith.extui %lt3A_347 : i1 to i32
      %cond3A_349 = arith.constant 0 : i32
      %cond3A_350 = arith.cmpi ne, %convert_element_type3A_348, %cond3A_349 : i32
      scf.if %cond3A_350 {
        %ge3A = arith.constant 8 : i32
        %ge3A_351 = arith.cmpi sge, %add3A_345, %ge3A : i32
        %convert_element_type3A_352 = arith.extui %ge3A_351 : i1 to i32
        %cond3A_353 = arith.constant 0 : i32
        %cond3A_354 = arith.cmpi ne, %convert_element_type3A_352, %cond3A_353 : i32
        scf.if %cond3A_354 {
          %sub3A = arith.constant 8 : i32
          %sub3A_365 = arith.subi %add3A_345, %sub3A : i32
          %dma_wait3A_366 = arith.constant 0 : i32
          %dma_wait3A_367 = tpu.memref_slice %arg7[%sub3A_365, %dma_wait3A_366] : memref<256x80xi32, #tpu.memory_space<vmem>> -> memref<1x80xi32, #tpu.memory_space<vmem>>
          %dma_wait3A_368 = tpu.memref_squeeze %dma_wait3A_367 : memref<1x80xi32, #tpu.memory_space<vmem>> -> memref<80xi32, #tpu.memory_space<vmem>>
          %dma_wait3A_369 = arith.constant 0 : i32
          %dma_wait3A_370 = arith.constant 0 : i32
          %dma_wait3A_371 = tpu.memref_slice %arg17[%dma_wait3A_369, %dma_wait3A_370] : memref<10240x64xf32, #tpu.memory_space<vmem_shared>> -> memref<10240x64xf32, #tpu.memory_space<vmem_shared>>
          tpu.wait_indirect_dma semaphore(%arg29 : memref<!tpu.dma_semaphore, #tpu.memory_space<semaphore_mem>>) src(%arg11 : memref<80x64xf32, #tpu.memory_space<vmem>>) dst(%dma_wait3A_371 : memref<10240x64xf32, #tpu.memory_space<vmem_shared>>)
        } else {
        }
        %dma_start3A_355 = arith.constant 0 : i32
        %dma_start3A_356 = tpu.memref_slice %arg6[%add3A_345, %dma_start3A_355] : memref<256x80xi32, #tpu.memory_space<vmem>> -> memref<1x80xi32, #tpu.memory_space<vmem>>
        %dma_start3A_357 = tpu.memref_squeeze %dma_start3A_356 : memref<1x80xi32, #tpu.memory_space<vmem>> -> memref<80xi32, #tpu.memory_space<vmem>>
        %dma_start3A_358 = arith.constant 0 : i32
        %dma_start3A_359 = arith.constant 0 : i32
        %dma_start3A_360 = tpu.memref_slice %arg2[%arg0, %dma_start3A_358, %dma_start3A_359] : memref<2x10240x64xf32, #tpu.memory_space<hbm>> -> memref<1x10240x64xf32, #tpu.memory_space<hbm>>
        %dma_start3A_361 = tpu.memref_squeeze %dma_start3A_360 : memref<1x10240x64xf32, #tpu.memory_space<hbm>> -> memref<10240x64xf32, #tpu.memory_space<hbm>>
        %dma_start3A_362 = arith.constant 0 : i32
        %dma_start3A_363 = arith.constant 0 : i32
        %dma_start3A_364 = tpu.memref_slice %dma_start3A_361[%dma_start3A_362, %dma_start3A_363] : memref<10240x64xf32, #tpu.memory_space<hbm>> -> memref<10240x64xf32, #tpu.memory_space<hbm>>
        tpu.enqueue_indirect_dma source(%dma_start3A_364 : memref<10240x64xf32, #tpu.memory_space<hbm>>) target(%arg11 : memref<80x64xf32, #tpu.memory_space<vmem>>) offsets(%dma_start3A_357 : memref<80xi32, #tpu.memory_space<vmem>>) semaphore(%arg21 : memref<!tpu.dma_semaphore, #tpu.memory_space<semaphore_mem>>)
      } else {
      }
    }
    %scan3A_74 = arith.constant 32 : i32
    %dma_wait3A = arith.constant 248 : i32
    %dma_wait3A_75 = arith.constant 0 : i32
    %dma_wait3A_76 = tpu.memref_slice %arg7[%dma_wait3A, %dma_wait3A_75] : memref<256x80xi32, #tpu.memory_space<vmem>> -> memref<1x80xi32, #tpu.memory_space<vmem>>
    %dma_wait3A_77 = tpu.memref_squeeze %dma_wait3A_76 : memref<1x80xi32, #tpu.memory_space<vmem>> -> memref<80xi32, #tpu.memory_space<vmem>>
    %dma_wait3A_78 = arith.constant 0 : i32
    %dma_wait3A_79 = arith.constant 0 : i32
    %dma_wait3A_80 = tpu.memref_slice %arg17[%dma_wait3A_78, %dma_wait3A_79] : memref<10240x64xf32, #tpu.memory_space<vmem_shared>> -> memref<10240x64xf32, #tpu.memory_space<vmem_shared>>
    tpu.wait_indirect_dma semaphore(%arg26 : memref<!tpu.dma_semaphore, #tpu.memory_space<semaphore_mem>>) src(%arg8 : memref<80x64xf32, #tpu.memory_space<vmem>>) dst(%dma_wait3A_80 : memref<10240x64xf32, #tpu.memory_space<vmem_shared>>)
    %dma_wait3A_81 = arith.constant 249 : i32
    %dma_wait3A_82 = arith.constant 0 : i32
    %dma_wait3A_83 = tpu.memref_slice %arg7[%dma_wait3A_81, %dma_wait3A_82] : memref<256x80xi32, #tpu.memory_space<vmem>> -> memref<1x80xi32, #tpu.memory_space<vmem>>
    %dma_wait3A_84 = tpu.memref_squeeze %dma_wait3A_83 : memref<1x80xi32, #tpu.memory_space<vmem>> -> memref<80xi32, #tpu.memory_space<vmem>>
    %dma_wait3A_85 = arith.constant 0 : i32
    %dma_wait3A_86 = arith.constant 0 : i32
    %dma_wait3A_87 = tpu.memref_slice %arg17[%dma_wait3A_85, %dma_wait3A_86] : memref<10240x64xf32, #tpu.memory_space<vmem_shared>> -> memref<10240x64xf32, #tpu.memory_space<vmem_shared>>
    tpu.wait_indirect_dma semaphore(%arg27 : memref<!tpu.dma_semaphore, #tpu.memory_space<semaphore_mem>>) src(%arg9 : memref<80x64xf32, #tpu.memory_space<vmem>>) dst(%dma_wait3A_87 : memref<10240x64xf32, #tpu.memory_space<vmem_shared>>)
    %dma_wait3A_88 = arith.constant 250 : i32
    %dma_wait3A_89 = arith.constant 0 : i32
    %dma_wait3A_90 = tpu.memref_slice %arg7[%dma_wait3A_88, %dma_wait3A_89] : memref<256x80xi32, #tpu.memory_space<vmem>> -> memref<1x80xi32, #tpu.memory_space<vmem>>
    %dma_wait3A_91 = tpu.memref_squeeze %dma_wait3A_90 : memref<1x80xi32, #tpu.memory_space<vmem>> -> memref<80xi32, #tpu.memory_space<vmem>>
    %dma_wait3A_92 = arith.constant 0 : i32
    %dma_wait3A_93 = arith.constant 0 : i32
    %dma_wait3A_94 = tpu.memref_slice %arg17[%dma_wait3A_92, %dma_wait3A_93] : memref<10240x64xf32, #tpu.memory_space<vmem_shared>> -> memref<10240x64xf32, #tpu.memory_space<vmem_shared>>
    tpu.wait_indirect_dma semaphore(%arg28 : memref<!tpu.dma_semaphore, #tpu.memory_space<semaphore_mem>>) src(%arg10 : memref<80x64xf32, #tpu.memory_space<vmem>>) dst(%dma_wait3A_94 : memref<10240x64xf32, #tpu.memory_space<vmem_shared>>)
    %dma_wait3A_95 = arith.constant 251 : i32
    %dma_wait3A_96 = arith.constant 0 : i32
    %dma_wait3A_97 = tpu.memref_slice %arg7[%dma_wait3A_95, %dma_wait3A_96] : memref<256x80xi32, #tpu.memory_space<vmem>> -> memref<1x80xi32, #tpu.memory_space<vmem>>
    %dma_wait3A_98 = tpu.memref_squeeze %dma_wait3A_97 : memref<1x80xi32, #tpu.memory_space<vmem>> -> memref<80xi32, #tpu.memory_space<vmem>>
    %dma_wait3A_99 = arith.constant 0 : i32
    %dma_wait3A_100 = arith.constant 0 : i32
    %dma_wait3A_101 = tpu.memref_slice %arg17[%dma_wait3A_99, %dma_wait3A_100] : memref<10240x64xf32, #tpu.memory_space<vmem_shared>> -> memref<10240x64xf32, #tpu.memory_space<vmem_shared>>
    tpu.wait_indirect_dma semaphore(%arg29 : memref<!tpu.dma_semaphore, #tpu.memory_space<semaphore_mem>>) src(%arg11 : memref<80x64xf32, #tpu.memory_space<vmem>>) dst(%dma_wait3A_101 : memref<10240x64xf32, #tpu.memory_space<vmem_shared>>)
    %dma_wait3A_102 = arith.constant 252 : i32
    %dma_wait3A_103 = arith.constant 0 : i32
    %dma_wait3A_104 = tpu.memref_slice %arg7[%dma_wait3A_102, %dma_wait3A_103] : memref<256x80xi32, #tpu.memory_space<vmem>> -> memref<1x80xi32, #tpu.memory_space<vmem>>
    %dma_wait3A_105 = tpu.memref_squeeze %dma_wait3A_104 : memref<1x80xi32, #tpu.memory_space<vmem>> -> memref<80xi32, #tpu.memory_space<vmem>>
    %dma_wait3A_106 = arith.constant 0 : i32
    %dma_wait3A_107 = arith.constant 0 : i32
    %dma_wait3A_108 = tpu.memref_slice %arg17[%dma_wait3A_106, %dma_wait3A_107] : memref<10240x64xf32, #tpu.memory_space<vmem_shared>> -> memref<10240x64xf32, #tpu.memory_space<vmem_shared>>
    tpu.wait_indirect_dma semaphore(%arg30 : memref<!tpu.dma_semaphore, #tpu.memory_space<semaphore_mem>>) src(%arg12 : memref<80x64xf32, #tpu.memory_space<vmem>>) dst(%dma_wait3A_108 : memref<10240x64xf32, #tpu.memory_space<vmem_shared>>)
    %dma_wait3A_109 = arith.constant 253 : i32
    %dma_wait3A_110 = arith.constant 0 : i32
    %dma_wait3A_111 = tpu.memref_slice %arg7[%dma_wait3A_109, %dma_wait3A_110] : memref<256x80xi32, #tpu.memory_space<vmem>> -> memref<1x80xi32, #tpu.memory_space<vmem>>
    %dma_wait3A_112 = tpu.memref_squeeze %dma_wait3A_111 : memref<1x80xi32, #tpu.memory_space<vmem>> -> memref<80xi32, #tpu.memory_space<vmem>>
    %dma_wait3A_113 = arith.constant 0 : i32
    %dma_wait3A_114 = arith.constant 0 : i32
    %dma_wait3A_115 = tpu.memref_slice %arg17[%dma_wait3A_113, %dma_wait3A_114] : memref<10240x64xf32, #tpu.memory_space<vmem_shared>> -> memref<10240x64xf32, #tpu.memory_space<vmem_shared>>
    tpu.wait_indirect_dma semaphore(%arg31 : memref<!tpu.dma_semaphore, #tpu.memory_space<semaphore_mem>>) src(%arg13 : memref<80x64xf32, #tpu.memory_space<vmem>>) dst(%dma_wait3A_115 : memref<10240x64xf32, #tpu.memory_space<vmem_shared>>)
    %dma_wait3A_116 = arith.constant 254 : i32
    %dma_wait3A_117 = arith.constant 0 : i32
    %dma_wait3A_118 = tpu.memref_slice %arg7[%dma_wait3A_116, %dma_wait3A_117] : memref<256x80xi32, #tpu.memory_space<vmem>> -> memref<1x80xi32, #tpu.memory_space<vmem>>
    %dma_wait3A_119 = tpu.memref_squeeze %dma_wait3A_118 : memref<1x80xi32, #tpu.memory_space<vmem>> -> memref<80xi32, #tpu.memory_space<vmem>>
    %dma_wait3A_120 = arith.constant 0 : i32
    %dma_wait3A_121 = arith.constant 0 : i32
    %dma_wait3A_122 = tpu.memref_slice %arg17[%dma_wait3A_120, %dma_wait3A_121] : memref<10240x64xf32, #tpu.memory_space<vmem_shared>> -> memref<10240x64xf32, #tpu.memory_space<vmem_shared>>
    tpu.wait_indirect_dma semaphore(%arg32 : memref<!tpu.dma_semaphore, #tpu.memory_space<semaphore_mem>>) src(%arg14 : memref<80x64xf32, #tpu.memory_space<vmem>>) dst(%dma_wait3A_122 : memref<10240x64xf32, #tpu.memory_space<vmem_shared>>)
    %dma_wait3A_123 = arith.constant 255 : i32
    %dma_wait3A_124 = arith.constant 0 : i32
    %dma_wait3A_125 = tpu.memref_slice %arg7[%dma_wait3A_123, %dma_wait3A_124] : memref<256x80xi32, #tpu.memory_space<vmem>> -> memref<1x80xi32, #tpu.memory_space<vmem>>
    %dma_wait3A_126 = tpu.memref_squeeze %dma_wait3A_125 : memref<1x80xi32, #tpu.memory_space<vmem>> -> memref<80xi32, #tpu.memory_space<vmem>>
    %dma_wait3A_127 = arith.constant 0 : i32
    %dma_wait3A_128 = arith.constant 0 : i32
    %dma_wait3A_129 = tpu.memref_slice %arg17[%dma_wait3A_127, %dma_wait3A_128] : memref<10240x64xf32, #tpu.memory_space<vmem_shared>> -> memref<10240x64xf32, #tpu.memory_space<vmem_shared>>
    tpu.wait_indirect_dma semaphore(%arg33 : memref<!tpu.dma_semaphore, #tpu.memory_space<semaphore_mem>>) src(%arg15 : memref<80x64xf32, #tpu.memory_space<vmem>>) dst(%dma_wait3A_129 : memref<10240x64xf32, #tpu.memory_space<vmem_shared>>)
    %barrier3A_130 = arith.constant 0 : index
    tpu.barrier barrier_id(%barrier3A_130)
    %add3A_131 = arith.constant 0 : i32
    %add3A_132 = arith.addi %mul3A_6, %add3A_131 : i32
    "tpu.region"() ({
      %run_scoped3A = tpu.sem_alloc : memref<!tpu.dma_semaphore, #tpu.memory_space<semaphore_mem>>
      %dma_start3A_151 = arith.constant 0 : i32
      %dma_start3A_152 = tpu.memref_slice %arg5[%arg0, %add3A_132, %dma_start3A_151] : memref<2x10240x64xf32, #tpu.memory_space<hbm>> -> memref<1x64x64xf32, #tpu.memory_space<hbm>>
      %dma_start3A_153 = tpu.memref_squeeze %dma_start3A_152 : memref<1x64x64xf32, #tpu.memory_space<hbm>> -> memref<64x64xf32, #tpu.memory_space<hbm>>
      %dma_start3A_154 = arith.constant 0 : i32
      %dma_start3A_155 = tpu.memref_slice %arg17[%add3A_132, %dma_start3A_154] : memref<10240x64xf32, #tpu.memory_space<vmem_shared>> -> memref<64x64xf32, #tpu.memory_space<vmem_shared>>
      tpu.enqueue_dma source(%dma_start3A_155 : memref<64x64xf32, #tpu.memory_space<vmem_shared>>) target(%dma_start3A_153 : memref<64x64xf32, #tpu.memory_space<hbm>>) target_semaphore(%run_scoped3A : memref<!tpu.dma_semaphore, #tpu.memory_space<semaphore_mem>>)
      %dma_wait3A_156 = arith.constant 0 : i32
      %dma_wait3A_157 = tpu.memref_slice %arg5[%arg0, %add3A_132, %dma_wait3A_156] : memref<2x10240x64xf32, #tpu.memory_space<hbm>> -> memref<1x64x64xf32, #tpu.memory_space<hbm>>
      %dma_wait3A_158 = tpu.memref_squeeze %dma_wait3A_157 : memref<1x64x64xf32, #tpu.memory_space<hbm>> -> memref<64x64xf32, #tpu.memory_space<hbm>>
      %dma_wait3A_159 = arith.constant 0 : i32
      %dma_wait3A_160 = tpu.memref_slice %arg17[%add3A_132, %dma_wait3A_159] : memref<10240x64xf32, #tpu.memory_space<vmem_shared>> -> memref<64x64xf32, #tpu.memory_space<vmem_shared>>
      tpu.wait_dma2 semaphore(%run_scoped3A : memref<!tpu.dma_semaphore, #tpu.memory_space<semaphore_mem>>) src(%dma_wait3A_160 : memref<64x64xf32, #tpu.memory_space<vmem_shared>>) dst(%dma_wait3A_158 : memref<64x64xf32, #tpu.memory_space<hbm>>)
      tpu.yield
    }) : () -> ()
    %add3A_133 = arith.constant 64 : i32
    %add3A_134 = arith.addi %mul3A_6, %add3A_133 : i32
    "tpu.region"() ({
      %run_scoped3A = tpu.sem_alloc : memref<!tpu.dma_semaphore, #tpu.memory_space<semaphore_mem>>
      %dma_start3A_151 = arith.constant 0 : i32
      %dma_start3A_152 = tpu.memref_slice %arg5[%arg0, %add3A_134, %dma_start3A_151] : memref<2x10240x64xf32, #tpu.memory_space<hbm>> -> memref<1x64x64xf32, #tpu.memory_space<hbm>>
      %dma_start3A_153 = tpu.memref_squeeze %dma_start3A_152 : memref<1x64x64xf32, #tpu.memory_space<hbm>> -> memref<64x64xf32, #tpu.memory_space<hbm>>
      %dma_start3A_154 = arith.constant 0 : i32
      %dma_start3A_155 = tpu.memref_slice %arg17[%add3A_134, %dma_start3A_154] : memref<10240x64xf32, #tpu.memory_space<vmem_shared>> -> memref<64x64xf32, #tpu.memory_space<vmem_shared>>
      tpu.enqueue_dma source(%dma_start3A_155 : memref<64x64xf32, #tpu.memory_space<vmem_shared>>) target(%dma_start3A_153 : memref<64x64xf32, #tpu.memory_space<hbm>>) target_semaphore(%run_scoped3A : memref<!tpu.dma_semaphore, #tpu.memory_space<semaphore_mem>>)
      %dma_wait3A_156 = arith.constant 0 : i32
      %dma_wait3A_157 = tpu.memref_slice %arg5[%arg0, %add3A_134, %dma_wait3A_156] : memref<2x10240x64xf32, #tpu.memory_space<hbm>> -> memref<1x64x64xf32, #tpu.memory_space<hbm>>
      %dma_wait3A_158 = tpu.memref_squeeze %dma_wait3A_157 : memref<1x64x64xf32, #tpu.memory_space<hbm>> -> memref<64x64xf32, #tpu.memory_space<hbm>>
      %dma_wait3A_159 = arith.constant 0 : i32
      %dma_wait3A_160 = tpu.memref_slice %arg17[%add3A_134, %dma_wait3A_159] : memref<10240x64xf32, #tpu.memory_space<vmem_shared>> -> memref<64x64xf32, #tpu.memory_space<vmem_shared>>
      tpu.wait_dma2 semaphore(%run_scoped3A : memref<!tpu.dma_semaphore, #tpu.memory_space<semaphore_mem>>) src(%dma_wait3A_160 : memref<64x64xf32, #tpu.memory_space<vmem_shared>>) dst(%dma_wait3A_158 : memref<64x64xf32, #tpu.memory_space<hbm>>)
      tpu.yield
    }) : () -> ()
    %add3A_135 = arith.constant 128 : i32
    %add3A_136 = arith.addi %mul3A_6, %add3A_135 : i32
    "tpu.region"() ({
      %run_scoped3A = tpu.sem_alloc : memref<!tpu.dma_semaphore, #tpu.memory_space<semaphore_mem>>
      %dma_start3A_151 = arith.constant 0 : i32
      %dma_start3A_152 = tpu.memref_slice %arg5[%arg0, %add3A_136, %dma_start3A_151] : memref<2x10240x64xf32, #tpu.memory_space<hbm>> -> memref<1x64x64xf32, #tpu.memory_space<hbm>>
      %dma_start3A_153 = tpu.memref_squeeze %dma_start3A_152 : memref<1x64x64xf32, #tpu.memory_space<hbm>> -> memref<64x64xf32, #tpu.memory_space<hbm>>
      %dma_start3A_154 = arith.constant 0 : i32
      %dma_start3A_155 = tpu.memref_slice %arg17[%add3A_136, %dma_start3A_154] : memref<10240x64xf32, #tpu.memory_space<vmem_shared>> -> memref<64x64xf32, #tpu.memory_space<vmem_shared>>
      tpu.enqueue_dma source(%dma_start3A_155 : memref<64x64xf32, #tpu.memory_space<vmem_shared>>) target(%dma_start3A_153 : memref<64x64xf32, #tpu.memory_space<hbm>>) target_semaphore(%run_scoped3A : memref<!tpu.dma_semaphore, #tpu.memory_space<semaphore_mem>>)
      %dma_wait3A_156 = arith.constant 0 : i32
      %dma_wait3A_157 = tpu.memref_slice %arg5[%arg0, %add3A_136, %dma_wait3A_156] : memref<2x10240x64xf32, #tpu.memory_space<hbm>> -> memref<1x64x64xf32, #tpu.memory_space<hbm>>
      %dma_wait3A_158 = tpu.memref_squeeze %dma_wait3A_157 : memref<1x64x64xf32, #tpu.memory_space<hbm>> -> memref<64x64xf32, #tpu.memory_space<hbm>>
      %dma_wait3A_159 = arith.constant 0 : i32
      %dma_wait3A_160 = tpu.memref_slice %arg17[%add3A_136, %dma_wait3A_159] : memref<10240x64xf32, #tpu.memory_space<vmem_shared>> -> memref<64x64xf32, #tpu.memory_space<vmem_shared>>
      tpu.wait_dma2 semaphore(%run_scoped3A : memref<!tpu.dma_semaphore, #tpu.memory_space<semaphore_mem>>) src(%dma_wait3A_160 : memref<64x64xf32, #tpu.memory_space<vmem_shared>>) dst(%dma_wait3A_158 : memref<64x64xf32, #tpu.memory_space<hbm>>)
      tpu.yield
    }) : () -> ()
    %add3A_137 = arith.constant 192 : i32
    %add3A_138 = arith.addi %mul3A_6, %add3A_137 : i32
    "tpu.region"() ({
      %run_scoped3A = tpu.sem_alloc : memref<!tpu.dma_semaphore, #tpu.memory_space<semaphore_mem>>
      %dma_start3A_151 = arith.constant 0 : i32
      %dma_start3A_152 = tpu.memref_slice %arg5[%arg0, %add3A_138, %dma_start3A_151] : memref<2x10240x64xf32, #tpu.memory_space<hbm>> -> memref<1x64x64xf32, #tpu.memory_space<hbm>>
      %dma_start3A_153 = tpu.memref_squeeze %dma_start3A_152 : memref<1x64x64xf32, #tpu.memory_space<hbm>> -> memref<64x64xf32, #tpu.memory_space<hbm>>
      %dma_start3A_154 = arith.constant 0 : i32
      %dma_start3A_155 = tpu.memref_slice %arg17[%add3A_138, %dma_start3A_154] : memref<10240x64xf32, #tpu.memory_space<vmem_shared>> -> memref<64x64xf32, #tpu.memory_space<vmem_shared>>
      tpu.enqueue_dma source(%dma_start3A_155 : memref<64x64xf32, #tpu.memory_space<vmem_shared>>) target(%dma_start3A_153 : memref<64x64xf32, #tpu.memory_space<hbm>>) target_semaphore(%run_scoped3A : memref<!tpu.dma_semaphore, #tpu.memory_space<semaphore_mem>>)
      %dma_wait3A_156 = arith.constant 0 : i32
      %dma_wait3A_157 = tpu.memref_slice %arg5[%arg0, %add3A_138, %dma_wait3A_156] : memref<2x10240x64xf32, #tpu.memory_space<hbm>> -> memref<1x64x64xf32, #tpu.memory_space<hbm>>
      %dma_wait3A_158 = tpu.memref_squeeze %dma_wait3A_157 : memref<1x64x64xf32, #tpu.memory_space<hbm>> -> memref<64x64xf32, #tpu.memory_space<hbm>>
      %dma_wait3A_159 = arith.constant 0 : i32
      %dma_wait3A_160 = tpu.memref_slice %arg17[%add3A_138, %dma_wait3A_159] : memref<10240x64xf32, #tpu.memory_space<vmem_shared>> -> memref<64x64xf32, #tpu.memory_space<vmem_shared>>
      tpu.wait_dma2 semaphore(%run_scoped3A : memref<!tpu.dma_semaphore, #tpu.memory_space<semaphore_mem>>) src(%dma_wait3A_160 : memref<64x64xf32, #tpu.memory_space<vmem_shared>>) dst(%dma_wait3A_158 : memref<64x64xf32, #tpu.memory_space<hbm>>)
      tpu.yield
    }) : () -> ()
    %add3A_139 = arith.constant 256 : i32
    %add3A_140 = arith.addi %mul3A_6, %add3A_139 : i32
    "tpu.region"() ({
      %run_scoped3A = tpu.sem_alloc : memref<!tpu.dma_semaphore, #tpu.memory_space<semaphore_mem>>
      %dma_start3A_151 = arith.constant 0 : i32
      %dma_start3A_152 = tpu.memref_slice %arg5[%arg0, %add3A_140, %dma_start3A_151] : memref<2x10240x64xf32, #tpu.memory_space<hbm>> -> memref<1x64x64xf32, #tpu.memory_space<hbm>>
      %dma_start3A_153 = tpu.memref_squeeze %dma_start3A_152 : memref<1x64x64xf32, #tpu.memory_space<hbm>> -> memref<64x64xf32, #tpu.memory_space<hbm>>
      %dma_start3A_154 = arith.constant 0 : i32
      %dma_start3A_155 = tpu.memref_slice %arg17[%add3A_140, %dma_start3A_154] : memref<10240x64xf32, #tpu.memory_space<vmem_shared>> -> memref<64x64xf32, #tpu.memory_space<vmem_shared>>
      tpu.enqueue_dma source(%dma_start3A_155 : memref<64x64xf32, #tpu.memory_space<vmem_shared>>) target(%dma_start3A_153 : memref<64x64xf32, #tpu.memory_space<hbm>>) target_semaphore(%run_scoped3A : memref<!tpu.dma_semaphore, #tpu.memory_space<semaphore_mem>>)
      %dma_wait3A_156 = arith.constant 0 : i32
      %dma_wait3A_157 = tpu.memref_slice %arg5[%arg0, %add3A_140, %dma_wait3A_156] : memref<2x10240x64xf32, #tpu.memory_space<hbm>> -> memref<1x64x64xf32, #tpu.memory_space<hbm>>
      %dma_wait3A_158 = tpu.memref_squeeze %dma_wait3A_157 : memref<1x64x64xf32, #tpu.memory_space<hbm>> -> memref<64x64xf32, #tpu.memory_space<hbm>>
      %dma_wait3A_159 = arith.constant 0 : i32
      %dma_wait3A_160 = tpu.memref_slice %arg17[%add3A_140, %dma_wait3A_159] : memref<10240x64xf32, #tpu.memory_space<vmem_shared>> -> memref<64x64xf32, #tpu.memory_space<vmem_shared>>
      tpu.wait_dma2 semaphore(%run_scoped3A : memref<!tpu.dma_semaphore, #tpu.memory_space<semaphore_mem>>) src(%dma_wait3A_160 : memref<64x64xf32, #tpu.memory_space<vmem_shared>>) dst(%dma_wait3A_158 : memref<64x64xf32, #tpu.memory_space<hbm>>)
      tpu.yield
    }) : () -> ()
    %add3A_141 = arith.constant 320 : i32
    %add3A_142 = arith.addi %mul3A_6, %add3A_141 : i32
    "tpu.region"() ({
      %run_scoped3A = tpu.sem_alloc : memref<!tpu.dma_semaphore, #tpu.memory_space<semaphore_mem>>
      %dma_start3A_151 = arith.constant 0 : i32
      %dma_start3A_152 = tpu.memref_slice %arg5[%arg0, %add3A_142, %dma_start3A_151] : memref<2x10240x64xf32, #tpu.memory_space<hbm>> -> memref<1x64x64xf32, #tpu.memory_space<hbm>>
      %dma_start3A_153 = tpu.memref_squeeze %dma_start3A_152 : memref<1x64x64xf32, #tpu.memory_space<hbm>> -> memref<64x64xf32, #tpu.memory_space<hbm>>
      %dma_start3A_154 = arith.constant 0 : i32
      %dma_start3A_155 = tpu.memref_slice %arg17[%add3A_142, %dma_start3A_154] : memref<10240x64xf32, #tpu.memory_space<vmem_shared>> -> memref<64x64xf32, #tpu.memory_space<vmem_shared>>
      tpu.enqueue_dma source(%dma_start3A_155 : memref<64x64xf32, #tpu.memory_space<vmem_shared>>) target(%dma_start3A_153 : memref<64x64xf32, #tpu.memory_space<hbm>>) target_semaphore(%run_scoped3A : memref<!tpu.dma_semaphore, #tpu.memory_space<semaphore_mem>>)
      %dma_wait3A_156 = arith.constant 0 : i32
      %dma_wait3A_157 = tpu.memref_slice %arg5[%arg0, %add3A_142, %dma_wait3A_156] : memref<2x10240x64xf32, #tpu.memory_space<hbm>> -> memref<1x64x64xf32, #tpu.memory_space<hbm>>
      %dma_wait3A_158 = tpu.memref_squeeze %dma_wait3A_157 : memref<1x64x64xf32, #tpu.memory_space<hbm>> -> memref<64x64xf32, #tpu.memory_space<hbm>>
      %dma_wait3A_159 = arith.constant 0 : i32
      %dma_wait3A_160 = tpu.memref_slice %arg17[%add3A_142, %dma_wait3A_159] : memref<10240x64xf32, #tpu.memory_space<vmem_shared>> -> memref<64x64xf32, #tpu.memory_space<vmem_shared>>
      tpu.wait_dma2 semaphore(%run_scoped3A : memref<!tpu.dma_semaphore, #tpu.memory_space<semaphore_mem>>) src(%dma_wait3A_160 : memref<64x64xf32, #tpu.memory_space<vmem_shared>>) dst(%dma_wait3A_158 : memref<64x64xf32, #tpu.memory_space<hbm>>)
      tpu.yield
    }) : () -> ()
    %add3A_143 = arith.constant 384 : i32
    %add3A_144 = arith.addi %mul3A_6, %add3A_143 : i32
    "tpu.region"() ({
      %run_scoped3A = tpu.sem_alloc : memref<!tpu.dma_semaphore, #tpu.memory_space<semaphore_mem>>
      %dma_start3A_151 = arith.constant 0 : i32
      %dma_start3A_152 = tpu.memref_slice %arg5[%arg0, %add3A_144, %dma_start3A_151] : memref<2x10240x64xf32, #tpu.memory_space<hbm>> -> memref<1x64x64xf32, #tpu.memory_space<hbm>>
      %dma_start3A_153 = tpu.memref_squeeze %dma_start3A_152 : memref<1x64x64xf32, #tpu.memory_space<hbm>> -> memref<64x64xf32, #tpu.memory_space<hbm>>
      %dma_start3A_154 = arith.constant 0 : i32
      %dma_start3A_155 = tpu.memref_slice %arg17[%add3A_144, %dma_start3A_154] : memref<10240x64xf32, #tpu.memory_space<vmem_shared>> -> memref<64x64xf32, #tpu.memory_space<vmem_shared>>
      tpu.enqueue_dma source(%dma_start3A_155 : memref<64x64xf32, #tpu.memory_space<vmem_shared>>) target(%dma_start3A_153 : memref<64x64xf32, #tpu.memory_space<hbm>>) target_semaphore(%run_scoped3A : memref<!tpu.dma_semaphore, #tpu.memory_space<semaphore_mem>>)
      %dma_wait3A_156 = arith.constant 0 : i32
      %dma_wait3A_157 = tpu.memref_slice %arg5[%arg0, %add3A_144, %dma_wait3A_156] : memref<2x10240x64xf32, #tpu.memory_space<hbm>> -> memref<1x64x64xf32, #tpu.memory_space<hbm>>
      %dma_wait3A_158 = tpu.memref_squeeze %dma_wait3A_157 : memref<1x64x64xf32, #tpu.memory_space<hbm>> -> memref<64x64xf32, #tpu.memory_space<hbm>>
      %dma_wait3A_159 = arith.constant 0 : i32
      %dma_wait3A_160 = tpu.memref_slice %arg17[%add3A_144, %dma_wait3A_159] : memref<10240x64xf32, #tpu.memory_space<vmem_shared>> -> memref<64x64xf32, #tpu.memory_space<vmem_shared>>
      tpu.wait_dma2 semaphore(%run_scoped3A : memref<!tpu.dma_semaphore, #tpu.memory_space<semaphore_mem>>) src(%dma_wait3A_160 : memref<64x64xf32, #tpu.memory_space<vmem_shared>>) dst(%dma_wait3A_158 : memref<64x64xf32, #tpu.memory_space<hbm>>)
      tpu.yield
    }) : () -> ()
    %add3A_145 = arith.constant 448 : i32
    %add3A_146 = arith.addi %mul3A_6, %add3A_145 : i32
    "tpu.region"() ({
      %run_scoped3A = tpu.sem_alloc : memref<!tpu.dma_semaphore, #tpu.memory_space<semaphore_mem>>
      %dma_start3A_151 = arith.constant 0 : i32
      %dma_start3A_152 = tpu.memref_slice %arg5[%arg0, %add3A_146, %dma_start3A_151] : memref<2x10240x64xf32, #tpu.memory_space<hbm>> -> memref<1x64x64xf32, #tpu.memory_space<hbm>>
      %dma_start3A_153 = tpu.memref_squeeze %dma_start3A_152 : memref<1x64x64xf32, #tpu.memory_space<hbm>> -> memref<64x64xf32, #tpu.memory_space<hbm>>
      %dma_start3A_154 = arith.constant 0 : i32
      %dma_start3A_155 = tpu.memref_slice %arg17[%add3A_146, %dma_start3A_154] : memref<10240x64xf32, #tpu.memory_space<vmem_shared>> -> memref<64x64xf32, #tpu.memory_space<vmem_shared>>
      tpu.enqueue_dma source(%dma_start3A_155 : memref<64x64xf32, #tpu.memory_space<vmem_shared>>) target(%dma_start3A_153 : memref<64x64xf32, #tpu.memory_space<hbm>>) target_semaphore(%run_scoped3A : memref<!tpu.dma_semaphore, #tpu.memory_space<semaphore_mem>>)
      %dma_wait3A_156 = arith.constant 0 : i32
      %dma_wait3A_157 = tpu.memref_slice %arg5[%arg0, %add3A_146, %dma_wait3A_156] : memref<2x10240x64xf32, #tpu.memory_space<hbm>> -> memref<1x64x64xf32, #tpu.memory_space<hbm>>
      %dma_wait3A_158 = tpu.memref_squeeze %dma_wait3A_157 : memref<1x64x64xf32, #tpu.memory_space<hbm>> -> memref<64x64xf32, #tpu.memory_space<hbm>>
      %dma_wait3A_159 = arith.constant 0 : i32
      %dma_wait3A_160 = tpu.memref_slice %arg17[%add3A_146, %dma_wait3A_159] : memref<10240x64xf32, #tpu.memory_space<vmem_shared>> -> memref<64x64xf32, #tpu.memory_space<vmem_shared>>
      tpu.wait_dma2 semaphore(%run_scoped3A : memref<!tpu.dma_semaphore, #tpu.memory_space<semaphore_mem>>) src(%dma_wait3A_160 : memref<64x64xf32, #tpu.memory_space<vmem_shared>>) dst(%dma_wait3A_158 : memref<64x64xf32, #tpu.memory_space<hbm>>)
      tpu.yield
    }) : () -> ()
    %add3A_147 = arith.constant 512 : i32
    %add3A_148 = arith.addi %mul3A_6, %add3A_147 : i32
    "tpu.region"() ({
      %run_scoped3A = tpu.sem_alloc : memref<!tpu.dma_semaphore, #tpu.memory_space<semaphore_mem>>
      %dma_start3A_151 = arith.constant 0 : i32
      %dma_start3A_152 = tpu.memref_slice %arg5[%arg0, %add3A_148, %dma_start3A_151] : memref<2x10240x64xf32, #tpu.memory_space<hbm>> -> memref<1x64x64xf32, #tpu.memory_space<hbm>>
      %dma_start3A_153 = tpu.memref_squeeze %dma_start3A_152 : memref<1x64x64xf32, #tpu.memory_space<hbm>> -> memref<64x64xf32, #tpu.memory_space<hbm>>
      %dma_start3A_154 = arith.constant 0 : i32
      %dma_start3A_155 = tpu.memref_slice %arg17[%add3A_148, %dma_start3A_154] : memref<10240x64xf32, #tpu.memory_space<vmem_shared>> -> memref<64x64xf32, #tpu.memory_space<vmem_shared>>
      tpu.enqueue_dma source(%dma_start3A_155 : memref<64x64xf32, #tpu.memory_space<vmem_shared>>) target(%dma_start3A_153 : memref<64x64xf32, #tpu.memory_space<hbm>>) target_semaphore(%run_scoped3A : memref<!tpu.dma_semaphore, #tpu.memory_space<semaphore_mem>>)
      %dma_wait3A_156 = arith.constant 0 : i32
      %dma_wait3A_157 = tpu.memref_slice %arg5[%arg0, %add3A_148, %dma_wait3A_156] : memref<2x10240x64xf32, #tpu.memory_space<hbm>> -> memref<1x64x64xf32, #tpu.memory_space<hbm>>
      %dma_wait3A_158 = tpu.memref_squeeze %dma_wait3A_157 : memref<1x64x64xf32, #tpu.memory_space<hbm>> -> memref<64x64xf32, #tpu.memory_space<hbm>>
      %dma_wait3A_159 = arith.constant 0 : i32
      %dma_wait3A_160 = tpu.memref_slice %arg17[%add3A_148, %dma_wait3A_159] : memref<10240x64xf32, #tpu.memory_space<vmem_shared>> -> memref<64x64xf32, #tpu.memory_space<vmem_shared>>
      tpu.wait_dma2 semaphore(%run_scoped3A : memref<!tpu.dma_semaphore, #tpu.memory_space<semaphore_mem>>) src(%dma_wait3A_160 : memref<64x64xf32, #tpu.memory_space<vmem_shared>>) dst(%dma_wait3A_158 : memref<64x64xf32, #tpu.memory_space<hbm>>)
      tpu.yield
    }) : () -> ()
    %add3A_149 = arith.constant 576 : i32
    %add3A_150 = arith.addi %mul3A_6, %add3A_149 : i32
    "tpu.region"() ({
      %run_scoped3A = tpu.sem_alloc : memref<!tpu.dma_semaphore, #tpu.memory_space<semaphore_mem>>
      %dma_start3A_151 = arith.constant 0 : i32
      %dma_start3A_152 = tpu.memref_slice %arg5[%arg0, %add3A_150, %dma_start3A_151] : memref<2x10240x64xf32, #tpu.memory_space<hbm>> -> memref<1x64x64xf32, #tpu.memory_space<hbm>>
      %dma_start3A_153 = tpu.memref_squeeze %dma_start3A_152 : memref<1x64x64xf32, #tpu.memory_space<hbm>> -> memref<64x64xf32, #tpu.memory_space<hbm>>
      %dma_start3A_154 = arith.constant 0 : i32
      %dma_start3A_155 = tpu.memref_slice %arg17[%add3A_150, %dma_start3A_154] : memref<10240x64xf32, #tpu.memory_space<vmem_shared>> -> memref<64x64xf32, #tpu.memory_space<vmem_shared>>
      tpu.enqueue_dma source(%dma_start3A_155 : memref<64x64xf32, #tpu.memory_space<vmem_shared>>) target(%dma_start3A_153 : memref<64x64xf32, #tpu.memory_space<hbm>>) target_semaphore(%run_scoped3A : memref<!tpu.dma_semaphore, #tpu.memory_space<semaphore_mem>>)
      %dma_wait3A_156 = arith.constant 0 : i32
      %dma_wait3A_157 = tpu.memref_slice %arg5[%arg0, %add3A_150, %dma_wait3A_156] : memref<2x10240x64xf32, #tpu.memory_space<hbm>> -> memref<1x64x64xf32, #tpu.memory_space<hbm>>
      %dma_wait3A_158 = tpu.memref_squeeze %dma_wait3A_157 : memref<1x64x64xf32, #tpu.memory_space<hbm>> -> memref<64x64xf32, #tpu.memory_space<hbm>>
      %dma_wait3A_159 = arith.constant 0 : i32
      %dma_wait3A_160 = tpu.memref_slice %arg17[%add3A_150, %dma_wait3A_159] : memref<10240x64xf32, #tpu.memory_space<vmem_shared>> -> memref<64x64xf32, #tpu.memory_space<vmem_shared>>
      tpu.wait_dma2 semaphore(%run_scoped3A : memref<!tpu.dma_semaphore, #tpu.memory_space<semaphore_mem>>) src(%dma_wait3A_160 : memref<64x64xf32, #tpu.memory_space<vmem_shared>>) dst(%dma_wait3A_158 : memref<64x64xf32, #tpu.memory_space<hbm>>)
      tpu.yield
    }) : () -> ()
    return
  }
}

#map = affine_map<(d0, d1) -> (0, 0)>
#map1 = affine_map<(d0, d1) -> (0, 0, 0)>
module attributes {stable_mosaic.version = 14 : i64} {
  func.func @agg(%arg0: i32, %arg1: i32, %arg2: memref<10240x16xf32, #tpu.memory_space<hbm>>, %arg3: memref<32x128x80xi32, #tpu.memory_space<hbm>>, %arg4: memref<32x128x80xi32, #tpu.memory_space<hbm>>, %arg5: memref<2x10240x16xf32, #tpu.memory_space<hbm>>, %arg6: memref<128x80xi32, #tpu.memory_space<vmem>>, %arg7: memref<128x80xi32, #tpu.memory_space<vmem>>, %arg8: memref<80x16xf32, #tpu.memory_space<vmem>>, %arg9: memref<80x16xf32, #tpu.memory_space<vmem>>, %arg10: memref<80x16xf32, #tpu.memory_space<vmem>>, %arg11: memref<80x16xf32, #tpu.memory_space<vmem>>, %arg12: memref<80x16xf32, #tpu.memory_space<vmem>>, %arg13: memref<80x16xf32, #tpu.memory_space<vmem>>, %arg14: memref<80x16xf32, #tpu.memory_space<vmem>>, %arg15: memref<80x16xf32, #tpu.memory_space<vmem>>, %arg16: memref<640x16xf32, #tpu.memory_space<vmem>>, %arg17: memref<10240x16xf32, #tpu.memory_space<vmem_shared>>, %arg18: memref<!tpu.dma_semaphore, #tpu.memory_space<semaphore_mem>>, %arg19: memref<!tpu.dma_semaphore, #tpu.memory_space<semaphore_mem>>, %arg20: memref<!tpu.dma_semaphore, #tpu.memory_space<semaphore_mem>>, %arg21: memref<!tpu.dma_semaphore, #tpu.memory_space<semaphore_mem>>, %arg22: memref<!tpu.dma_semaphore, #tpu.memory_space<semaphore_mem>>, %arg23: memref<!tpu.dma_semaphore, #tpu.memory_space<semaphore_mem>>, %arg24: memref<!tpu.dma_semaphore, #tpu.memory_space<semaphore_mem>>, %arg25: memref<!tpu.dma_semaphore, #tpu.memory_space<semaphore_mem>>, %arg26: memref<!tpu.dma_semaphore, #tpu.memory_space<semaphore_mem>>, %arg27: memref<!tpu.dma_semaphore, #tpu.memory_space<semaphore_mem>>, %arg28: memref<!tpu.dma_semaphore, #tpu.memory_space<semaphore_mem>>, %arg29: memref<!tpu.dma_semaphore, #tpu.memory_space<semaphore_mem>>, %arg30: memref<!tpu.dma_semaphore, #tpu.memory_space<semaphore_mem>>, %arg31: memref<!tpu.dma_semaphore, #tpu.memory_space<semaphore_mem>>, %arg32: memref<!tpu.dma_semaphore, #tpu.memory_space<semaphore_mem>>, %arg33: memref<!tpu.dma_semaphore, #tpu.memory_space<semaphore_mem>>) attributes {dimension_semantics = [#tpu.dimension_semantics<core_parallel>, #tpu.dimension_semantics<subcore_parallel>], iteration_bounds = array<i64: 2, 16>, scalar_prefetch = 0 : i64, scratch_operands = 28 : i64, tpu.core_type = #tpu.core_type<sc_vector_subcore>, window_params = [{transform_indices = #map}, {transform_indices = #map1}, {transform_indices = #map1}, {transform_indices = #map1}]} {
    %mul3A = arith.constant 2 : i32
    %mul3A_0 = arith.muli %arg1, %mul3A : i32
    %add3A = arith.addi %mul3A_0, %arg0 : i32
    %broadcast_in_dim3A = arith.constant 0.000000e+00 : f32
    %broadcast_in_dim3A_1 = vector.broadcast %broadcast_in_dim3A : f32 to vector<16xf32>
    %scan3A = arith.constant 0 : i32
    %scan3A_2 = arith.constant 0 : i32
    %scan3A_3 = arith.constant 640 : i32
    %scan3A_4 = arith.addi %scan3A_2, %scan3A_3 : i32
    %scan3A_5 = arith.constant 1 : i32
    scf.for %scan3A_102 = %scan3A_2 to %scan3A_4 step %scan3A_5  : i32 {
      %swap3A = arith.index_cast %scan3A_102 : i32 to index
      %swap3A_103 = arith.constant 0 : index
      %swap3A_104 = tpu.vector_load %arg16[%swap3A, %swap3A_103] {strides = array<i32>} : memref<640x16xf32, #tpu.memory_space<vmem>>, vector<16xf32>,
      tpu.vector_store %arg16[%swap3A, %swap3A_103], %broadcast_in_dim3A_1 {strides = array<i32>} : memref<640x16xf32, #tpu.memory_space<vmem>>, vector<16xf32>,
    }
    %scan3A_6 = arith.constant 640 : i32
    %mul3A_7 = arith.constant 640 : i32
    %mul3A_8 = arith.muli %arg1, %mul3A_7 : i32
    %add3A_9 = arith.constant 0 : i32
    %add3A_10 = arith.addi %mul3A_8, %add3A_9 : i32
    "tpu.region"() ({
      %run_scoped3A = tpu.sem_alloc : memref<!tpu.dma_semaphore, #tpu.memory_space<semaphore_mem>>
      %dma_start3A_102 = arith.constant 0 : i32
      %dma_start3A_103 = tpu.memref_slice %arg17[%add3A_10, %dma_start3A_102] : memref<10240x16xf32, #tpu.memory_space<vmem_shared>> -> memref<640x16xf32, #tpu.memory_space<vmem_shared>>
      %dma_start3A_104 = arith.constant 0 : i32
      %dma_start3A_105 = tpu.memref_slice %arg17[%add3A_10, %dma_start3A_104] : memref<10240x16xf32, #tpu.memory_space<vmem_shared>> -> memref<640x16xf32, #tpu.memory_space<vmem_shared>>
      tpu.enqueue_dma source(%arg16 : memref<640x16xf32, #tpu.memory_space<vmem>>) target(%dma_start3A_105 : memref<640x16xf32, #tpu.memory_space<vmem_shared>>) target_semaphore(%run_scoped3A : memref<!tpu.dma_semaphore, #tpu.memory_space<semaphore_mem>>)
      %dma_wait3A_106 = arith.constant 0 : i32
      %dma_wait3A_107 = tpu.memref_slice %arg17[%add3A_10, %dma_wait3A_106] : memref<10240x16xf32, #tpu.memory_space<vmem_shared>> -> memref<640x16xf32, #tpu.memory_space<vmem_shared>>
      %dma_wait3A_108 = arith.constant 0 : i32
      %dma_wait3A_109 = tpu.memref_slice %arg17[%add3A_10, %dma_wait3A_108] : memref<10240x16xf32, #tpu.memory_space<vmem_shared>> -> memref<640x16xf32, #tpu.memory_space<vmem_shared>>
      tpu.wait_dma2 semaphore(%run_scoped3A : memref<!tpu.dma_semaphore, #tpu.memory_space<semaphore_mem>>) src(%arg16 : memref<640x16xf32, #tpu.memory_space<vmem>>) dst(%dma_wait3A_109 : memref<640x16xf32, #tpu.memory_space<vmem_shared>>)
      tpu.yield
    }) : () -> ()
    "tpu.region"() ({
      %run_scoped3A = tpu.sem_alloc : memref<!tpu.dma_semaphore, #tpu.memory_space<semaphore_mem>>
      %dma_start3A_102 = arith.constant 0 : i32
      %dma_start3A_103 = arith.constant 0 : i32
      %dma_start3A_104 = tpu.memref_slice %arg3[%add3A, %dma_start3A_102, %dma_start3A_103] : memref<32x128x80xi32, #tpu.memory_space<hbm>> -> memref<1x128x80xi32, #tpu.memory_space<hbm>>
      %dma_start3A_105 = tpu.memref_squeeze %dma_start3A_104 : memref<1x128x80xi32, #tpu.memory_space<hbm>> -> memref<128x80xi32, #tpu.memory_space<hbm>>
      %dma_start3A_106 = arith.constant 0 : i32
      %dma_start3A_107 = arith.constant 0 : i32
      %dma_start3A_108 = tpu.memref_slice %arg3[%add3A, %dma_start3A_106, %dma_start3A_107] : memref<32x128x80xi32, #tpu.memory_space<hbm>> -> memref<1x128x80xi32, #tpu.memory_space<hbm>>
      %dma_start3A_109 = tpu.memref_squeeze %dma_start3A_108 : memref<1x128x80xi32, #tpu.memory_space<hbm>> -> memref<128x80xi32, #tpu.memory_space<hbm>>
      tpu.enqueue_dma source(%dma_start3A_109 : memref<128x80xi32, #tpu.memory_space<hbm>>) target(%arg6 : memref<128x80xi32, #tpu.memory_space<vmem>>) target_semaphore(%run_scoped3A : memref<!tpu.dma_semaphore, #tpu.memory_space<semaphore_mem>>)
      %dma_wait3A_110 = arith.constant 0 : i32
      %dma_wait3A_111 = arith.constant 0 : i32
      %dma_wait3A_112 = tpu.memref_slice %arg3[%add3A, %dma_wait3A_110, %dma_wait3A_111] : memref<32x128x80xi32, #tpu.memory_space<hbm>> -> memref<1x128x80xi32, #tpu.memory_space<hbm>>
      %dma_wait3A_113 = tpu.memref_squeeze %dma_wait3A_112 : memref<1x128x80xi32, #tpu.memory_space<hbm>> -> memref<128x80xi32, #tpu.memory_space<hbm>>
      %dma_wait3A_114 = arith.constant 0 : i32
      %dma_wait3A_115 = arith.constant 0 : i32
      %dma_wait3A_116 = tpu.memref_slice %arg3[%add3A, %dma_wait3A_114, %dma_wait3A_115] : memref<32x128x80xi32, #tpu.memory_space<hbm>> -> memref<1x128x80xi32, #tpu.memory_space<hbm>>
      %dma_wait3A_117 = tpu.memref_squeeze %dma_wait3A_116 : memref<1x128x80xi32, #tpu.memory_space<hbm>> -> memref<128x80xi32, #tpu.memory_space<hbm>>
      tpu.wait_dma2 semaphore(%run_scoped3A : memref<!tpu.dma_semaphore, #tpu.memory_space<semaphore_mem>>) src(%dma_wait3A_117 : memref<128x80xi32, #tpu.memory_space<hbm>>) dst(%arg6 : memref<128x80xi32, #tpu.memory_space<vmem>>)
      tpu.yield
    }) : () -> ()
    "tpu.region"() ({
      %run_scoped3A = tpu.sem_alloc : memref<!tpu.dma_semaphore, #tpu.memory_space<semaphore_mem>>
      %dma_start3A_102 = arith.constant 0 : i32
      %dma_start3A_103 = arith.constant 0 : i32
      %dma_start3A_104 = tpu.memref_slice %arg4[%add3A, %dma_start3A_102, %dma_start3A_103] : memref<32x128x80xi32, #tpu.memory_space<hbm>> -> memref<1x128x80xi32, #tpu.memory_space<hbm>>
      %dma_start3A_105 = tpu.memref_squeeze %dma_start3A_104 : memref<1x128x80xi32, #tpu.memory_space<hbm>> -> memref<128x80xi32, #tpu.memory_space<hbm>>
      %dma_start3A_106 = arith.constant 0 : i32
      %dma_start3A_107 = arith.constant 0 : i32
      %dma_start3A_108 = tpu.memref_slice %arg4[%add3A, %dma_start3A_106, %dma_start3A_107] : memref<32x128x80xi32, #tpu.memory_space<hbm>> -> memref<1x128x80xi32, #tpu.memory_space<hbm>>
      %dma_start3A_109 = tpu.memref_squeeze %dma_start3A_108 : memref<1x128x80xi32, #tpu.memory_space<hbm>> -> memref<128x80xi32, #tpu.memory_space<hbm>>
      tpu.enqueue_dma source(%dma_start3A_109 : memref<128x80xi32, #tpu.memory_space<hbm>>) target(%arg7 : memref<128x80xi32, #tpu.memory_space<vmem>>) target_semaphore(%run_scoped3A : memref<!tpu.dma_semaphore, #tpu.memory_space<semaphore_mem>>)
      %dma_wait3A_110 = arith.constant 0 : i32
      %dma_wait3A_111 = arith.constant 0 : i32
      %dma_wait3A_112 = tpu.memref_slice %arg4[%add3A, %dma_wait3A_110, %dma_wait3A_111] : memref<32x128x80xi32, #tpu.memory_space<hbm>> -> memref<1x128x80xi32, #tpu.memory_space<hbm>>
      %dma_wait3A_113 = tpu.memref_squeeze %dma_wait3A_112 : memref<1x128x80xi32, #tpu.memory_space<hbm>> -> memref<128x80xi32, #tpu.memory_space<hbm>>
      %dma_wait3A_114 = arith.constant 0 : i32
      %dma_wait3A_115 = arith.constant 0 : i32
      %dma_wait3A_116 = tpu.memref_slice %arg4[%add3A, %dma_wait3A_114, %dma_wait3A_115] : memref<32x128x80xi32, #tpu.memory_space<hbm>> -> memref<1x128x80xi32, #tpu.memory_space<hbm>>
      %dma_wait3A_117 = tpu.memref_squeeze %dma_wait3A_116 : memref<1x128x80xi32, #tpu.memory_space<hbm>> -> memref<128x80xi32, #tpu.memory_space<hbm>>
      tpu.wait_dma2 semaphore(%run_scoped3A : memref<!tpu.dma_semaphore, #tpu.memory_space<semaphore_mem>>) src(%dma_wait3A_117 : memref<128x80xi32, #tpu.memory_space<hbm>>) dst(%arg7 : memref<128x80xi32, #tpu.memory_space<vmem>>)
      tpu.yield
    }) : () -> ()
    %barrier3A = arith.constant 0 : index
    tpu.barrier barrier_id(%barrier3A)
    %dma_start3A = arith.constant 0 : i32
    %dma_start3A_11 = arith.constant 0 : i32
    %dma_start3A_12 = tpu.memref_slice %arg6[%dma_start3A, %dma_start3A_11] : memref<128x80xi32, #tpu.memory_space<vmem>> -> memref<1x80xi32, #tpu.memory_space<vmem>>
    %dma_start3A_13 = tpu.memref_squeeze %dma_start3A_12 : memref<1x80xi32, #tpu.memory_space<vmem>> -> memref<80xi32, #tpu.memory_space<vmem>>
    %dma_start3A_14 = arith.constant 0 : i32
    %dma_start3A_15 = arith.constant 0 : i32
    %dma_start3A_16 = tpu.memref_slice %arg2[%dma_start3A_14, %dma_start3A_15] : memref<10240x16xf32, #tpu.memory_space<hbm>> -> memref<10240x16xf32, #tpu.memory_space<hbm>>
    tpu.enqueue_indirect_dma source(%dma_start3A_16 : memref<10240x16xf32, #tpu.memory_space<hbm>>) target(%arg8 : memref<80x16xf32, #tpu.memory_space<vmem>>) offsets(%dma_start3A_13 : memref<80xi32, #tpu.memory_space<vmem>>) semaphore(%arg18 : memref<!tpu.dma_semaphore, #tpu.memory_space<semaphore_mem>>)
    %dma_start3A_17 = arith.constant 1 : i32
    %dma_start3A_18 = arith.constant 0 : i32
    %dma_start3A_19 = tpu.memref_slice %arg6[%dma_start3A_17, %dma_start3A_18] : memref<128x80xi32, #tpu.memory_space<vmem>> -> memref<1x80xi32, #tpu.memory_space<vmem>>
    %dma_start3A_20 = tpu.memref_squeeze %dma_start3A_19 : memref<1x80xi32, #tpu.memory_space<vmem>> -> memref<80xi32, #tpu.memory_space<vmem>>
    %dma_start3A_21 = arith.constant 0 : i32
    %dma_start3A_22 = arith.constant 0 : i32
    %dma_start3A_23 = tpu.memref_slice %arg2[%dma_start3A_21, %dma_start3A_22] : memref<10240x16xf32, #tpu.memory_space<hbm>> -> memref<10240x16xf32, #tpu.memory_space<hbm>>
    tpu.enqueue_indirect_dma source(%dma_start3A_23 : memref<10240x16xf32, #tpu.memory_space<hbm>>) target(%arg9 : memref<80x16xf32, #tpu.memory_space<vmem>>) offsets(%dma_start3A_20 : memref<80xi32, #tpu.memory_space<vmem>>) semaphore(%arg19 : memref<!tpu.dma_semaphore, #tpu.memory_space<semaphore_mem>>)
    %dma_start3A_24 = arith.constant 2 : i32
    %dma_start3A_25 = arith.constant 0 : i32
    %dma_start3A_26 = tpu.memref_slice %arg6[%dma_start3A_24, %dma_start3A_25] : memref<128x80xi32, #tpu.memory_space<vmem>> -> memref<1x80xi32, #tpu.memory_space<vmem>>
    %dma_start3A_27 = tpu.memref_squeeze %dma_start3A_26 : memref<1x80xi32, #tpu.memory_space<vmem>> -> memref<80xi32, #tpu.memory_space<vmem>>
    %dma_start3A_28 = arith.constant 0 : i32
    %dma_start3A_29 = arith.constant 0 : i32
    %dma_start3A_30 = tpu.memref_slice %arg2[%dma_start3A_28, %dma_start3A_29] : memref<10240x16xf32, #tpu.memory_space<hbm>> -> memref<10240x16xf32, #tpu.memory_space<hbm>>
    tpu.enqueue_indirect_dma source(%dma_start3A_30 : memref<10240x16xf32, #tpu.memory_space<hbm>>) target(%arg10 : memref<80x16xf32, #tpu.memory_space<vmem>>) offsets(%dma_start3A_27 : memref<80xi32, #tpu.memory_space<vmem>>) semaphore(%arg20 : memref<!tpu.dma_semaphore, #tpu.memory_space<semaphore_mem>>)
    %dma_start3A_31 = arith.constant 3 : i32
    %dma_start3A_32 = arith.constant 0 : i32
    %dma_start3A_33 = tpu.memref_slice %arg6[%dma_start3A_31, %dma_start3A_32] : memref<128x80xi32, #tpu.memory_space<vmem>> -> memref<1x80xi32, #tpu.memory_space<vmem>>
    %dma_start3A_34 = tpu.memref_squeeze %dma_start3A_33 : memref<1x80xi32, #tpu.memory_space<vmem>> -> memref<80xi32, #tpu.memory_space<vmem>>
    %dma_start3A_35 = arith.constant 0 : i32
    %dma_start3A_36 = arith.constant 0 : i32
    %dma_start3A_37 = tpu.memref_slice %arg2[%dma_start3A_35, %dma_start3A_36] : memref<10240x16xf32, #tpu.memory_space<hbm>> -> memref<10240x16xf32, #tpu.memory_space<hbm>>
    tpu.enqueue_indirect_dma source(%dma_start3A_37 : memref<10240x16xf32, #tpu.memory_space<hbm>>) target(%arg11 : memref<80x16xf32, #tpu.memory_space<vmem>>) offsets(%dma_start3A_34 : memref<80xi32, #tpu.memory_space<vmem>>) semaphore(%arg21 : memref<!tpu.dma_semaphore, #tpu.memory_space<semaphore_mem>>)
    %scan3A_38 = arith.constant 0 : i32
    %scan3A_39 = arith.constant 0 : i32
    %scan3A_40 = arith.constant 16 : i32
    %scan3A_41 = arith.addi %scan3A_39, %scan3A_40 : i32
    %scan3A_42 = arith.constant 1 : i32
    scf.for %scan3A_102 = %scan3A_39 to %scan3A_41 step %scan3A_42  : i32 {
      %mul3A_103 = arith.constant 8 : i32
      %mul3A_104 = arith.muli %scan3A_102, %mul3A_103 : i32
      %add3A_105 = arith.constant 0 : i32
      %add3A_106 = arith.addi %mul3A_104, %add3A_105 : i32
      %dma_wait3A_107 = arith.constant 0 : i32
      %dma_wait3A_108 = tpu.memref_slice %arg6[%add3A_106, %dma_wait3A_107] : memref<128x80xi32, #tpu.memory_space<vmem>> -> memref<1x80xi32, #tpu.memory_space<vmem>>
      %dma_wait3A_109 = tpu.memref_squeeze %dma_wait3A_108 : memref<1x80xi32, #tpu.memory_space<vmem>> -> memref<80xi32, #tpu.memory_space<vmem>>
      %dma_wait3A_110 = arith.constant 0 : i32
      %dma_wait3A_111 = arith.constant 0 : i32
      %dma_wait3A_112 = tpu.memref_slice %arg2[%dma_wait3A_110, %dma_wait3A_111] : memref<10240x16xf32, #tpu.memory_space<hbm>> -> memref<10240x16xf32, #tpu.memory_space<hbm>>
      tpu.wait_indirect_dma semaphore(%arg18 : memref<!tpu.dma_semaphore, #tpu.memory_space<semaphore_mem>>) src(%dma_wait3A_112 : memref<10240x16xf32, #tpu.memory_space<hbm>>) dst(%arg8 : memref<80x16xf32, #tpu.memory_space<vmem>>)
      %dma_start3A_113 = arith.constant 0 : i32
      %dma_start3A_114 = tpu.memref_slice %arg7[%add3A_106, %dma_start3A_113] : memref<128x80xi32, #tpu.memory_space<vmem>> -> memref<1x80xi32, #tpu.memory_space<vmem>>
      %dma_start3A_115 = tpu.memref_squeeze %dma_start3A_114 : memref<1x80xi32, #tpu.memory_space<vmem>> -> memref<80xi32, #tpu.memory_space<vmem>>
      %dma_start3A_116 = arith.constant 0 : i32
      %dma_start3A_117 = arith.constant 0 : i32
      %dma_start3A_118 = tpu.memref_slice %arg17[%dma_start3A_116, %dma_start3A_117] : memref<10240x16xf32, #tpu.memory_space<vmem_shared>> -> memref<10240x16xf32, #tpu.memory_space<vmem_shared>>
      tpu.enqueue_indirect_dma source(%arg8 : memref<80x16xf32, #tpu.memory_space<vmem>>) target(%dma_start3A_118 : memref<10240x16xf32, #tpu.memory_space<vmem_shared>>) offsets(%dma_start3A_115 : memref<80xi32, #tpu.memory_space<vmem>>) semaphore(%arg26 : memref<!tpu.dma_semaphore, #tpu.memory_space<semaphore_mem>>) {add = true}
      %add3A_119 = arith.constant 4 : i32
      %add3A_120 = arith.addi %add3A_106, %add3A_119 : i32
      %lt3A = arith.constant 128 : i32
      %lt3A_121 = arith.cmpi slt, %add3A_120, %lt3A : i32
      %convert_element_type3A = arith.extui %lt3A_121 : i1 to i32
      %cond3A = arith.constant 0 : i32
      %cond3A_122 = arith.cmpi ne, %convert_element_type3A, %cond3A : i32
      scf.if %cond3A_122 {
        %ge3A = arith.constant 8 : i32
        %ge3A_270 = arith.cmpi sge, %add3A_120, %ge3A : i32
        %convert_element_type3A_271 = arith.extui %ge3A_270 : i1 to i32
        %cond3A_272 = arith.constant 0 : i32
        %cond3A_273 = arith.cmpi ne, %convert_element_type3A_271, %cond3A_272 : i32
        scf.if %cond3A_273 {
          %sub3A = arith.constant 8 : i32
          %sub3A_280 = arith.subi %add3A_120, %sub3A : i32
          %dma_wait3A_281 = arith.constant 0 : i32
          %dma_wait3A_282 = tpu.memref_slice %arg7[%sub3A_280, %dma_wait3A_281] : memref<128x80xi32, #tpu.memory_space<vmem>> -> memref<1x80xi32, #tpu.memory_space<vmem>>
          %dma_wait3A_283 = tpu.memref_squeeze %dma_wait3A_282 : memref<1x80xi32, #tpu.memory_space<vmem>> -> memref<80xi32, #tpu.memory_space<vmem>>
          %dma_wait3A_284 = arith.constant 0 : i32
          %dma_wait3A_285 = arith.constant 0 : i32
          %dma_wait3A_286 = tpu.memref_slice %arg17[%dma_wait3A_284, %dma_wait3A_285] : memref<10240x16xf32, #tpu.memory_space<vmem_shared>> -> memref<10240x16xf32, #tpu.memory_space<vmem_shared>>
          tpu.wait_indirect_dma semaphore(%arg30 : memref<!tpu.dma_semaphore, #tpu.memory_space<semaphore_mem>>) src(%arg12 : memref<80x16xf32, #tpu.memory_space<vmem>>) dst(%dma_wait3A_286 : memref<10240x16xf32, #tpu.memory_space<vmem_shared>>)
        } else {
        }
        %dma_start3A_274 = arith.constant 0 : i32
        %dma_start3A_275 = tpu.memref_slice %arg6[%add3A_120, %dma_start3A_274] : memref<128x80xi32, #tpu.memory_space<vmem>> -> memref<1x80xi32, #tpu.memory_space<vmem>>
        %dma_start3A_276 = tpu.memref_squeeze %dma_start3A_275 : memref<1x80xi32, #tpu.memory_space<vmem>> -> memref<80xi32, #tpu.memory_space<vmem>>
        %dma_start3A_277 = arith.constant 0 : i32
        %dma_start3A_278 = arith.constant 0 : i32
        %dma_start3A_279 = tpu.memref_slice %arg2[%dma_start3A_277, %dma_start3A_278] : memref<10240x16xf32, #tpu.memory_space<hbm>> -> memref<10240x16xf32, #tpu.memory_space<hbm>>
        tpu.enqueue_indirect_dma source(%dma_start3A_279 : memref<10240x16xf32, #tpu.memory_space<hbm>>) target(%arg12 : memref<80x16xf32, #tpu.memory_space<vmem>>) offsets(%dma_start3A_276 : memref<80xi32, #tpu.memory_space<vmem>>) semaphore(%arg22 : memref<!tpu.dma_semaphore, #tpu.memory_space<semaphore_mem>>)
      } else {
      }
      %add3A_123 = arith.constant 1 : i32
      %add3A_124 = arith.addi %mul3A_104, %add3A_123 : i32
      %dma_wait3A_125 = arith.constant 0 : i32
      %dma_wait3A_126 = tpu.memref_slice %arg6[%add3A_124, %dma_wait3A_125] : memref<128x80xi32, #tpu.memory_space<vmem>> -> memref<1x80xi32, #tpu.memory_space<vmem>>
      %dma_wait3A_127 = tpu.memref_squeeze %dma_wait3A_126 : memref<1x80xi32, #tpu.memory_space<vmem>> -> memref<80xi32, #tpu.memory_space<vmem>>
      %dma_wait3A_128 = arith.constant 0 : i32
      %dma_wait3A_129 = arith.constant 0 : i32
      %dma_wait3A_130 = tpu.memref_slice %arg2[%dma_wait3A_128, %dma_wait3A_129] : memref<10240x16xf32, #tpu.memory_space<hbm>> -> memref<10240x16xf32, #tpu.memory_space<hbm>>
      tpu.wait_indirect_dma semaphore(%arg19 : memref<!tpu.dma_semaphore, #tpu.memory_space<semaphore_mem>>) src(%dma_wait3A_130 : memref<10240x16xf32, #tpu.memory_space<hbm>>) dst(%arg9 : memref<80x16xf32, #tpu.memory_space<vmem>>)
      %dma_start3A_131 = arith.constant 0 : i32
      %dma_start3A_132 = tpu.memref_slice %arg7[%add3A_124, %dma_start3A_131] : memref<128x80xi32, #tpu.memory_space<vmem>> -> memref<1x80xi32, #tpu.memory_space<vmem>>
      %dma_start3A_133 = tpu.memref_squeeze %dma_start3A_132 : memref<1x80xi32, #tpu.memory_space<vmem>> -> memref<80xi32, #tpu.memory_space<vmem>>
      %dma_start3A_134 = arith.constant 0 : i32
      %dma_start3A_135 = arith.constant 0 : i32
      %dma_start3A_136 = tpu.memref_slice %arg17[%dma_start3A_134, %dma_start3A_135] : memref<10240x16xf32, #tpu.memory_space<vmem_shared>> -> memref<10240x16xf32, #tpu.memory_space<vmem_shared>>
      tpu.enqueue_indirect_dma source(%arg9 : memref<80x16xf32, #tpu.memory_space<vmem>>) target(%dma_start3A_136 : memref<10240x16xf32, #tpu.memory_space<vmem_shared>>) offsets(%dma_start3A_133 : memref<80xi32, #tpu.memory_space<vmem>>) semaphore(%arg27 : memref<!tpu.dma_semaphore, #tpu.memory_space<semaphore_mem>>) {add = true}
      %add3A_137 = arith.constant 4 : i32
      %add3A_138 = arith.addi %add3A_124, %add3A_137 : i32
      %lt3A_139 = arith.constant 128 : i32
      %lt3A_140 = arith.cmpi slt, %add3A_138, %lt3A_139 : i32
      %convert_element_type3A_141 = arith.extui %lt3A_140 : i1 to i32
      %cond3A_142 = arith.constant 0 : i32
      %cond3A_143 = arith.cmpi ne, %convert_element_type3A_141, %cond3A_142 : i32
      scf.if %cond3A_143 {
        %ge3A = arith.constant 8 : i32
        %ge3A_270 = arith.cmpi sge, %add3A_138, %ge3A : i32
        %convert_element_type3A_271 = arith.extui %ge3A_270 : i1 to i32
        %cond3A_272 = arith.constant 0 : i32
        %cond3A_273 = arith.cmpi ne, %convert_element_type3A_271, %cond3A_272 : i32
        scf.if %cond3A_273 {
          %sub3A = arith.constant 8 : i32
          %sub3A_280 = arith.subi %add3A_138, %sub3A : i32
          %dma_wait3A_281 = arith.constant 0 : i32
          %dma_wait3A_282 = tpu.memref_slice %arg7[%sub3A_280, %dma_wait3A_281] : memref<128x80xi32, #tpu.memory_space<vmem>> -> memref<1x80xi32, #tpu.memory_space<vmem>>
          %dma_wait3A_283 = tpu.memref_squeeze %dma_wait3A_282 : memref<1x80xi32, #tpu.memory_space<vmem>> -> memref<80xi32, #tpu.memory_space<vmem>>
          %dma_wait3A_284 = arith.constant 0 : i32
          %dma_wait3A_285 = arith.constant 0 : i32
          %dma_wait3A_286 = tpu.memref_slice %arg17[%dma_wait3A_284, %dma_wait3A_285] : memref<10240x16xf32, #tpu.memory_space<vmem_shared>> -> memref<10240x16xf32, #tpu.memory_space<vmem_shared>>
          tpu.wait_indirect_dma semaphore(%arg31 : memref<!tpu.dma_semaphore, #tpu.memory_space<semaphore_mem>>) src(%arg13 : memref<80x16xf32, #tpu.memory_space<vmem>>) dst(%dma_wait3A_286 : memref<10240x16xf32, #tpu.memory_space<vmem_shared>>)
        } else {
        }
        %dma_start3A_274 = arith.constant 0 : i32
        %dma_start3A_275 = tpu.memref_slice %arg6[%add3A_138, %dma_start3A_274] : memref<128x80xi32, #tpu.memory_space<vmem>> -> memref<1x80xi32, #tpu.memory_space<vmem>>
        %dma_start3A_276 = tpu.memref_squeeze %dma_start3A_275 : memref<1x80xi32, #tpu.memory_space<vmem>> -> memref<80xi32, #tpu.memory_space<vmem>>
        %dma_start3A_277 = arith.constant 0 : i32
        %dma_start3A_278 = arith.constant 0 : i32
        %dma_start3A_279 = tpu.memref_slice %arg2[%dma_start3A_277, %dma_start3A_278] : memref<10240x16xf32, #tpu.memory_space<hbm>> -> memref<10240x16xf32, #tpu.memory_space<hbm>>
        tpu.enqueue_indirect_dma source(%dma_start3A_279 : memref<10240x16xf32, #tpu.memory_space<hbm>>) target(%arg13 : memref<80x16xf32, #tpu.memory_space<vmem>>) offsets(%dma_start3A_276 : memref<80xi32, #tpu.memory_space<vmem>>) semaphore(%arg23 : memref<!tpu.dma_semaphore, #tpu.memory_space<semaphore_mem>>)
      } else {
      }
      %add3A_144 = arith.constant 2 : i32
      %add3A_145 = arith.addi %mul3A_104, %add3A_144 : i32
      %dma_wait3A_146 = arith.constant 0 : i32
      %dma_wait3A_147 = tpu.memref_slice %arg6[%add3A_145, %dma_wait3A_146] : memref<128x80xi32, #tpu.memory_space<vmem>> -> memref<1x80xi32, #tpu.memory_space<vmem>>
      %dma_wait3A_148 = tpu.memref_squeeze %dma_wait3A_147 : memref<1x80xi32, #tpu.memory_space<vmem>> -> memref<80xi32, #tpu.memory_space<vmem>>
      %dma_wait3A_149 = arith.constant 0 : i32
      %dma_wait3A_150 = arith.constant 0 : i32
      %dma_wait3A_151 = tpu.memref_slice %arg2[%dma_wait3A_149, %dma_wait3A_150] : memref<10240x16xf32, #tpu.memory_space<hbm>> -> memref<10240x16xf32, #tpu.memory_space<hbm>>
      tpu.wait_indirect_dma semaphore(%arg20 : memref<!tpu.dma_semaphore, #tpu.memory_space<semaphore_mem>>) src(%dma_wait3A_151 : memref<10240x16xf32, #tpu.memory_space<hbm>>) dst(%arg10 : memref<80x16xf32, #tpu.memory_space<vmem>>)
      %dma_start3A_152 = arith.constant 0 : i32
      %dma_start3A_153 = tpu.memref_slice %arg7[%add3A_145, %dma_start3A_152] : memref<128x80xi32, #tpu.memory_space<vmem>> -> memref<1x80xi32, #tpu.memory_space<vmem>>
      %dma_start3A_154 = tpu.memref_squeeze %dma_start3A_153 : memref<1x80xi32, #tpu.memory_space<vmem>> -> memref<80xi32, #tpu.memory_space<vmem>>
      %dma_start3A_155 = arith.constant 0 : i32
      %dma_start3A_156 = arith.constant 0 : i32
      %dma_start3A_157 = tpu.memref_slice %arg17[%dma_start3A_155, %dma_start3A_156] : memref<10240x16xf32, #tpu.memory_space<vmem_shared>> -> memref<10240x16xf32, #tpu.memory_space<vmem_shared>>
      tpu.enqueue_indirect_dma source(%arg10 : memref<80x16xf32, #tpu.memory_space<vmem>>) target(%dma_start3A_157 : memref<10240x16xf32, #tpu.memory_space<vmem_shared>>) offsets(%dma_start3A_154 : memref<80xi32, #tpu.memory_space<vmem>>) semaphore(%arg28 : memref<!tpu.dma_semaphore, #tpu.memory_space<semaphore_mem>>) {add = true}
      %add3A_158 = arith.constant 4 : i32
      %add3A_159 = arith.addi %add3A_145, %add3A_158 : i32
      %lt3A_160 = arith.constant 128 : i32
      %lt3A_161 = arith.cmpi slt, %add3A_159, %lt3A_160 : i32
      %convert_element_type3A_162 = arith.extui %lt3A_161 : i1 to i32
      %cond3A_163 = arith.constant 0 : i32
      %cond3A_164 = arith.cmpi ne, %convert_element_type3A_162, %cond3A_163 : i32
      scf.if %cond3A_164 {
        %ge3A = arith.constant 8 : i32
        %ge3A_270 = arith.cmpi sge, %add3A_159, %ge3A : i32
        %convert_element_type3A_271 = arith.extui %ge3A_270 : i1 to i32
        %cond3A_272 = arith.constant 0 : i32
        %cond3A_273 = arith.cmpi ne, %convert_element_type3A_271, %cond3A_272 : i32
        scf.if %cond3A_273 {
          %sub3A = arith.constant 8 : i32
          %sub3A_280 = arith.subi %add3A_159, %sub3A : i32
          %dma_wait3A_281 = arith.constant 0 : i32
          %dma_wait3A_282 = tpu.memref_slice %arg7[%sub3A_280, %dma_wait3A_281] : memref<128x80xi32, #tpu.memory_space<vmem>> -> memref<1x80xi32, #tpu.memory_space<vmem>>
          %dma_wait3A_283 = tpu.memref_squeeze %dma_wait3A_282 : memref<1x80xi32, #tpu.memory_space<vmem>> -> memref<80xi32, #tpu.memory_space<vmem>>
          %dma_wait3A_284 = arith.constant 0 : i32
          %dma_wait3A_285 = arith.constant 0 : i32
          %dma_wait3A_286 = tpu.memref_slice %arg17[%dma_wait3A_284, %dma_wait3A_285] : memref<10240x16xf32, #tpu.memory_space<vmem_shared>> -> memref<10240x16xf32, #tpu.memory_space<vmem_shared>>
          tpu.wait_indirect_dma semaphore(%arg32 : memref<!tpu.dma_semaphore, #tpu.memory_space<semaphore_mem>>) src(%arg14 : memref<80x16xf32, #tpu.memory_space<vmem>>) dst(%dma_wait3A_286 : memref<10240x16xf32, #tpu.memory_space<vmem_shared>>)
        } else {
        }
        %dma_start3A_274 = arith.constant 0 : i32
        %dma_start3A_275 = tpu.memref_slice %arg6[%add3A_159, %dma_start3A_274] : memref<128x80xi32, #tpu.memory_space<vmem>> -> memref<1x80xi32, #tpu.memory_space<vmem>>
        %dma_start3A_276 = tpu.memref_squeeze %dma_start3A_275 : memref<1x80xi32, #tpu.memory_space<vmem>> -> memref<80xi32, #tpu.memory_space<vmem>>
        %dma_start3A_277 = arith.constant 0 : i32
        %dma_start3A_278 = arith.constant 0 : i32
        %dma_start3A_279 = tpu.memref_slice %arg2[%dma_start3A_277, %dma_start3A_278] : memref<10240x16xf32, #tpu.memory_space<hbm>> -> memref<10240x16xf32, #tpu.memory_space<hbm>>
        tpu.enqueue_indirect_dma source(%dma_start3A_279 : memref<10240x16xf32, #tpu.memory_space<hbm>>) target(%arg14 : memref<80x16xf32, #tpu.memory_space<vmem>>) offsets(%dma_start3A_276 : memref<80xi32, #tpu.memory_space<vmem>>) semaphore(%arg24 : memref<!tpu.dma_semaphore, #tpu.memory_space<semaphore_mem>>)
      } else {
      }
      %add3A_165 = arith.constant 3 : i32
      %add3A_166 = arith.addi %mul3A_104, %add3A_165 : i32
      %dma_wait3A_167 = arith.constant 0 : i32
      %dma_wait3A_168 = tpu.memref_slice %arg6[%add3A_166, %dma_wait3A_167] : memref<128x80xi32, #tpu.memory_space<vmem>> -> memref<1x80xi32, #tpu.memory_space<vmem>>
      %dma_wait3A_169 = tpu.memref_squeeze %dma_wait3A_168 : memref<1x80xi32, #tpu.memory_space<vmem>> -> memref<80xi32, #tpu.memory_space<vmem>>
      %dma_wait3A_170 = arith.constant 0 : i32
      %dma_wait3A_171 = arith.constant 0 : i32
      %dma_wait3A_172 = tpu.memref_slice %arg2[%dma_wait3A_170, %dma_wait3A_171] : memref<10240x16xf32, #tpu.memory_space<hbm>> -> memref<10240x16xf32, #tpu.memory_space<hbm>>
      tpu.wait_indirect_dma semaphore(%arg21 : memref<!tpu.dma_semaphore, #tpu.memory_space<semaphore_mem>>) src(%dma_wait3A_172 : memref<10240x16xf32, #tpu.memory_space<hbm>>) dst(%arg11 : memref<80x16xf32, #tpu.memory_space<vmem>>)
      %dma_start3A_173 = arith.constant 0 : i32
      %dma_start3A_174 = tpu.memref_slice %arg7[%add3A_166, %dma_start3A_173] : memref<128x80xi32, #tpu.memory_space<vmem>> -> memref<1x80xi32, #tpu.memory_space<vmem>>
      %dma_start3A_175 = tpu.memref_squeeze %dma_start3A_174 : memref<1x80xi32, #tpu.memory_space<vmem>> -> memref<80xi32, #tpu.memory_space<vmem>>
      %dma_start3A_176 = arith.constant 0 : i32
      %dma_start3A_177 = arith.constant 0 : i32
      %dma_start3A_178 = tpu.memref_slice %arg17[%dma_start3A_176, %dma_start3A_177] : memref<10240x16xf32, #tpu.memory_space<vmem_shared>> -> memref<10240x16xf32, #tpu.memory_space<vmem_shared>>
      tpu.enqueue_indirect_dma source(%arg11 : memref<80x16xf32, #tpu.memory_space<vmem>>) target(%dma_start3A_178 : memref<10240x16xf32, #tpu.memory_space<vmem_shared>>) offsets(%dma_start3A_175 : memref<80xi32, #tpu.memory_space<vmem>>) semaphore(%arg29 : memref<!tpu.dma_semaphore, #tpu.memory_space<semaphore_mem>>) {add = true}
      %add3A_179 = arith.constant 4 : i32
      %add3A_180 = arith.addi %add3A_166, %add3A_179 : i32
      %lt3A_181 = arith.constant 128 : i32
      %lt3A_182 = arith.cmpi slt, %add3A_180, %lt3A_181 : i32
      %convert_element_type3A_183 = arith.extui %lt3A_182 : i1 to i32
      %cond3A_184 = arith.constant 0 : i32
      %cond3A_185 = arith.cmpi ne, %convert_element_type3A_183, %cond3A_184 : i32
      scf.if %cond3A_185 {
        %ge3A = arith.constant 8 : i32
        %ge3A_270 = arith.cmpi sge, %add3A_180, %ge3A : i32
        %convert_element_type3A_271 = arith.extui %ge3A_270 : i1 to i32
        %cond3A_272 = arith.constant 0 : i32
        %cond3A_273 = arith.cmpi ne, %convert_element_type3A_271, %cond3A_272 : i32
        scf.if %cond3A_273 {
          %sub3A = arith.constant 8 : i32
          %sub3A_280 = arith.subi %add3A_180, %sub3A : i32
          %dma_wait3A_281 = arith.constant 0 : i32
          %dma_wait3A_282 = tpu.memref_slice %arg7[%sub3A_280, %dma_wait3A_281] : memref<128x80xi32, #tpu.memory_space<vmem>> -> memref<1x80xi32, #tpu.memory_space<vmem>>
          %dma_wait3A_283 = tpu.memref_squeeze %dma_wait3A_282 : memref<1x80xi32, #tpu.memory_space<vmem>> -> memref<80xi32, #tpu.memory_space<vmem>>
          %dma_wait3A_284 = arith.constant 0 : i32
          %dma_wait3A_285 = arith.constant 0 : i32
          %dma_wait3A_286 = tpu.memref_slice %arg17[%dma_wait3A_284, %dma_wait3A_285] : memref<10240x16xf32, #tpu.memory_space<vmem_shared>> -> memref<10240x16xf32, #tpu.memory_space<vmem_shared>>
          tpu.wait_indirect_dma semaphore(%arg33 : memref<!tpu.dma_semaphore, #tpu.memory_space<semaphore_mem>>) src(%arg15 : memref<80x16xf32, #tpu.memory_space<vmem>>) dst(%dma_wait3A_286 : memref<10240x16xf32, #tpu.memory_space<vmem_shared>>)
        } else {
        }
        %dma_start3A_274 = arith.constant 0 : i32
        %dma_start3A_275 = tpu.memref_slice %arg6[%add3A_180, %dma_start3A_274] : memref<128x80xi32, #tpu.memory_space<vmem>> -> memref<1x80xi32, #tpu.memory_space<vmem>>
        %dma_start3A_276 = tpu.memref_squeeze %dma_start3A_275 : memref<1x80xi32, #tpu.memory_space<vmem>> -> memref<80xi32, #tpu.memory_space<vmem>>
        %dma_start3A_277 = arith.constant 0 : i32
        %dma_start3A_278 = arith.constant 0 : i32
        %dma_start3A_279 = tpu.memref_slice %arg2[%dma_start3A_277, %dma_start3A_278] : memref<10240x16xf32, #tpu.memory_space<hbm>> -> memref<10240x16xf32, #tpu.memory_space<hbm>>
        tpu.enqueue_indirect_dma source(%dma_start3A_279 : memref<10240x16xf32, #tpu.memory_space<hbm>>) target(%arg15 : memref<80x16xf32, #tpu.memory_space<vmem>>) offsets(%dma_start3A_276 : memref<80xi32, #tpu.memory_space<vmem>>) semaphore(%arg25 : memref<!tpu.dma_semaphore, #tpu.memory_space<semaphore_mem>>)
      } else {
      }
      %add3A_186 = arith.constant 4 : i32
      %add3A_187 = arith.addi %mul3A_104, %add3A_186 : i32
      %dma_wait3A_188 = arith.constant 0 : i32
      %dma_wait3A_189 = tpu.memref_slice %arg6[%add3A_187, %dma_wait3A_188] : memref<128x80xi32, #tpu.memory_space<vmem>> -> memref<1x80xi32, #tpu.memory_space<vmem>>
      %dma_wait3A_190 = tpu.memref_squeeze %dma_wait3A_189 : memref<1x80xi32, #tpu.memory_space<vmem>> -> memref<80xi32, #tpu.memory_space<vmem>>
      %dma_wait3A_191 = arith.constant 0 : i32
      %dma_wait3A_192 = arith.constant 0 : i32
      %dma_wait3A_193 = tpu.memref_slice %arg2[%dma_wait3A_191, %dma_wait3A_192] : memref<10240x16xf32, #tpu.memory_space<hbm>> -> memref<10240x16xf32, #tpu.memory_space<hbm>>
      tpu.wait_indirect_dma semaphore(%arg22 : memref<!tpu.dma_semaphore, #tpu.memory_space<semaphore_mem>>) src(%dma_wait3A_193 : memref<10240x16xf32, #tpu.memory_space<hbm>>) dst(%arg12 : memref<80x16xf32, #tpu.memory_space<vmem>>)
      %dma_start3A_194 = arith.constant 0 : i32
      %dma_start3A_195 = tpu.memref_slice %arg7[%add3A_187, %dma_start3A_194] : memref<128x80xi32, #tpu.memory_space<vmem>> -> memref<1x80xi32, #tpu.memory_space<vmem>>
      %dma_start3A_196 = tpu.memref_squeeze %dma_start3A_195 : memref<1x80xi32, #tpu.memory_space<vmem>> -> memref<80xi32, #tpu.memory_space<vmem>>
      %dma_start3A_197 = arith.constant 0 : i32
      %dma_start3A_198 = arith.constant 0 : i32
      %dma_start3A_199 = tpu.memref_slice %arg17[%dma_start3A_197, %dma_start3A_198] : memref<10240x16xf32, #tpu.memory_space<vmem_shared>> -> memref<10240x16xf32, #tpu.memory_space<vmem_shared>>
      tpu.enqueue_indirect_dma source(%arg12 : memref<80x16xf32, #tpu.memory_space<vmem>>) target(%dma_start3A_199 : memref<10240x16xf32, #tpu.memory_space<vmem_shared>>) offsets(%dma_start3A_196 : memref<80xi32, #tpu.memory_space<vmem>>) semaphore(%arg30 : memref<!tpu.dma_semaphore, #tpu.memory_space<semaphore_mem>>) {add = true}
      %add3A_200 = arith.constant 4 : i32
      %add3A_201 = arith.addi %add3A_187, %add3A_200 : i32
      %lt3A_202 = arith.constant 128 : i32
      %lt3A_203 = arith.cmpi slt, %add3A_201, %lt3A_202 : i32
      %convert_element_type3A_204 = arith.extui %lt3A_203 : i1 to i32
      %cond3A_205 = arith.constant 0 : i32
      %cond3A_206 = arith.cmpi ne, %convert_element_type3A_204, %cond3A_205 : i32
      scf.if %cond3A_206 {
        %ge3A = arith.constant 8 : i32
        %ge3A_270 = arith.cmpi sge, %add3A_201, %ge3A : i32
        %convert_element_type3A_271 = arith.extui %ge3A_270 : i1 to i32
        %cond3A_272 = arith.constant 0 : i32
        %cond3A_273 = arith.cmpi ne, %convert_element_type3A_271, %cond3A_272 : i32
        scf.if %cond3A_273 {
          %sub3A = arith.constant 8 : i32
          %sub3A_280 = arith.subi %add3A_201, %sub3A : i32
          %dma_wait3A_281 = arith.constant 0 : i32
          %dma_wait3A_282 = tpu.memref_slice %arg7[%sub3A_280, %dma_wait3A_281] : memref<128x80xi32, #tpu.memory_space<vmem>> -> memref<1x80xi32, #tpu.memory_space<vmem>>
          %dma_wait3A_283 = tpu.memref_squeeze %dma_wait3A_282 : memref<1x80xi32, #tpu.memory_space<vmem>> -> memref<80xi32, #tpu.memory_space<vmem>>
          %dma_wait3A_284 = arith.constant 0 : i32
          %dma_wait3A_285 = arith.constant 0 : i32
          %dma_wait3A_286 = tpu.memref_slice %arg17[%dma_wait3A_284, %dma_wait3A_285] : memref<10240x16xf32, #tpu.memory_space<vmem_shared>> -> memref<10240x16xf32, #tpu.memory_space<vmem_shared>>
          tpu.wait_indirect_dma semaphore(%arg26 : memref<!tpu.dma_semaphore, #tpu.memory_space<semaphore_mem>>) src(%arg8 : memref<80x16xf32, #tpu.memory_space<vmem>>) dst(%dma_wait3A_286 : memref<10240x16xf32, #tpu.memory_space<vmem_shared>>)
        } else {
        }
        %dma_start3A_274 = arith.constant 0 : i32
        %dma_start3A_275 = tpu.memref_slice %arg6[%add3A_201, %dma_start3A_274] : memref<128x80xi32, #tpu.memory_space<vmem>> -> memref<1x80xi32, #tpu.memory_space<vmem>>
        %dma_start3A_276 = tpu.memref_squeeze %dma_start3A_275 : memref<1x80xi32, #tpu.memory_space<vmem>> -> memref<80xi32, #tpu.memory_space<vmem>>
        %dma_start3A_277 = arith.constant 0 : i32
        %dma_start3A_278 = arith.constant 0 : i32
        %dma_start3A_279 = tpu.memref_slice %arg2[%dma_start3A_277, %dma_start3A_278] : memref<10240x16xf32, #tpu.memory_space<hbm>> -> memref<10240x16xf32, #tpu.memory_space<hbm>>
        tpu.enqueue_indirect_dma source(%dma_start3A_279 : memref<10240x16xf32, #tpu.memory_space<hbm>>) target(%arg8 : memref<80x16xf32, #tpu.memory_space<vmem>>) offsets(%dma_start3A_276 : memref<80xi32, #tpu.memory_space<vmem>>) semaphore(%arg18 : memref<!tpu.dma_semaphore, #tpu.memory_space<semaphore_mem>>)
      } else {
      }
      %add3A_207 = arith.constant 5 : i32
      %add3A_208 = arith.addi %mul3A_104, %add3A_207 : i32
      %dma_wait3A_209 = arith.constant 0 : i32
      %dma_wait3A_210 = tpu.memref_slice %arg6[%add3A_208, %dma_wait3A_209] : memref<128x80xi32, #tpu.memory_space<vmem>> -> memref<1x80xi32, #tpu.memory_space<vmem>>
      %dma_wait3A_211 = tpu.memref_squeeze %dma_wait3A_210 : memref<1x80xi32, #tpu.memory_space<vmem>> -> memref<80xi32, #tpu.memory_space<vmem>>
      %dma_wait3A_212 = arith.constant 0 : i32
      %dma_wait3A_213 = arith.constant 0 : i32
      %dma_wait3A_214 = tpu.memref_slice %arg2[%dma_wait3A_212, %dma_wait3A_213] : memref<10240x16xf32, #tpu.memory_space<hbm>> -> memref<10240x16xf32, #tpu.memory_space<hbm>>
      tpu.wait_indirect_dma semaphore(%arg23 : memref<!tpu.dma_semaphore, #tpu.memory_space<semaphore_mem>>) src(%dma_wait3A_214 : memref<10240x16xf32, #tpu.memory_space<hbm>>) dst(%arg13 : memref<80x16xf32, #tpu.memory_space<vmem>>)
      %dma_start3A_215 = arith.constant 0 : i32
      %dma_start3A_216 = tpu.memref_slice %arg7[%add3A_208, %dma_start3A_215] : memref<128x80xi32, #tpu.memory_space<vmem>> -> memref<1x80xi32, #tpu.memory_space<vmem>>
      %dma_start3A_217 = tpu.memref_squeeze %dma_start3A_216 : memref<1x80xi32, #tpu.memory_space<vmem>> -> memref<80xi32, #tpu.memory_space<vmem>>
      %dma_start3A_218 = arith.constant 0 : i32
      %dma_start3A_219 = arith.constant 0 : i32
      %dma_start3A_220 = tpu.memref_slice %arg17[%dma_start3A_218, %dma_start3A_219] : memref<10240x16xf32, #tpu.memory_space<vmem_shared>> -> memref<10240x16xf32, #tpu.memory_space<vmem_shared>>
      tpu.enqueue_indirect_dma source(%arg13 : memref<80x16xf32, #tpu.memory_space<vmem>>) target(%dma_start3A_220 : memref<10240x16xf32, #tpu.memory_space<vmem_shared>>) offsets(%dma_start3A_217 : memref<80xi32, #tpu.memory_space<vmem>>) semaphore(%arg31 : memref<!tpu.dma_semaphore, #tpu.memory_space<semaphore_mem>>) {add = true}
      %add3A_221 = arith.constant 4 : i32
      %add3A_222 = arith.addi %add3A_208, %add3A_221 : i32
      %lt3A_223 = arith.constant 128 : i32
      %lt3A_224 = arith.cmpi slt, %add3A_222, %lt3A_223 : i32
      %convert_element_type3A_225 = arith.extui %lt3A_224 : i1 to i32
      %cond3A_226 = arith.constant 0 : i32
      %cond3A_227 = arith.cmpi ne, %convert_element_type3A_225, %cond3A_226 : i32
      scf.if %cond3A_227 {
        %ge3A = arith.constant 8 : i32
        %ge3A_270 = arith.cmpi sge, %add3A_222, %ge3A : i32
        %convert_element_type3A_271 = arith.extui %ge3A_270 : i1 to i32
        %cond3A_272 = arith.constant 0 : i32
        %cond3A_273 = arith.cmpi ne, %convert_element_type3A_271, %cond3A_272 : i32
        scf.if %cond3A_273 {
          %sub3A = arith.constant 8 : i32
          %sub3A_280 = arith.subi %add3A_222, %sub3A : i32
          %dma_wait3A_281 = arith.constant 0 : i32
          %dma_wait3A_282 = tpu.memref_slice %arg7[%sub3A_280, %dma_wait3A_281] : memref<128x80xi32, #tpu.memory_space<vmem>> -> memref<1x80xi32, #tpu.memory_space<vmem>>
          %dma_wait3A_283 = tpu.memref_squeeze %dma_wait3A_282 : memref<1x80xi32, #tpu.memory_space<vmem>> -> memref<80xi32, #tpu.memory_space<vmem>>
          %dma_wait3A_284 = arith.constant 0 : i32
          %dma_wait3A_285 = arith.constant 0 : i32
          %dma_wait3A_286 = tpu.memref_slice %arg17[%dma_wait3A_284, %dma_wait3A_285] : memref<10240x16xf32, #tpu.memory_space<vmem_shared>> -> memref<10240x16xf32, #tpu.memory_space<vmem_shared>>
          tpu.wait_indirect_dma semaphore(%arg27 : memref<!tpu.dma_semaphore, #tpu.memory_space<semaphore_mem>>) src(%arg9 : memref<80x16xf32, #tpu.memory_space<vmem>>) dst(%dma_wait3A_286 : memref<10240x16xf32, #tpu.memory_space<vmem_shared>>)
        } else {
        }
        %dma_start3A_274 = arith.constant 0 : i32
        %dma_start3A_275 = tpu.memref_slice %arg6[%add3A_222, %dma_start3A_274] : memref<128x80xi32, #tpu.memory_space<vmem>> -> memref<1x80xi32, #tpu.memory_space<vmem>>
        %dma_start3A_276 = tpu.memref_squeeze %dma_start3A_275 : memref<1x80xi32, #tpu.memory_space<vmem>> -> memref<80xi32, #tpu.memory_space<vmem>>
        %dma_start3A_277 = arith.constant 0 : i32
        %dma_start3A_278 = arith.constant 0 : i32
        %dma_start3A_279 = tpu.memref_slice %arg2[%dma_start3A_277, %dma_start3A_278] : memref<10240x16xf32, #tpu.memory_space<hbm>> -> memref<10240x16xf32, #tpu.memory_space<hbm>>
        tpu.enqueue_indirect_dma source(%dma_start3A_279 : memref<10240x16xf32, #tpu.memory_space<hbm>>) target(%arg9 : memref<80x16xf32, #tpu.memory_space<vmem>>) offsets(%dma_start3A_276 : memref<80xi32, #tpu.memory_space<vmem>>) semaphore(%arg19 : memref<!tpu.dma_semaphore, #tpu.memory_space<semaphore_mem>>)
      } else {
      }
      %add3A_228 = arith.constant 6 : i32
      %add3A_229 = arith.addi %mul3A_104, %add3A_228 : i32
      %dma_wait3A_230 = arith.constant 0 : i32
      %dma_wait3A_231 = tpu.memref_slice %arg6[%add3A_229, %dma_wait3A_230] : memref<128x80xi32, #tpu.memory_space<vmem>> -> memref<1x80xi32, #tpu.memory_space<vmem>>
      %dma_wait3A_232 = tpu.memref_squeeze %dma_wait3A_231 : memref<1x80xi32, #tpu.memory_space<vmem>> -> memref<80xi32, #tpu.memory_space<vmem>>
      %dma_wait3A_233 = arith.constant 0 : i32
      %dma_wait3A_234 = arith.constant 0 : i32
      %dma_wait3A_235 = tpu.memref_slice %arg2[%dma_wait3A_233, %dma_wait3A_234] : memref<10240x16xf32, #tpu.memory_space<hbm>> -> memref<10240x16xf32, #tpu.memory_space<hbm>>
      tpu.wait_indirect_dma semaphore(%arg24 : memref<!tpu.dma_semaphore, #tpu.memory_space<semaphore_mem>>) src(%dma_wait3A_235 : memref<10240x16xf32, #tpu.memory_space<hbm>>) dst(%arg14 : memref<80x16xf32, #tpu.memory_space<vmem>>)
      %dma_start3A_236 = arith.constant 0 : i32
      %dma_start3A_237 = tpu.memref_slice %arg7[%add3A_229, %dma_start3A_236] : memref<128x80xi32, #tpu.memory_space<vmem>> -> memref<1x80xi32, #tpu.memory_space<vmem>>
      %dma_start3A_238 = tpu.memref_squeeze %dma_start3A_237 : memref<1x80xi32, #tpu.memory_space<vmem>> -> memref<80xi32, #tpu.memory_space<vmem>>
      %dma_start3A_239 = arith.constant 0 : i32
      %dma_start3A_240 = arith.constant 0 : i32
      %dma_start3A_241 = tpu.memref_slice %arg17[%dma_start3A_239, %dma_start3A_240] : memref<10240x16xf32, #tpu.memory_space<vmem_shared>> -> memref<10240x16xf32, #tpu.memory_space<vmem_shared>>
      tpu.enqueue_indirect_dma source(%arg14 : memref<80x16xf32, #tpu.memory_space<vmem>>) target(%dma_start3A_241 : memref<10240x16xf32, #tpu.memory_space<vmem_shared>>) offsets(%dma_start3A_238 : memref<80xi32, #tpu.memory_space<vmem>>) semaphore(%arg32 : memref<!tpu.dma_semaphore, #tpu.memory_space<semaphore_mem>>) {add = true}
      %add3A_242 = arith.constant 4 : i32
      %add3A_243 = arith.addi %add3A_229, %add3A_242 : i32
      %lt3A_244 = arith.constant 128 : i32
      %lt3A_245 = arith.cmpi slt, %add3A_243, %lt3A_244 : i32
      %convert_element_type3A_246 = arith.extui %lt3A_245 : i1 to i32
      %cond3A_247 = arith.constant 0 : i32
      %cond3A_248 = arith.cmpi ne, %convert_element_type3A_246, %cond3A_247 : i32
      scf.if %cond3A_248 {
        %ge3A = arith.constant 8 : i32
        %ge3A_270 = arith.cmpi sge, %add3A_243, %ge3A : i32
        %convert_element_type3A_271 = arith.extui %ge3A_270 : i1 to i32
        %cond3A_272 = arith.constant 0 : i32
        %cond3A_273 = arith.cmpi ne, %convert_element_type3A_271, %cond3A_272 : i32
        scf.if %cond3A_273 {
          %sub3A = arith.constant 8 : i32
          %sub3A_280 = arith.subi %add3A_243, %sub3A : i32
          %dma_wait3A_281 = arith.constant 0 : i32
          %dma_wait3A_282 = tpu.memref_slice %arg7[%sub3A_280, %dma_wait3A_281] : memref<128x80xi32, #tpu.memory_space<vmem>> -> memref<1x80xi32, #tpu.memory_space<vmem>>
          %dma_wait3A_283 = tpu.memref_squeeze %dma_wait3A_282 : memref<1x80xi32, #tpu.memory_space<vmem>> -> memref<80xi32, #tpu.memory_space<vmem>>
          %dma_wait3A_284 = arith.constant 0 : i32
          %dma_wait3A_285 = arith.constant 0 : i32
          %dma_wait3A_286 = tpu.memref_slice %arg17[%dma_wait3A_284, %dma_wait3A_285] : memref<10240x16xf32, #tpu.memory_space<vmem_shared>> -> memref<10240x16xf32, #tpu.memory_space<vmem_shared>>
          tpu.wait_indirect_dma semaphore(%arg28 : memref<!tpu.dma_semaphore, #tpu.memory_space<semaphore_mem>>) src(%arg10 : memref<80x16xf32, #tpu.memory_space<vmem>>) dst(%dma_wait3A_286 : memref<10240x16xf32, #tpu.memory_space<vmem_shared>>)
        } else {
        }
        %dma_start3A_274 = arith.constant 0 : i32
        %dma_start3A_275 = tpu.memref_slice %arg6[%add3A_243, %dma_start3A_274] : memref<128x80xi32, #tpu.memory_space<vmem>> -> memref<1x80xi32, #tpu.memory_space<vmem>>
        %dma_start3A_276 = tpu.memref_squeeze %dma_start3A_275 : memref<1x80xi32, #tpu.memory_space<vmem>> -> memref<80xi32, #tpu.memory_space<vmem>>
        %dma_start3A_277 = arith.constant 0 : i32
        %dma_start3A_278 = arith.constant 0 : i32
        %dma_start3A_279 = tpu.memref_slice %arg2[%dma_start3A_277, %dma_start3A_278] : memref<10240x16xf32, #tpu.memory_space<hbm>> -> memref<10240x16xf32, #tpu.memory_space<hbm>>
        tpu.enqueue_indirect_dma source(%dma_start3A_279 : memref<10240x16xf32, #tpu.memory_space<hbm>>) target(%arg10 : memref<80x16xf32, #tpu.memory_space<vmem>>) offsets(%dma_start3A_276 : memref<80xi32, #tpu.memory_space<vmem>>) semaphore(%arg20 : memref<!tpu.dma_semaphore, #tpu.memory_space<semaphore_mem>>)
      } else {
      }
      %add3A_249 = arith.constant 7 : i32
      %add3A_250 = arith.addi %mul3A_104, %add3A_249 : i32
      %dma_wait3A_251 = arith.constant 0 : i32
      %dma_wait3A_252 = tpu.memref_slice %arg6[%add3A_250, %dma_wait3A_251] : memref<128x80xi32, #tpu.memory_space<vmem>> -> memref<1x80xi32, #tpu.memory_space<vmem>>
      %dma_wait3A_253 = tpu.memref_squeeze %dma_wait3A_252 : memref<1x80xi32, #tpu.memory_space<vmem>> -> memref<80xi32, #tpu.memory_space<vmem>>
      %dma_wait3A_254 = arith.constant 0 : i32
      %dma_wait3A_255 = arith.constant 0 : i32
      %dma_wait3A_256 = tpu.memref_slice %arg2[%dma_wait3A_254, %dma_wait3A_255] : memref<10240x16xf32, #tpu.memory_space<hbm>> -> memref<10240x16xf32, #tpu.memory_space<hbm>>
      tpu.wait_indirect_dma semaphore(%arg25 : memref<!tpu.dma_semaphore, #tpu.memory_space<semaphore_mem>>) src(%dma_wait3A_256 : memref<10240x16xf32, #tpu.memory_space<hbm>>) dst(%arg15 : memref<80x16xf32, #tpu.memory_space<vmem>>)
      %dma_start3A_257 = arith.constant 0 : i32
      %dma_start3A_258 = tpu.memref_slice %arg7[%add3A_250, %dma_start3A_257] : memref<128x80xi32, #tpu.memory_space<vmem>> -> memref<1x80xi32, #tpu.memory_space<vmem>>
      %dma_start3A_259 = tpu.memref_squeeze %dma_start3A_258 : memref<1x80xi32, #tpu.memory_space<vmem>> -> memref<80xi32, #tpu.memory_space<vmem>>
      %dma_start3A_260 = arith.constant 0 : i32
      %dma_start3A_261 = arith.constant 0 : i32
      %dma_start3A_262 = tpu.memref_slice %arg17[%dma_start3A_260, %dma_start3A_261] : memref<10240x16xf32, #tpu.memory_space<vmem_shared>> -> memref<10240x16xf32, #tpu.memory_space<vmem_shared>>
      tpu.enqueue_indirect_dma source(%arg15 : memref<80x16xf32, #tpu.memory_space<vmem>>) target(%dma_start3A_262 : memref<10240x16xf32, #tpu.memory_space<vmem_shared>>) offsets(%dma_start3A_259 : memref<80xi32, #tpu.memory_space<vmem>>) semaphore(%arg33 : memref<!tpu.dma_semaphore, #tpu.memory_space<semaphore_mem>>) {add = true}
      %add3A_263 = arith.constant 4 : i32
      %add3A_264 = arith.addi %add3A_250, %add3A_263 : i32
      %lt3A_265 = arith.constant 128 : i32
      %lt3A_266 = arith.cmpi slt, %add3A_264, %lt3A_265 : i32
      %convert_element_type3A_267 = arith.extui %lt3A_266 : i1 to i32
      %cond3A_268 = arith.constant 0 : i32
      %cond3A_269 = arith.cmpi ne, %convert_element_type3A_267, %cond3A_268 : i32
      scf.if %cond3A_269 {
        %ge3A = arith.constant 8 : i32
        %ge3A_270 = arith.cmpi sge, %add3A_264, %ge3A : i32
        %convert_element_type3A_271 = arith.extui %ge3A_270 : i1 to i32
        %cond3A_272 = arith.constant 0 : i32
        %cond3A_273 = arith.cmpi ne, %convert_element_type3A_271, %cond3A_272 : i32
        scf.if %cond3A_273 {
          %sub3A = arith.constant 8 : i32
          %sub3A_280 = arith.subi %add3A_264, %sub3A : i32
          %dma_wait3A_281 = arith.constant 0 : i32
          %dma_wait3A_282 = tpu.memref_slice %arg7[%sub3A_280, %dma_wait3A_281] : memref<128x80xi32, #tpu.memory_space<vmem>> -> memref<1x80xi32, #tpu.memory_space<vmem>>
          %dma_wait3A_283 = tpu.memref_squeeze %dma_wait3A_282 : memref<1x80xi32, #tpu.memory_space<vmem>> -> memref<80xi32, #tpu.memory_space<vmem>>
          %dma_wait3A_284 = arith.constant 0 : i32
          %dma_wait3A_285 = arith.constant 0 : i32
          %dma_wait3A_286 = tpu.memref_slice %arg17[%dma_wait3A_284, %dma_wait3A_285] : memref<10240x16xf32, #tpu.memory_space<vmem_shared>> -> memref<10240x16xf32, #tpu.memory_space<vmem_shared>>
          tpu.wait_indirect_dma semaphore(%arg29 : memref<!tpu.dma_semaphore, #tpu.memory_space<semaphore_mem>>) src(%arg11 : memref<80x16xf32, #tpu.memory_space<vmem>>) dst(%dma_wait3A_286 : memref<10240x16xf32, #tpu.memory_space<vmem_shared>>)
        } else {
        }
        %dma_start3A_274 = arith.constant 0 : i32
        %dma_start3A_275 = tpu.memref_slice %arg6[%add3A_264, %dma_start3A_274] : memref<128x80xi32, #tpu.memory_space<vmem>> -> memref<1x80xi32, #tpu.memory_space<vmem>>
        %dma_start3A_276 = tpu.memref_squeeze %dma_start3A_275 : memref<1x80xi32, #tpu.memory_space<vmem>> -> memref<80xi32, #tpu.memory_space<vmem>>
        %dma_start3A_277 = arith.constant 0 : i32
        %dma_start3A_278 = arith.constant 0 : i32
        %dma_start3A_279 = tpu.memref_slice %arg2[%dma_start3A_277, %dma_start3A_278] : memref<10240x16xf32, #tpu.memory_space<hbm>> -> memref<10240x16xf32, #tpu.memory_space<hbm>>
        tpu.enqueue_indirect_dma source(%dma_start3A_279 : memref<10240x16xf32, #tpu.memory_space<hbm>>) target(%arg11 : memref<80x16xf32, #tpu.memory_space<vmem>>) offsets(%dma_start3A_276 : memref<80xi32, #tpu.memory_space<vmem>>) semaphore(%arg21 : memref<!tpu.dma_semaphore, #tpu.memory_space<semaphore_mem>>)
      } else {
      }
    }
    %scan3A_43 = arith.constant 16 : i32
    %dma_wait3A = arith.constant 120 : i32
    %dma_wait3A_44 = arith.constant 0 : i32
    %dma_wait3A_45 = tpu.memref_slice %arg7[%dma_wait3A, %dma_wait3A_44] : memref<128x80xi32, #tpu.memory_space<vmem>> -> memref<1x80xi32, #tpu.memory_space<vmem>>
    %dma_wait3A_46 = tpu.memref_squeeze %dma_wait3A_45 : memref<1x80xi32, #tpu.memory_space<vmem>> -> memref<80xi32, #tpu.memory_space<vmem>>
    %dma_wait3A_47 = arith.constant 0 : i32
    %dma_wait3A_48 = arith.constant 0 : i32
    %dma_wait3A_49 = tpu.memref_slice %arg17[%dma_wait3A_47, %dma_wait3A_48] : memref<10240x16xf32, #tpu.memory_space<vmem_shared>> -> memref<10240x16xf32, #tpu.memory_space<vmem_shared>>
    tpu.wait_indirect_dma semaphore(%arg26 : memref<!tpu.dma_semaphore, #tpu.memory_space<semaphore_mem>>) src(%arg8 : memref<80x16xf32, #tpu.memory_space<vmem>>) dst(%dma_wait3A_49 : memref<10240x16xf32, #tpu.memory_space<vmem_shared>>)
    %dma_wait3A_50 = arith.constant 121 : i32
    %dma_wait3A_51 = arith.constant 0 : i32
    %dma_wait3A_52 = tpu.memref_slice %arg7[%dma_wait3A_50, %dma_wait3A_51] : memref<128x80xi32, #tpu.memory_space<vmem>> -> memref<1x80xi32, #tpu.memory_space<vmem>>
    %dma_wait3A_53 = tpu.memref_squeeze %dma_wait3A_52 : memref<1x80xi32, #tpu.memory_space<vmem>> -> memref<80xi32, #tpu.memory_space<vmem>>
    %dma_wait3A_54 = arith.constant 0 : i32
    %dma_wait3A_55 = arith.constant 0 : i32
    %dma_wait3A_56 = tpu.memref_slice %arg17[%dma_wait3A_54, %dma_wait3A_55] : memref<10240x16xf32, #tpu.memory_space<vmem_shared>> -> memref<10240x16xf32, #tpu.memory_space<vmem_shared>>
    tpu.wait_indirect_dma semaphore(%arg27 : memref<!tpu.dma_semaphore, #tpu.memory_space<semaphore_mem>>) src(%arg9 : memref<80x16xf32, #tpu.memory_space<vmem>>) dst(%dma_wait3A_56 : memref<10240x16xf32, #tpu.memory_space<vmem_shared>>)
    %dma_wait3A_57 = arith.constant 122 : i32
    %dma_wait3A_58 = arith.constant 0 : i32
    %dma_wait3A_59 = tpu.memref_slice %arg7[%dma_wait3A_57, %dma_wait3A_58] : memref<128x80xi32, #tpu.memory_space<vmem>> -> memref<1x80xi32, #tpu.memory_space<vmem>>
    %dma_wait3A_60 = tpu.memref_squeeze %dma_wait3A_59 : memref<1x80xi32, #tpu.memory_space<vmem>> -> memref<80xi32, #tpu.memory_space<vmem>>
    %dma_wait3A_61 = arith.constant 0 : i32
    %dma_wait3A_62 = arith.constant 0 : i32
    %dma_wait3A_63 = tpu.memref_slice %arg17[%dma_wait3A_61, %dma_wait3A_62] : memref<10240x16xf32, #tpu.memory_space<vmem_shared>> -> memref<10240x16xf32, #tpu.memory_space<vmem_shared>>
    tpu.wait_indirect_dma semaphore(%arg28 : memref<!tpu.dma_semaphore, #tpu.memory_space<semaphore_mem>>) src(%arg10 : memref<80x16xf32, #tpu.memory_space<vmem>>) dst(%dma_wait3A_63 : memref<10240x16xf32, #tpu.memory_space<vmem_shared>>)
    %dma_wait3A_64 = arith.constant 123 : i32
    %dma_wait3A_65 = arith.constant 0 : i32
    %dma_wait3A_66 = tpu.memref_slice %arg7[%dma_wait3A_64, %dma_wait3A_65] : memref<128x80xi32, #tpu.memory_space<vmem>> -> memref<1x80xi32, #tpu.memory_space<vmem>>
    %dma_wait3A_67 = tpu.memref_squeeze %dma_wait3A_66 : memref<1x80xi32, #tpu.memory_space<vmem>> -> memref<80xi32, #tpu.memory_space<vmem>>
    %dma_wait3A_68 = arith.constant 0 : i32
    %dma_wait3A_69 = arith.constant 0 : i32
    %dma_wait3A_70 = tpu.memref_slice %arg17[%dma_wait3A_68, %dma_wait3A_69] : memref<10240x16xf32, #tpu.memory_space<vmem_shared>> -> memref<10240x16xf32, #tpu.memory_space<vmem_shared>>
    tpu.wait_indirect_dma semaphore(%arg29 : memref<!tpu.dma_semaphore, #tpu.memory_space<semaphore_mem>>) src(%arg11 : memref<80x16xf32, #tpu.memory_space<vmem>>) dst(%dma_wait3A_70 : memref<10240x16xf32, #tpu.memory_space<vmem_shared>>)
    %dma_wait3A_71 = arith.constant 124 : i32
    %dma_wait3A_72 = arith.constant 0 : i32
    %dma_wait3A_73 = tpu.memref_slice %arg7[%dma_wait3A_71, %dma_wait3A_72] : memref<128x80xi32, #tpu.memory_space<vmem>> -> memref<1x80xi32, #tpu.memory_space<vmem>>
    %dma_wait3A_74 = tpu.memref_squeeze %dma_wait3A_73 : memref<1x80xi32, #tpu.memory_space<vmem>> -> memref<80xi32, #tpu.memory_space<vmem>>
    %dma_wait3A_75 = arith.constant 0 : i32
    %dma_wait3A_76 = arith.constant 0 : i32
    %dma_wait3A_77 = tpu.memref_slice %arg17[%dma_wait3A_75, %dma_wait3A_76] : memref<10240x16xf32, #tpu.memory_space<vmem_shared>> -> memref<10240x16xf32, #tpu.memory_space<vmem_shared>>
    tpu.wait_indirect_dma semaphore(%arg30 : memref<!tpu.dma_semaphore, #tpu.memory_space<semaphore_mem>>) src(%arg12 : memref<80x16xf32, #tpu.memory_space<vmem>>) dst(%dma_wait3A_77 : memref<10240x16xf32, #tpu.memory_space<vmem_shared>>)
    %dma_wait3A_78 = arith.constant 125 : i32
    %dma_wait3A_79 = arith.constant 0 : i32
    %dma_wait3A_80 = tpu.memref_slice %arg7[%dma_wait3A_78, %dma_wait3A_79] : memref<128x80xi32, #tpu.memory_space<vmem>> -> memref<1x80xi32, #tpu.memory_space<vmem>>
    %dma_wait3A_81 = tpu.memref_squeeze %dma_wait3A_80 : memref<1x80xi32, #tpu.memory_space<vmem>> -> memref<80xi32, #tpu.memory_space<vmem>>
    %dma_wait3A_82 = arith.constant 0 : i32
    %dma_wait3A_83 = arith.constant 0 : i32
    %dma_wait3A_84 = tpu.memref_slice %arg17[%dma_wait3A_82, %dma_wait3A_83] : memref<10240x16xf32, #tpu.memory_space<vmem_shared>> -> memref<10240x16xf32, #tpu.memory_space<vmem_shared>>
    tpu.wait_indirect_dma semaphore(%arg31 : memref<!tpu.dma_semaphore, #tpu.memory_space<semaphore_mem>>) src(%arg13 : memref<80x16xf32, #tpu.memory_space<vmem>>) dst(%dma_wait3A_84 : memref<10240x16xf32, #tpu.memory_space<vmem_shared>>)
    %dma_wait3A_85 = arith.constant 126 : i32
    %dma_wait3A_86 = arith.constant 0 : i32
    %dma_wait3A_87 = tpu.memref_slice %arg7[%dma_wait3A_85, %dma_wait3A_86] : memref<128x80xi32, #tpu.memory_space<vmem>> -> memref<1x80xi32, #tpu.memory_space<vmem>>
    %dma_wait3A_88 = tpu.memref_squeeze %dma_wait3A_87 : memref<1x80xi32, #tpu.memory_space<vmem>> -> memref<80xi32, #tpu.memory_space<vmem>>
    %dma_wait3A_89 = arith.constant 0 : i32
    %dma_wait3A_90 = arith.constant 0 : i32
    %dma_wait3A_91 = tpu.memref_slice %arg17[%dma_wait3A_89, %dma_wait3A_90] : memref<10240x16xf32, #tpu.memory_space<vmem_shared>> -> memref<10240x16xf32, #tpu.memory_space<vmem_shared>>
    tpu.wait_indirect_dma semaphore(%arg32 : memref<!tpu.dma_semaphore, #tpu.memory_space<semaphore_mem>>) src(%arg14 : memref<80x16xf32, #tpu.memory_space<vmem>>) dst(%dma_wait3A_91 : memref<10240x16xf32, #tpu.memory_space<vmem_shared>>)
    %dma_wait3A_92 = arith.constant 127 : i32
    %dma_wait3A_93 = arith.constant 0 : i32
    %dma_wait3A_94 = tpu.memref_slice %arg7[%dma_wait3A_92, %dma_wait3A_93] : memref<128x80xi32, #tpu.memory_space<vmem>> -> memref<1x80xi32, #tpu.memory_space<vmem>>
    %dma_wait3A_95 = tpu.memref_squeeze %dma_wait3A_94 : memref<1x80xi32, #tpu.memory_space<vmem>> -> memref<80xi32, #tpu.memory_space<vmem>>
    %dma_wait3A_96 = arith.constant 0 : i32
    %dma_wait3A_97 = arith.constant 0 : i32
    %dma_wait3A_98 = tpu.memref_slice %arg17[%dma_wait3A_96, %dma_wait3A_97] : memref<10240x16xf32, #tpu.memory_space<vmem_shared>> -> memref<10240x16xf32, #tpu.memory_space<vmem_shared>>
    tpu.wait_indirect_dma semaphore(%arg33 : memref<!tpu.dma_semaphore, #tpu.memory_space<semaphore_mem>>) src(%arg15 : memref<80x16xf32, #tpu.memory_space<vmem>>) dst(%dma_wait3A_98 : memref<10240x16xf32, #tpu.memory_space<vmem_shared>>)
    %barrier3A_99 = arith.constant 0 : index
    tpu.barrier barrier_id(%barrier3A_99)
    %add3A_100 = arith.constant 0 : i32
    %add3A_101 = arith.addi %mul3A_8, %add3A_100 : i32
    "tpu.region"() ({
      %run_scoped3A = tpu.sem_alloc : memref<!tpu.dma_semaphore, #tpu.memory_space<semaphore_mem>>
      %dma_start3A_102 = arith.constant 0 : i32
      %dma_start3A_103 = tpu.memref_slice %arg5[%arg0, %add3A_101, %dma_start3A_102] : memref<2x10240x16xf32, #tpu.memory_space<hbm>> -> memref<1x640x16xf32, #tpu.memory_space<hbm>>
      %dma_start3A_104 = tpu.memref_squeeze %dma_start3A_103 : memref<1x640x16xf32, #tpu.memory_space<hbm>> -> memref<640x16xf32, #tpu.memory_space<hbm>>
      %dma_start3A_105 = arith.constant 0 : i32
      %dma_start3A_106 = tpu.memref_slice %arg17[%add3A_101, %dma_start3A_105] : memref<10240x16xf32, #tpu.memory_space<vmem_shared>> -> memref<640x16xf32, #tpu.memory_space<vmem_shared>>
      tpu.enqueue_dma source(%dma_start3A_106 : memref<640x16xf32, #tpu.memory_space<vmem_shared>>) target(%dma_start3A_104 : memref<640x16xf32, #tpu.memory_space<hbm>>) target_semaphore(%run_scoped3A : memref<!tpu.dma_semaphore, #tpu.memory_space<semaphore_mem>>)
      %dma_wait3A_107 = arith.constant 0 : i32
      %dma_wait3A_108 = tpu.memref_slice %arg5[%arg0, %add3A_101, %dma_wait3A_107] : memref<2x10240x16xf32, #tpu.memory_space<hbm>> -> memref<1x640x16xf32, #tpu.memory_space<hbm>>
      %dma_wait3A_109 = tpu.memref_squeeze %dma_wait3A_108 : memref<1x640x16xf32, #tpu.memory_space<hbm>> -> memref<640x16xf32, #tpu.memory_space<hbm>>
      %dma_wait3A_110 = arith.constant 0 : i32
      %dma_wait3A_111 = tpu.memref_slice %arg17[%add3A_101, %dma_wait3A_110] : memref<10240x16xf32, #tpu.memory_space<vmem_shared>> -> memref<640x16xf32, #tpu.memory_space<vmem_shared>>
      tpu.wait_dma2 semaphore(%run_scoped3A : memref<!tpu.dma_semaphore, #tpu.memory_space<semaphore_mem>>) src(%dma_wait3A_111 : memref<640x16xf32, #tpu.memory_space<vmem_shared>>) dst(%dma_wait3A_109 : memref<640x16xf32, #tpu.memory_space<hbm>>)
      tpu.yield
    }) : () -> ()
    return
  }
}

module attributes {stable_mosaic.version = 14 : i64} {
  func.func @_tc_prep_body(%arg0: i32, %arg1: memref<128x128xf32, #tpu.memory_space<vmem>>, %arg2: memref<2x1x1x128xf32, #tpu.memory_space<vmem>>, %arg3: memref<128x64xf32, #tpu.memory_space<vmem>>, %arg4: memref<128x64xf32, #tpu.memory_space<vmem>>, %arg5: memref<2x128x64xf32, #tpu.memory_space<vmem>>, %arg6: memref<128x1xf32, #tpu.memory_space<vmem>>) attributes {dimension_semantics = [#tpu.dimension_semantics<arbitrary>], iteration_bounds = array<i64: 80>, scalar_prefetch = 0 : i64, scratch_operands = 0 : i64, tpu.core_type = #tpu.core_type<tc>, window_params = [{transform_indices = @transform_0, window_bounds = array<i64: 128, 128>}, {transform_indices = @transform_1, window_bounds = array<i64: 2, 1, 1, 128>}, {pipeline_mode = #tpu.pipeline_mode<synchronous>, transform_indices = @transform_2, window_bounds = array<i64: 128, 64>}, {pipeline_mode = #tpu.pipeline_mode<synchronous>, transform_indices = @transform_3, window_bounds = array<i64: 128, 64>}, {transform_indices = @transform_4, window_bounds = array<i64: 2, 128, 64>}, {transform_indices = @transform_5, window_bounds = array<i64: 128, 1>}]} {
    %get3A = arith.constant 0 : index
    %get3A_0 = arith.constant 0 : index
    %get3A_1 = arith.constant 0 : index
    %get3A_2 = arith.constant 0 : index
    %get3A_3 = vector.load %arg2[%get3A, %get3A_0, %get3A_1, %get3A_2] : memref<2x1x1x128xf32, #tpu.memory_space<vmem>>, vector<1x1x1x128xf32>
    %get3A_4 = vector.shape_cast %get3A_3 : vector<1x1x1x128xf32> to vector<128xf32>
    %get3A_5 = arith.constant 1 : index
    %get3A_6 = arith.constant 0 : index
    %get3A_7 = arith.constant 0 : index
    %get3A_8 = arith.constant 0 : index
    %get3A_9 = vector.load %arg2[%get3A_5, %get3A_6, %get3A_7, %get3A_8] : memref<2x1x1x128xf32, #tpu.memory_space<vmem>>, vector<1x1x1x128xf32>
    %get3A_10 = vector.shape_cast %get3A_9 : vector<1x1x1x128xf32> to vector<128xf32>
    %add3A = arith.addf %get3A_4, %get3A_10 : vector<128xf32>
    %add3A_11 = arith.constant 1.000000e+00 : f32
    %add3A_12 = vector.broadcast %add3A_11 : f32 to vector<128xf32>
    %add3A_13 = arith.addf %add3A, %add3A_12 : vector<128xf32>
    %iota3A = tpu.iota {dimensions = array<i32: 0>} : vector<128x128xi32>
    %iota3A_14 = tpu.iota {dimensions = array<i32: 1>} : vector<128x128xi32>
    %eq3A = arith.cmpi eq, %iota3A, %iota3A_14 : vector<128x128xi32>
    %broadcast_in_dim3A = vector.shape_cast %add3A_13 : vector<128xf32> to vector<1x128xf32>
    %jit3A = arith.constant 0.000000e+00 : f32
    %broadcast_in_dim3A_15 = vector.shape_cast %broadcast_in_dim3A : vector<1x128xf32> to vector<1x128xf32>
    %broadcast_in_dim3A_16 = vector.broadcast %broadcast_in_dim3A_15 : vector<1x128xf32> to vector<128x128xf32>
    %broadcast_in_dim3A_17 = vector.broadcast %jit3A : f32 to vector<128x128xf32>
    %select_n3A = arith.select %eq3A, %broadcast_in_dim3A_16, %broadcast_in_dim3A_17 : vector<128x128xi1>, vector<128x128xf32>
    %reduce_sum3A = arith.constant dense<0.000000e+00> : vector<128xf32>
    %reduce_sum3A_18 = vector.multi_reduction <add>, %select_n3A, %reduce_sum3A [1] : vector<128x128xf32> to vector<128xf32>
    %broadcast_in_dim3A_19 = vector.shape_cast %reduce_sum3A_18 : vector<128xf32> to vector<128x1xf32>
    %rsqrt3A = math.rsqrt %broadcast_in_dim3A_19 : vector<128x1xf32>
    %get3A_20 = arith.constant 0 : index
    %get3A_21 = arith.constant 0 : index
    %get3A_22 = vector.load %arg1[%get3A_20, %get3A_21] : memref<128x128xf32, #tpu.memory_space<vmem>>, vector<128x128xf32>
    %get3A_23 = arith.constant 0 : index
    %get3A_24 = arith.constant 0 : index
    %get3A_25 = vector.load %arg3[%get3A_23, %get3A_24] : memref<128x64xf32, #tpu.memory_space<vmem>>, vector<128x64xf32>
    %dot_general3A = arith.constant dense<0.000000e+00> : vector<128x64xf32>
    %dot_general3A_26 = tpu.matmul %get3A_22, %get3A_25, %dot_general3A {dimension_numbers = #tpu.dot_dimension_numbers<[1], [0], [0], [1], [0, 0, 1, 1], [], []>, transpose_lhs_hint = false} : vector<128x128xf32>, vector<128x64xf32>, vector<128x64xf32> -> vector<128x64xf32>
    %mul3A = vector.broadcast %rsqrt3A : vector<128x1xf32> to vector<128x64xf32>
    %mul3A_27 = arith.mulf %dot_general3A_26, %mul3A : vector<128x64xf32>
    %swap3A = arith.constant 0 : index
    %swap3A_28 = arith.constant 0 : index
    %swap3A_29 = arith.constant 0 : index
    %swap3A_30 = vector.load %arg5[%swap3A, %swap3A_28, %swap3A_29] : memref<2x128x64xf32, #tpu.memory_space<vmem>>, vector<1x128x64xf32>
    %swap3A_31 = vector.shape_cast %swap3A_30 : vector<1x128x64xf32> to vector<128x64xf32>
    %swap3A_32 = vector.shape_cast %mul3A_27 : vector<128x64xf32> to vector<1x128x64xf32>
    tpu.vector_store %arg5[%swap3A, %swap3A_28, %swap3A_29], %swap3A_32 {strides = array<i32>} : memref<2x128x64xf32, #tpu.memory_space<vmem>>, vector<1x128x64xf32>,
    %get3A_33 = arith.constant 0 : index
    %get3A_34 = arith.constant 0 : index
    %get3A_35 = vector.load %arg4[%get3A_33, %get3A_34] : memref<128x64xf32, #tpu.memory_space<vmem>>, vector<128x64xf32>
    %dot_general3A_36 = arith.constant dense<0.000000e+00> : vector<128x64xf32>
    %dot_general3A_37 = tpu.matmul %get3A_22, %get3A_35, %dot_general3A_36 {dimension_numbers = #tpu.dot_dimension_numbers<[1], [0], [0], [1], [0, 0, 1, 1], [], []>, transpose_lhs_hint = false} : vector<128x128xf32>, vector<128x64xf32>, vector<128x64xf32> -> vector<128x64xf32>
    %mul3A_38 = vector.broadcast %rsqrt3A : vector<128x1xf32> to vector<128x64xf32>
    %mul3A_39 = arith.mulf %dot_general3A_37, %mul3A_38 : vector<128x64xf32>
    %swap3A_40 = arith.constant 1 : index
    %swap3A_41 = arith.constant 0 : index
    %swap3A_42 = arith.constant 0 : index
    %swap3A_43 = vector.load %arg5[%swap3A_40, %swap3A_41, %swap3A_42] : memref<2x128x64xf32, #tpu.memory_space<vmem>>, vector<1x128x64xf32>
    %swap3A_44 = vector.shape_cast %swap3A_43 : vector<1x128x64xf32> to vector<128x64xf32>
    %swap3A_45 = vector.shape_cast %mul3A_39 : vector<128x64xf32> to vector<1x128x64xf32>
    tpu.vector_store %arg5[%swap3A_40, %swap3A_41, %swap3A_42], %swap3A_45 {strides = array<i32>} : memref<2x128x64xf32, #tpu.memory_space<vmem>>, vector<1x128x64xf32>,
    %swap3A_46 = arith.constant 0 : index
    %swap3A_47 = arith.constant 0 : index
    %swap3A_48 = vector.load %arg6[%swap3A_46, %swap3A_47] : memref<128x1xf32, #tpu.memory_space<vmem>>, vector<128x1xf32>
    tpu.vector_store %arg6[%swap3A_46, %swap3A_47], %rsqrt3A {strides = array<i32>} : memref<128x1xf32, #tpu.memory_space<vmem>>, vector<128x1xf32>,
    return
  }
  func.func @transform_0(%arg0: i32) -> (i32, i32) {
    %c0_i32 = arith.constant 0 : i32
    %c0_i32_0 = arith.constant 0 : i32
    return %arg0, %c0_i32 : i32, i32
  }
  func.func @transform_1(%arg0: i32) -> (i32, i32, i32, i32) {
    %c0_i32 = arith.constant 0 : i32
    %c0_i32_0 = arith.constant 0 : i32
    %c0_i32_1 = arith.constant 0 : i32
    %c0_i32_2 = arith.constant 0 : i32
    return %c0_i32, %arg0, %c0_i32_0, %c0_i32_1 : i32, i32, i32, i32
  }
  func.func @transform_2(%arg0: i32) -> (i32, i32) {
    %c0_i32 = arith.constant 0 : i32
    %c0_i32_0 = arith.constant 0 : i32
    %c0_i32_1 = arith.constant 0 : i32
    return %c0_i32, %c0_i32_0 : i32, i32
  }
  func.func @transform_3(%arg0: i32) -> (i32, i32) {
    %c0_i32 = arith.constant 0 : i32
    %c0_i32_0 = arith.constant 0 : i32
    %c0_i32_1 = arith.constant 0 : i32
    return %c0_i32, %c0_i32_0 : i32, i32
  }
  func.func @transform_4(%arg0: i32) -> (i32, i32, i32) {
    %c0_i32 = arith.constant 0 : i32
    %c0_i32_0 = arith.constant 0 : i32
    %c0_i32_1 = arith.constant 0 : i32
    return %c0_i32, %arg0, %c0_i32_0 : i32, i32, i32
  }
  func.func @transform_5(%arg0: i32) -> (i32, i32) {
    %c0_i32 = arith.constant 0 : i32
    %c0_i32_0 = arith.constant 0 : i32
    return %arg0, %c0_i32 : i32, i32
  }
}

module attributes {stable_mosaic.version = 14 : i64} {
  func.func @_tc_mid_body(%arg0: i32, %arg1: memref<2x128x64xf32, #tpu.memory_space<vmem>>, %arg2: memref<2x128x64xf32, #tpu.memory_space<vmem>>, %arg3: memref<128x1xf32, #tpu.memory_space<vmem>>, %arg4: memref<1x128xf32, #tpu.memory_space<vmem>>, %arg5: memref<128x16xf32, #tpu.memory_space<vmem>>, %arg6: memref<128x16xf32, #tpu.memory_space<vmem>>) attributes {dimension_semantics = [#tpu.dimension_semantics<arbitrary>], iteration_bounds = array<i64: 80>, scalar_prefetch = 0 : i64, scratch_operands = 0 : i64, tpu.core_type = #tpu.core_type<tc>, window_params = [{transform_indices = @transform_0, window_bounds = array<i64: 2, 128, 64>}, {transform_indices = @transform_1, window_bounds = array<i64: 2, 128, 64>}, {transform_indices = @transform_2, window_bounds = array<i64: 128, 1>}, {pipeline_mode = #tpu.pipeline_mode<synchronous>, transform_indices = @transform_3, window_bounds = array<i64: 1, 128>}, {pipeline_mode = #tpu.pipeline_mode<synchronous>, transform_indices = @transform_4, window_bounds = array<i64: 128, 16>}, {transform_indices = @transform_5, window_bounds = array<i64: 128, 16>}]} {
    %get3A = arith.constant 0 : index
    %get3A_0 = arith.constant 0 : index
    %get3A_1 = vector.load %arg3[%get3A, %get3A_0] : memref<128x1xf32, #tpu.memory_space<vmem>>, vector<128x1xf32>
    %get3A_2 = arith.constant 0 : index
    %get3A_3 = arith.constant 0 : index
    %get3A_4 = arith.constant 0 : index
    %get3A_5 = vector.load %arg1[%get3A_2, %get3A_3, %get3A_4] : memref<2x128x64xf32, #tpu.memory_space<vmem>>, vector<1x128x64xf32>
    %get3A_6 = vector.shape_cast %get3A_5 : vector<1x128x64xf32> to vector<128x64xf32>
    %get3A_7 = arith.constant 1 : index
    %get3A_8 = arith.constant 0 : index
    %get3A_9 = arith.constant 0 : index
    %get3A_10 = vector.load %arg1[%get3A_7, %get3A_8, %get3A_9] : memref<2x128x64xf32, #tpu.memory_space<vmem>>, vector<1x128x64xf32>
    %get3A_11 = vector.shape_cast %get3A_10 : vector<1x128x64xf32> to vector<128x64xf32>
    %concatenate3A = tpu.concatenate %get3A_6, %get3A_11 in 1 : vector<128x64xf32>, vector<128x64xf32> -> vector<128x128xf32>
    %get3A_12 = arith.constant 0 : index
    %get3A_13 = arith.constant 0 : index
    %get3A_14 = arith.constant 0 : index
    %get3A_15 = vector.load %arg2[%get3A_12, %get3A_13, %get3A_14] : memref<2x128x64xf32, #tpu.memory_space<vmem>>, vector<1x128x64xf32>
    %get3A_16 = vector.shape_cast %get3A_15 : vector<1x128x64xf32> to vector<128x64xf32>
    %get3A_17 = arith.constant 1 : index
    %get3A_18 = arith.constant 0 : index
    %get3A_19 = arith.constant 0 : index
    %get3A_20 = vector.load %arg2[%get3A_17, %get3A_18, %get3A_19] : memref<2x128x64xf32, #tpu.memory_space<vmem>>, vector<1x128x64xf32>
    %get3A_21 = vector.shape_cast %get3A_20 : vector<1x128x64xf32> to vector<128x64xf32>
    %concatenate3A_22 = tpu.concatenate %get3A_16, %get3A_21 in 1 : vector<128x64xf32>, vector<128x64xf32> -> vector<128x128xf32>
    %add3A = arith.addf %concatenate3A, %concatenate3A_22 : vector<128x128xf32>
    %mul3A = vector.broadcast %get3A_1 : vector<128x1xf32> to vector<128x128xf32>
    %mul3A_23 = arith.mulf %mul3A, %add3A : vector<128x128xf32>
    %get3A_24 = arith.constant 0 : index
    %get3A_25 = arith.constant 0 : index
    %get3A_26 = vector.load %arg4[%get3A_24, %get3A_25] : memref<1x128xf32, #tpu.memory_space<vmem>>, vector<1x128xf32>
    %add3A_27 = vector.broadcast %get3A_26 : vector<1x128xf32> to vector<128x128xf32>
    %add3A_28 = arith.addf %mul3A_23, %add3A_27 : vector<128x128xf32>
    %max3A = arith.constant 0.000000e+00 : f32
    %max3A_29 = vector.broadcast %max3A : f32 to vector<128x128xf32>
    %max3A_30 = arith.maximumf %add3A_28, %max3A_29 : vector<128x128xf32>
    %get3A_31 = arith.constant 0 : index
    %get3A_32 = arith.constant 0 : index
    %get3A_33 = vector.load %arg5[%get3A_31, %get3A_32] : memref<128x16xf32, #tpu.memory_space<vmem>>, vector<128x16xf32>
    %dot_general3A = arith.constant dense<0.000000e+00> : vector<128x16xf32>
    %dot_general3A_34 = tpu.matmul %max3A_30, %get3A_33, %dot_general3A {dimension_numbers = #tpu.dot_dimension_numbers<[1], [0], [0], [1], [0, 0, 1, 1], [], []>, transpose_lhs_hint = false} : vector<128x128xf32>, vector<128x16xf32>, vector<128x16xf32> -> vector<128x16xf32>
    %mul3A_35 = vector.broadcast %get3A_1 : vector<128x1xf32> to vector<128x16xf32>
    %mul3A_36 = arith.mulf %dot_general3A_34, %mul3A_35 : vector<128x16xf32>
    %swap3A = arith.constant 0 : index
    %swap3A_37 = arith.constant 0 : index
    %swap3A_38 = vector.load %arg6[%swap3A, %swap3A_37] : memref<128x16xf32, #tpu.memory_space<vmem>>, vector<128x16xf32>
    tpu.vector_store %arg6[%swap3A, %swap3A_37], %mul3A_36 {strides = array<i32>} : memref<128x16xf32, #tpu.memory_space<vmem>>, vector<128x16xf32>,
    return
  }
  func.func @transform_0(%arg0: i32) -> (i32, i32, i32) {
    %c0_i32 = arith.constant 0 : i32
    %c0_i32_0 = arith.constant 0 : i32
    %c0_i32_1 = arith.constant 0 : i32
    return %c0_i32, %arg0, %c0_i32_0 : i32, i32, i32
  }
  func.func @transform_1(%arg0: i32) -> (i32, i32, i32) {
    %c0_i32 = arith.constant 0 : i32
    %c0_i32_0 = arith.constant 0 : i32
    %c0_i32_1 = arith.constant 0 : i32
    return %c0_i32, %arg0, %c0_i32_0 : i32, i32, i32
  }
  func.func @transform_2(%arg0: i32) -> (i32, i32) {
    %c0_i32 = arith.constant 0 : i32
    %c0_i32_0 = arith.constant 0 : i32
    return %arg0, %c0_i32 : i32, i32
  }
  func.func @transform_3(%arg0: i32) -> (i32, i32) {
    %c0_i32 = arith.constant 0 : i32
    %c0_i32_0 = arith.constant 0 : i32
    %c0_i32_1 = arith.constant 0 : i32
    return %c0_i32, %c0_i32_0 : i32, i32
  }
  func.func @transform_4(%arg0: i32) -> (i32, i32) {
    %c0_i32 = arith.constant 0 : i32
    %c0_i32_0 = arith.constant 0 : i32
    %c0_i32_1 = arith.constant 0 : i32
    return %c0_i32, %c0_i32_0 : i32, i32
  }
  func.func @transform_5(%arg0: i32) -> (i32, i32) {
    %c0_i32 = arith.constant 0 : i32
    %c0_i32_0 = arith.constant 0 : i32
    return %arg0, %c0_i32 : i32, i32
  }
}

module attributes {stable_mosaic.version = 14 : i64} {
  func.func @_tc_final_body(%arg0: i32, %arg1: memref<2x128x16xf32, #tpu.memory_space<vmem>>, %arg2: memref<128x16xf32, #tpu.memory_space<vmem>>, %arg3: memref<128x1xf32, #tpu.memory_space<vmem>>, %arg4: memref<1x16xf32, #tpu.memory_space<vmem>>, %arg5: memref<128x16xf32, #tpu.memory_space<vmem>>) attributes {dimension_semantics = [#tpu.dimension_semantics<arbitrary>], iteration_bounds = array<i64: 80>, scalar_prefetch = 0 : i64, scratch_operands = 0 : i64, tpu.core_type = #tpu.core_type<tc>, window_params = [{transform_indices = @transform_0, window_bounds = array<i64: 2, 128, 16>}, {transform_indices = @transform_1, window_bounds = array<i64: 128, 16>}, {transform_indices = @transform_2, window_bounds = array<i64: 128, 1>}, {pipeline_mode = #tpu.pipeline_mode<synchronous>, transform_indices = @transform_3, window_bounds = array<i64: 1, 16>}, {transform_indices = @transform_4, window_bounds = array<i64: 128, 16>}]} {
    %get3A = arith.constant 0 : index
    %get3A_0 = arith.constant 0 : index
    %get3A_1 = vector.load %arg3[%get3A, %get3A_0] : memref<128x1xf32, #tpu.memory_space<vmem>>, vector<128x1xf32>
    %get3A_2 = arith.constant 0 : index
    %get3A_3 = arith.constant 0 : index
    %get3A_4 = arith.constant 0 : index
    %get3A_5 = vector.load %arg1[%get3A_2, %get3A_3, %get3A_4] : memref<2x128x16xf32, #tpu.memory_space<vmem>>, vector<1x128x16xf32>
    %get3A_6 = vector.shape_cast %get3A_5 : vector<1x128x16xf32> to vector<128x16xf32>
    %get3A_7 = arith.constant 1 : index
    %get3A_8 = arith.constant 0 : index
    %get3A_9 = arith.constant 0 : index
    %get3A_10 = vector.load %arg1[%get3A_7, %get3A_8, %get3A_9] : memref<2x128x16xf32, #tpu.memory_space<vmem>>, vector<1x128x16xf32>
    %get3A_11 = vector.shape_cast %get3A_10 : vector<1x128x16xf32> to vector<128x16xf32>
    %add3A = arith.addf %get3A_6, %get3A_11 : vector<128x16xf32>
    %get3A_12 = arith.constant 0 : index
    %get3A_13 = arith.constant 0 : index
    %get3A_14 = vector.load %arg2[%get3A_12, %get3A_13] : memref<128x16xf32, #tpu.memory_space<vmem>>, vector<128x16xf32>
    %add3A_15 = arith.addf %add3A, %get3A_14 : vector<128x16xf32>
    %mul3A = vector.broadcast %get3A_1 : vector<128x1xf32> to vector<128x16xf32>
    %mul3A_16 = arith.mulf %mul3A, %add3A_15 : vector<128x16xf32>
    %get3A_17 = arith.constant 0 : index
    %get3A_18 = arith.constant 0 : index
    %get3A_19 = vector.load %arg4[%get3A_17, %get3A_18] : memref<1x16xf32, #tpu.memory_space<vmem>>, vector<1x16xf32>
    %add3A_20 = vector.broadcast %get3A_19 : vector<1x16xf32> to vector<128x16xf32>
    %add3A_21 = arith.addf %mul3A_16, %add3A_20 : vector<128x16xf32>
    %swap3A = arith.constant 0 : index
    %swap3A_22 = arith.constant 0 : index
    %swap3A_23 = vector.load %arg5[%swap3A, %swap3A_22] : memref<128x16xf32, #tpu.memory_space<vmem>>, vector<128x16xf32>
    tpu.vector_store %arg5[%swap3A, %swap3A_22], %add3A_21 {strides = array<i32>} : memref<128x16xf32, #tpu.memory_space<vmem>>, vector<128x16xf32>,
    return
  }
  func.func @transform_0(%arg0: i32) -> (i32, i32, i32) {
    %c0_i32 = arith.constant 0 : i32
    %c0_i32_0 = arith.constant 0 : i32
    %c0_i32_1 = arith.constant 0 : i32
    return %c0_i32, %arg0, %c0_i32_0 : i32, i32, i32
  }
  func.func @transform_1(%arg0: i32) -> (i32, i32) {
    %c0_i32 = arith.constant 0 : i32
    %c0_i32_0 = arith.constant 0 : i32
    return %arg0, %c0_i32 : i32, i32
  }
  func.func @transform_2(%arg0: i32) -> (i32, i32) {
    %c0_i32 = arith.constant 0 : i32
    %c0_i32_0 = arith.constant 0 : i32
    return %arg0, %c0_i32 : i32, i32
  }
  func.func @transform_3(%arg0: i32) -> (i32, i32) {
    %c0_i32 = arith.constant 0 : i32
    %c0_i32_0 = arith.constant 0 : i32
    %c0_i32_1 = arith.constant 0 : i32
    return %c0_i32, %c0_i32_0 : i32, i32
  }
  func.func @transform_4(%arg0: i32) -> (i32, i32) {
    %c0_i32 = arith.constant 0 : i32
    %c0_i32_0 = arith.constant 0 : i32
    return %arg0, %c0_i32 : i32, i32
  }
}

</mosaic_0001>

<sc_bundles>
// kernel: kernel.11.cloned.1.call-start
scs
__scs_entry_jumppad:
0x0: {  	(pc) =	sbr.rel $0x88, $3  }
0x1: {  	(tag) =	ssettag $0x0;
	lr =	simm.s32 $0x1  }
0x2: {  	[smem:$0x3F9B] =	sst lr;
	_ =	strace $0xD0000000  }
0x3: {  	_ = 	snop  }
0x4: {  	_ = 	snop  }
0x5: {  	_ = 	snop  }
0x6: {  	_ = 	snop  }
0x7: {  	_ = 	snop  }
__scs_overlays_trampoline_lowered:
0x8: {  	[smem:$0x3FAA] =	sst s0  }
0x9: {  	[smem:$0x3FAB] =	sst s1  }
0xa: {  	[smem:$0x3FAC] =	sst s2  }
0xb: {  	[smem:$0x3FAD] =	sst s3  }
0xc: {  	[smem:$0x3FAE] =	sst s4  }
0xd: {  	[smem:$0x3FAF] =	sst s5  }
0xe: {  	[smem:$0x3FB0] =	sst s6  }
0xf: {  	[smem:$0x3FB1] =	sst s7  }
0x10: {  	[smem:$0x3FB2] =	sst s8  }
0x11: {  	[smem:$0x3FB3] =	sst s9;
	s0 =	simm.s32 @!p0 $0x0  }
0x12: {  	s1 =	sld [smem:$0x3F99];
	s0 =	simm.s32 @p0 $0x1  }
0x13: {  	[smem:$0x3FB4] =	sst s0;
	s0 =	simm.s32 @!p1 $0x0  }
0x14: {  	s2 =	sld [smem:$0x3F98];
	s0 =	simm.s32 @p1 $0x1  }
0x15: {  	[smem:$0x3FB5] =	sst s0;
	s0 =	simm.s32 @!p2 $0x0  }
0x16: {  	s3 =	sld [smem:$0x3FDB];
	s0 =	simm.s32 @p2 $0x1  }
0x17: {  	s4 =	simm.s32 $0x1BF5;
	[smem:$0x3FB7] =	sst s0  }
0x18: {  	s0 =	sld [smem:$0x3F9A];
	_ =	swait.ge [sflag:s4], $0x0  }
0x19: {  	s7 =	sld [smem:$0x3F9B]  }
0x1a: {  	s8 =	sadd.s32 $0xFFFFE003, lr  }
0x1b: {  	s9 =	sadd.s32 $0xFFFFFEF7, lr;
	s5 =	simm.s32 $0xFFFFFFFF;
	p2 =	slt.u32 s8, $0xFFFFF086  }
0x1c: {  	p1 =	slt.u32 s9, $0xF7A;
	s5 =	simm.s32 @!p2 $0x0  }
0x1d: {  	s5 =	simm.s32 @p1 $0x1;
	p0 =	seq.s32 s7, s2  }
0x1e: {  	s7 =	smul.u32 @!p0 $0xF7A, s2;
	p2 =	seq.s32 @!p0 s5, $0x0  }
0x1f: {  	s9 =	smul.u32 $0xF7A, s1;
	s8 =	simm.s32 @!p0 $0x1BF5;
	p2 =	por !p2, p0  }
0x20: {  	[sflag:s8] =	ssyncset.s32 @!p0 $0xFFFFF086;
	s6 =	sadd.s32 @!p0 s3, s7;
	s7 =	simm.s32 @!p0 $0x108  }
0x21: {  	s3 =	sadd.s32 s3, s9;
	s6 =	sadd.s32 @!p0 $0x88, s6;
	s7 =	simm.s32 @p2 $0x1082  }
0x22: {  	[simem:s7], [sflag:s8] =	dma.local @!p0 [hbm:s6], $0xF7A  }
0x23: {  	s9 =	sor.u32 $0xD0000000, s2;
	s6 =	simm.s32 $0x108;
	_ =	swait.ge @!p0 [sflag:s8], $0x0  }
0x24: {  	s3 =	sadd.s32 $0x88, s3;
	s6 =	simm.s32 @!p1 $0x1082;
	[sflag:s4] =	ssyncset.s32 $0xFFFFF086  }
0x25: {  	[simem:s6], [sflag:s4] =	dma.local [hbm:s3], $0xF7A  }
0x26: {  	[smem:$0x3F9B] =	sst s1;
	(tag) =	ssettag s2;
	_ =	strace s9  }
0x27: {  	s1 =	sld [smem:$0x3FAB]  }
0x28: {  	s2 =	sld [smem:$0x3FAC]  }
0x29: {  	s4 =	sld [smem:$0x3FAE]  }
0x2a: {  	p0 =	seq.s32 s5, $0x0;
	s5 =	sld [smem:$0x3FAF]  }
0x2b: {  	s6 =	sld [smem:$0x3FB0]  }
0x2c: {  	s7 =	sld [smem:$0x3FB1]  }
0x2d: {  	s3 =	simm.s32 $0x108;
	s8 =	sld [smem:$0x3FB2]  }
0x2e: {  	s3 =	simm.s32 @!p0 $0x1082;
	s9 =	sld [smem:$0x3FB3]  }
0x2f: {  	lr =	sadd.s32 s0, s3;
	s0 =	sld [smem:$0x3FAA]  }
0x30: {  	s3 =	sld [smem:$0x3FAD]  }
0x31: {  	[smem:$0x3FB6] =	sst s10  }
0x32: {  	s10 =	sld [smem:$0x3FB4];
	_ =	sdelay $0x3  }
0x33: {  	p0 =	seq.s32 s10, $0x1;
	s10 =	sld [smem:$0x3FB6];
	_ =	sdelay $0x3  }
0x34: {  	[smem:$0x3FB6] =	sst s10  }
0x35: {  	s10 =	sld [smem:$0x3FB5];
	_ =	sdelay $0x3  }
0x36: {  	p1 =	seq.s32 s10, $0x1;
	s10 =	sld [smem:$0x3FB6];
	_ =	sdelay $0x3  }
0x37: {  	[smem:$0x3FB6] =	sst s10  }
0x38: {  	s10 =	sld [smem:$0x3FB7]  }
0x39: {  	_ = 	snop;
	(pc) =	sbr.ind lr, $3  }
0x3a: {  	_ = 	snop  }
0x3b: {  	_ = 	snop  }
0x3c: {  	p2 =	seq.s32 s10, $0x1;
	s10 =	sld [smem:$0x3FB6]  }
0x3d: {  	_ =	shalt  }
0x3e: {  	_ =	shalt  }
0x3f: {  	_ =	shalt  }
0x40: {  	_ =	shalt  }
0x41: {  	_ =	shalt  }
0x42: {  	_ =	shalt  }
0x43: {  	_ =	shalt  }
0x44: {  	_ =	shalt  }
0x45: {  	_ =	shalt  }
0x46: {  	_ =	shalt  }
0x47: {  	_ =	shalt  }
0x48: {  	_ =	shalt  }
0x49: {  	_ =	shalt  }
0x4a: {  	_ =	shalt  }
0x4b: {  	_ =	shalt  }
0x4c: {  	_ =	shalt  }
0x4d: {  	_ =	shalt  }
0x4e: {  	_ =	shalt  }
0x4f: {  	_ =	shalt  }
0x50: {  	_ =	shalt  }
0x51: {  	_ =	shalt  }
0x52: {  	_ =	shalt  }
0x53: {  	_ =	shalt  }
0x54: {  	_ =	shalt  }
0x55: {  	_ =	shalt  }
0x56: {  	_ =	shalt  }
0x57: {  	_ =	shalt  }
0x58: {  	_ =	shalt  }
0x59: {  	_ =	shalt  }
0x5a: {  	_ =	shalt  }
0x5b: {  	_ =	shalt  }
0x5c: {  	_ =	shalt  }
0x5d: {  	_ =	shalt  }
0x5e: {  	_ =	shalt  }
0x5f: {  	_ =	shalt  }
0x60: {  	_ =	shalt  }
0x61: {  	_ =	shalt  }
0x62: {  	_ =	shalt  }
0x63: {  	_ =	shalt  }
0x64: {  	_ =	shalt  }
0x65: {  	_ =	shalt  }
0x66: {  	_ =	shalt  }
0x67: {  	_ =	shalt  }
0x68: {  	_ =	shalt  }
0x69: {  	_ =	shalt  }
0x6a: {  	_ =	shalt  }
0x6b: {  	_ =	shalt  }
0x6c: {  	_ =	shalt  }
0x6d: {  	_ =	shalt  }
0x6e: {  	_ =	shalt  }
0x6f: {  	_ =	shalt  }
0x70: {  	_ =	shalt  }
0x71: {  	_ =	shalt  }
0x72: {  	_ =	shalt  }
0x73: {  	_ =	shalt  }
0x74: {  	_ =	shalt  }
0x75: {  	_ =	shalt  }
0x76: {  	_ =	shalt  }
0x77: {  	_ =	shalt  }
0x78: {  	_ =	shalt  }
0x79: {  	_ =	shalt  }
0x7a: {  	_ =	shalt  }
0x7b: {  	_ =	shalt  }
0x7c: {  	_ =	shalt  }
0x7d: {  	_ =	shalt  }
0x7e: {  	_ =	shalt  }
0x7f: {  	_ =	shalt  }
0x80: {  	_ =	shalt  }
0x81: {  	_ =	shalt  }
0x82: {  	_ =	shalt  }
0x83: {  	_ =	shalt  }
0x84: {  	_ =	shalt  }
0x85: {  	_ =	shalt  }
0x86: {  	_ =	shalt  }
0x87: {  	_ =	shalt  }
.Lfunc_end0:
.L_simem_size_0:
called_computation.1_lowered:
.L_overlay_start_0:
0x88: {  	s2 =	sld [smem:$0x3FD9]  }
0x89: {  	s3 =	sld [smem:$0x3FFE];
	_ =	sdelay $0x1  }
0x8a: {  	s1 =	srdreg.scid  }
0x8b: {  	s0 =	sand.u32 $0x1, s1  }
0x8c: {  	s16 =	sshll.u32 s0, $0xA;
	s2 =	sadd.s32 s3, s2  }
0x8d: {  	s2 =	sadd.s32 s2, s16  }
0x8e: {  	[smem:$0x3FC2] =	sst s2  }
0x8f: {  	_ = 	snop  }
0x90: {  	(tm) =	ssettm $0x1  }
0x91: {  	s17 =	sld [smem:$0x3FFB];
	_ =	sdelay $0x3  }
0x92: {  	_ =	strace s17  }
0x93: {  	s2 =	sld [smem:$0x3FFC];
	_ =	sdelay $0x3  }
0x94: {  	_ =	strace s2  }
0x95: {  	s2 =	sld [smem:$0x3FFD];
	_ =	sdelay $0x3  }
0x96: {  	_ =	strace s2  }
0x97: {  	_ =	strace $0x8FFFFFFF  }
0x98: {  	s18 =	sld [smem:$0x3FDB];
	_ =	sdelay $0x1  }
0x99: {  	s19 =	simm.s32 $_scs_section_size  }
0x9a: {  	s4 =	simm.s32 $_size__tile_overlayer_lowered;
	s5 =	simm.s32 $_tile_overlayer_lowered  }
0x9b: {  	s22 =	simm.s32 $0x1BFF;
	s21 =	sshll.u32 s5, $0x1;
	s2 =	sadd.s32 s19, s18  }
0x9c: {  	s6 =	simm.s32 $0x0;
	s20 =	sshll.u32 s4, $0x1;
	s4 =	sadd.s32 s21, s2  }
0x9d: {  	[timem:s6], [sflag:s22] =	dma.local [hbm:s4], s20  }
0x9e: {  	_ =	swait.ge [sflag:s22], s20  }
0x9f: {  	s3 =	ssub.s32 $0x0, s20;
	[sflag:s22] =	ssyncset.done $0x0  }
0xa0: {  	[sflag:s22] =	ssyncadd.s32 s3;
	_ =	sdelay $0x1  }
0xa1: {  	s23 =	simm.s32 $0x1B8B  }
0xa2: {  	_ =	swait.ge [sflag:s23], $0x1  }
0xa3: {  	[sflag:s23] =	ssyncset.done $0x0  }
0xa4: {  	s25 =	simm.s32 $0x1B8E;
	s24 =	sld [smem:$0x3FFE];
	[sflag:s23] =	ssyncadd.s32 $0xFFFFFFFF  }
0xa5: {  	s26 =	simm.s32 $execute0_lowered;
	[smem:$0x3FD2] =	sst s25  }
0xa6: {  	s4 =	sshll.u32 s26, $0x1;
	_ =	strace $0x80000049;
	[dreg:$0x1] =	wrdreg $0xFFFFFFFF  }
0xa7: {  	s28 =	simm.s32 $_size_execute0_lowered;
	s2 =	sadd.s32 s2, s4;
	[dreg:$0x0] =	wrdreg $0x0  }
0xa8: {  	s4 =	sshll.u32 s28, $0x1;
	[dreg:$0x2] =	wrdreg s2  }
0xa9: {  	[dreg:$0x3] =	wrdreg s4  }
0xaa: {  	[dreg:$0x4] =	wrdreg $0xC0  }
0xab: {  	_ =	task [dreg:s6], $0x5FFFF  }
0xac: {  	[dreg:$0x1] =	wrdreg $0xFFFFFFFF  }
0xad: {  	[dreg:$0x0] =	wrdreg $0x60  }
0xae: {  	[dreg:$0x2] =	wrdreg s24  }
0xaf: {  	[dreg:$0x3] =	wrdreg $0x150000  }
0xb0: {  	[dreg:$0x4] =	wrdreg $0x9  }
0xb1: {  	_ =	task.clear_ibuf [dreg:s6], $0x5FFFF;
	_ =	strace $0x90000049  }
0xb2: {  	s29 =	simm.s32 $0x9;
	_ =	strace $0x8000004B  }
0xb3: {  	_ =	swait.ge [sflag:s29], $0x1  }
0xb4: {  	[sflag:s29] =	ssyncadd.s32 $0xFFFFFFFF  }
0xb5: {  	_ =	strace $0x9000004B  }
0xb6: {  	_ =	sfence  }
0xb7: {  	s30 =	sld [smem:$0x0];
	_ =	sdelay $0x2  }
0xb8: {  	s31 =	sshll.u32 s1, $0xD;
	s1 =	sshrl.u32 s1, $0x2  }
0xb9: {  	s3 =	sand.u32 $0x4000, s31;
	s1 =	sadd.s32 s1, s30  }
0xba: {  	s0 =	sor.u32 s3, s0;
	s1 =	sshll.u32 s1, $0x11  }
0xbb: {  	s0 =	sor.u32 s1, s0  }
0xbc: {  	s0 =	sadd.s32 $0x8F2B, s0  }
0xbd: {  	[sflag:s0] =	ssyncadd.remote.s32 $0x1  }
0xbe: {  	_ =	sfence.sel $0xFFFF  }
0xbf: {  	[dreg:$0x0] =	wrdreg $0xFFFFFFFF;
	(pc) =	sbr.abs _section_cstart, $3  }
0xc0: {  	[dreg:$0x1] =	wrdreg $0xFFFFFFFF  }
0xc1: {  	_ =	task.clear_ibuf [dreg:s6], $0x2FFFF;
	_ =	strace $0x9FFFFFFF  }
0xc2: {  	(tm) =	ssettm $0x7FFFFFFF  }
0xc3: {  	_ =	shalt  }
tec
execute0_lowered:
.L_overlay_start_1:
0x0: {  	(tag) =	ssettag $0x1  }
0x1: {  	s0 =	srdreg.scid;
	s2 =	rddreg [dreg:$0x0]  }
0x2: {  	s1 =	simm.s32 $0x0;
	s6 =	stileid.u32;
	s29 =	simm.s32 $0x14000  }
0x3: {  	s30 =	simm.s32 $0x11;
	s31 =	simm.s32 $0xB400;
	s4 =	smul.u32 $0xA00, s6  }
0x4: {  	s28 =	simm.s32 $0x8;
	s0 =	sand.u32 $0x1, s0;
	s6 =	smul.u32 $0xA000, s6  }
0x5: {  	[smem:$0x7FF] =	sst s1;
	s3 =	smul.u32 $0xA0000, s0;
	s0 =	ssub.s32 $0x2, s0  }
0x6: {  	s4 =	sadd.s32 s4, s2;
	s7 =	sshrl.u32 s0, $0x1;
	s8 =	sadd.s32 $0x2000, s6  }
0x7: {  	s9 =	sadd.s32 $0x3000, s6;
	s10 =	sadd.s32 $0x4000, s6;
	s12 =	sadd.s32 $0x5000, s6  }
0x8: {  	s13 =	sadd.s32 $0x6000, s6;
	s14 =	sadd.s32 $0x7000, s6;
	s15 =	sadd.s32 $0x8000, s6  }
0x9: {  	s17 =	sadd.s32 $0x9000, s6;
	s5 =	sshrl.u32 s3, $0x3;
	s0 =	ssub.s32 s0, s7  }
0xa: {  	s7 =	sor.u32 $0x1000, s6;
	s11 =	sadd.s32 s6, s3;
	s23 =	sadd.s32 s3, s8  }
0xb: {  	s24 =	sadd.s32 s3, s9;
	s18 =	sadd.s32 s3, s10;
	s19 =	sadd.s32 s3, s12  }
0xc: {  	s20 =	sadd.s32 s3, s13;
	s21 =	sadd.s32 s3, s14;
	s5 =	sadd.s32 s5, s2  }
0xd: {  	s2 =	sadd.s32 $0xB6A00, s2;
	s16 =	sadd.s32 s3, s7;
	s11 =	sshrl.u32 s11, $0x3  }
0xe: {  	s25 =	sshrl.u32 s24, $0x3;
	s26 =	sshrl.u32 s18, $0x3;
	s11 =	sadd.s32 s2, s11  }
0xf: {  	s16 =	sshrl.u32 s16, $0x3;
	s18 =	sadd.s32 s2, s26;
	[dreg:$0x3] =	wrdreg s11  }
0x10: {  	s22 =	sadd.s32 s2, s16;
	s11 =	sshrl.u32 s23, $0x3;
	[dreg:$0x7] =	wrdreg s18  }
0x11: {  	s23 =	sshrl.u32 s21, $0x3;
	[dreg:$0x4] =	wrdreg s22;
	s11 =	sadd.s32 s2, s11  }
0x12: {  	s0 =	smax.u32 s0, $0x1;
	s24 =	sadd.s32 s2, s23;
	[dreg:$0x5] =	wrdreg s11  }
0x13: {  	s22 =	sshrl.u32 s20, $0x3;
	s11 =	sadd.s32 s2, s25;
	[dreg:$0xa] =	wrdreg s24  }
0x14: {  	s25 =	sadd.s32 s3, s15;
	[dreg:$0x6] =	wrdreg s11;
	s11 =	sshrl.u32 s19, $0x3  }
0x15: {  	s3 =	sadd.s32 s3, s17;
	s26 =	sshrl.u32 s25, $0x3;
	s11 =	sadd.s32 s2, s11  }
0x16: {  	s3 =	sshrl.u32 s3, $0x3;
	s16 =	sadd.s32 s2, s26;
	[dreg:$0x8] =	wrdreg s11  }
0x17: {  	s25 =	sadd.s32 $0xCA00, s4;
	s11 =	sadd.s32 s2, s22;
	[dreg:$0xb] =	wrdreg s16  }
0x18: {  	s26 =	sadd.s32 $0x2000, s4;
	s2 =	sadd.s32 s2, s3;
	[dreg:$0x9] =	wrdreg s11  }
0x19: {  	s4 =	simm.s32 $0x1;
	s3 =	simm.s32 $0xDC00;
	[dreg:$0xc] =	wrdreg s2  }
0x1a: {  	s11 =	rddreg [dreg:$0x1];
	s2 =	simm.s32 $0xC800;
	_ =	strace $0x8000004A  }
0x1b: {  	s19 =	sadd.s32 s6, s11;
	s20 =	sadd.s32 s7, s11;
	s21 =	sadd.s32 s8, s11  }
0x1c: {  	s9 =	sadd.s32 s9, s11;
	s10 =	sadd.s32 s10, s11;
	[dreg:$0x15] =	wrdreg s25  }
0x1d: {  	s16 =	sadd.s32 s12, s11;
	s18 =	sadd.s32 s13, s11;
	[dreg:$0x16] =	wrdreg s26  }
0x1e: {  	s22 =	sadd.s32 s14, s11;
	s23 =	sadd.s32 s15, s11;
	[dreg:$0x17] =	wrdreg s0  }
0x1f: {  	s24 =	sadd.s32 s17, s11;
	s26 =	sadd.s32 $0x8EA00, s5;
	[dreg:$0xe] =	wrdreg s9  }
0x20: {  	s0 =	simm.s32 $0xA000;
	s5 =	simm.s32 $0xF000;
	[dreg:$0xf] =	wrdreg s10  }
0x21: {  	s6 =	simm.s32 $0x2;
	s7 =	simm.s32 $0x10400;
	[dreg:$0x10] =	wrdreg s16  }
.Ltmp0:
0x22: {  	s8 =	simm.s32 $0x3;
	[dreg:$0x11] =	wrdreg s18;
	(pc) =	sbr.rel .LBB2_1-.Ltmp0, $4  }
0x23: {  	s12 =	simm.s32 $0x4;
	s13 =	simm.s32 $0x12C00;
	[dreg:$0x12] =	wrdreg s22  }
0x24: {  	s25 =	simm.s32 $0x7;
	s14 =	simm.s32 $0xB;
	[dreg:$0x13] =	wrdreg s23  }
0x25: {  	s15 =	simm.s32 $0xC;
	[dreg:$0x14] =	wrdreg s24;
	s10 =	simm.s32 $0x50  }
0x26: {  	v0 =	vimm.f32 $0.0e+00;
	s9 =	simm.s32 $0x11800;
	s24 =	simm.s32 $0x5;
	[dreg:$0xd] =	wrdreg s21  }
.LBB2_6:
0x27: {  	_ =	swait.ge [sflag:s28], $0x1400  }
0x28: {  	[sflag:s28] =	ssyncset.done $0x0  }
0x29: {  	s16 =	simm.s32 $0x9;
	[sflag:s28] =	ssyncadd.s32 $0xFFFFEC00  }
0x2a: {  	[spmem:s11] =	stream.indirect.scatter.add.f32 [tilespmem:s13], [sflag:$0x10], $0x40, s18, s10, $0xb8;
	[tilespmem:$0x1F000] =	vst v63  }
0x2b: {  	_ =	swait.ge [sflag:s16], $0x1400  }
0x2c: {  	[sflag:s16] =	ssyncset.done $0x0  }
0x2d: {  	s21 =	simm.s32 $0xA;
	[sflag:s16] =	ssyncadd.s32 $0xFFFFEC00  }
0x2e: {  	_ =	swait.ge [sflag:s21], $0x1400  }
0x2f: {  	[sflag:s21] =	ssyncset.done $0x0  }
0x30: {  	[sflag:s21] =	ssyncadd.s32 $0xFFFFEC00  }
0x31: {  	_ =	swait.ge [sflag:s14], $0x1400  }
0x32: {  	[sflag:s14] =	ssyncset.done $0x0  }
0x33: {  	[sflag:s14] =	ssyncadd.s32 $0xFFFFEC00  }
0x34: {  	_ =	swait.ge [sflag:s15], $0x1400  }
0x35: {  	[sflag:s15] =	ssyncset.done $0x0  }
0x36: {  	s17 =	simm.s32 $0xD;
	[sflag:s15] =	ssyncadd.s32 $0xFFFFEC00  }
0x37: {  	_ =	swait.ge [sflag:s17], $0x1400  }
0x38: {  	[sflag:s17] =	ssyncset.done $0x0  }
0x39: {  	s18 =	simm.s32 $0xE;
	[sflag:s17] =	ssyncadd.s32 $0xFFFFEC00  }
0x3a: {  	_ =	swait.ge [sflag:s18], $0x1400  }
0x3b: {  	[sflag:s18] =	ssyncset.done $0x0  }
0x3c: {  	s19 =	simm.s32 $0xF;
	[sflag:s18] =	ssyncadd.s32 $0xFFFFEC00  }
0x3d: {  	_ =	swait.ge [sflag:s19], $0x1400  }
0x3e: {  	[sflag:s19] =	ssyncset.done $0x0  }
0x3f: {  	s20 =	simm.s32 $0x10;
	[sflag:s19] =	ssyncadd.s32 $0xFFFFEC00  }
0x40: {  	_ =	swait.ge [sflag:s20], $0x1400  }
0x41: {  	s21 =	stileid.u32;
	[sflag:s20] =	ssyncset.done $0x0  }
0x42: {  	s16 =	sshll.u32 s21, $0x6;
	[sflag:s20] =	ssyncadd.s32 $0xFFFFEC00  }
0x43: {  	s16 =	sor.u32 $0x1C11, s16;
	[bflag:$0x0] =	sbarrier.arrive $0xFFFF  }
0x44: {  	s17 =	sshrl.u32 s22, $0x3;
	s19 =	smov.u32 s22;
	s22 =	rddreg [dreg:$0x3]  }
0x45: {  	[hbm:s22], [sflag:s16] =	dma.local [spmem:s17], $0x200  }
0x46: {  	_ =	swait.ge [sflag:s30], $0x200  }
0x47: {  	[sflag:s30] =	ssyncset.done $0x0  }
0x48: {  	s18 =	sshrl.u32 s23, $0x3;
	s21 =	rddreg [dreg:$0x4];
	[sflag:s30] =	ssyncadd.s32 $0xFFFFFE00  }
0x49: {  	[hbm:s21], [sflag:s16] =	dma.local [spmem:s18], $0x200  }
0x4a: {  	_ =	swait.ge [sflag:s30], $0x200  }
0x4b: {  	s20 =	smov.u32 s23;
	[sflag:s30] =	ssyncset.done $0x0;
	s21 =	rddreg [dreg:$0xd]  }
0x4c: {  	s23 =	rddreg [dreg:$0x5];
	[sflag:s30] =	ssyncadd.s32 $0xFFFFFE00;
	s22 =	sshrl.u32 s21, $0x3  }
0x4d: {  	[hbm:s23], [sflag:s16] =	dma.local [spmem:s22], $0x200  }
0x4e: {  	_ =	swait.ge [sflag:s30], $0x200  }
0x4f: {  	[sflag:s30] =	ssyncset.done $0x0;
	s22 =	rddreg [dreg:$0xe]  }
0x50: {  	s23 =	rddreg [dreg:$0x6];
	[sflag:s30] =	ssyncadd.s32 $0xFFFFFE00;
	s17 =	sshrl.u32 s22, $0x3  }
0x51: {  	[hbm:s23], [sflag:s16] =	dma.local [spmem:s17], $0x200  }
0x52: {  	_ =	swait.ge [sflag:s30], $0x200  }
0x53: {  	[sflag:s30] =	ssyncset.done $0x0;
	s22 =	rddreg [dreg:$0xf]  }
0x54: {  	s23 =	rddreg [dreg:$0x7];
	[sflag:s30] =	ssyncadd.s32 $0xFFFFFE00;
	s17 =	sshrl.u32 s22, $0x3  }
0x55: {  	[hbm:s23], [sflag:s16] =	dma.local [spmem:s17], $0x200  }
0x56: {  	_ =	swait.ge [sflag:s30], $0x200  }
0x57: {  	[sflag:s30] =	ssyncset.done $0x0;
	s22 =	rddreg [dreg:$0x10]  }
0x58: {  	s23 =	rddreg [dreg:$0x8];
	[sflag:s30] =	ssyncadd.s32 $0xFFFFFE00;
	s17 =	sshrl.u32 s22, $0x3  }
0x59: {  	[hbm:s23], [sflag:s16] =	dma.local [spmem:s17], $0x200  }
0x5a: {  	_ =	swait.ge [sflag:s30], $0x200  }
0x5b: {  	[sflag:s30] =	ssyncset.done $0x0;
	s22 =	rddreg [dreg:$0x11]  }
0x5c: {  	s23 =	rddreg [dreg:$0x9];
	[sflag:s30] =	ssyncadd.s32 $0xFFFFFE00;
	s17 =	sshrl.u32 s22, $0x3  }
0x5d: {  	[hbm:s23], [sflag:s16] =	dma.local [spmem:s17], $0x200  }
0x5e: {  	_ =	swait.ge [sflag:s30], $0x200  }
0x5f: {  	[sflag:s30] =	ssyncset.done $0x0;
	s22 =	rddreg [dreg:$0x12]  }
0x60: {  	s23 =	rddreg [dreg:$0xa];
	[sflag:s30] =	ssyncadd.s32 $0xFFFFFE00;
	s17 =	sshrl.u32 s22, $0x3  }
0x61: {  	[hbm:s23], [sflag:s16] =	dma.local [spmem:s17], $0x200  }
0x62: {  	_ =	swait.ge [sflag:s30], $0x200  }
0x63: {  	[sflag:s30] =	ssyncset.done $0x0;
	s22 =	rddreg [dreg:$0x13]  }
0x64: {  	s23 =	rddreg [dreg:$0xb];
	[sflag:s30] =	ssyncadd.s32 $0xFFFFFE00;
	s17 =	sshrl.u32 s22, $0x3  }
0x65: {  	[hbm:s23], [sflag:s16] =	dma.local [spmem:s17], $0x200  }
0x66: {  	_ =	swait.ge [sflag:s30], $0x200  }
0x67: {  	[sflag:s30] =	ssyncset.done $0x0;
	s18 =	rddreg [dreg:$0x14]  }
0x68: {  	s22 =	rddreg [dreg:$0xc];
	[sflag:s30] =	ssyncadd.s32 $0xFFFFFE00;
	s17 =	sshrl.u32 s18, $0x3  }
0x69: {  	[hbm:s22], [sflag:s16] =	dma.local [spmem:s17], $0x200  }
0x6a: {  	_ =	swait.ge [sflag:s30], $0x200  }
0x6b: {  	s1 =	sadd.s32 $0x1, s1;
	s23 =	rddreg [dreg:$0x17]  }
0x6c: {  	p0 =	sne.s32 s1, s23  }
.Ltmp1:
0x6d: {  	_ = 	snop;
	(pc) =	sbr.rel @!p0 .LBB2_7-.Ltmp1, $3  }
0x6e: {  	_ =	sdelay $0x1  }
0x6f: {  	[sflag:s30] =	ssyncset.done $0x0  }
0x70: {  	[sflag:s30] =	ssyncadd.s32 $0xFFFFFE00  }
.LBB2_1:
0x71: {  	s17 =	simm.s32 $0x100;
	s16 =	simm.s32 $0x0  }
.LBB2_2:
0x72: {  	p0 =	sne.s32 s17, $0x3F00;
	[tilespmem:s16+$0x14030] =	vst v0;
	s18 =	smov.u32 s17;
	s17 =	sadd.s32 $0x100, s17  }
.Ltmp2:
0x73: {  	[tilespmem:s16+$0x14020] =	vst v0;
	(pc) =	sbr.rel @p0 .LBB2_2-.Ltmp2, $3  }
0x74: {  	[tilespmem:s16+$0x14000] =	vst v0  }
0x75: {  	[tilespmem:s16+$0x14010] =	vst v0;
	_ =	sdelay $0x1  }
0x76: {  	s16 =	sshra.s32 s18, $0x2  }
0x77: {  	[tilespmem:s16+$0x14030] =	vst v0  }
0x78: {  	[tilespmem:s16+$0x14020] =	vst v0  }
0x79: {  	[tilespmem:s16+$0x14000] =	vst v0  }
0x7a: {  	[tilespmem:s16+$0x14010] =	vst v0  }
0x7b: {  	[spmem:s19] =	stream.linear.scatter [tilespmem:s29], [sflag:$0x11], $0x1000, $0x38;
	[tilespmem:$0x1F000] =	vst v63  }
0x7c: {  	_ =	swait.ge [sflag:s30], $0x1000  }
0x7d: {  	[sflag:s30] =	ssyncset.done $0x0  }
0x7e: {  	[sflag:s30] =	ssyncadd.s32 $0xFFFFF000  }
0x7f: {  	[spmem:s20] =	stream.linear.scatter [tilespmem:s29], [sflag:$0x11], $0x1000, $0x38;
	[tilespmem:$0x1F000] =	vst v63  }
0x80: {  	_ =	swait.ge [sflag:s30], $0x1000  }
0x81: {  	[sflag:s30] =	ssyncset.done $0x0  }
0x82: {  	[sflag:s30] =	ssyncadd.s32 $0xFFFFF000  }
0x83: {  	[spmem:s21] =	stream.linear.scatter [tilespmem:s29], [sflag:$0x11], $0x1000, $0x38;
	[tilespmem:$0x1F000] =	vst v63  }
0x84: {  	_ =	swait.ge [sflag:s30], $0x1000  }
0x85: {  	[sflag:s30] =	ssyncset.done $0x0  }
0x86: {  	s17 =	rddreg [dreg:$0xe];
	[sflag:s30] =	ssyncadd.s32 $0xFFFFF000  }
0x87: {  	[spmem:s17] =	stream.linear.scatter [tilespmem:s29], [sflag:$0x11], $0x1000, $0x38;
	[tilespmem:$0x1F000] =	vst v63  }
0x88: {  	_ =	swait.ge [sflag:s30], $0x1000  }
0x89: {  	[sflag:s30] =	ssyncset.done $0x0  }
0x8a: {  	s18 =	rddreg [dreg:$0xf];
	[sflag:s30] =	ssyncadd.s32 $0xFFFFF000  }
0x8b: {  	[spmem:s18] =	stream.linear.scatter [tilespmem:s29], [sflag:$0x11], $0x1000, $0x38;
	[tilespmem:$0x1F000] =	vst v63  }
0x8c: {  	_ =	swait.ge [sflag:s30], $0x1000  }
0x8d: {  	[sflag:s30] =	ssyncset.done $0x0  }
0x8e: {  	s22 =	smov.u32 s19;
	s19 =	rddreg [dreg:$0x10];
	[sflag:s30] =	ssyncadd.s32 $0xFFFFF000  }
0x8f: {  	[spmem:s19] =	stream.linear.scatter [tilespmem:s29], [sflag:$0x11], $0x1000, $0x38;
	[tilespmem:$0x1F000] =	vst v63  }
0x90: {  	_ =	swait.ge [sflag:s30], $0x1000  }
0x91: {  	[sflag:s30] =	ssyncset.done $0x0  }
0x92: {  	s23 =	smov.u32 s20;
	s20 =	rddreg [dreg:$0x11];
	[sflag:s30] =	ssyncadd.s32 $0xFFFFF000  }
0x93: {  	[spmem:s20] =	stream.linear.scatter [tilespmem:s29], [sflag:$0x11], $0x1000, $0x38;
	[tilespmem:$0x1F000] =	vst v63  }
0x94: {  	_ =	swait.ge [sflag:s30], $0x1000  }
0x95: {  	[sflag:s30] =	ssyncset.done $0x0  }
0x96: {  	s21 =	rddreg [dreg:$0x12];
	[sflag:s30] =	ssyncadd.s32 $0xFFFFF000  }
0x97: {  	[spmem:s21] =	stream.linear.scatter [tilespmem:s29], [sflag:$0x11], $0x1000, $0x38;
	[tilespmem:$0x1F000] =	vst v63  }
0x98: {  	_ =	swait.ge [sflag:s30], $0x1000  }
0x99: {  	[sflag:s30] =	ssyncset.done $0x0  }
0x9a: {  	s17 =	rddreg [dreg:$0x13];
	[sflag:s30] =	ssyncadd.s32 $0xFFFFF000  }
0x9b: {  	[spmem:s17] =	stream.linear.scatter [tilespmem:s29], [sflag:$0x11], $0x1000, $0x38;
	[tilespmem:$0x1F000] =	vst v63  }
0x9c: {  	_ =	swait.ge [sflag:s30], $0x1000  }
0x9d: {  	[sflag:s30] =	ssyncset.done $0x0  }
0x9e: {  	s18 =	rddreg [dreg:$0x14];
	[sflag:s30] =	ssyncadd.s32 $0xFFFFF000  }
0x9f: {  	[spmem:s18] =	stream.linear.scatter [tilespmem:s29], [sflag:$0x11], $0x1000, $0x38;
	[tilespmem:$0x1F000] =	vst v63  }
0xa0: {  	_ =	swait.ge [sflag:s30], $0x1000  }
0xa1: {  	[sflag:s30] =	ssyncset.done $0x0  }
0xa2: {  	s16 =	simm.s32 $0x0;
	s17 =	rddreg [dreg:$0x15];
	[sflag:s30] =	ssyncadd.s32 $0xFFFFF000  }
0xa3: {  	[tilespmem:s16], [sflag:$0x11] =	stream.linear.gather [hbm4b:s17+s16], $0x5000, $0x38;
	[tilespmem:$0x1F000] =	vst v63  }
0xa4: {  	_ =	swait.ge [sflag:s30], $0x5000  }
0xa5: {  	[sflag:s30] =	ssyncset.done $0x0  }
0xa6: {  	s18 =	simm.s32 $0x5000;
	s19 =	rddreg [dreg:$0x16];
	[sflag:s30] =	ssyncadd.s32 $0xFFFFB000  }
0xa7: {  	[tilespmem:s18], [sflag:$0x11] =	stream.linear.gather [hbm4b:s19+s16], $0x5000, $0x38;
	[tilespmem:$0x1F000] =	vst v63  }
0xa8: {  	_ =	swait.ge [sflag:s30], $0x5000  }
0xa9: {  	[sflag:s30] =	ssyncset.done $0x0  }
0xaa: {  	[sflag:s30] =	ssyncadd.s32 $0xFFFFB000  }
0xab: {  	[bflag:$0x0] =	sbarrier.arrive $0xFFFF  }
0xac: {  	[tilespmem:s0], [sflag:$0x1] =	stream.indirect.gather [hbm4b:s26+s10], $0x40, s16, s10, $0xb8;
	[tilespmem:$0x1F000] =	vst v63  }
0xad: {  	_ = 	snop  }
0xae: {  	[tilespmem:s31], [sflag:$0x2] =	stream.indirect.gather [hbm4b:s26+s10], $0x40, s10, s10, $0xb8;
	[tilespmem:$0x1F000] =	vst v63  }
0xaf: {  	s20 =	simm.s32 $0xA0  }
0xb0: {  	[tilespmem:s2], [sflag:$0x3] =	stream.indirect.gather [hbm4b:s26+s10], $0x40, s20, s10, $0xb8;
	[tilespmem:$0x1F000] =	vst v63  }
0xb1: {  	s21 =	simm.s32 $0xF0  }
0xb2: {  	[tilespmem:s3], [sflag:$0x4] =	stream.indirect.gather [hbm4b:s26+s10], $0x40, s21, s10, $0xb8;
	[tilespmem:$0x1F000] =	vst v63  }
.LBB2_4:
0xb3: {  	_ =	swait.ge [sflag:s4], $0x1400  }
0xb4: {  	s17 =	sshra.s32 s16, $0x2;
	[sflag:s4] =	ssyncset.done $0x0  }
0xb5: {  	p0 =	seq.s32 s16, $0x0;
	s18 =	sadd.s32 $0x5000, s17;
	[sflag:s4] =	ssyncadd.s32 $0xFFFFEC00  }
0xb6: {  	[spmem:s11] =	stream.indirect.scatter.add.f32 [tilespmem:s0], [sflag:$0x9], $0x40, s18, s10, $0xb8;
	[tilespmem:$0x1F000] =	vst v63  }
0xb7: {  	s18 =	simm.s32 @!p0 $0xD  }
0xb8: {  	_ =	swait.ge @!p0 [sflag:s18], $0x1400  }
0xb9: {  	[sflag:s18] =	ssyncset.done @!p0 $0x0  }
0xba: {  	s19 =	sadd.s32 $0x140, s17;
	[sflag:s18] =	ssyncadd.s32 @!p0 $0xFFFFEC00  }
0xbb: {  	[tilespmem:s5], [sflag:$0x5] =	stream.indirect.gather [hbm4b:s26+s10], $0x40, s19, s10, $0xb8;
	[tilespmem:$0x1F000] =	vst v63  }
0xbc: {  	_ =	swait.ge [sflag:s6], $0x1400  }
0xbd: {  	[sflag:s6] =	ssyncset.done $0x0  }
0xbe: {  	s20 =	sadd.s32 $0x5050, s17;
	s18 =	simm.s32 @!p0 $0xE;
	[sflag:s6] =	ssyncadd.s32 $0xFFFFEC00  }
0xbf: {  	[spmem:s11] =	stream.indirect.scatter.add.f32 [tilespmem:s31], [sflag:$0xA], $0x40, s20, s10, $0xb8;
	[tilespmem:$0x1F000] =	vst v63  }
0xc0: {  	_ =	swait.ge @!p0 [sflag:s18], $0x1400  }
0xc1: {  	[sflag:s18] =	ssyncset.done @!p0 $0x0  }
0xc2: {  	s21 =	sadd.s32 $0x190, s17;
	[sflag:s18] =	ssyncadd.s32 @!p0 $0xFFFFEC00  }
0xc3: {  	[tilespmem:s7], [sflag:$0x6] =	stream.indirect.gather [hbm4b:s26+s10], $0x40, s21, s10, $0xb8;
	[tilespmem:$0x1F000] =	vst v63  }
0xc4: {  	_ =	swait.ge [sflag:s8], $0x1400  }
0xc5: {  	[sflag:s8] =	ssyncset.done $0x0  }
0xc6: {  	s19 =	sadd.s32 $0x50A0, s17;
	s18 =	simm.s32 @!p0 $0xF;
	[sflag:s8] =	ssyncadd.s32 $0xFFFFEC00  }
0xc7: {  	[spmem:s11] =	stream.indirect.scatter.add.f32 [tilespmem:s2], [sflag:$0xB], $0x40, s19, s10, $0xb8;
	[tilespmem:$0x1F000] =	vst v63  }
0xc8: {  	_ =	swait.ge @!p0 [sflag:s18], $0x1400  }
0xc9: {  	[sflag:s18] =	ssyncset.done @!p0 $0x0  }
0xca: {  	s20 =	sadd.s32 $0x1E0, s17;
	[sflag:s18] =	ssyncadd.s32 @!p0 $0xFFFFEC00  }
0xcb: {  	[tilespmem:s9], [sflag:$0x7] =	stream.indirect.gather [hbm4b:s26+s10], $0x40, s20, s10, $0xb8;
	[tilespmem:$0x1F000] =	vst v63  }
0xcc: {  	_ =	swait.ge [sflag:s12], $0x1400  }
0xcd: {  	[sflag:s12] =	ssyncset.done $0x0  }
0xce: {  	s21 =	sadd.s32 $0x50F0, s17;
	s18 =	simm.s32 @!p0 $0x10;
	[sflag:s12] =	ssyncadd.s32 $0xFFFFEC00  }
0xcf: {  	[spmem:s11] =	stream.indirect.scatter.add.f32 [tilespmem:s3], [sflag:$0xC], $0x40, s21, s10, $0xb8;
	[tilespmem:$0x1F000] =	vst v63  }
0xd0: {  	_ =	swait.ge @!p0 [sflag:s18], $0x1400  }
0xd1: {  	[sflag:s18] =	ssyncset.done @!p0 $0x0  }
0xd2: {  	s19 =	sadd.s32 $0x230, s17;
	[sflag:s18] =	ssyncadd.s32 @!p0 $0xFFFFEC00  }
0xd3: {  	[tilespmem:s13], [sflag:$0x8] =	stream.indirect.gather [hbm4b:s26+s10], $0x40, s19, s10, $0xb8;
	[tilespmem:$0x1F000] =	vst v63  }
0xd4: {  	_ =	swait.ge [sflag:s24], $0x1400  }
0xd5: {  	p0 =	seq.s32 s16, $0x13600;
	[sflag:s24] =	ssyncset.done $0x0  }
0xd6: {  	s20 =	sadd.s32 $0x5140, s17;
	s18 =	simm.s32 @p0 $0x6;
	[sflag:s24] =	ssyncadd.s32 $0xFFFFEC00  }
0xd7: {  	[spmem:s11] =	stream.indirect.scatter.add.f32 [tilespmem:s5], [sflag:$0xD], $0x40, s20, s10, $0xb8;
	[tilespmem:$0x1F000] =	vst v63  }
0xd8: {  	_ =	swait.ge @p0 [sflag:s18], $0x1400  }
0xd9: {  	[sflag:s18] =	ssyncset.done @p0 $0x0  }
0xda: {  	[sflag:s18] =	ssyncadd.s32 @p0 $0xFFFFEC00;
	s18 =	sshra.s32 @p0 s16, $0x2  }
0xdb: {  	s19 =	simm.s32 @p0 $0x50;
	s20 =	simm.s32 @p0 $0x10400;
	s18 =	sadd.s32 @p0 $0x5190, s18  }
0xdc: {  	[spmem:s11] =	stream.indirect.scatter.add.f32 @p0 [tilespmem:s20], [sflag:$0xE], $0x40, s18, s19, $0xb8;
	[tilespmem:$0x1F000] =	vst v63  }
0xdd: {  	s18 =	simm.s32 @!p0 $0x9  }
0xde: {  	_ =	swait.ge @!p0 [sflag:s18], $0x1400  }
0xdf: {  	[sflag:s18] =	ssyncset.done @!p0 $0x0  }
0xe0: {  	[sflag:s18] =	ssyncadd.s32 @!p0 $0xFFFFEC00;
	s18 =	sshra.s32 @!p0 s16, $0x2  }
0xe1: {  	s21 =	simm.s32 @!p0 $0xA000;
	s20 =	simm.s32 @!p0 $0x50;
	s19 =	sadd.s32 @!p0 $0x280, s18  }
0xe2: {  	[tilespmem:s21], [sflag:$0x1] =	stream.indirect.gather @!p0 [hbm4b:s26+s20], $0x40, s19, s20, $0xb8;
	[tilespmem:$0x1F000] =	vst v63  }
0xe3: {  	s19 =	simm.s32 @!p0 $0x6  }
0xe4: {  	_ =	swait.ge @!p0 [sflag:s19], $0x1400  }
0xe5: {  	[sflag:s19] =	ssyncset.done @!p0 $0x0  }
0xe6: {  	s21 =	simm.s32 @!p0 $0x10400;
	[sflag:s19] =	ssyncadd.s32 @!p0 $0xFFFFEC00;
	s19 =	sadd.s32 @!p0 $0x5190, s18  }
0xe7: {  	[spmem:s11] =	stream.indirect.scatter.add.f32 @!p0 [tilespmem:s21], [sflag:$0xE], $0x40, s19, s20, $0xb8;
	[tilespmem:$0x1F000] =	vst v63  }
0xe8: {  	s19 =	simm.s32 @!p0 $0xA  }
0xe9: {  	_ =	swait.ge @!p0 [sflag:s19], $0x1400  }
0xea: {  	[sflag:s19] =	ssyncset.done @!p0 $0x0  }
0xeb: {  	s18 =	sadd.s32 @!p0 $0x2D0, s18;
	[sflag:s19] =	ssyncadd.s32 @!p0 $0xFFFFEC00;
	s19 =	simm.s32 @!p0 $0xB400  }
0xec: {  	[tilespmem:s19], [sflag:$0x2] =	stream.indirect.gather @!p0 [hbm4b:s26+s20], $0x40, s18, s20, $0xb8;
	[tilespmem:$0x1F000] =	vst v63  }
.Ltmp3:
0xed: {  	_ = 	snop;
	(pc) =	sbr.rel @p0 .LBB2_6-.Ltmp3, $4  }
0xee: {  	_ =	swait.ge [sflag:s25], $0x1400  }
0xef: {  	[sflag:s25] =	ssyncset.done $0x0  }
0xf0: {  	s21 =	sadd.s32 $0x51E0, s17;
	s18 =	sadd.s32 $0x5230, s17;
	[sflag:s25] =	ssyncadd.s32 $0xFFFFEC00  }
0xf1: {  	[spmem:s11] =	stream.indirect.scatter.add.f32 [tilespmem:s9], [sflag:$0xF], $0x40, s21, s10, $0xb8;
	[tilespmem:$0x1F000] =	vst v63  }
0xf2: {  	_ =	swait.ge [sflag:s14], $0x1400  }
0xf3: {  	[sflag:s14] =	ssyncset.done $0x0  }
0xf4: {  	s19 =	sadd.s32 $0x320, s17;
	[sflag:s14] =	ssyncadd.s32 $0xFFFFEC00  }
0xf5: {  	[tilespmem:s2], [sflag:$0x3] =	stream.indirect.gather [hbm4b:s26+s10], $0x40, s19, s10, $0xb8;
	[tilespmem:$0x1F000] =	vst v63  }
0xf6: {  	_ =	swait.ge [sflag:s28], $0x1400  }
0xf7: {  	[sflag:s28] =	ssyncset.done $0x0  }
0xf8: {  	[sflag:s28] =	ssyncadd.s32 $0xFFFFEC00  }
0xf9: {  	[spmem:s11] =	stream.indirect.scatter.add.f32 [tilespmem:s13], [sflag:$0x10], $0x40, s18, s10, $0xb8;
	[tilespmem:$0x1F000] =	vst v63  }
.Ltmp4:
0xfa: {  	_ = 	snop;
	(pc) =	sbr.rel .LBB2_4-.Ltmp4, $4  }
0xfb: {  	_ =	swait.ge [sflag:s15], $0x1400  }
0xfc: {  	[sflag:s15] =	ssyncset.done $0x0  }
0xfd: {  	s21 =	sadd.s32 $0x370, s17;
	s16 =	sadd.s32 $0xA00, s16;
	[sflag:s15] =	ssyncadd.s32 $0xFFFFEC00  }
0xfe: {  	[tilespmem:s3], [sflag:$0x4] =	stream.indirect.gather [hbm4b:s26+s10], $0x40, s21, s10, $0xb8;
	[tilespmem:$0x1F000] =	vst v63  }
.LBB2_7:
0xff: {  	_ =	sfence.sel $0x180000  }
0x100: {  	[bflag:$0x0] =	sbarrier.arrive $0xFFFF  }
0x101: {  	_ =	strace $0x9000004A  }
0x102: {  	s0 =	stileid.u32;
	[bflag:$0x2] =	sbarrier.arrive $0xFFFF  }
0x103: {  	p0 =	sne.s32 s0, $0x0;
	s0 =	rddreg [dreg:$0x2]  }
0x104: {  	s0 =	sadd.s32 @!p0 $0x100000, s0  }
0x105: {  	[sflag:s0] =	ssyncadd.tile.s32 @!p0 $0x1;
	_ =	shalt  }
.Lfunc_end2:
_tile_overlayer_lowered:
.L_overlay_start_2:
0x106: {  	(tag) =	ssettag $0x2  }
0x107: {  	s0 =	rddreg [dreg:$0x0];
	s2 =	stileid.u32  }
0x108: {  	s1 =	rddreg [dreg:$0x1];
	p0 =	sne.s32 s2, $0x0  }
0x109: {  	s3 =	rddreg [dreg:$0x2];
	[bflag:$0x3] =	sbarrier.arrive $0xFFFF;
	s2 =	simm.s32 @!p0 $0x1C11  }
0x10a: {  	[timem:s3], [sflag:s2] =	dma.local @!p0 [hbm:s0], s1  }
0x10b: {  	s0 =	simm.s32 @!p0 $0x11  }
0x10c: {  	_ =	swait.ge @!p0 [sflag:s0], s1  }
0x10d: {  	s1 =	ssub.s32 @!p0 $0x0, s1;
	[sflag:s0] =	ssyncset.done @!p0 $0x0  }
0x10e: {  	[sflag:s0] =	ssyncadd.s32 @!p0 s1  }
0x10f: {  	[bflag:$0x3] =	sbarrier.arrive $0xFFFF  }
0x110: {  	_ =	shalt  }

// kernel: kernel.14.cloned.1.call-start
scs
__scs_entry_jumppad:
0x0: {  	(pc) =	sbr.rel $0x88, $3  }
0x1: {  	(tag) =	ssettag $0x0;
	lr =	simm.s32 $0x1  }
0x2: {  	[smem:$0x3F9B] =	sst lr;
	_ =	strace $0xD0000000  }
0x3: {  	_ = 	snop  }
0x4: {  	_ = 	snop  }
0x5: {  	_ = 	snop  }
0x6: {  	_ = 	snop  }
0x7: {  	_ = 	snop  }
__scs_overlays_trampoline_lowered:
0x8: {  	[smem:$0x3FAA] =	sst s0  }
0x9: {  	[smem:$0x3FAB] =	sst s1  }
0xa: {  	[smem:$0x3FAC] =	sst s2  }
0xb: {  	[smem:$0x3FAD] =	sst s3  }
0xc: {  	[smem:$0x3FAE] =	sst s4  }
0xd: {  	[smem:$0x3FAF] =	sst s5  }
0xe: {  	[smem:$0x3FB0] =	sst s6  }
0xf: {  	[smem:$0x3FB1] =	sst s7  }
0x10: {  	[smem:$0x3FB2] =	sst s8  }
0x11: {  	[smem:$0x3FB3] =	sst s9;
	s0 =	simm.s32 @!p0 $0x0  }
0x12: {  	s1 =	sld [smem:$0x3F99];
	s0 =	simm.s32 @p0 $0x1  }
0x13: {  	[smem:$0x3FB4] =	sst s0;
	s0 =	simm.s32 @!p1 $0x0  }
0x14: {  	s2 =	sld [smem:$0x3F98];
	s0 =	simm.s32 @p1 $0x1  }
0x15: {  	[smem:$0x3FB5] =	sst s0;
	s0 =	simm.s32 @!p2 $0x0  }
0x16: {  	s3 =	sld [smem:$0x3FDB];
	s0 =	simm.s32 @p2 $0x1  }
0x17: {  	s4 =	simm.s32 $0x1BF5;
	[smem:$0x3FB7] =	sst s0  }
0x18: {  	s0 =	sld [smem:$0x3F9A];
	_ =	swait.ge [sflag:s4], $0x0  }
0x19: {  	s7 =	sld [smem:$0x3F9B]  }
0x1a: {  	s8 =	sadd.s32 $0xFFFFE003, lr  }
0x1b: {  	s9 =	sadd.s32 $0xFFFFFEF7, lr;
	s5 =	simm.s32 $0xFFFFFFFF;
	p2 =	slt.u32 s8, $0xFFFFF086  }
0x1c: {  	p1 =	slt.u32 s9, $0xF7A;
	s5 =	simm.s32 @!p2 $0x0  }
0x1d: {  	s5 =	simm.s32 @p1 $0x1;
	p0 =	seq.s32 s7, s2  }
0x1e: {  	s7 =	smul.u32 @!p0 $0xF7A, s2;
	p2 =	seq.s32 @!p0 s5, $0x0  }
0x1f: {  	s9 =	smul.u32 $0xF7A, s1;
	s8 =	simm.s32 @!p0 $0x1BF5;
	p2 =	por !p2, p0  }
0x20: {  	[sflag:s8] =	ssyncset.s32 @!p0 $0xFFFFF086;
	s6 =	sadd.s32 @!p0 s3, s7;
	s7 =	simm.s32 @!p0 $0x108  }
0x21: {  	s3 =	sadd.s32 s3, s9;
	s6 =	sadd.s32 @!p0 $0x88, s6;
	s7 =	simm.s32 @p2 $0x1082  }
0x22: {  	[simem:s7], [sflag:s8] =	dma.local @!p0 [hbm:s6], $0xF7A  }
0x23: {  	s9 =	sor.u32 $0xD0000000, s2;
	s6 =	simm.s32 $0x108;
	_ =	swait.ge @!p0 [sflag:s8], $0x0  }
0x24: {  	s3 =	sadd.s32 $0x88, s3;
	s6 =	simm.s32 @!p1 $0x1082;
	[sflag:s4] =	ssyncset.s32 $0xFFFFF086  }
0x25: {  	[simem:s6], [sflag:s4] =	dma.local [hbm:s3], $0xF7A  }
0x26: {  	[smem:$0x3F9B] =	sst s1;
	(tag) =	ssettag s2;
	_ =	strace s9  }
0x27: {  	s1 =	sld [smem:$0x3FAB]  }
0x28: {  	s2 =	sld [smem:$0x3FAC]  }
0x29: {  	s4 =	sld [smem:$0x3FAE]  }
0x2a: {  	p0 =	seq.s32 s5, $0x0;
	s5 =	sld [smem:$0x3FAF]  }
0x2b: {  	s6 =	sld [smem:$0x3FB0]  }
0x2c: {  	s7 =	sld [smem:$0x3FB1]  }
0x2d: {  	s3 =	simm.s32 $0x108;
	s8 =	sld [smem:$0x3FB2]  }
0x2e: {  	s3 =	simm.s32 @!p0 $0x1082;
	s9 =	sld [smem:$0x3FB3]  }
0x2f: {  	lr =	sadd.s32 s0, s3;
	s0 =	sld [smem:$0x3FAA]  }
0x30: {  	s3 =	sld [smem:$0x3FAD]  }
0x31: {  	[smem:$0x3FB6] =	sst s10  }
0x32: {  	s10 =	sld [smem:$0x3FB4];
	_ =	sdelay $0x3  }
0x33: {  	p0 =	seq.s32 s10, $0x1;
	s10 =	sld [smem:$0x3FB6];
	_ =	sdelay $0x3  }
0x34: {  	[smem:$0x3FB6] =	sst s10  }
0x35: {  	s10 =	sld [smem:$0x3FB5];
	_ =	sdelay $0x3  }
0x36: {  	p1 =	seq.s32 s10, $0x1;
	s10 =	sld [smem:$0x3FB6];
	_ =	sdelay $0x3  }
0x37: {  	[smem:$0x3FB6] =	sst s10  }
0x38: {  	s10 =	sld [smem:$0x3FB7]  }
0x39: {  	_ = 	snop;
	(pc) =	sbr.ind lr, $3  }
0x3a: {  	_ = 	snop  }
0x3b: {  	_ = 	snop  }
0x3c: {  	p2 =	seq.s32 s10, $0x1;
	s10 =	sld [smem:$0x3FB6]  }
0x3d: {  	_ =	shalt  }
0x3e: {  	_ =	shalt  }
0x3f: {  	_ =	shalt  }
0x40: {  	_ =	shalt  }
0x41: {  	_ =	shalt  }
0x42: {  	_ =	shalt  }
0x43: {  	_ =	shalt  }
0x44: {  	_ =	shalt  }
0x45: {  	_ =	shalt  }
0x46: {  	_ =	shalt  }
0x47: {  	_ =	shalt  }
0x48: {  	_ =	shalt  }
0x49: {  	_ =	shalt  }
0x4a: {  	_ =	shalt  }
0x4b: {  	_ =	shalt  }
0x4c: {  	_ =	shalt  }
0x4d: {  	_ =	shalt  }
0x4e: {  	_ =	shalt  }
0x4f: {  	_ =	shalt  }
0x50: {  	_ =	shalt  }
0x51: {  	_ =	shalt  }
0x52: {  	_ =	shalt  }
0x53: {  	_ =	shalt  }
0x54: {  	_ =	shalt  }
0x55: {  	_ =	shalt  }
0x56: {  	_ =	shalt  }
0x57: {  	_ =	shalt  }
0x58: {  	_ =	shalt  }
0x59: {  	_ =	shalt  }
0x5a: {  	_ =	shalt  }
0x5b: {  	_ =	shalt  }
0x5c: {  	_ =	shalt  }
0x5d: {  	_ =	shalt  }
0x5e: {  	_ =	shalt  }
0x5f: {  	_ =	shalt  }
0x60: {  	_ =	shalt  }
0x61: {  	_ =	shalt  }
0x62: {  	_ =	shalt  }
0x63: {  	_ =	shalt  }
0x64: {  	_ =	shalt  }
0x65: {  	_ =	shalt  }
0x66: {  	_ =	shalt  }
0x67: {  	_ =	shalt  }
0x68: {  	_ =	shalt  }
0x69: {  	_ =	shalt  }
0x6a: {  	_ =	shalt  }
0x6b: {  	_ =	shalt  }
0x6c: {  	_ =	shalt  }
0x6d: {  	_ =	shalt  }
0x6e: {  	_ =	shalt  }
0x6f: {  	_ =	shalt  }
0x70: {  	_ =	shalt  }
0x71: {  	_ =	shalt  }
0x72: {  	_ =	shalt  }
0x73: {  	_ =	shalt  }
0x74: {  	_ =	shalt  }
0x75: {  	_ =	shalt  }
0x76: {  	_ =	shalt  }
0x77: {  	_ =	shalt  }
0x78: {  	_ =	shalt  }
0x79: {  	_ =	shalt  }
0x7a: {  	_ =	shalt  }
0x7b: {  	_ =	shalt  }
0x7c: {  	_ =	shalt  }
0x7d: {  	_ =	shalt  }
0x7e: {  	_ =	shalt  }
0x7f: {  	_ =	shalt  }
0x80: {  	_ =	shalt  }
0x81: {  	_ =	shalt  }
0x82: {  	_ =	shalt  }
0x83: {  	_ =	shalt  }
0x84: {  	_ =	shalt  }
0x85: {  	_ =	shalt  }
0x86: {  	_ =	shalt  }
0x87: {  	_ =	shalt  }
.Lfunc_end0:
.L_simem_size_0:
called_computation.2_lowered:
.L_overlay_start_0:
0x88: {  	s2 =	sld [smem:$0x3FD9]  }
0x89: {  	s3 =	sld [smem:$0x3FFE];
	_ =	sdelay $0x1  }
0x8a: {  	s1 =	srdreg.scid  }
0x8b: {  	s0 =	sand.u32 $0x1, s1  }
0x8c: {  	s16 =	sshll.u32 s0, $0xA;
	s2 =	sadd.s32 s3, s2  }
0x8d: {  	s2 =	sadd.s32 s2, s16  }
0x8e: {  	[smem:$0x3FC2] =	sst s2  }
0x8f: {  	_ = 	snop  }
0x90: {  	(tm) =	ssettm $0x1  }
0x91: {  	s17 =	sld [smem:$0x3FFB];
	_ =	sdelay $0x3  }
0x92: {  	_ =	strace s17  }
0x93: {  	s2 =	sld [smem:$0x3FFC];
	_ =	sdelay $0x3  }
0x94: {  	_ =	strace s2  }
0x95: {  	s2 =	sld [smem:$0x3FFD];
	_ =	sdelay $0x3  }
0x96: {  	_ =	strace s2  }
0x97: {  	_ =	strace $0x8FFFFFFF  }
0x98: {  	s18 =	sld [smem:$0x3FDB];
	_ =	sdelay $0x1  }
0x99: {  	s19 =	simm.s32 $_scs_section_size  }
0x9a: {  	s4 =	simm.s32 $_size__tile_overlayer_lowered;
	s5 =	simm.s32 $_tile_overlayer_lowered  }
0x9b: {  	s22 =	simm.s32 $0x1BFF;
	s21 =	sshll.u32 s5, $0x1;
	s2 =	sadd.s32 s19, s18  }
0x9c: {  	s6 =	simm.s32 $0x0;
	s20 =	sshll.u32 s4, $0x1;
	s4 =	sadd.s32 s21, s2  }
0x9d: {  	[timem:s6], [sflag:s22] =	dma.local [hbm:s4], s20  }
0x9e: {  	_ =	swait.ge [sflag:s22], s20  }
0x9f: {  	s3 =	ssub.s32 $0x0, s20;
	[sflag:s22] =	ssyncset.done $0x0  }
0xa0: {  	[sflag:s22] =	ssyncadd.s32 s3;
	_ =	sdelay $0x1  }
0xa1: {  	s23 =	simm.s32 $0x1B8B  }
0xa2: {  	_ =	swait.ge [sflag:s23], $0x1  }
0xa3: {  	[sflag:s23] =	ssyncset.done $0x0  }
0xa4: {  	s25 =	simm.s32 $0x1B8E;
	s24 =	sld [smem:$0x3FFE];
	[sflag:s23] =	ssyncadd.s32 $0xFFFFFFFF  }
0xa5: {  	s26 =	simm.s32 $execute0_lowered;
	[smem:$0x3FD2] =	sst s25  }
0xa6: {  	s4 =	sshll.u32 s26, $0x1;
	_ =	strace $0x8000004C;
	[dreg:$0x1] =	wrdreg $0xFFFFFFFF  }
0xa7: {  	s28 =	simm.s32 $_size_execute0_lowered;
	s2 =	sadd.s32 s2, s4;
	[dreg:$0x0] =	wrdreg $0x0  }
0xa8: {  	s4 =	sshll.u32 s28, $0x1;
	[dreg:$0x2] =	wrdreg s2  }
0xa9: {  	[dreg:$0x3] =	wrdreg s4  }
0xaa: {  	[dreg:$0x4] =	wrdreg $0xC0  }
0xab: {  	_ =	task [dreg:s6], $0x5FFFF  }
0xac: {  	[dreg:$0x1] =	wrdreg $0xFFFFFFFF  }
0xad: {  	[dreg:$0x0] =	wrdreg $0x60  }
0xae: {  	[dreg:$0x2] =	wrdreg s24  }
0xaf: {  	[dreg:$0x3] =	wrdreg $0xA0000  }
0xb0: {  	[dreg:$0x4] =	wrdreg $0x9  }
0xb1: {  	_ =	task.clear_ibuf [dreg:s6], $0x5FFFF;
	_ =	strace $0x9000004C  }
0xb2: {  	s29 =	simm.s32 $0x9;
	_ =	strace $0x8000004E  }
0xb3: {  	_ =	swait.ge [sflag:s29], $0x1  }
0xb4: {  	[sflag:s29] =	ssyncadd.s32 $0xFFFFFFFF  }
0xb5: {  	_ =	strace $0x9000004E  }
0xb6: {  	_ =	sfence  }
0xb7: {  	s30 =	sld [smem:$0x0];
	_ =	sdelay $0x2  }
0xb8: {  	s31 =	sshll.u32 s1, $0xD;
	s1 =	sshrl.u32 s1, $0x2  }
0xb9: {  	s3 =	sand.u32 $0x4000, s31;
	s1 =	sadd.s32 s1, s30  }
0xba: {  	s0 =	sor.u32 s3, s0;
	s1 =	sshll.u32 s1, $0x11  }
0xbb: {  	s0 =	sor.u32 s1, s0  }
0xbc: {  	s0 =	sadd.s32 $0x8F2B, s0  }
0xbd: {  	[sflag:s0] =	ssyncadd.remote.s32 $0x1  }
0xbe: {  	_ =	sfence.sel $0xFFFF  }
0xbf: {  	[dreg:$0x0] =	wrdreg $0xFFFFFFFF;
	(pc) =	sbr.abs _section_cstart, $3  }
0xc0: {  	[dreg:$0x1] =	wrdreg $0xFFFFFFFF  }
0xc1: {  	_ =	task.clear_ibuf [dreg:s6], $0x2FFFF;
	_ =	strace $0x9FFFFFFF  }
0xc2: {  	(tm) =	ssettm $0x7FFFFFFF  }
0xc3: {  	_ =	shalt  }
tec
execute0_lowered:
.L_overlay_start_1:
0x0: {  	(tag) =	ssettag $0x1  }
0x1: {  	s0 =	rddreg [dreg:$0x0]  }
0x2: {  	s2 =	rddreg [dreg:$0x1];
	s3 =	simm.s32 $0x0;
	s1 =	srdreg.scid  }
0x3: {  	s5 =	stileid.u32;
	s11 =	simm.s32 $0x11;
	s13 =	simm.s32 $0x50  }
0x4: {  	s14 =	simm.s32 $0x5000;
	s15 =	simm.s32 $0x5500;
	s17 =	simm.s32 $0x5A00  }
0x5: {  	s19 =	simm.s32 $0x5F00;
	s20 =	simm.s32 $0x1;
	s21 =	simm.s32 $0x6400  }
0x6: {  	s22 =	simm.s32 $0x2;
	s23 =	simm.s32 $0x6900;
	s28 =	simm.s32 $0x7300  }
0x7: {  	s29 =	simm.s32 $0x5;
	s30 =	simm.s32 $0x7;
	s31 =	simm.s32 $0x8  }
0x8: {  	s10 =	simm.s32 $0xB;
	s12 =	simm.s32 $0xC;
	s1 =	sand.u32 $0x1, s1  }
0x9: {  	s4 =	sshll.u32 s5, $0x1;
	s5 =	smul.u32 $0x2800, s5;
	[smem:$0x7FF] =	sst s3  }
0xa: {  	s4 =	sor.u32 s1, s4;
	s6 =	smul.u32 $0x28000, s1;
	s1 =	ssub.s32 $0x2, s1  }
0xb: {  	_ =	strace $0x8000004D;
	s7 =	smul.u32 $0x500, s4;
	s8 =	sshrl.u32 s1, $0x1  }
0xc: {  	s4 =	sadd.s32 $0x16A00, s0;
	s6 =	sadd.s32 s5, s6;
	s1 =	ssub.s32 s1, s8  }
0xd: {  	s5 =	sadd.s32 s5, s2;
	s7 =	sadd.s32 s7, s0;
	s6 =	sshrl.u32 s6, $0x3  }
.Ltmp0:
0xe: {  	s26 =	smax.u32 s1, $0x1;
	s0 =	sadd.s32 s6, s0;
	(pc) =	sbr.rel .LBB2_1-.Ltmp0, $4  }
0xf: {  	s24 =	sadd.s32 $0xCA00, s7;
	s25 =	sadd.s32 $0x2000, s7;
	[dreg:$0x6] =	wrdreg s26  }
0x10: {  	s26 =	simm.s32 $0x4;
	s6 =	simm.s32 $0xF;
	[dreg:$0x3] =	wrdreg s24  }
0x11: {  	s7 =	simm.s32 $0x10;
	[dreg:$0x4] =	wrdreg s25;
	s0 =	sadd.s32 $0x1BA00, s0  }
0x12: {  	v0 =	vimm.f32 $0.0e+00;
	s24 =	simm.s32 $0x3;
	s25 =	simm.s32 $0x6E00;
	[dreg:$0x5] =	wrdreg s0  }
.LBB2_6:
0x13: {  	_ =	swait.ge [sflag:s31], $0x500  }
0x14: {  	[sflag:s31] =	ssyncset.done $0x0  }
0x15: {  	s18 =	simm.s32 $0x9;
	[sflag:s31] =	ssyncadd.s32 $0xFFFFFB00  }
0x16: {  	[spmem:s2] =	stream.indirect.scatter.add.f32 [tilespmem:s28], [sflag:$0x10], $0x10, s0, s13, $0xb8;
	[tilespmem:$0xC800] =	vst v63  }
0x17: {  	_ =	swait.ge [sflag:s18], $0x500  }
0x18: {  	[sflag:s18] =	ssyncset.done $0x0  }
0x19: {  	s1 =	simm.s32 $0xA;
	[sflag:s18] =	ssyncadd.s32 $0xFFFFFB00  }
0x1a: {  	_ =	swait.ge [sflag:s1], $0x500  }
0x1b: {  	[sflag:s1] =	ssyncset.done $0x0  }
0x1c: {  	[sflag:s1] =	ssyncadd.s32 $0xFFFFFB00  }
0x1d: {  	_ =	swait.ge [sflag:s10], $0x500  }
0x1e: {  	[sflag:s10] =	ssyncset.done $0x0  }
0x1f: {  	[sflag:s10] =	ssyncadd.s32 $0xFFFFFB00  }
0x20: {  	_ =	swait.ge [sflag:s12], $0x500  }
0x21: {  	[sflag:s12] =	ssyncset.done $0x0  }
0x22: {  	s8 =	simm.s32 $0xD;
	[sflag:s12] =	ssyncadd.s32 $0xFFFFFB00  }
0x23: {  	_ =	swait.ge [sflag:s8], $0x500  }
0x24: {  	[sflag:s8] =	ssyncset.done $0x0  }
0x25: {  	s9 =	simm.s32 $0xE;
	[sflag:s8] =	ssyncadd.s32 $0xFFFFFB00  }
0x26: {  	_ =	swait.ge [sflag:s9], $0x500  }
0x27: {  	[sflag:s9] =	ssyncset.done $0x0  }
0x28: {  	[sflag:s9] =	ssyncadd.s32 $0xFFFFFB00  }
0x29: {  	_ =	swait.ge [sflag:s6], $0x500  }
0x2a: {  	[sflag:s6] =	ssyncset.done $0x0  }
0x2b: {  	[sflag:s6] =	ssyncadd.s32 $0xFFFFFB00  }
0x2c: {  	_ =	swait.ge [sflag:s7], $0x500  }
0x2d: {  	[sflag:s7] =	ssyncset.done $0x0  }
0x2e: {  	s16 =	stileid.u32;
	[sflag:s7] =	ssyncadd.s32 $0xFFFFFB00  }
0x2f: {  	s0 =	sshll.u32 s16, $0x6;
	[bflag:$0x0] =	sbarrier.arrive $0xFFFF  }
0x30: {  	s0 =	sor.u32 $0x1C11, s0;
	s1 =	sshrl.u32 s5, $0x3;
	s8 =	rddreg [dreg:$0x5]  }
0x31: {  	[hbm:s8], [sflag:s0] =	dma.local [spmem:s1], $0x500  }
0x32: {  	_ =	swait.ge [sflag:s11], $0x500  }
0x33: {  	s3 =	sadd.s32 $0x1, s3;
	s18 =	rddreg [dreg:$0x6]  }
0x34: {  	p0 =	sne.s32 s3, s18  }
.Ltmp1:
0x35: {  	_ = 	snop;
	(pc) =	sbr.rel @!p0 .LBB2_7-.Ltmp1, $3  }
0x36: {  	_ =	sdelay $0x1  }
0x37: {  	[sflag:s11] =	ssyncset.done $0x0  }
0x38: {  	[sflag:s11] =	ssyncadd.s32 $0xFFFFFB00  }
.LBB2_1:
0x39: {  	s0 =	simm.s32 $0x40;
	s8 =	simm.s32 $0x0  }
.LBB2_2:
0x3a: {  	p0 =	sne.s32 s0, $0x9FC0;
	[tilespmem:s8+$0x7800] =	vst v0;
	s8 =	smov.u32 s0;
	s0 =	sadd.s32 $0x40, s0  }
.Ltmp2:
0x3b: {  	(pc) =	sbr.rel @p0 .LBB2_2-.Ltmp2, $2  }
0x3c: {  	_ =	sdelay $0x2  }
0x3d: {  	s8 =	sshra.s32 s8, $0x2  }
0x3e: {  	[tilespmem:s8+$0x7800] =	vst v0;
	s0 =	simm.s32 $0x7800  }
0x3f: {  	[spmem:s5] =	stream.linear.scatter [tilespmem:s0], [sflag:$0x11], $0x2800, $0x38;
	[tilespmem:$0xC800] =	vst v63  }
0x40: {  	_ =	swait.ge [sflag:s11], $0x2800  }
0x41: {  	[sflag:s11] =	ssyncset.done $0x0  }
0x42: {  	s8 =	simm.s32 $0x0;
	s1 =	rddreg [dreg:$0x3];
	[sflag:s11] =	ssyncadd.s32 $0xFFFFD800  }
0x43: {  	[tilespmem:s8], [sflag:$0x11] =	stream.linear.gather [hbm4b:s1+s8], $0x2800, $0x38;
	[tilespmem:$0xC800] =	vst v63  }
0x44: {  	_ =	swait.ge [sflag:s11], $0x2800  }
0x45: {  	[sflag:s11] =	ssyncset.done $0x0  }
0x46: {  	s1 =	simm.s32 $0x2800;
	s9 =	rddreg [dreg:$0x4];
	[sflag:s11] =	ssyncadd.s32 $0xFFFFD800  }
0x47: {  	[tilespmem:s1], [sflag:$0x11] =	stream.linear.gather [hbm4b:s9+s8], $0x2800, $0x38;
	[tilespmem:$0xC800] =	vst v63  }
0x48: {  	_ =	swait.ge [sflag:s11], $0x2800  }
0x49: {  	[sflag:s11] =	ssyncset.done $0x0  }
0x4a: {  	[sflag:s11] =	ssyncadd.s32 $0xFFFFD800  }
0x4b: {  	[bflag:$0x0] =	sbarrier.arrive $0xFFFF  }
0x4c: {  	[tilespmem:s14], [sflag:$0x1] =	stream.indirect.gather [hbm4b:s4+s13], $0x10, s8, s13, $0xb8;
	[tilespmem:$0xC800] =	vst v63  }
0x4d: {  	_ = 	snop  }
0x4e: {  	[tilespmem:s15], [sflag:$0x2] =	stream.indirect.gather [hbm4b:s4+s13], $0x10, s13, s13, $0xb8;
	[tilespmem:$0xC800] =	vst v63  }
0x4f: {  	s16 =	simm.s32 $0xA0  }
0x50: {  	[tilespmem:s17], [sflag:$0x3] =	stream.indirect.gather [hbm4b:s4+s13], $0x10, s16, s13, $0xb8;
	[tilespmem:$0xC800] =	vst v63  }
0x51: {  	s18 =	simm.s32 $0xF0  }
0x52: {  	[tilespmem:s19], [sflag:$0x4] =	stream.indirect.gather [hbm4b:s4+s13], $0x10, s18, s13, $0xb8;
	[tilespmem:$0xC800] =	vst v63  }
.LBB2_4:
0x53: {  	_ =	swait.ge [sflag:s20], $0x500  }
0x54: {  	s9 =	sshra.s32 s8, $0x2;
	[sflag:s20] =	ssyncset.done $0x0  }
0x55: {  	p0 =	seq.s32 s8, $0x0;
	s0 =	sadd.s32 $0x2800, s9;
	[sflag:s20] =	ssyncadd.s32 $0xFFFFFB00  }
0x56: {  	[spmem:s2] =	stream.indirect.scatter.add.f32 [tilespmem:s14], [sflag:$0x9], $0x10, s0, s13, $0xb8;
	[tilespmem:$0xC800] =	vst v63  }
0x57: {  	s0 =	simm.s32 @!p0 $0xD  }
0x58: {  	_ =	swait.ge @!p0 [sflag:s0], $0x500  }
0x59: {  	[sflag:s0] =	ssyncset.done @!p0 $0x0  }
0x5a: {  	s1 =	sadd.s32 $0x140, s9;
	[sflag:s0] =	ssyncadd.s32 @!p0 $0xFFFFFB00  }
0x5b: {  	[tilespmem:s21], [sflag:$0x5] =	stream.indirect.gather [hbm4b:s4+s13], $0x10, s1, s13, $0xb8;
	[tilespmem:$0xC800] =	vst v63  }
0x5c: {  	_ =	swait.ge [sflag:s22], $0x500  }
0x5d: {  	[sflag:s22] =	ssyncset.done $0x0  }
0x5e: {  	s16 =	sadd.s32 $0x2850, s9;
	s0 =	simm.s32 @!p0 $0xE;
	[sflag:s22] =	ssyncadd.s32 $0xFFFFFB00  }
0x5f: {  	[spmem:s2] =	stream.indirect.scatter.add.f32 [tilespmem:s15], [sflag:$0xA], $0x10, s16, s13, $0xb8;
	[tilespmem:$0xC800] =	vst v63  }
0x60: {  	_ =	swait.ge @!p0 [sflag:s0], $0x500  }
0x61: {  	[sflag:s0] =	ssyncset.done @!p0 $0x0  }
0x62: {  	s18 =	sadd.s32 $0x190, s9;
	[sflag:s0] =	ssyncadd.s32 @!p0 $0xFFFFFB00  }
0x63: {  	[tilespmem:s23], [sflag:$0x6] =	stream.indirect.gather [hbm4b:s4+s13], $0x10, s18, s13, $0xb8;
	[tilespmem:$0xC800] =	vst v63  }
0x64: {  	_ =	swait.ge [sflag:s24], $0x500  }
0x65: {  	[sflag:s24] =	ssyncset.done $0x0  }
0x66: {  	s1 =	sadd.s32 $0x28A0, s9;
	s0 =	simm.s32 @!p0 $0xF;
	[sflag:s24] =	ssyncadd.s32 $0xFFFFFB00  }
0x67: {  	[spmem:s2] =	stream.indirect.scatter.add.f32 [tilespmem:s17], [sflag:$0xB], $0x10, s1, s13, $0xb8;
	[tilespmem:$0xC800] =	vst v63  }
0x68: {  	_ =	swait.ge @!p0 [sflag:s0], $0x500  }
0x69: {  	[sflag:s0] =	ssyncset.done @!p0 $0x0  }
0x6a: {  	s16 =	sadd.s32 $0x1E0, s9;
	[sflag:s0] =	ssyncadd.s32 @!p0 $0xFFFFFB00  }
0x6b: {  	[tilespmem:s25], [sflag:$0x7] =	stream.indirect.gather [hbm4b:s4+s13], $0x10, s16, s13, $0xb8;
	[tilespmem:$0xC800] =	vst v63  }
0x6c: {  	_ =	swait.ge [sflag:s26], $0x500  }
0x6d: {  	[sflag:s26] =	ssyncset.done $0x0  }
0x6e: {  	s18 =	sadd.s32 $0x28F0, s9;
	s0 =	simm.s32 @!p0 $0x10;
	[sflag:s26] =	ssyncadd.s32 $0xFFFFFB00  }
0x6f: {  	[spmem:s2] =	stream.indirect.scatter.add.f32 [tilespmem:s19], [sflag:$0xC], $0x10, s18, s13, $0xb8;
	[tilespmem:$0xC800] =	vst v63  }
0x70: {  	_ =	swait.ge @!p0 [sflag:s0], $0x500  }
0x71: {  	[sflag:s0] =	ssyncset.done @!p0 $0x0  }
0x72: {  	s1 =	sadd.s32 $0x230, s9;
	[sflag:s0] =	ssyncadd.s32 @!p0 $0xFFFFFB00  }
0x73: {  	[tilespmem:s28], [sflag:$0x8] =	stream.indirect.gather [hbm4b:s4+s13], $0x10, s1, s13, $0xb8;
	[tilespmem:$0xC800] =	vst v63  }
0x74: {  	_ =	swait.ge [sflag:s29], $0x500  }
0x75: {  	p0 =	seq.s32 s8, $0x9600;
	[sflag:s29] =	ssyncset.done $0x0  }
0x76: {  	s16 =	sadd.s32 $0x2940, s9;
	s0 =	simm.s32 @p0 $0x6;
	[sflag:s29] =	ssyncadd.s32 $0xFFFFFB00  }
0x77: {  	[spmem:s2] =	stream.indirect.scatter.add.f32 [tilespmem:s21], [sflag:$0xD], $0x10, s16, s13, $0xb8;
	[tilespmem:$0xC800] =	vst v63  }
0x78: {  	_ =	swait.ge @p0 [sflag:s0], $0x500  }
0x79: {  	[sflag:s0] =	ssyncset.done @p0 $0x0  }
0x7a: {  	[sflag:s0] =	ssyncadd.s32 @p0 $0xFFFFFB00;
	s0 =	sshra.s32 @p0 s8, $0x2  }
0x7b: {  	s1 =	simm.s32 @p0 $0x50;
	s16 =	simm.s32 @p0 $0x6900;
	s0 =	sadd.s32 @p0 $0x2990, s0  }
0x7c: {  	[spmem:s2] =	stream.indirect.scatter.add.f32 @p0 [tilespmem:s16], [sflag:$0xE], $0x10, s0, s1, $0xb8;
	[tilespmem:$0xC800] =	vst v63  }
0x7d: {  	s0 =	simm.s32 @!p0 $0x9  }
0x7e: {  	_ =	swait.ge @!p0 [sflag:s0], $0x500  }
0x7f: {  	[sflag:s0] =	ssyncset.done @!p0 $0x0  }
0x80: {  	[sflag:s0] =	ssyncadd.s32 @!p0 $0xFFFFFB00;
	s0 =	sshra.s32 @!p0 s8, $0x2  }
0x81: {  	s18 =	simm.s32 @!p0 $0x5000;
	s16 =	simm.s32 @!p0 $0x50;
	s1 =	sadd.s32 @!p0 $0x280, s0  }
0x82: {  	[tilespmem:s18], [sflag:$0x1] =	stream.indirect.gather @!p0 [hbm4b:s4+s16], $0x10, s1, s16, $0xb8;
	[tilespmem:$0xC800] =	vst v63  }
0x83: {  	s1 =	simm.s32 @!p0 $0x6  }
0x84: {  	_ =	swait.ge @!p0 [sflag:s1], $0x500  }
0x85: {  	[sflag:s1] =	ssyncset.done @!p0 $0x0  }
0x86: {  	s18 =	simm.s32 @!p0 $0x6900;
	[sflag:s1] =	ssyncadd.s32 @!p0 $0xFFFFFB00;
	s1 =	sadd.s32 @!p0 $0x2990, s0  }
0x87: {  	[spmem:s2] =	stream.indirect.scatter.add.f32 @!p0 [tilespmem:s18], [sflag:$0xE], $0x10, s1, s16, $0xb8;
	[tilespmem:$0xC800] =	vst v63  }
0x88: {  	s1 =	simm.s32 @!p0 $0xA  }
0x89: {  	_ =	swait.ge @!p0 [sflag:s1], $0x500  }
0x8a: {  	[sflag:s1] =	ssyncset.done @!p0 $0x0  }
0x8b: {  	s0 =	sadd.s32 @!p0 $0x2D0, s0;
	[sflag:s1] =	ssyncadd.s32 @!p0 $0xFFFFFB00;
	s1 =	simm.s32 @!p0 $0x5500  }
0x8c: {  	[tilespmem:s1], [sflag:$0x2] =	stream.indirect.gather @!p0 [hbm4b:s4+s16], $0x10, s0, s16, $0xb8;
	[tilespmem:$0xC800] =	vst v63  }
.Ltmp3:
0x8d: {  	_ = 	snop;
	(pc) =	sbr.rel @p0 .LBB2_6-.Ltmp3, $4  }
0x8e: {  	_ =	swait.ge [sflag:s30], $0x500  }
0x8f: {  	[sflag:s30] =	ssyncset.done $0x0  }
0x90: {  	s18 =	sadd.s32 $0x29E0, s9;
	s0 =	sadd.s32 $0x2A30, s9;
	[sflag:s30] =	ssyncadd.s32 $0xFFFFFB00  }
0x91: {  	[spmem:s2] =	stream.indirect.scatter.add.f32 [tilespmem:s25], [sflag:$0xF], $0x10, s18, s13, $0xb8;
	[tilespmem:$0xC800] =	vst v63  }
0x92: {  	_ =	swait.ge [sflag:s10], $0x500  }
0x93: {  	[sflag:s10] =	ssyncset.done $0x0  }
0x94: {  	s1 =	sadd.s32 $0x320, s9;
	[sflag:s10] =	ssyncadd.s32 $0xFFFFFB00  }
0x95: {  	[tilespmem:s17], [sflag:$0x3] =	stream.indirect.gather [hbm4b:s4+s13], $0x10, s1, s13, $0xb8;
	[tilespmem:$0xC800] =	vst v63  }
0x96: {  	_ =	swait.ge [sflag:s31], $0x500  }
0x97: {  	[sflag:s31] =	ssyncset.done $0x0  }
0x98: {  	[sflag:s31] =	ssyncadd.s32 $0xFFFFFB00  }
0x99: {  	[spmem:s2] =	stream.indirect.scatter.add.f32 [tilespmem:s28], [sflag:$0x10], $0x10, s0, s13, $0xb8;
	[tilespmem:$0xC800] =	vst v63  }
.Ltmp4:
0x9a: {  	_ = 	snop;
	(pc) =	sbr.rel .LBB2_4-.Ltmp4, $4  }
0x9b: {  	_ =	swait.ge [sflag:s12], $0x500  }
0x9c: {  	[sflag:s12] =	ssyncset.done $0x0  }
0x9d: {  	s18 =	sadd.s32 $0x370, s9;
	s8 =	sadd.s32 $0xA00, s8;
	[sflag:s12] =	ssyncadd.s32 $0xFFFFFB00  }
0x9e: {  	[tilespmem:s19], [sflag:$0x4] =	stream.indirect.gather [hbm4b:s4+s13], $0x10, s18, s13, $0xb8;
	[tilespmem:$0xC800] =	vst v63  }
.LBB2_7:
0x9f: {  	_ =	sfence.sel $0x180000  }
0xa0: {  	[bflag:$0x0] =	sbarrier.arrive $0xFFFF  }
0xa1: {  	_ =	strace $0x9000004D  }
0xa2: {  	s0 =	stileid.u32;
	[bflag:$0x2] =	sbarrier.arrive $0xFFFF  }
0xa3: {  	p0 =	sne.s32 s0, $0x0;
	s0 =	rddreg [dreg:$0x2]  }
0xa4: {  	s0 =	sadd.s32 @!p0 $0x100000, s0  }
0xa5: {  	[sflag:s0] =	ssyncadd.tile.s32 @!p0 $0x1;
	_ =	shalt  }
.Lfunc_end2:
_tile_overlayer_lowered:
.L_overlay_start_2:
0xa6: {  	(tag) =	ssettag $0x2  }
0xa7: {  	s0 =	rddreg [dreg:$0x0];
	s2 =	stileid.u32  }
0xa8: {  	s1 =	rddreg [dreg:$0x1];
	p0 =	sne.s32 s2, $0x0  }
0xa9: {  	s3 =	rddreg [dreg:$0x2];
	[bflag:$0x3] =	sbarrier.arrive $0xFFFF;
	s2 =	simm.s32 @!p0 $0x1C11  }
0xaa: {  	[timem:s3], [sflag:s2] =	dma.local @!p0 [hbm:s0], s1  }
0xab: {  	s0 =	simm.s32 @!p0 $0x11  }
0xac: {  	_ =	swait.ge @!p0 [sflag:s0], s1  }
0xad: {  	s1 =	ssub.s32 @!p0 $0x0, s1;
	[sflag:s0] =	ssyncset.done @!p0 $0x0  }
0xae: {  	[sflag:s0] =	ssyncadd.s32 @!p0 s1  }
0xaf: {  	[bflag:$0x3] =	sbarrier.arrive $0xFFFF  }
0xb0: {  	_ =	shalt  }

// kernel: kernel.8.cloned.1.call-start
scs
__scs_entry_jumppad:
0x0: {  	(pc) =	sbr.rel $0x88, $3  }
0x1: {  	(tag) =	ssettag $0x0;
	lr =	simm.s32 $0x1  }
0x2: {  	[smem:$0x3F9B] =	sst lr;
	_ =	strace $0xD0000000  }
0x3: {  	_ = 	snop  }
0x4: {  	_ = 	snop  }
0x5: {  	_ = 	snop  }
0x6: {  	_ = 	snop  }
0x7: {  	_ = 	snop  }
__scs_overlays_trampoline_lowered:
0x8: {  	[smem:$0x3FAA] =	sst s0  }
0x9: {  	[smem:$0x3FAB] =	sst s1  }
0xa: {  	[smem:$0x3FAC] =	sst s2  }
0xb: {  	[smem:$0x3FAD] =	sst s3  }
0xc: {  	[smem:$0x3FAE] =	sst s4  }
0xd: {  	[smem:$0x3FAF] =	sst s5  }
0xe: {  	[smem:$0x3FB0] =	sst s6  }
0xf: {  	[smem:$0x3FB1] =	sst s7  }
0x10: {  	[smem:$0x3FB2] =	sst s8  }
0x11: {  	[smem:$0x3FB3] =	sst s9;
	s0 =	simm.s32 @!p0 $0x0  }
0x12: {  	s1 =	sld [smem:$0x3F99];
	s0 =	simm.s32 @p0 $0x1  }
0x13: {  	[smem:$0x3FB4] =	sst s0;
	s0 =	simm.s32 @!p1 $0x0  }
0x14: {  	s2 =	sld [smem:$0x3F98];
	s0 =	simm.s32 @p1 $0x1  }
0x15: {  	[smem:$0x3FB5] =	sst s0;
	s0 =	simm.s32 @!p2 $0x0  }
0x16: {  	s3 =	sld [smem:$0x3FDB];
	s0 =	simm.s32 @p2 $0x1  }
0x17: {  	s4 =	simm.s32 $0x1BF5;
	[smem:$0x3FB7] =	sst s0  }
0x18: {  	s0 =	sld [smem:$0x3F9A];
	_ =	swait.ge [sflag:s4], $0x0  }
0x19: {  	s7 =	sld [smem:$0x3F9B]  }
0x1a: {  	s8 =	sadd.s32 $0xFFFFE003, lr  }
0x1b: {  	s9 =	sadd.s32 $0xFFFFFEF7, lr;
	s5 =	simm.s32 $0xFFFFFFFF;
	p2 =	slt.u32 s8, $0xFFFFF086  }
0x1c: {  	p1 =	slt.u32 s9, $0xF7A;
	s5 =	simm.s32 @!p2 $0x0  }
0x1d: {  	s5 =	simm.s32 @p1 $0x1;
	p0 =	seq.s32 s7, s2  }
0x1e: {  	s7 =	smul.u32 @!p0 $0xF7A, s2;
	p2 =	seq.s32 @!p0 s5, $0x0  }
0x1f: {  	s9 =	smul.u32 $0xF7A, s1;
	s8 =	simm.s32 @!p0 $0x1BF5;
	p2 =	por !p2, p0  }
0x20: {  	[sflag:s8] =	ssyncset.s32 @!p0 $0xFFFFF086;
	s6 =	sadd.s32 @!p0 s3, s7;
	s7 =	simm.s32 @!p0 $0x108  }
0x21: {  	s3 =	sadd.s32 s3, s9;
	s6 =	sadd.s32 @!p0 $0x88, s6;
	s7 =	simm.s32 @p2 $0x1082  }
0x22: {  	[simem:s7], [sflag:s8] =	dma.local @!p0 [hbm:s6], $0xF7A  }
0x23: {  	s9 =	sor.u32 $0xD0000000, s2;
	s6 =	simm.s32 $0x108;
	_ =	swait.ge @!p0 [sflag:s8], $0x0  }
0x24: {  	s3 =	sadd.s32 $0x88, s3;
	s6 =	simm.s32 @!p1 $0x1082;
	[sflag:s4] =	ssyncset.s32 $0xFFFFF086  }
0x25: {  	[simem:s6], [sflag:s4] =	dma.local [hbm:s3], $0xF7A  }
0x26: {  	[smem:$0x3F9B] =	sst s1;
	(tag) =	ssettag s2;
	_ =	strace s9  }
0x27: {  	s1 =	sld [smem:$0x3FAB]  }
0x28: {  	s2 =	sld [smem:$0x3FAC]  }
0x29: {  	s4 =	sld [smem:$0x3FAE]  }
0x2a: {  	p0 =	seq.s32 s5, $0x0;
	s5 =	sld [smem:$0x3FAF]  }
0x2b: {  	s6 =	sld [smem:$0x3FB0]  }
0x2c: {  	s7 =	sld [smem:$0x3FB1]  }
0x2d: {  	s3 =	simm.s32 $0x108;
	s8 =	sld [smem:$0x3FB2]  }
0x2e: {  	s3 =	simm.s32 @!p0 $0x1082;
	s9 =	sld [smem:$0x3FB3]  }
0x2f: {  	lr =	sadd.s32 s0, s3;
	s0 =	sld [smem:$0x3FAA]  }
0x30: {  	s3 =	sld [smem:$0x3FAD]  }
0x31: {  	[smem:$0x3FB6] =	sst s10  }
0x32: {  	s10 =	sld [smem:$0x3FB4];
	_ =	sdelay $0x3  }
0x33: {  	p0 =	seq.s32 s10, $0x1;
	s10 =	sld [smem:$0x3FB6];
	_ =	sdelay $0x3  }
0x34: {  	[smem:$0x3FB6] =	sst s10  }
0x35: {  	s10 =	sld [smem:$0x3FB5];
	_ =	sdelay $0x3  }
0x36: {  	p1 =	seq.s32 s10, $0x1;
	s10 =	sld [smem:$0x3FB6];
	_ =	sdelay $0x3  }
0x37: {  	[smem:$0x3FB6] =	sst s10  }
0x38: {  	s10 =	sld [smem:$0x3FB7]  }
0x39: {  	_ = 	snop;
	(pc) =	sbr.ind lr, $3  }
0x3a: {  	_ = 	snop  }
0x3b: {  	_ = 	snop  }
0x3c: {  	p2 =	seq.s32 s10, $0x1;
	s10 =	sld [smem:$0x3FB6]  }
0x3d: {  	_ =	shalt  }
0x3e: {  	_ =	shalt  }
0x3f: {  	_ =	shalt  }
0x40: {  	_ =	shalt  }
0x41: {  	_ =	shalt  }
0x42: {  	_ =	shalt  }
0x43: {  	_ =	shalt  }
0x44: {  	_ =	shalt  }
0x45: {  	_ =	shalt  }
0x46: {  	_ =	shalt  }
0x47: {  	_ =	shalt  }
0x48: {  	_ =	shalt  }
0x49: {  	_ =	shalt  }
0x4a: {  	_ =	shalt  }
0x4b: {  	_ =	shalt  }
0x4c: {  	_ =	shalt  }
0x4d: {  	_ =	shalt  }
0x4e: {  	_ =	shalt  }
0x4f: {  	_ =	shalt  }
0x50: {  	_ =	shalt  }
0x51: {  	_ =	shalt  }
0x52: {  	_ =	shalt  }
0x53: {  	_ =	shalt  }
0x54: {  	_ =	shalt  }
0x55: {  	_ =	shalt  }
0x56: {  	_ =	shalt  }
0x57: {  	_ =	shalt  }
0x58: {  	_ =	shalt  }
0x59: {  	_ =	shalt  }
0x5a: {  	_ =	shalt  }
0x5b: {  	_ =	shalt  }
0x5c: {  	_ =	shalt  }
0x5d: {  	_ =	shalt  }
0x5e: {  	_ =	shalt  }
0x5f: {  	_ =	shalt  }
0x60: {  	_ =	shalt  }
0x61: {  	_ =	shalt  }
0x62: {  	_ =	shalt  }
0x63: {  	_ =	shalt  }
0x64: {  	_ =	shalt  }
0x65: {  	_ =	shalt  }
0x66: {  	_ =	shalt  }
0x67: {  	_ =	shalt  }
0x68: {  	_ =	shalt  }
0x69: {  	_ =	shalt  }
0x6a: {  	_ =	shalt  }
0x6b: {  	_ =	shalt  }
0x6c: {  	_ =	shalt  }
0x6d: {  	_ =	shalt  }
0x6e: {  	_ =	shalt  }
0x6f: {  	_ =	shalt  }
0x70: {  	_ =	shalt  }
0x71: {  	_ =	shalt  }
0x72: {  	_ =	shalt  }
0x73: {  	_ =	shalt  }
0x74: {  	_ =	shalt  }
0x75: {  	_ =	shalt  }
0x76: {  	_ =	shalt  }
0x77: {  	_ =	shalt  }
0x78: {  	_ =	shalt  }
0x79: {  	_ =	shalt  }
0x7a: {  	_ =	shalt  }
0x7b: {  	_ =	shalt  }
0x7c: {  	_ =	shalt  }
0x7d: {  	_ =	shalt  }
0x7e: {  	_ =	shalt  }
0x7f: {  	_ =	shalt  }
0x80: {  	_ =	shalt  }
0x81: {  	_ =	shalt  }
0x82: {  	_ =	shalt  }
0x83: {  	_ =	shalt  }
0x84: {  	_ =	shalt  }
0x85: {  	_ =	shalt  }
0x86: {  	_ =	shalt  }
0x87: {  	_ =	shalt  }
.Lfunc_end0:
.L_simem_size_0:
called_computation_lowered:
.L_overlay_start_0:
0x88: {  	s2 =	sld [smem:$0x3FD9]  }
0x89: {  	s3 =	sld [smem:$0x3FFE];
	_ =	sdelay $0x1  }
0x8a: {  	s1 =	srdreg.scid  }
0x8b: {  	s0 =	sand.u32 $0x1, s1  }
0x8c: {  	s16 =	sshll.u32 s0, $0xA;
	s2 =	sadd.s32 s3, s2  }
0x8d: {  	s2 =	sadd.s32 s2, s16  }
0x8e: {  	[smem:$0x3FC2] =	sst s2  }
0x8f: {  	_ = 	snop  }
0x90: {  	(tm) =	ssettm $0x1  }
0x91: {  	s17 =	sld [smem:$0x3FFB];
	_ =	sdelay $0x3  }
0x92: {  	_ =	strace s17  }
0x93: {  	s2 =	sld [smem:$0x3FFC];
	_ =	sdelay $0x3  }
0x94: {  	_ =	strace s2  }
0x95: {  	s2 =	sld [smem:$0x3FFD];
	_ =	sdelay $0x3  }
0x96: {  	_ =	strace s2  }
0x97: {  	_ =	strace $0x8FFFFFFF  }
0x98: {  	s18 =	sld [smem:$0x3FDB];
	_ =	sdelay $0x1  }
0x99: {  	s19 =	simm.s32 $_scs_section_size  }
0x9a: {  	s4 =	simm.s32 $_size__tile_overlayer_lowered;
	s5 =	simm.s32 $_tile_overlayer_lowered  }
0x9b: {  	s22 =	simm.s32 $0x1BFF;
	s21 =	sshll.u32 s5, $0x1;
	s2 =	sadd.s32 s19, s18  }
0x9c: {  	s6 =	simm.s32 $0x0;
	s20 =	sshll.u32 s4, $0x1;
	s4 =	sadd.s32 s21, s2  }
0x9d: {  	[timem:s6], [sflag:s22] =	dma.local [hbm:s4], s20  }
0x9e: {  	_ =	swait.ge [sflag:s22], s20  }
0x9f: {  	s3 =	ssub.s32 $0x0, s20;
	[sflag:s22] =	ssyncset.done $0x0  }
0xa0: {  	[sflag:s22] =	ssyncadd.s32 s3;
	_ =	sdelay $0x1  }
0xa1: {  	s23 =	simm.s32 $0x1B8B  }
0xa2: {  	_ =	swait.ge [sflag:s23], $0x1  }
0xa3: {  	[sflag:s23] =	ssyncset.done $0x0  }
0xa4: {  	s25 =	simm.s32 $0x1B8E;
	s24 =	sld [smem:$0x3FFE];
	[sflag:s23] =	ssyncadd.s32 $0xFFFFFFFF  }
0xa5: {  	s26 =	simm.s32 $execute0_lowered;
	[smem:$0x3FD2] =	sst s25  }
0xa6: {  	s4 =	sshll.u32 s26, $0x1;
	_ =	strace $0x80000046;
	[dreg:$0x1] =	wrdreg $0xFFFFFFFF  }
0xa7: {  	s28 =	simm.s32 $_size_execute0_lowered;
	s2 =	sadd.s32 s2, s4;
	[dreg:$0x0] =	wrdreg $0x0  }
0xa8: {  	s4 =	sshll.u32 s28, $0x1;
	[dreg:$0x2] =	wrdreg s2  }
0xa9: {  	[dreg:$0x3] =	wrdreg s4  }
0xaa: {  	[dreg:$0x4] =	wrdreg $0xC0  }
0xab: {  	_ =	task [dreg:s6], $0x5FFFF  }
0xac: {  	[dreg:$0x1] =	wrdreg $0xFFFFFFFF  }
0xad: {  	[dreg:$0x0] =	wrdreg $0x60  }
0xae: {  	[dreg:$0x2] =	wrdreg s24  }
0xaf: {  	[dreg:$0x3] =	wrdreg $0x17D400  }
0xb0: {  	[dreg:$0x4] =	wrdreg $0x9  }
0xb1: {  	_ =	task.clear_ibuf [dreg:s6], $0x5FFFF;
	_ =	strace $0x90000046  }
0xb2: {  	s29 =	simm.s32 $0x9;
	_ =	strace $0x80000048  }
0xb3: {  	_ =	swait.ge [sflag:s29], $0x1  }
0xb4: {  	[sflag:s29] =	ssyncadd.s32 $0xFFFFFFFF  }
0xb5: {  	_ =	strace $0x90000048  }
0xb6: {  	_ =	sfence  }
0xb7: {  	s30 =	sld [smem:$0x0];
	_ =	sdelay $0x2  }
0xb8: {  	s31 =	sshll.u32 s1, $0xD;
	s1 =	sshrl.u32 s1, $0x2  }
0xb9: {  	s3 =	sand.u32 $0x4000, s31;
	s1 =	sadd.s32 s1, s30  }
0xba: {  	s0 =	sor.u32 s3, s0;
	s1 =	sshll.u32 s1, $0x11  }
0xbb: {  	s0 =	sor.u32 s1, s0  }
0xbc: {  	s0 =	sadd.s32 $0x8F2B, s0  }
0xbd: {  	[sflag:s0] =	ssyncadd.remote.s32 $0x1  }
0xbe: {  	_ =	sfence.sel $0xFFFF  }
0xbf: {  	[dreg:$0x0] =	wrdreg $0xFFFFFFFF;
	(pc) =	sbr.abs _section_cstart, $3  }
0xc0: {  	[dreg:$0x1] =	wrdreg $0xFFFFFFFF  }
0xc1: {  	_ =	task.clear_ibuf [dreg:s6], $0x2FFFF;
	_ =	strace $0x9FFFFFFF  }
0xc2: {  	(tm) =	ssettm $0x7FFFFFFF  }
0xc3: {  	_ =	shalt  }
tec
execute0_lowered:
.L_overlay_start_1:
0x0: {  	(tag) =	ssettag $0x1  }
0x1: {  	s0 =	srdreg.scid  }
0x2: {  	s12 =	stileid.u32;
	s3 =	rddreg [dreg:$0x0]  }
0x3: {  	s1 =	rddreg [dreg:$0x1];
	s2 =	simm.s32 $0x0;
	s9 =	simm.s32 $0x2800  }
0x4: {  	s10 =	simm.s32 $0x140;
	s11 =	simm.s32 $0x17C00;
	s4 =	sand.u32 $0x1, s0  }
0x5: {  	s31 =	sshll.u32 s12, $0x1;
	s0 =	rddreg [dreg:$0x2];
	s6 =	smul.u32 $0xA00, s12  }
0x6: {  	[smem:$0x7FF] =	sst s2;
	s5 =	sor.u32 s4, s31;
	s7 =	smul.u32 $0x500, s4  }
0x7: {  	p0 =	sne.s32 s12, $0x0;
	s4 =	ssub.s32 $0x2, s4;
	s5 =	smul.u32 $0x500, s5  }
0x8: {  	_ =	strace $0x80000047;
	s8 =	sshrl.u32 s4, $0x1;
	s6 =	sshrl.u32 s6, $0x2  }
0x9: {  	s7 =	sadd.s32 s7, s3;
	s8 =	ssub.s32 s4, s8;
	s5 =	sadd.s32 s5, s3  }
0xa: {  	v0 =	vlaneseq.u32;
	s3 =	sadd.s32 s6, s1;
	s6 =	smax.u32 s8, $0x1;
	s8 =	simm.s32 $0x1  }
0xb: {  	v1 =	vimm.f32 $0.0e+00;
	v3 =	vimm.f32 $1.000000000e+00;
	v2 =	vmul.u32 $0x1400, v0;
	s4 =	sadd.s32 $0x2000, s5;
	s5 =	sadd.s32 $0xC000, s7;
	s7 =	simm.s32 $0x16800  }
.LBB2_1:
0xc: {  	s12 =	simm.s32 $0x40;
	s13 =	simm.s32 $0x0  }
.LBB2_2:
0xd: {  	p1 =	sne.s32 s12, $0x4FC0;
	[tilespmem:s13+$0x16800] =	vst v1;
	s13 =	smov.u32 s12;
	s12 =	sadd.s32 $0x40, s12  }
.Ltmp0:
0xe: {  	(pc) =	sbr.rel @p1 .LBB2_2-.Ltmp0, $2  }
0xf: {  	_ =	sdelay $0x2  }
0x10: {  	s13 =	sshra.s32 s13, $0x2  }
0x11: {  	[tilespmem:s13+$0x16800] =	vst v1  }
0x12: {  	[spmem:s3] =	stream.linear.scatter [tilespmem:s7], [sflag:$0x1], $0x280, $0x38;
	[tilespmem:$0x17FC0] =	vst v63  }
0x13: {  	_ =	swait.ge [sflag:s8], $0x280  }
0x14: {  	[sflag:s8] =	ssyncset.done $0x0  }
0x15: {  	s12 =	simm.s32 $0x0;
	[sflag:s8] =	ssyncadd.s32 $0xFFFFFD80  }
0x16: {  	[tilespmem:s12], [sflag:$0x1] =	stream.linear.gather [hbm4b:s4+s12], $0x2800, $0x38;
	[tilespmem:$0x17FC0] =	vst v63  }
0x17: {  	_ =	swait.ge [sflag:s8], $0x2800  }
0x18: {  	[sflag:s8] =	ssyncset.done $0x0  }
0x19: {  	[sflag:s8] =	ssyncadd.s32 $0xFFFFD800  }
0x1a: {  	s13 =	simm.s32 $0x0;
	s12 =	simm.s32 $0x40;
	[bflag:$0x0] =	sbarrier.arrive $0xFFFF  }
.LBB2_4:
0x1b: {  	p1 =	sne.s32 s12, $0x4FFC0;
	[tilespmem:s13+$0x2800] =	vst v1;
	s13 =	smov.u32 s12;
	s12 =	sadd.s32 $0x40, s12  }
.Ltmp1:
0x1c: {  	(pc) =	sbr.rel @p1 .LBB2_4-.Ltmp1, $2  }
0x1d: {  	_ =	sdelay $0x2  }
0x1e: {  	s13 =	sshra.s32 s13, $0x2  }
0x1f: {  	[tilespmem:s13+$0x2800] =	vst v1;
	s13 =	simm.s32 $0x0;
	s12 =	simm.s32 $0x40  }
.LBB2_6:
0x20: {  	p1 =	sne.s32 s12, $0x9FC0;
	v4 =	vld [tilespmem:s13+$0x0];
	_ =	sdelay $0x4  }
0x21: {  	vm0 =	vgt.s32 v4, $0x0  }
0x22: {  	v5 =	vnsel vm0, $0x0, v4  }
0x23: {  	v5 =	vmin.u32 v5, $0x13FF  }
0x24: {  	v6 =	vadd.s32 v2, v5  }
0x25: {  	vm0 =	vlt.u32 v4, $0x1400;
	v5 =	vand.u32 $0x7, v5;
	v4 =	vand.u32 $0x3FFF8, v6  }
0x26: {  	v4 =	vor.u32 v5, v4  }
.Ltmp2:
0x27: {  	(pc) =	sbr.rel @p1 .LBB2_6-.Ltmp2, $2  }
0x28: {  	_ =	sdelay $0x2  }
0x29: {  	s13 =	sshra.s32 s12, $0x2;
	s12 =	sadd.s32 $0x40, s12;
	[tilespmem:v4+s9+$0x0] =	vst.idx.add.f32.msk vm0, v3  }
0x2a: {  	v4 =	vld [tilespmem:s13+$0x0];
	_ =	sdelay $0x4  }
0x2b: {  	vm0 =	vgt.s32 v4, $0x0  }
0x2c: {  	v5 =	vnsel vm0, $0x0, v4  }
0x2d: {  	v5 =	vmin.u32 v5, $0x13FF  }
0x2e: {  	v6 =	vadd.s32 v2, v5  }
0x2f: {  	vm15 =	vlt.u32 v4, $0x1400;
	v5 =	vand.u32 $0x7, v5;
	v4 =	vand.u32 $0x3FFF8, v6  }
0x30: {  	v4 =	vor.u32 v5, v4;
	_ =	sdelay $0x4  }
0x31: {  	s13 =	simm.s32 $0x0;
	[tilespmem:v4+s9+$0x0] =	vst.idx.add.f32.msk vm15, v3  }
0x32: {  	v4 =	vld [tilespmem:s13+$0x2800]  }
0x33: {  	v5 =	vld [tilespmem:s13+$0x3C00];
	_ =	sdelay $0x1  }
0x34: {  	v6 =	vld [tilespmem:s13+$0x5000];
	_ =	sdelay $0x1  }
0x35: {  	v7 =	vld [tilespmem:s13+$0x6400]  }
0x36: {  	v4 =	vadd.f32 v5, v4  }
0x37: {  	v5 =	vld [tilespmem:s13+$0x7800]  }
0x38: {  	v4 =	vadd.f32 v6, v4  }
0x39: {  	v6 =	vld [tilespmem:s13+$0x8C00]  }
0x3a: {  	v4 =	vadd.f32 v7, v4  }
0x3b: {  	v7 =	vld [tilespmem:s13+$0xA000]  }
0x3c: {  	v4 =	vadd.f32 v5, v4  }
0x3d: {  	v5 =	vld [tilespmem:s13+$0xB400]  }
0x3e: {  	s12 =	simm.s32 $0x10;
	v8 =	vld [tilespmem:s13+$0xC800];
	v4 =	vadd.f32 v6, v4  }
0x3f: {  	v9 =	vld [tilespmem:s12+$0x2800]  }
0x40: {  	v6 =	vld [tilespmem:s13+$0xDC00];
	v4 =	vadd.f32 v7, v4  }
0x41: {  	v7 =	vld [tilespmem:s12+$0x3C00]  }
0x42: {  	v10 =	vld [tilespmem:s12+$0x5000];
	v4 =	vadd.f32 v5, v4  }
0x43: {  	v5 =	vld [tilespmem:s13+$0xF000]  }
0x44: {  	v11 =	vld [tilespmem:s12+$0x6400];
	v4 =	vadd.f32 v8, v4  }
0x45: {  	v8 =	vld [tilespmem:s13+$0x10400]  }
0x46: {  	v7 =	vadd.f32 v7, v9;
	v9 =	vld [tilespmem:s12+$0x7800];
	v4 =	vadd.f32 v6, v4  }
0x47: {  	v6 =	vld [tilespmem:s13+$0x11800]  }
0x48: {  	v12 =	vld [tilespmem:s12+$0x8C00];
	v7 =	vadd.f32 v10, v7;
	v4 =	vadd.f32 v5, v4  }
0x49: {  	v10 =	vld [tilespmem:s13+$0x12C00]  }
0x4a: {  	v13 =	vld [tilespmem:s12+$0xA000];
	v5 =	vadd.f32 v11, v7;
	v4 =	vadd.f32 v8, v4  }
0x4b: {  	v11 =	vld [tilespmem:s13+$0x14000]  }
0x4c: {  	v7 =	vld [tilespmem:s12+$0xB400];
	v8 =	vadd.f32 v9, v5;
	v6 =	vadd.f32 v6, v4  }
0x4d: {  	v5 =	vld [tilespmem:s13+$0x15400]  }
0x4e: {  	v4 =	vld [tilespmem:s12+$0xDC00];
	v9 =	vadd.f32 v12, v8;
	v10 =	vadd.f32 v10, v6  }
0x4f: {  	s15 =	simm.s32 $0x20;
	v8 =	vld [tilespmem:s12+$0xC800]  }
0x50: {  	s14 =	simm.s32 $0x0;
	s16 =	simm.s32 $0xC0;
	v6 =	vld [tilespmem:s15+$0x2800];
	v9 =	vadd.f32 v13, v9;
	v10 =	vadd.f32 v11, v10  }
.LBB2_8:
0x51: {  	p1 =	sne.s32 s16, $0x4FC0;
	v11 =	vld [tilespmem:s15+$0x3C00]  }
0x52: {  	v7 =	vadd.f32 v7, v9;
	v9 =	vld [tilespmem:s12+$0xF000];
	v5 =	vadd.f32 v5, v10  }
0x53: {  	v10 =	vld [tilespmem:s15+$0x5000]  }
0x54: {  	v7 =	vadd.f32 v8, v7;
	v8 =	vld [tilespmem:s12+$0x10400];
	[tilespmem:s13+$0x16800] =	vst v5;
	s13 =	smov.u32 s12;
	s12 =	smov.u32 s15  }
0x55: {  	v5 =	vld [tilespmem:s12+$0x6400]  }
0x56: {  	v6 =	vadd.f32 v11, v6;
	v4 =	vadd.f32 v4, v7;
	v7 =	vld [tilespmem:s13+$0x11800]  }
0x57: {  	v11 =	vld [tilespmem:s12+$0x7800]  }
0x58: {  	v6 =	vadd.f32 v10, v6;
	v4 =	vadd.f32 v9, v4;
	v9 =	vld [tilespmem:s13+$0x12C00]  }
0x59: {  	v10 =	vld [tilespmem:s12+$0x8C00]  }
0x5a: {  	v5 =	vadd.f32 v5, v6;
	v4 =	vadd.f32 v8, v4;
	v12 =	vld [tilespmem:s13+$0x14000]  }
0x5b: {  	v13 =	vld [tilespmem:s12+$0xA000]  }
.Ltmp3:
0x5c: {  	v6 =	vadd.f32 v11, v5;
	v8 =	vadd.f32 v7, v4;
	v5 =	vld [tilespmem:s13+$0x15400];
	(pc) =	sbr.rel @p1 .LBB2_8-.Ltmp3, $4  }
0x5d: {  	v7 =	vld [tilespmem:s12+$0xB400]  }
0x5e: {  	v10 =	vadd.f32 v10, v6;
	v4 =	vld [tilespmem:s12+$0xDC00];
	v11 =	vadd.f32 v9, v8  }
0x5f: {  	s15 =	sshra.s32 s16, $0x2;
	v8 =	vld [tilespmem:s12+$0xC800]  }
0x60: {  	s16 =	sadd.s32 $0x40, s16;
	v6 =	vld [tilespmem:s15+$0x2800];
	v9 =	vadd.f32 v13, v10;
	v10 =	vadd.f32 v12, v11  }
0x61: {  	v11 =	vld [tilespmem:s15+$0x3C00]  }
0x62: {  	v12 =	vld [tilespmem:s12+$0xF000];
	v5 =	vadd.f32 v5, v10  }
0x63: {  	v49 =	vld [tilespmem:s15+$0x5000]  }
0x64: {  	v13 =	vld [tilespmem:s12+$0x10400];
	v7 =	vadd.f32 v7, v9;
	[tilespmem:s13+$0x16800] =	vst v5  }
0x65: {  	v5 =	vld [tilespmem:s15+$0x6400]  }
0x66: {  	v7 =	vadd.f32 v8, v7;
	v6 =	vadd.f32 v11, v6  }
0x67: {  	v50 =	vld [tilespmem:s15+$0x7800]  }
0x68: {  	v51 =	vld [tilespmem:s12+$0x11800];
	v4 =	vadd.f32 v4, v7;
	v6 =	vadd.f32 v49, v6  }
0x69: {  	v52 =	vld [tilespmem:s15+$0x8C00]  }
0x6a: {  	v53 =	vld [tilespmem:s12+$0x12C00];
	v4 =	vadd.f32 v12, v4;
	v5 =	vadd.f32 v5, v6  }
0x6b: {  	v54 =	vld [tilespmem:s15+$0xA000]  }
0x6c: {  	v55 =	vld [tilespmem:s12+$0x14000];
	v4 =	vadd.f32 v13, v4;
	v5 =	vadd.f32 v50, v5  }
0x6d: {  	v56 =	vld [tilespmem:s15+$0xB400]  }
0x6e: {  	v57 =	vld [tilespmem:s12+$0x15400];
	v4 =	vadd.f32 v51, v4;
	v5 =	vadd.f32 v52, v5  }
0x6f: {  	v58 =	vld [tilespmem:s15+$0xC800]  }
0x70: {  	v4 =	vadd.f32 v53, v4;
	v5 =	vadd.f32 v54, v5  }
0x71: {  	v59 =	vld [tilespmem:s15+$0xDC00]  }
0x72: {  	v4 =	vadd.f32 v55, v4;
	v5 =	vadd.f32 v56, v5  }
0x73: {  	v60 =	vld [tilespmem:s15+$0xF000]  }
0x74: {  	v4 =	vadd.f32 v57, v4;
	v5 =	vadd.f32 v58, v5  }
0x75: {  	v61 =	vld [tilespmem:s15+$0x10400]  }
0x76: {  	[tilespmem:s12+$0x16800] =	vst v4;
	v4 =	vadd.f32 v59, v5  }
0x77: {  	v5 =	vld [tilespmem:s15+$0x11800]  }
0x78: {  	v4 =	vadd.f32 v60, v4  }
0x79: {  	v62 =	vld [tilespmem:s15+$0x12C00]  }
0x7a: {  	v4 =	vadd.f32 v61, v4  }
0x7b: {  	v63 =	vld [tilespmem:s15+$0x14000]  }
0x7c: {  	v4 =	vadd.f32 v5, v4  }
0x7d: {  	v5 =	vld [tilespmem:s15+$0x15400]  }
0x7e: {  	v4 =	vadd.f32 v62, v4;
	_ =	sdelay $0x1  }
0x7f: {  	v4 =	vadd.f32 v63, v4;
	_ =	sdelay $0x1  }
0x80: {  	v4 =	vadd.f32 v5, v4;
	_ =	sdelay $0x1  }
0x81: {  	s12 =	simm.s32 $0x17C00;
	[tilespmem:s15+$0x16800] =	vst v4;
	v4 =	vor.u32 s14, v0  }
0x82: {  	s13 =	simm.s32 $0x10;
	[tilespmem:s12+$0x0] =	vst v4  }
.LBB2_10:
0x83: {  	p1 =	sne.s32 s13, $0x130  }
.Ltmp4:
0x84: {  	_ = 	snop;
	(pc) =	sbr.rel @p1 .LBB2_10-.Ltmp4, $3  }
0x85: {  	_ =	sdelay $0x1  }
0x86: {  	v4 =	vor.u32 s13, v0;
	s13 =	sadd.s32 $0x10, s13;
	s12 =	sadd.s32 $0x10, s12  }
0x87: {  	[tilespmem:s12+$0x0] =	vst v4  }
0x88: {  	[spmem:s1] =	stream.indirect.scatter.add.f32 [tilespmem:s7], [sflag:$0x1], $0x10, s11, s10, $0xb8;
	[tilespmem:$0x17FC0] =	vst v63  }
0x89: {  	_ =	swait.ge [sflag:s8], $0x1400  }
0x8a: {  	s12 =	simm.s32 $0x0;
	[sflag:s8] =	ssyncset.done $0x0  }
0x8b: {  	s13 =	simm.s32 $0x40;
	s14 =	simm.s32 $0x0;
	[sflag:s8] =	ssyncadd.s32 $0xFFFFEC00  }
.LBB2_12:
0x8c: {  	p1 =	sne.s32 s13, $0x4FFC0;
	[tilespmem:s14+$0x2800] =	vst v1;
	s14 =	smov.u32 s13;
	s13 =	sadd.s32 $0x40, s13  }
.Ltmp5:
0x8d: {  	(pc) =	sbr.rel @p1 .LBB2_12-.Ltmp5, $2  }
0x8e: {  	_ =	sdelay $0x2  }
0x8f: {  	s14 =	sshra.s32 s14, $0x2  }
0x90: {  	[tilespmem:s14+$0x2800] =	vst v1  }
.LBB2_14:
0x91: {  	s13 =	sshra.s32 s12, $0x2  }
0x92: {  	v4 =	vld [tilespmem:s13+$0x0];
	_ =	sdelay $0x4  }
0x93: {  	v4 =	vadd.s32 $0xFFFFEC00, v4  }
0x94: {  	vm0 =	vgt.s32 v4, $0x0  }
0x95: {  	v5 =	vnsel vm0, $0x0, v4  }
0x96: {  	v5 =	vmin.u32 v5, $0x13FF  }
0x97: {  	v6 =	vadd.s32 v2, v5  }
0x98: {  	vm15 =	vlt.u32 v4, $0x1400;
	v5 =	vand.u32 $0x7, v5;
	v4 =	vand.u32 $0x3FFF8, v6  }
0x99: {  	p1 =	sne.s32 s12, $0x9FC0;
	v4 =	vor.u32 v5, v4  }
.Ltmp6:
0x9a: {  	_ = 	snop;
	(pc) =	sbr.rel @p1 .LBB2_14-.Ltmp6, $2  }
0x9b: {  	_ =	sdelay $0x2  }
0x9c: {  	s12 =	sadd.s32 $0x40, s12;
	[tilespmem:v4+s9+$0x0] =	vst.idx.add.f32.msk vm15, v3  }
0x9d: {  	s13 =	simm.s32 $0x0  }
0x9e: {  	v4 =	vld [tilespmem:s13+$0x2800]  }
0x9f: {  	v5 =	vld [tilespmem:s13+$0x3C00];
	_ =	sdelay $0x1  }
0xa0: {  	v6 =	vld [tilespmem:s13+$0x5000];
	_ =	sdelay $0x1  }
0xa1: {  	v7 =	vld [tilespmem:s13+$0x6400]  }
0xa2: {  	v4 =	vadd.f32 v5, v4  }
0xa3: {  	v5 =	vld [tilespmem:s13+$0x7800]  }
0xa4: {  	v4 =	vadd.f32 v6, v4  }
0xa5: {  	v6 =	vld [tilespmem:s13+$0x8C00]  }
0xa6: {  	v4 =	vadd.f32 v7, v4  }
0xa7: {  	v7 =	vld [tilespmem:s13+$0xA000]  }
0xa8: {  	v4 =	vadd.f32 v5, v4  }
0xa9: {  	v5 =	vld [tilespmem:s13+$0xB400]  }
0xaa: {  	s12 =	simm.s32 $0x10;
	v8 =	vld [tilespmem:s13+$0xC800];
	v4 =	vadd.f32 v6, v4  }
0xab: {  	v9 =	vld [tilespmem:s12+$0x2800]  }
0xac: {  	v6 =	vld [tilespmem:s13+$0xDC00];
	v4 =	vadd.f32 v7, v4  }
0xad: {  	v7 =	vld [tilespmem:s12+$0x3C00]  }
0xae: {  	v10 =	vld [tilespmem:s12+$0x5000];
	v4 =	vadd.f32 v5, v4  }
0xaf: {  	v5 =	vld [tilespmem:s13+$0xF000]  }
0xb0: {  	v11 =	vld [tilespmem:s12+$0x6400];
	v4 =	vadd.f32 v8, v4  }
0xb1: {  	v8 =	vld [tilespmem:s13+$0x10400]  }
0xb2: {  	v7 =	vadd.f32 v7, v9;
	v9 =	vld [tilespmem:s12+$0x7800];
	v4 =	vadd.f32 v6, v4  }
0xb3: {  	v6 =	vld [tilespmem:s13+$0x11800]  }
0xb4: {  	v7 =	vadd.f32 v10, v7;
	v10 =	vld [tilespmem:s12+$0x8C00];
	v4 =	vadd.f32 v5, v4  }
0xb5: {  	v5 =	vld [tilespmem:s13+$0x12C00]  }
0xb6: {  	v12 =	vld [tilespmem:s12+$0xA000];
	v7 =	vadd.f32 v11, v7;
	v4 =	vadd.f32 v8, v4  }
0xb7: {  	v11 =	vld [tilespmem:s13+$0x14000]  }
0xb8: {  	v8 =	vadd.f32 v9, v7;
	v7 =	vld [tilespmem:s12+$0xB400];
	v9 =	vadd.f32 v6, v4  }
0xb9: {  	v6 =	vld [tilespmem:s13+$0x15400]  }
0xba: {  	v4 =	vld [tilespmem:s12+$0xDC00];
	v10 =	vadd.f32 v10, v8;
	v13 =	vadd.f32 v5, v9  }
0xbb: {  	s14 =	simm.s32 $0x20;
	v8 =	vld [tilespmem:s12+$0xC800]  }
0xbc: {  	s15 =	simm.s32 $0xC0;
	v5 =	vld [tilespmem:s14+$0x2800];
	v9 =	vadd.f32 v12, v10;
	v10 =	vadd.f32 v11, v13  }
.LBB2_16:
0xbd: {  	p1 =	sne.s32 s15, $0x4FC0;
	v11 =	vld [tilespmem:s14+$0x3C00]  }
0xbe: {  	v7 =	vadd.f32 v7, v9;
	v9 =	vld [tilespmem:s12+$0xF000];
	v6 =	vadd.f32 v6, v10  }
0xbf: {  	v10 =	vld [tilespmem:s14+$0x5000]  }
0xc0: {  	v7 =	vadd.f32 v8, v7;
	v8 =	vld [tilespmem:s12+$0x10400];
	[tilespmem:s13+$0x16800] =	vst v6;
	s13 =	smov.u32 s12;
	s12 =	smov.u32 s14  }
0xc1: {  	v6 =	vld [tilespmem:s12+$0x6400]  }
0xc2: {  	v5 =	vadd.f32 v11, v5;
	v4 =	vadd.f32 v4, v7;
	v7 =	vld [tilespmem:s13+$0x11800]  }
0xc3: {  	v11 =	vld [tilespmem:s12+$0x7800]  }
0xc4: {  	v5 =	vadd.f32 v10, v5;
	v4 =	vadd.f32 v9, v4;
	v9 =	vld [tilespmem:s13+$0x12C00]  }
0xc5: {  	v10 =	vld [tilespmem:s12+$0x8C00]  }
0xc6: {  	v5 =	vadd.f32 v6, v5;
	v4 =	vadd.f32 v8, v4;
	v12 =	vld [tilespmem:s13+$0x14000]  }
0xc7: {  	v13 =	vld [tilespmem:s12+$0xA000]  }
.Ltmp7:
0xc8: {  	v5 =	vadd.f32 v11, v5;
	v8 =	vadd.f32 v7, v4;
	v6 =	vld [tilespmem:s13+$0x15400];
	(pc) =	sbr.rel @p1 .LBB2_16-.Ltmp7, $4  }
0xc9: {  	v7 =	vld [tilespmem:s12+$0xB400]  }
0xca: {  	v10 =	vadd.f32 v10, v5;
	v4 =	vld [tilespmem:s12+$0xDC00];
	v11 =	vadd.f32 v9, v8  }
0xcb: {  	s14 =	sshra.s32 s15, $0x2;
	v8 =	vld [tilespmem:s12+$0xC800]  }
0xcc: {  	s15 =	sadd.s32 $0x40, s15;
	v5 =	vld [tilespmem:s14+$0x2800];
	v9 =	vadd.f32 v13, v10;
	v10 =	vadd.f32 v12, v11  }
0xcd: {  	v11 =	vld [tilespmem:s14+$0x3C00]  }
0xce: {  	v12 =	vld [tilespmem:s12+$0xF000];
	v6 =	vadd.f32 v6, v10  }
0xcf: {  	v49 =	vld [tilespmem:s14+$0x5000]  }
0xd0: {  	v13 =	vld [tilespmem:s12+$0x10400];
	v7 =	vadd.f32 v7, v9;
	[tilespmem:s13+$0x16800] =	vst v6  }
0xd1: {  	v6 =	vld [tilespmem:s14+$0x6400]  }
0xd2: {  	v7 =	vadd.f32 v8, v7;
	v5 =	vadd.f32 v11, v5  }
0xd3: {  	v50 =	vld [tilespmem:s14+$0x7800]  }
0xd4: {  	v51 =	vld [tilespmem:s12+$0x11800];
	v4 =	vadd.f32 v4, v7;
	v5 =	vadd.f32 v49, v5  }
0xd5: {  	v52 =	vld [tilespmem:s14+$0x8C00]  }
0xd6: {  	v53 =	vld [tilespmem:s12+$0x12C00];
	v4 =	vadd.f32 v12, v4;
	v5 =	vadd.f32 v6, v5  }
0xd7: {  	v54 =	vld [tilespmem:s14+$0xA000]  }
0xd8: {  	v55 =	vld [tilespmem:s12+$0x14000];
	v4 =	vadd.f32 v13, v4;
	v5 =	vadd.f32 v50, v5  }
0xd9: {  	v56 =	vld [tilespmem:s14+$0xB400]  }
0xda: {  	v57 =	vld [tilespmem:s12+$0x15400];
	v4 =	vadd.f32 v51, v4;
	v5 =	vadd.f32 v52, v5  }
0xdb: {  	v58 =	vld [tilespmem:s14+$0xC800]  }
0xdc: {  	v4 =	vadd.f32 v53, v4;
	v5 =	vadd.f32 v54, v5  }
0xdd: {  	v59 =	vld [tilespmem:s14+$0xDC00]  }
0xde: {  	v4 =	vadd.f32 v55, v4;
	v5 =	vadd.f32 v56, v5  }
0xdf: {  	v60 =	vld [tilespmem:s14+$0xF000]  }
0xe0: {  	v4 =	vadd.f32 v57, v4;
	v5 =	vadd.f32 v58, v5  }
0xe1: {  	v61 =	vld [tilespmem:s14+$0x10400]  }
0xe2: {  	[tilespmem:s12+$0x16800] =	vst v4;
	v4 =	vadd.f32 v59, v5  }
0xe3: {  	v5 =	vld [tilespmem:s14+$0x11800]  }
0xe4: {  	v4 =	vadd.f32 v60, v4  }
0xe5: {  	v62 =	vld [tilespmem:s14+$0x12C00]  }
0xe6: {  	v4 =	vadd.f32 v61, v4  }
0xe7: {  	v63 =	vld [tilespmem:s14+$0x14000]  }
0xe8: {  	v4 =	vadd.f32 v5, v4  }
0xe9: {  	v5 =	vld [tilespmem:s14+$0x15400]  }
0xea: {  	v4 =	vadd.f32 v62, v4;
	_ =	sdelay $0x1  }
0xeb: {  	v4 =	vadd.f32 v63, v4;
	_ =	sdelay $0x1  }
0xec: {  	v4 =	vadd.f32 v5, v4  }
0xed: {  	s31 =	simm.s32 $0x140  }
0xee: {  	s12 =	simm.s32 $0x17C00;
	[tilespmem:s14+$0x16800] =	vst v4;
	v4 =	vor.u32 s31, v0  }
0xef: {  	s13 =	simm.s32 $0x150;
	[tilespmem:s12+$0x0] =	vst v4  }
.LBB2_18:
0xf0: {  	p1 =	sne.s32 s13, $0x270  }
.Ltmp8:
0xf1: {  	_ = 	snop;
	(pc) =	sbr.rel @p1 .LBB2_18-.Ltmp8, $3  }
0xf2: {  	_ =	sdelay $0x1  }
0xf3: {  	v4 =	vor.u32 s13, v0;
	s13 =	sadd.s32 $0x10, s13;
	s12 =	sadd.s32 $0x10, s12  }
0xf4: {  	[tilespmem:s12+$0x0] =	vst v4  }
0xf5: {  	[spmem:s1] =	stream.indirect.scatter.add.f32 [tilespmem:s7], [sflag:$0x1], $0x10, s11, s10, $0xb8;
	[tilespmem:$0x17FC0] =	vst v63  }
0xf6: {  	_ =	swait.ge [sflag:s8], $0x1400  }
0xf7: {  	[sflag:s8] =	ssyncset.done $0x0  }
0xf8: {  	s12 =	sshrl.u32 @!p0 s1, $0x3;
	s2 =	sadd.s32 $0x1, s2;
	[sflag:s8] =	ssyncadd.s32 $0xFFFFEC00  }
0xf9: {  	s13 =	simm.s32 @!p0 $0x1C01;
	p1 =	sne.s32 s2, s6;
	[bflag:$0x0] =	sbarrier.arrive $0xFFFF  }
0xfa: {  	[hbm:s5], [sflag:s13] =	dma.local @!p0 [spmem:s12], $0x500  }
.Ltmp9:
0xfb: {  	_ = 	snop;
	(pc) =	sbr.rel @p1 .LBB2_1-.Ltmp9, $4  }
0xfc: {  	s12 =	simm.s32 @!p0 $0x1  }
0xfd: {  	_ =	swait.ge @!p0 [sflag:s12], $0x500  }
0xfe: {  	[sflag:s12] =	ssyncset.done @!p0 $0x0  }
0xff: {  	[sflag:s12] =	ssyncadd.s32 @!p0 $0xFFFFFB00  }
0x100: {  	_ =	sfence.sel $0x180000  }
0x101: {  	[bflag:$0x0] =	sbarrier.arrive $0xFFFF  }
0x102: {  	_ =	strace $0x90000047  }
0x103: {  	s0 =	sadd.s32 @!p0 $0x100000, s0;
	[bflag:$0x2] =	sbarrier.arrive $0xFFFF  }
0x104: {  	[sflag:s0] =	ssyncadd.tile.s32 @!p0 $0x1;
	_ =	shalt  }
.Lfunc_end2:
_tile_overlayer_lowered:
.L_overlay_start_2:
0x105: {  	(tag) =	ssettag $0x2  }
0x106: {  	s0 =	rddreg [dreg:$0x0];
	s2 =	stileid.u32  }
0x107: {  	s1 =	rddreg [dreg:$0x1];
	p0 =	sne.s32 s2, $0x0  }
0x108: {  	s3 =	rddreg [dreg:$0x2];
	[bflag:$0x3] =	sbarrier.arrive $0xFFFF;
	s2 =	simm.s32 @!p0 $0x1C01  }
0x109: {  	[timem:s3], [sflag:s2] =	dma.local @!p0 [hbm:s0], s1  }
0x10a: {  	s0 =	simm.s32 @!p0 $0x1  }
0x10b: {  	_ =	swait.ge @!p0 [sflag:s0], s1  }
0x10c: {  	s1 =	ssub.s32 @!p0 $0x0, s1;
	[sflag:s0] =	ssyncset.done @!p0 $0x0  }
0x10d: {  	[sflag:s0] =	ssyncadd.s32 @!p0 s1  }
0x10e: {  	[bflag:$0x3] =	sbarrier.arrive $0xFFFF  }
0x10f: {  	_ =	shalt  }

</sc_bundles>
